<compile_context>
chip_gen: v7x
topology: tpu7x:2x2x1
jax: 0.10.2.dev20260603
libtpu: 0.0.44.dev20260713+nightly
codegen_flags: <defaults>
</compile_context>

<pallas_src>
import jax
import jax.numpy as jnp
from jax import lax
from jax.experimental import pallas as pl
from jax.experimental.pallas import tpu as pltpu
from jax.experimental.pallas import tpu_sc as plsc

N = 10000
E = 320000
D = 128
TEMP = 0.1
EPS = 1e-20

NP = 10240
SROWS = 79
EP = 32 * SROWS * 128
BROWS = 2 * SROWS
NPT = NP // 16
DH = D // 2
UROWS = EP // 128

_NEG = -1e30

_SC_PARAMS = pltpu.CompilerParams(needs_layout_passes=False,
                                  use_tc_tiling_on_sc=False)
_SC_MESH = plsc.VectorSubcoreMesh(core_axis_name="c", subcore_axis_name="s")



_G_HALF = 0.36651292
_EROWS = E // 128
_PROWS = UROWS - _EROWS


def _tc1_body(x_ref, w_ref, u_ref, ei_ref, s1_ref, s2_ref, g_ref,
              src_ref, dst_ref):
    x = x_ref[...]
    s1_ref[pl.ds(0, N)] = jnp.sum(x * w_ref[0][None, :], axis=1)
    s2_ref[pl.ds(0, N)] = jnp.sum(x * w_ref[1][None, :], axis=1)
    zpad = jnp.zeros((NP - N,), jnp.float32)
    s1_ref[pl.ds(N, NP - N)] = zpad
    s2_ref[pl.ds(N, NP - N)] = zpad

    u = u_ref[...]
    g_ref[pl.ds(0, _EROWS), :] = -jnp.log(-jnp.log(u + EPS) + EPS)
    g_ref[pl.ds(_EROWS, _PROWS), :] = jnp.full((_PROWS, 128), _G_HALF,
                                               jnp.float32)
    src_ref[pl.ds(0, _EROWS), :] = ei_ref[0].reshape(_EROWS, 128)
    dst_ref[pl.ds(0, _EROWS), :] = ei_ref[1].reshape(_EROWS, 128)
    ii = (lax.broadcasted_iota(jnp.int32, (_PROWS, 128), 0) * 128
          + lax.broadcasted_iota(jnp.int32, (_PROWS, 128), 1))
    pad_ids = N + ii % (NP - N)
    src_ref[pl.ds(_EROWS, _PROWS), :] = pad_ids
    dst_ref[pl.ds(_EROWS, _PROWS), :] = pad_ids


_tc1_stage = pl.pallas_call(
    _tc1_body,
    out_shape=(
        jax.ShapeDtypeStruct((NP,), jnp.float32),
        jax.ShapeDtypeStruct((NP,), jnp.float32),
        jax.ShapeDtypeStruct((UROWS, 128), jnp.float32),
        jax.ShapeDtypeStruct((UROWS, 128), jnp.int32),
        jax.ShapeDtypeStruct((UROWS, 128), jnp.int32),
    ),
)



def _tc2_body(pub_ref, w_ref):
    m_w = pub_ref[:, 0, :]
    s_w = pub_ref[:, 1, :]
    m = jnp.max(m_w, axis=0)
    s = jnp.sum(s_w * jnp.exp(m_w - m[None, :]), axis=0)
    w_ref[...] = m + jnp.log(s + 1e-16)


_tc2_stage = pl.pallas_call(
    _tc2_body,
    out_shape=jax.ShapeDtypeStruct((NP,), jnp.float32),
)



def _sca_body(srcR, dstR, gR, s1_hbm, s2_hbm, aR, pub_hbm,
              src2, dst2, aex, m_t, s_t, buf1, buf2, shift_k, shift_v):
    cid = lax.axis_index("c")
    tid = lax.axis_index("s")
    wid = tid * 2 + cid
    inv_temp = jnp.float32(1.0 / TEMP)

    pltpu.sync_copy(srcR.at[wid], src2)
    pltpu.sync_copy(dstR.at[wid], dst2)
    pltpu.sync_copy(gR.at[wid], aex)
    pltpu.sync_copy(s1_hbm, buf1)
    pltpu.sync_copy(s2_hbm, buf2)

    def _init(i, c):
        m_t[pl.ds(i * 16, 16)] = jnp.full((16,), _NEG, jnp.float32)
        s_t[pl.ds(i * 16, 16)] = jnp.zeros((16,), jnp.float32)
        return c
    lax.fori_loop(0, NP // 16, _init, 0)

    shift_k[pl.ds(0, 16)] = jnp.full((16,), -1, jnp.int32)
    shift_v[pl.ds(0, 16)] = jnp.full((16,), _NEG, jnp.float32)

    def _p1(r, c):
        for q in range(8):
            sl = pl.ds(q * 16, 16)
            src16 = src2[r, sl]
            dst16 = dst2[r, sl]
            g16 = aex[r, sl]
            a16 = (plsc.load_gather(buf1, [src16])
                   + plsc.load_gather(buf2, [dst16]) + g16) * inv_temp
            aex[r, sl] = a16
            ks, vs = plsc.sort_key_val(src16, a16)
            shift_k[pl.ds(16, 16)] = ks
            shift_v[pl.ds(16, 16)] = vs
            for s in (1, 2, 4, 8):
                kk = shift_k[pl.ds(16 - s, 16)]
                vv = shift_v[pl.ds(16 - s, 16)]
                vs = jnp.where(kk == ks, jnp.maximum(vs, vv), vs)
                shift_v[pl.ds(16, 16)] = vs
            _u, last = plsc.scan_count(ks)
            cur = plsc.load_gather(m_t, [ks], mask=last)
            plsc.store_scatter(m_t, [ks], jnp.maximum(cur, vs), mask=last)
        return c
    lax.fori_loop(0, SROWS, _p1, 0)

    pltpu.sync_copy(aex, aR.at[wid])

    shift_v[pl.ds(0, 16)] = jnp.zeros((16,), jnp.float32)

    def _p2(r, c):
        for q in range(8):
            sl = pl.ds(q * 16, 16)
            src16 = src2[r, sl]
            ex = jnp.exp(aex[r, sl] - plsc.load_gather(m_t, [src16]))
            ks, vs = plsc.sort_key_val(src16, ex)
            shift_k[pl.ds(16, 16)] = ks
            shift_v[pl.ds(16, 16)] = vs
            for s in (1, 2, 4, 8):
                kk = shift_k[pl.ds(16 - s, 16)]
                vv = shift_v[pl.ds(16 - s, 16)]
                vs = vs + jnp.where(kk == ks, vv, jnp.float32(0.0))
                shift_v[pl.ds(16, 16)] = vs
            _u, last = plsc.scan_count(ks)
            plsc.addupdate_scatter(s_t, [ks], vs, mask=last)
        return c
    lax.fori_loop(0, SROWS, _p2, 0)

    pltpu.sync_copy(m_t, pub_hbm.at[wid, 0])
    pltpu.sync_copy(s_t, pub_hbm.at[wid, 1])


_sca_stage = pl.kernel(
    _sca_body,
    out_type=(jax.ShapeDtypeStruct((32, SROWS, 128), jnp.float32),
              jax.ShapeDtypeStruct((32, 2, NP), jnp.float32)),
    mesh=_SC_MESH,
    compiler_params=_SC_PARAMS,
    scratch_types=[
        pltpu.VMEM((SROWS, 128), jnp.int32),
        pltpu.VMEM((SROWS, 128), jnp.int32),
        pltpu.VMEM((SROWS, 128), jnp.float32),
        pltpu.VMEM((NP,), jnp.float32),
        pltpu.VMEM((NP,), jnp.float32),
        pltpu.VMEM((NP,), jnp.float32),
        pltpu.VMEM((NP,), jnp.float32),
        pltpu.VMEM((32,), jnp.int32),
        pltpu.VMEM((32,), jnp.float32),
    ],
)



def _scb_body(x2_hbm, srcRb, dstRb, aRb, w_hbm, outp_hbm,
              gidx2, dst2, aex, wbuf, rows, gsem, ssem, out_sp):
    cid = lax.axis_index("c")
    tid = lax.axis_index("s")

    pltpu.sync_copy(srcRb.at[tid], gidx2)
    pltpu.sync_copy(dstRb.at[tid], dst2)
    pltpu.sync_copy(aRb.at[tid], aex)
    pltpu.sync_copy(w_hbm, wbuf)

    def _zrows(i, c):
        for q in range(4):
            rows[0, i, pl.ds(q * 16, 16)] = jnp.zeros((16,), jnp.float32)
        return c
    lax.fori_loop(0, 128, _zrows, 0)
    for b in range(NPT // 128):
        pltpu.sync_copy(rows.at[0],
                        out_sp.at[pl.ds(tid * NPT + b * 128, 128)])

    def _prep(r, c):
        for q in range(8):
            sl = pl.ds(q * 16, 16)
            src16 = gidx2[r, sl]
            aex[r, sl] = jnp.exp(aex[r, sl]
                                 - plsc.load_gather(wbuf, [src16]))
            gidx2[r, sl] = jnp.where(src16 < N, src16 * 2 + cid,
                                     src16 - N)
        return c
    lax.fori_loop(0, BROWS, _prep, 0)
    plsc.subcore_barrier()

    pltpu.async_copy(x2_hbm.at[gidx2.at[0]], rows.at[0], gsem)

    def _p4(r, c):
        b = r % 2
        pltpu.make_async_copy(x2_hbm.at[gidx2.at[r]], rows.at[b], gsem).wait()

        @pl.when(r + 1 < BROWS)
        def _pref():
            @pl.when(r >= 1)
            def _free():
                pltpu.make_async_copy(rows.at[1 - b],
                                      out_sp.at[dst2.at[r - 1]], ssem).wait()
            pltpu.async_copy(x2_hbm.at[gidx2.at[r + 1]], rows.at[1 - b], gsem)

        r16 = jnp.full((16,), r, jnp.int32)

        @plsc.parallel_loop(0, 128, unroll=8)
        def _scale(e):
            av = plsc.load_gather(aex, [r16, jnp.full((16,), e, jnp.int32)])
            for dq in range(4):
                dsl = pl.ds(dq * 16, 16)
                rows[b, e, dsl] = rows[b, e, dsl] * av

        pltpu.async_copy(rows.at[b], out_sp.at[dst2.at[r]], ssem, add=True)
        return c
    lax.fori_loop(0, BROWS, _p4, 0)
    for rr in (BROWS - 2, BROWS - 1):
        pltpu.make_async_copy(rows.at[rr % 2],
                              out_sp.at[dst2.at[rr]], ssem).wait()
    plsc.subcore_barrier()

    pltpu.sync_copy(out_sp.at[pl.ds(tid * NPT, NPT)],
                    outp_hbm.at[cid, pl.ds(tid * NPT, NPT)])


_scb_stage = pl.kernel(
    _scb_body,
    out_type=jax.ShapeDtypeStruct((2, NP, DH), jnp.float32),
    mesh=_SC_MESH,
    compiler_params=_SC_PARAMS,
    scratch_types=[
        pltpu.VMEM((BROWS, 128), jnp.int32),
        pltpu.VMEM((BROWS, 128), jnp.int32),
        pltpu.VMEM((BROWS, 128), jnp.float32),
        pltpu.VMEM((NP,), jnp.float32),
        pltpu.VMEM((2, 128, DH), jnp.float32),
        pltpu.SemaphoreType.DMA,
        pltpu.SemaphoreType.DMA,
        pltpu.VMEM_SHARED((NP, DH), jnp.float32),
    ],
)


@jax.jit
def kernel(x, edge_index, batch, att_weight):
    x2 = x.reshape(N * 2, DH)

    u = jax.random.uniform(jax.random.key(42), (E,), dtype=jnp.float32)
    u2 = u.reshape(_EROWS, 128)
    w12 = att_weight.reshape(2, D)

    s1p, s2p, g2, srcF, dstF = _tc1_stage(x, w12, u2, edge_index)
    gR = g2.reshape(32, SROWS, 128)
    srcR = srcF.reshape(32, SROWS, 128)
    dstR = dstF.reshape(32, SROWS, 128)

    aR, pub = _sca_stage(srcR, dstR, gR, s1p, s2p)
    wn = _tc2_stage(pub)
    aRb = aR.reshape(16, BROWS, 128)
    outp = _scb_stage(x2, srcF.reshape(16, BROWS, 128),
                      dstF.reshape(16, BROWS, 128), aRb, wn)
    out = outp.transpose(1, 0, 2).reshape(NP, D)[:N]

    score = jnp.zeros((N,), out.dtype)
    perm = jnp.arange(N, dtype=jnp.int32)
    return (out, edge_index, batch, perm, score)

# --- scband reference (transcript-rebuilt; emitter-appended) ---
"""Pipeline reference for scband-hard-pooling-76089640616128 (READ-ONLY COPY).

The authoritative reference and input builder live on the scoring server;
editing this copy changes nothing except your own understanding.
"""

import jax, jax.numpy as jnp
import numpy as np

N = 10000
E = 320000
D = 128
TEMP = 0.1
EPS = 1e-20


def setup_inputs(seed: int = 0) -> dict:
    key = jax.random.key(seed)
    k1, k2, k3, k4 = jax.random.split(key, 4)
    x = jax.random.normal(k1, (N, D), dtype=jnp.float32)
    edge_index = jax.random.randint(k2, (2, E), 0, N, dtype=jnp.int32)
    batch = jnp.sort(jax.random.randint(k3, (N,), 0, 64, dtype=jnp.int32))
    # att_weight: Parameter(1, 2*in_channels) with glorot init
    limit = float(np.sqrt(6.0 / (1 + 2 * D)))
    att_weight = jax.random.uniform(k4, (1, 2 * D), dtype=jnp.float32, minval=-limit, maxval=limit)
    return {"x": x, "edge_index": edge_index, "batch": batch, "att_weight": att_weight}


def reference(x, edge_index, batch, att_weight):
    # Faithful to HardPooling.forward in training mode (nn.Module default):
    # gumbel-softmax soft attention branch; att_act='none', dropout p=0.0, bias=None.
    src = edge_index[0]
    dst = edge_index[1]
    x_j = jnp.take(x, src, axis=0)  # [E, D] gather
    x_i = jnp.take(x, dst, axis=0)  # [E, D] gather
    alpha = (jnp.concatenate([x_j, x_i], axis=-1) * att_weight).sum(axis=-1, keepdims=True)  # [E, 1]
    # gumbel_samples(alpha): -log(-log(rand + eps) + eps)
    u = jax.random.uniform(jax.random.key(42), alpha.shape, dtype=alpha.dtype)
    gumbel = -jnp.log(-jnp.log(u + EPS) + EPS)
    alpha = (alpha + gumbel) / TEMP
    # softmax(alpha, edge_index[0], num_nodes=N): segment softmax grouped by source node
    a = alpha[:, 0]
    m = jax.ops.segment_max(a, src, num_segments=N)
    ex = jnp.exp(a - m[src])
    s = jax.ops.segment_sum(ex, src, num_segments=N)
    alpha = (ex / (s[src] + 1e-16))[:, None]  # [E, 1]
    # dropout p=0.0 -> identity
    x_j = x_j * alpha  # alpha.view(-1, 1)
    out = jax.ops.segment_sum(x_j, dst, num_segments=N)  # scatter_('add', x_j, edge_index[1], dim_size=N)
    # bias is None
    score = jnp.zeros((N,), dtype=out.dtype)
    perm = jnp.arange(N, dtype=jnp.int32)  # training branch: perm = arange(N)
    # edge_attr is None in this configuration (omitted from returned tuple)
    return (out, edge_index, batch, perm, score)

if __name__ == "__main__":
    import jax
    _d = setup_inputs()
    print(jax.jit(kernel)(*tuple(_d.values())))

</pallas_src>

<mosaic_0001>
#map = affine_map<(d0, d1) -> (0, 0, 0)>
#map1 = affine_map<(d0, d1) -> (0)>
module attributes {stable_mosaic.version = 14 : i64} {
  func.func @_sca_body(%arg0: i32, %arg1: i32, %arg2: memref<32x79x128xi32, #tpu.memory_space<hbm>>, %arg3: memref<32x79x128xi32, #tpu.memory_space<hbm>>, %arg4: memref<32x79x128xf32, #tpu.memory_space<hbm>>, %arg5: memref<10240xf32, #tpu.memory_space<hbm>>, %arg6: memref<10240xf32, #tpu.memory_space<hbm>>, %arg7: memref<32x79x128xf32, #tpu.memory_space<hbm>>, %arg8: memref<32x2x10240xf32, #tpu.memory_space<hbm>>, %arg9: memref<79x128xi32, #tpu.memory_space<vmem>>, %arg10: memref<79x128xi32, #tpu.memory_space<vmem>>, %arg11: memref<79x128xf32, #tpu.memory_space<vmem>>, %arg12: memref<10240xf32, #tpu.memory_space<vmem>>, %arg13: memref<10240xf32, #tpu.memory_space<vmem>>, %arg14: memref<10240xf32, #tpu.memory_space<vmem>>, %arg15: memref<10240xf32, #tpu.memory_space<vmem>>, %arg16: memref<32xi32, #tpu.memory_space<vmem>>, %arg17: memref<32xf32, #tpu.memory_space<vmem>>) attributes {dimension_semantics = [#tpu.dimension_semantics<core_parallel>, #tpu.dimension_semantics<subcore_parallel>], iteration_bounds = array<i64: 2, 16>, scalar_prefetch = 0 : i64, scratch_operands = 9 : i64, tpu.core_type = #tpu.core_type<sc_vector_subcore>, window_params = [{transform_indices = #map}, {transform_indices = #map}, {transform_indices = #map}, {transform_indices = #map1}, {transform_indices = #map1}, {transform_indices = #map}, {transform_indices = #map}]} {
    %mul3A = arith.constant 2 : i32
    %mul3A_0 = arith.muli %arg1, %mul3A : i32
    %add3A = arith.addi %mul3A_0, %arg0 : i32
    "tpu.region"() ({
      %run_scoped3A_30 = tpu.sem_alloc : memref<!tpu.dma_semaphore, #tpu.memory_space<semaphore_mem>>
      %dma_start3A = arith.constant 0 : i32
      %dma_start3A_31 = arith.constant 0 : i32
      %dma_start3A_32 = tpu.memref_slice %arg2[%add3A, %dma_start3A, %dma_start3A_31] : memref<32x79x128xi32, #tpu.memory_space<hbm>> -> memref<1x79x128xi32, #tpu.memory_space<hbm>>
      %dma_start3A_33 = tpu.memref_squeeze %dma_start3A_32 : memref<1x79x128xi32, #tpu.memory_space<hbm>> -> memref<79x128xi32, #tpu.memory_space<hbm>>
      %dma_start3A_34 = arith.constant 0 : i32
      %dma_start3A_35 = arith.constant 0 : i32
      %dma_start3A_36 = tpu.memref_slice %arg2[%add3A, %dma_start3A_34, %dma_start3A_35] : memref<32x79x128xi32, #tpu.memory_space<hbm>> -> memref<1x79x128xi32, #tpu.memory_space<hbm>>
      %dma_start3A_37 = tpu.memref_squeeze %dma_start3A_36 : memref<1x79x128xi32, #tpu.memory_space<hbm>> -> memref<79x128xi32, #tpu.memory_space<hbm>>
      tpu.enqueue_dma source(%dma_start3A_37 : memref<79x128xi32, #tpu.memory_space<hbm>>) target(%arg9 : memref<79x128xi32, #tpu.memory_space<vmem>>) target_semaphore(%run_scoped3A_30 : memref<!tpu.dma_semaphore, #tpu.memory_space<semaphore_mem>>)
      %dma_wait3A = arith.constant 0 : i32
      %dma_wait3A_38 = arith.constant 0 : i32
      %dma_wait3A_39 = tpu.memref_slice %arg2[%add3A, %dma_wait3A, %dma_wait3A_38] : memref<32x79x128xi32, #tpu.memory_space<hbm>> -> memref<1x79x128xi32, #tpu.memory_space<hbm>>
      %dma_wait3A_40 = tpu.memref_squeeze %dma_wait3A_39 : memref<1x79x128xi32, #tpu.memory_space<hbm>> -> memref<79x128xi32, #tpu.memory_space<hbm>>
      %dma_wait3A_41 = arith.constant 0 : i32
      %dma_wait3A_42 = arith.constant 0 : i32
      %dma_wait3A_43 = tpu.memref_slice %arg2[%add3A, %dma_wait3A_41, %dma_wait3A_42] : memref<32x79x128xi32, #tpu.memory_space<hbm>> -> memref<1x79x128xi32, #tpu.memory_space<hbm>>
      %dma_wait3A_44 = tpu.memref_squeeze %dma_wait3A_43 : memref<1x79x128xi32, #tpu.memory_space<hbm>> -> memref<79x128xi32, #tpu.memory_space<hbm>>
      tpu.wait_dma2 semaphore(%run_scoped3A_30 : memref<!tpu.dma_semaphore, #tpu.memory_space<semaphore_mem>>) src(%dma_wait3A_44 : memref<79x128xi32, #tpu.memory_space<hbm>>) dst(%arg9 : memref<79x128xi32, #tpu.memory_space<vmem>>)
      tpu.yield
    }) : () -> ()
    "tpu.region"() ({
      %run_scoped3A_30 = tpu.sem_alloc : memref<!tpu.dma_semaphore, #tpu.memory_space<semaphore_mem>>
      %dma_start3A = arith.constant 0 : i32
      %dma_start3A_31 = arith.constant 0 : i32
      %dma_start3A_32 = tpu.memref_slice %arg3[%add3A, %dma_start3A, %dma_start3A_31] : memref<32x79x128xi32, #tpu.memory_space<hbm>> -> memref<1x79x128xi32, #tpu.memory_space<hbm>>
      %dma_start3A_33 = tpu.memref_squeeze %dma_start3A_32 : memref<1x79x128xi32, #tpu.memory_space<hbm>> -> memref<79x128xi32, #tpu.memory_space<hbm>>
      %dma_start3A_34 = arith.constant 0 : i32
      %dma_start3A_35 = arith.constant 0 : i32
      %dma_start3A_36 = tpu.memref_slice %arg3[%add3A, %dma_start3A_34, %dma_start3A_35] : memref<32x79x128xi32, #tpu.memory_space<hbm>> -> memref<1x79x128xi32, #tpu.memory_space<hbm>>
      %dma_start3A_37 = tpu.memref_squeeze %dma_start3A_36 : memref<1x79x128xi32, #tpu.memory_space<hbm>> -> memref<79x128xi32, #tpu.memory_space<hbm>>
      tpu.enqueue_dma source(%dma_start3A_37 : memref<79x128xi32, #tpu.memory_space<hbm>>) target(%arg10 : memref<79x128xi32, #tpu.memory_space<vmem>>) target_semaphore(%run_scoped3A_30 : memref<!tpu.dma_semaphore, #tpu.memory_space<semaphore_mem>>)
      %dma_wait3A = arith.constant 0 : i32
      %dma_wait3A_38 = arith.constant 0 : i32
      %dma_wait3A_39 = tpu.memref_slice %arg3[%add3A, %dma_wait3A, %dma_wait3A_38] : memref<32x79x128xi32, #tpu.memory_space<hbm>> -> memref<1x79x128xi32, #tpu.memory_space<hbm>>
      %dma_wait3A_40 = tpu.memref_squeeze %dma_wait3A_39 : memref<1x79x128xi32, #tpu.memory_space<hbm>> -> memref<79x128xi32, #tpu.memory_space<hbm>>
      %dma_wait3A_41 = arith.constant 0 : i32
      %dma_wait3A_42 = arith.constant 0 : i32
      %dma_wait3A_43 = tpu.memref_slice %arg3[%add3A, %dma_wait3A_41, %dma_wait3A_42] : memref<32x79x128xi32, #tpu.memory_space<hbm>> -> memref<1x79x128xi32, #tpu.memory_space<hbm>>
      %dma_wait3A_44 = tpu.memref_squeeze %dma_wait3A_43 : memref<1x79x128xi32, #tpu.memory_space<hbm>> -> memref<79x128xi32, #tpu.memory_space<hbm>>
      tpu.wait_dma2 semaphore(%run_scoped3A_30 : memref<!tpu.dma_semaphore, #tpu.memory_space<semaphore_mem>>) src(%dma_wait3A_44 : memref<79x128xi32, #tpu.memory_space<hbm>>) dst(%arg10 : memref<79x128xi32, #tpu.memory_space<vmem>>)
      tpu.yield
    }) : () -> ()
    "tpu.region"() ({
      %run_scoped3A_30 = tpu.sem_alloc : memref<!tpu.dma_semaphore, #tpu.memory_space<semaphore_mem>>
      %dma_start3A = arith.constant 0 : i32
      %dma_start3A_31 = arith.constant 0 : i32
      %dma_start3A_32 = tpu.memref_slice %arg4[%add3A, %dma_start3A, %dma_start3A_31] : memref<32x79x128xf32, #tpu.memory_space<hbm>> -> memref<1x79x128xf32, #tpu.memory_space<hbm>>
      %dma_start3A_33 = tpu.memref_squeeze %dma_start3A_32 : memref<1x79x128xf32, #tpu.memory_space<hbm>> -> memref<79x128xf32, #tpu.memory_space<hbm>>
      %dma_start3A_34 = arith.constant 0 : i32
      %dma_start3A_35 = arith.constant 0 : i32
      %dma_start3A_36 = tpu.memref_slice %arg4[%add3A, %dma_start3A_34, %dma_start3A_35] : memref<32x79x128xf32, #tpu.memory_space<hbm>> -> memref<1x79x128xf32, #tpu.memory_space<hbm>>
      %dma_start3A_37 = tpu.memref_squeeze %dma_start3A_36 : memref<1x79x128xf32, #tpu.memory_space<hbm>> -> memref<79x128xf32, #tpu.memory_space<hbm>>
      tpu.enqueue_dma source(%dma_start3A_37 : memref<79x128xf32, #tpu.memory_space<hbm>>) target(%arg11 : memref<79x128xf32, #tpu.memory_space<vmem>>) target_semaphore(%run_scoped3A_30 : memref<!tpu.dma_semaphore, #tpu.memory_space<semaphore_mem>>)
      %dma_wait3A = arith.constant 0 : i32
      %dma_wait3A_38 = arith.constant 0 : i32
      %dma_wait3A_39 = tpu.memref_slice %arg4[%add3A, %dma_wait3A, %dma_wait3A_38] : memref<32x79x128xf32, #tpu.memory_space<hbm>> -> memref<1x79x128xf32, #tpu.memory_space<hbm>>
      %dma_wait3A_40 = tpu.memref_squeeze %dma_wait3A_39 : memref<1x79x128xf32, #tpu.memory_space<hbm>> -> memref<79x128xf32, #tpu.memory_space<hbm>>
      %dma_wait3A_41 = arith.constant 0 : i32
      %dma_wait3A_42 = arith.constant 0 : i32
      %dma_wait3A_43 = tpu.memref_slice %arg4[%add3A, %dma_wait3A_41, %dma_wait3A_42] : memref<32x79x128xf32, #tpu.memory_space<hbm>> -> memref<1x79x128xf32, #tpu.memory_space<hbm>>
      %dma_wait3A_44 = tpu.memref_squeeze %dma_wait3A_43 : memref<1x79x128xf32, #tpu.memory_space<hbm>> -> memref<79x128xf32, #tpu.memory_space<hbm>>
      tpu.wait_dma2 semaphore(%run_scoped3A_30 : memref<!tpu.dma_semaphore, #tpu.memory_space<semaphore_mem>>) src(%dma_wait3A_44 : memref<79x128xf32, #tpu.memory_space<hbm>>) dst(%arg11 : memref<79x128xf32, #tpu.memory_space<vmem>>)
      tpu.yield
    }) : () -> ()
    "tpu.region"() ({
      %run_scoped3A_30 = tpu.sem_alloc : memref<!tpu.dma_semaphore, #tpu.memory_space<semaphore_mem>>
      tpu.enqueue_dma source(%arg5 : memref<10240xf32, #tpu.memory_space<hbm>>) target(%arg14 : memref<10240xf32, #tpu.memory_space<vmem>>) target_semaphore(%run_scoped3A_30 : memref<!tpu.dma_semaphore, #tpu.memory_space<semaphore_mem>>)
      tpu.wait_dma2 semaphore(%run_scoped3A_30 : memref<!tpu.dma_semaphore, #tpu.memory_space<semaphore_mem>>) src(%arg5 : memref<10240xf32, #tpu.memory_space<hbm>>) dst(%arg14 : memref<10240xf32, #tpu.memory_space<vmem>>)
      tpu.yield
    }) : () -> ()
    "tpu.region"() ({
      %run_scoped3A_30 = tpu.sem_alloc : memref<!tpu.dma_semaphore, #tpu.memory_space<semaphore_mem>>
      tpu.enqueue_dma source(%arg6 : memref<10240xf32, #tpu.memory_space<hbm>>) target(%arg15 : memref<10240xf32, #tpu.memory_space<vmem>>) target_semaphore(%run_scoped3A_30 : memref<!tpu.dma_semaphore, #tpu.memory_space<semaphore_mem>>)
      tpu.wait_dma2 semaphore(%run_scoped3A_30 : memref<!tpu.dma_semaphore, #tpu.memory_space<semaphore_mem>>) src(%arg6 : memref<10240xf32, #tpu.memory_space<hbm>>) dst(%arg15 : memref<10240xf32, #tpu.memory_space<vmem>>)
      tpu.yield
    }) : () -> ()
    %scan3A = arith.constant 0 : i32
    %scan3A_1 = arith.constant 0 : i32
    %scan3A_2 = arith.constant 640 : i32
    %scan3A_3 = arith.addi %scan3A_1, %scan3A_2 : i32
    %scan3A_4 = arith.constant 1 : i32
    scf.for %scan3A_30 = %scan3A_1 to %scan3A_3 step %scan3A_4  : i32 {
      %broadcast_in_dim3A_31 = arith.constant -1.000000e+30 : f32
      %broadcast_in_dim3A_32 = vector.broadcast %broadcast_in_dim3A_31 : f32 to vector<16xf32>
      %mul3A_33 = arith.constant 16 : i32
      %mul3A_34 = arith.muli %scan3A_30, %mul3A_33 : i32
      %swap3A_35 = arith.index_cast %mul3A_34 : i32 to index
      %swap3A_36 = tpu.vector_load %arg12[%swap3A_35] {strides = array<i32>} : memref<10240xf32, #tpu.memory_space<vmem>>, vector<16xf32>,
      tpu.vector_store %arg12[%swap3A_35], %broadcast_in_dim3A_32 {strides = array<i32>} : memref<10240xf32, #tpu.memory_space<vmem>>, vector<16xf32>,
      %broadcast_in_dim3A_37 = arith.constant 0.000000e+00 : f32
      %broadcast_in_dim3A_38 = vector.broadcast %broadcast_in_dim3A_37 : f32 to vector<16xf32>
      %mul3A_39 = arith.constant 16 : i32
      %mul3A_40 = arith.muli %scan3A_30, %mul3A_39 : i32
      %swap3A_41 = arith.index_cast %mul3A_40 : i32 to index
      %swap3A_42 = tpu.vector_load %arg13[%swap3A_41] {strides = array<i32>} : memref<10240xf32, #tpu.memory_space<vmem>>, vector<16xf32>,
      tpu.vector_store %arg13[%swap3A_41], %broadcast_in_dim3A_38 {strides = array<i32>} : memref<10240xf32, #tpu.memory_space<vmem>>, vector<16xf32>,
    }
    %scan3A_5 = arith.constant 640 : i32
    %broadcast_in_dim3A = arith.constant -1 : i32
    %broadcast_in_dim3A_6 = vector.broadcast %broadcast_in_dim3A : i32 to vector<16xi32>
    %swap3A = arith.constant 0 : index
    %swap3A_7 = tpu.vector_load %arg16[%swap3A] {strides = array<i32>} : memref<32xi32, #tpu.memory_space<vmem>>, vector<16xi32>,
    tpu.vector_store %arg16[%swap3A], %broadcast_in_dim3A_6 {strides = array<i32>} : memref<32xi32, #tpu.memory_space<vmem>>, vector<16xi32>,
    %broadcast_in_dim3A_8 = arith.constant -1.000000e+30 : f32
    %broadcast_in_dim3A_9 = vector.broadcast %broadcast_in_dim3A_8 : f32 to vector<16xf32>
    %swap3A_10 = arith.constant 0 : index
    %swap3A_11 = tpu.vector_load %arg17[%swap3A_10] {strides = array<i32>} : memref<32xf32, #tpu.memory_space<vmem>>, vector<16xf32>,
    tpu.vector_store %arg17[%swap3A_10], %broadcast_in_dim3A_9 {strides = array<i32>} : memref<32xf32, #tpu.memory_space<vmem>>, vector<16xf32>,
    %scan3A_12 = arith.constant 0 : i32
    %scan3A_13 = arith.constant 1.000000e+01 : f32
    %scan3A_14 = arith.constant 0 : i32
    %scan3A_15 = arith.constant 79 : i32
    %scan3A_16 = arith.addi %scan3A_14, %scan3A_15 : i32
    %scan3A_17 = arith.constant 1 : i32
    scf.for %scan3A_30 = %scan3A_14 to %scan3A_16 step %scan3A_17  : i32 {
      %get3A = arith.index_cast %scan3A_30 : i32 to index
      %get3A_31 = arith.constant 0 : index
      %get3A_32 = tpu.vector_load %arg9[%get3A, %get3A_31] {strides = array<i32>} : memref<79x128xi32, #tpu.memory_space<vmem>>, vector<16xi32>,
      %get3A_33 = arith.index_cast %scan3A_30 : i32 to index
      %get3A_34 = arith.constant 0 : index
      %get3A_35 = tpu.vector_load %arg10[%get3A_33, %get3A_34] {strides = array<i32>} : memref<79x128xi32, #tpu.memory_space<vmem>>, vector<16xi32>,
      %get3A_36 = arith.index_cast %scan3A_30 : i32 to index
      %get3A_37 = arith.constant 0 : index
      %get3A_38 = tpu.vector_load %arg11[%get3A_36, %get3A_37] {strides = array<i32>} : memref<79x128xf32, #tpu.memory_space<vmem>>, vector<16xf32>,
      %gather3A = tpu.vector_load_idx %arg14[%get3A_32] : memref<10240xf32, #tpu.memory_space<vmem>>[vector<16xi32>], vector<16xf32>,
      %gather3A_39 = tpu.vector_load_idx %arg15[%get3A_35] : memref<10240xf32, #tpu.memory_space<vmem>>[vector<16xi32>], vector<16xf32>,
      %add3A_40 = arith.addf %gather3A, %gather3A_39 : vector<16xf32>
      %add3A_41 = arith.addf %add3A_40, %get3A_38 : vector<16xf32>
      %mul3A_42 = vector.broadcast %scan3A_13 : f32 to vector<16xf32>
      %mul3A_43 = arith.mulf %add3A_41, %mul3A_42 : vector<16xf32>
      %swap3A_44 = arith.index_cast %scan3A_30 : i32 to index
      %swap3A_45 = arith.constant 0 : index
      %swap3A_46 = tpu.vector_load %arg11[%swap3A_44, %swap3A_45] {strides = array<i32>} : memref<79x128xf32, #tpu.memory_space<vmem>>, vector<16xf32>,
      tpu.vector_store %arg11[%swap3A_44, %swap3A_45], %mul3A_43 {strides = array<i32>} : memref<79x128xf32, #tpu.memory_space<vmem>>, vector<16xf32>,
      %masked_sort3A = arith.constant dense<true> : vector<16xi1>
      %masked_sort3A_47 = arith.constant -2147483648 : i32
      %masked_sort3A_48 = vector.broadcast %masked_sort3A_47 : i32 to vector<16xi32>
      %masked_sort3A_49 = arith.xori %get3A_32, %masked_sort3A_48 : vector<16xi32>
      %masked_sort3A_50, %masked_sort3A_51, %masked_sort3A_52 = tpu.sort %masked_sort3A_49, %mul3A_43 masked %masked_sort3A : (vector<16xi32>, vector<16xf32>, vector<16xi1>) -> (vector<16xi1>, vector<16xi32>, vector<16xf32>)
      %masked_sort3A_53 = arith.xori %masked_sort3A_51, %masked_sort3A_48 : vector<16xi32>
      %swap3A_54 = arith.constant 16 : index
      %swap3A_55 = tpu.vector_load %arg16[%swap3A_54] {strides = array<i32>} : memref<32xi32, #tpu.memory_space<vmem>>, vector<16xi32>,
      tpu.vector_store %arg16[%swap3A_54], %masked_sort3A_53 {strides = array<i32>} : memref<32xi32, #tpu.memory_space<vmem>>, vector<16xi32>,
      %swap3A_56 = arith.constant 16 : index
      %swap3A_57 = tpu.vector_load %arg17[%swap3A_56] {strides = array<i32>} : memref<32xf32, #tpu.memory_space<vmem>>, vector<16xf32>,
      tpu.vector_store %arg17[%swap3A_56], %masked_sort3A_52 {strides = array<i32>} : memref<32xf32, #tpu.memory_space<vmem>>, vector<16xf32>,
      %get3A_58 = arith.constant 15 : index
      %get3A_59 = tpu.vector_load %arg16[%get3A_58] {strides = array<i32>} : memref<32xi32, #tpu.memory_space<vmem>>, vector<16xi32>,
      %get3A_60 = arith.constant 15 : index
      %get3A_61 = tpu.vector_load %arg17[%get3A_60] {strides = array<i32>} : memref<32xf32, #tpu.memory_space<vmem>>, vector<16xf32>,
      %eq3A = arith.cmpi eq, %get3A_59, %masked_sort3A_53 : vector<16xi32>
      %max3A = arith.maximumf %masked_sort3A_52, %get3A_61 : vector<16xf32>
      %select_n3A = arith.select %eq3A, %max3A, %masked_sort3A_52 : vector<16xi1>, vector<16xf32>
      %swap3A_62 = arith.constant 16 : index
      %swap3A_63 = tpu.vector_load %arg17[%swap3A_62] {strides = array<i32>} : memref<32xf32, #tpu.memory_space<vmem>>, vector<16xf32>,
      tpu.vector_store %arg17[%swap3A_62], %select_n3A {strides = array<i32>} : memref<32xf32, #tpu.memory_space<vmem>>, vector<16xf32>,
      %get3A_64 = arith.constant 14 : index
      %get3A_65 = tpu.vector_load %arg16[%get3A_64] {strides = array<i32>} : memref<32xi32, #tpu.memory_space<vmem>>, vector<16xi32>,
      %get3A_66 = arith.constant 14 : index
      %get3A_67 = tpu.vector_load %arg17[%get3A_66] {strides = array<i32>} : memref<32xf32, #tpu.memory_space<vmem>>, vector<16xf32>,
      %eq3A_68 = arith.cmpi eq, %get3A_65, %masked_sort3A_53 : vector<16xi32>
      %max3A_69 = arith.maximumf %select_n3A, %get3A_67 : vector<16xf32>
      %select_n3A_70 = arith.select %eq3A_68, %max3A_69, %select_n3A : vector<16xi1>, vector<16xf32>
      %swap3A_71 = arith.constant 16 : index
      %swap3A_72 = tpu.vector_load %arg17[%swap3A_71] {strides = array<i32>} : memref<32xf32, #tpu.memory_space<vmem>>, vector<16xf32>,
      tpu.vector_store %arg17[%swap3A_71], %select_n3A_70 {strides = array<i32>} : memref<32xf32, #tpu.memory_space<vmem>>, vector<16xf32>,
      %get3A_73 = arith.constant 12 : index
      %get3A_74 = tpu.vector_load %arg16[%get3A_73] {strides = array<i32>} : memref<32xi32, #tpu.memory_space<vmem>>, vector<16xi32>,
      %get3A_75 = arith.constant 12 : index
      %get3A_76 = tpu.vector_load %arg17[%get3A_75] {strides = array<i32>} : memref<32xf32, #tpu.memory_space<vmem>>, vector<16xf32>,
      %eq3A_77 = arith.cmpi eq, %get3A_74, %masked_sort3A_53 : vector<16xi32>
      %max3A_78 = arith.maximumf %select_n3A_70, %get3A_76 : vector<16xf32>
      %select_n3A_79 = arith.select %eq3A_77, %max3A_78, %select_n3A_70 : vector<16xi1>, vector<16xf32>
      %swap3A_80 = arith.constant 16 : index
      %swap3A_81 = tpu.vector_load %arg17[%swap3A_80] {strides = array<i32>} : memref<32xf32, #tpu.memory_space<vmem>>, vector<16xf32>,
      tpu.vector_store %arg17[%swap3A_80], %select_n3A_79 {strides = array<i32>} : memref<32xf32, #tpu.memory_space<vmem>>, vector<16xf32>,
      %get3A_82 = arith.constant 8 : index
      %get3A_83 = tpu.vector_load %arg16[%get3A_82] {strides = array<i32>} : memref<32xi32, #tpu.memory_space<vmem>>, vector<16xi32>,
      %get3A_84 = arith.constant 8 : index
      %get3A_85 = tpu.vector_load %arg17[%get3A_84] {strides = array<i32>} : memref<32xf32, #tpu.memory_space<vmem>>, vector<16xf32>,
      %eq3A_86 = arith.cmpi eq, %get3A_83, %masked_sort3A_53 : vector<16xi32>
      %max3A_87 = arith.maximumf %select_n3A_79, %get3A_85 : vector<16xf32>
      %select_n3A_88 = arith.select %eq3A_86, %max3A_87, %select_n3A_79 : vector<16xi1>, vector<16xf32>
      %swap3A_89 = arith.constant 16 : index
      %swap3A_90 = tpu.vector_load %arg17[%swap3A_89] {strides = array<i32>} : memref<32xf32, #tpu.memory_space<vmem>>, vector<16xf32>,
      tpu.vector_store %arg17[%swap3A_89], %select_n3A_88 {strides = array<i32>} : memref<32xf32, #tpu.memory_space<vmem>>, vector<16xf32>,
      %broadcast_in_dim3A_91 = arith.constant true
      %broadcast_in_dim3A_92 = vector.broadcast %broadcast_in_dim3A_91 : i1 to vector<16xi1>
      %unique3A, %unique3A_93 = tpu.scan_count mask(%broadcast_in_dim3A_92 : vector<16xi1>) value(%masked_sort3A_53 : vector<16xi32>) : vector<16xi1>, vector<16xi32>
      %gather3A_94 = tpu.vector_load_idx %arg12[%masked_sort3A_53] masked %unique3A : memref<10240xf32, #tpu.memory_space<vmem>>[vector<16xi32>], vector<16xf32>, vector<16xi1>
      %max3A_95 = arith.maximumf %gather3A_94, %select_n3A_88 : vector<16xf32>
      tpu.vector_store_idx %arg12[%masked_sort3A_53], %max3A_95 masked %unique3A : memref<10240xf32, #tpu.memory_space<vmem>>[vector<16xi32>], vector<16xf32>, vector<16xi1>
      %get3A_96 = arith.index_cast %scan3A_30 : i32 to index
      %get3A_97 = arith.constant 16 : index
      %get3A_98 = tpu.vector_load %arg9[%get3A_96, %get3A_97] {strides = array<i32>} : memref<79x128xi32, #tpu.memory_space<vmem>>, vector<16xi32>,
      %get3A_99 = arith.index_cast %scan3A_30 : i32 to index
      %get3A_100 = arith.constant 16 : index
      %get3A_101 = tpu.vector_load %arg10[%get3A_99, %get3A_100] {strides = array<i32>} : memref<79x128xi32, #tpu.memory_space<vmem>>, vector<16xi32>,
      %get3A_102 = arith.index_cast %scan3A_30 : i32 to index
      %get3A_103 = arith.constant 16 : index
      %get3A_104 = tpu.vector_load %arg11[%get3A_102, %get3A_103] {strides = array<i32>} : memref<79x128xf32, #tpu.memory_space<vmem>>, vector<16xf32>,
      %gather3A_105 = tpu.vector_load_idx %arg14[%get3A_98] : memref<10240xf32, #tpu.memory_space<vmem>>[vector<16xi32>], vector<16xf32>,
      %gather3A_106 = tpu.vector_load_idx %arg15[%get3A_101] : memref<10240xf32, #tpu.memory_space<vmem>>[vector<16xi32>], vector<16xf32>,
      %add3A_107 = arith.addf %gather3A_105, %gather3A_106 : vector<16xf32>
      %add3A_108 = arith.addf %add3A_107, %get3A_104 : vector<16xf32>
      %mul3A_109 = vector.broadcast %scan3A_13 : f32 to vector<16xf32>
      %mul3A_110 = arith.mulf %add3A_108, %mul3A_109 : vector<16xf32>
      %swap3A_111 = arith.index_cast %scan3A_30 : i32 to index
      %swap3A_112 = arith.constant 16 : index
      %swap3A_113 = tpu.vector_load %arg11[%swap3A_111, %swap3A_112] {strides = array<i32>} : memref<79x128xf32, #tpu.memory_space<vmem>>, vector<16xf32>,
      tpu.vector_store %arg11[%swap3A_111, %swap3A_112], %mul3A_110 {strides = array<i32>} : memref<79x128xf32, #tpu.memory_space<vmem>>, vector<16xf32>,
      %masked_sort3A_114 = arith.constant dense<true> : vector<16xi1>
      %masked_sort3A_115 = arith.constant -2147483648 : i32
      %masked_sort3A_116 = vector.broadcast %masked_sort3A_115 : i32 to vector<16xi32>
      %masked_sort3A_117 = arith.xori %get3A_98, %masked_sort3A_116 : vector<16xi32>
      %masked_sort3A_118, %masked_sort3A_119, %masked_sort3A_120 = tpu.sort %masked_sort3A_117, %mul3A_110 masked %masked_sort3A_114 : (vector<16xi32>, vector<16xf32>, vector<16xi1>) -> (vector<16xi1>, vector<16xi32>, vector<16xf32>)
      %masked_sort3A_121 = arith.xori %masked_sort3A_119, %masked_sort3A_116 : vector<16xi32>
      %swap3A_122 = arith.constant 16 : index
      %swap3A_123 = tpu.vector_load %arg16[%swap3A_122] {strides = array<i32>} : memref<32xi32, #tpu.memory_space<vmem>>, vector<16xi32>,
      tpu.vector_store %arg16[%swap3A_122], %masked_sort3A_121 {strides = array<i32>} : memref<32xi32, #tpu.memory_space<vmem>>, vector<16xi32>,
      %swap3A_124 = arith.constant 16 : index
      %swap3A_125 = tpu.vector_load %arg17[%swap3A_124] {strides = array<i32>} : memref<32xf32, #tpu.memory_space<vmem>>, vector<16xf32>,
      tpu.vector_store %arg17[%swap3A_124], %masked_sort3A_120 {strides = array<i32>} : memref<32xf32, #tpu.memory_space<vmem>>, vector<16xf32>,
      %get3A_126 = arith.constant 15 : index
      %get3A_127 = tpu.vector_load %arg16[%get3A_126] {strides = array<i32>} : memref<32xi32, #tpu.memory_space<vmem>>, vector<16xi32>,
      %get3A_128 = arith.constant 15 : index
      %get3A_129 = tpu.vector_load %arg17[%get3A_128] {strides = array<i32>} : memref<32xf32, #tpu.memory_space<vmem>>, vector<16xf32>,
      %eq3A_130 = arith.cmpi eq, %get3A_127, %masked_sort3A_121 : vector<16xi32>
      %max3A_131 = arith.maximumf %masked_sort3A_120, %get3A_129 : vector<16xf32>
      %select_n3A_132 = arith.select %eq3A_130, %max3A_131, %masked_sort3A_120 : vector<16xi1>, vector<16xf32>
      %swap3A_133 = arith.constant 16 : index
      %swap3A_134 = tpu.vector_load %arg17[%swap3A_133] {strides = array<i32>} : memref<32xf32, #tpu.memory_space<vmem>>, vector<16xf32>,
      tpu.vector_store %arg17[%swap3A_133], %select_n3A_132 {strides = array<i32>} : memref<32xf32, #tpu.memory_space<vmem>>, vector<16xf32>,
      %get3A_135 = arith.constant 14 : index
      %get3A_136 = tpu.vector_load %arg16[%get3A_135] {strides = array<i32>} : memref<32xi32, #tpu.memory_space<vmem>>, vector<16xi32>,
      %get3A_137 = arith.constant 14 : index
      %get3A_138 = tpu.vector_load %arg17[%get3A_137] {strides = array<i32>} : memref<32xf32, #tpu.memory_space<vmem>>, vector<16xf32>,
      %eq3A_139 = arith.cmpi eq, %get3A_136, %masked_sort3A_121 : vector<16xi32>
      %max3A_140 = arith.maximumf %select_n3A_132, %get3A_138 : vector<16xf32>
      %select_n3A_141 = arith.select %eq3A_139, %max3A_140, %select_n3A_132 : vector<16xi1>, vector<16xf32>
      %swap3A_142 = arith.constant 16 : index
      %swap3A_143 = tpu.vector_load %arg17[%swap3A_142] {strides = array<i32>} : memref<32xf32, #tpu.memory_space<vmem>>, vector<16xf32>,
      tpu.vector_store %arg17[%swap3A_142], %select_n3A_141 {strides = array<i32>} : memref<32xf32, #tpu.memory_space<vmem>>, vector<16xf32>,
      %get3A_144 = arith.constant 12 : index
      %get3A_145 = tpu.vector_load %arg16[%get3A_144] {strides = array<i32>} : memref<32xi32, #tpu.memory_space<vmem>>, vector<16xi32>,
      %get3A_146 = arith.constant 12 : index
      %get3A_147 = tpu.vector_load %arg17[%get3A_146] {strides = array<i32>} : memref<32xf32, #tpu.memory_space<vmem>>, vector<16xf32>,
      %eq3A_148 = arith.cmpi eq, %get3A_145, %masked_sort3A_121 : vector<16xi32>
      %max3A_149 = arith.maximumf %select_n3A_141, %get3A_147 : vector<16xf32>
      %select_n3A_150 = arith.select %eq3A_148, %max3A_149, %select_n3A_141 : vector<16xi1>, vector<16xf32>
      %swap3A_151 = arith.constant 16 : index
      %swap3A_152 = tpu.vector_load %arg17[%swap3A_151] {strides = array<i32>} : memref<32xf32, #tpu.memory_space<vmem>>, vector<16xf32>,
      tpu.vector_store %arg17[%swap3A_151], %select_n3A_150 {strides = array<i32>} : memref<32xf32, #tpu.memory_space<vmem>>, vector<16xf32>,
      %get3A_153 = arith.constant 8 : index
      %get3A_154 = tpu.vector_load %arg16[%get3A_153] {strides = array<i32>} : memref<32xi32, #tpu.memory_space<vmem>>, vector<16xi32>,
      %get3A_155 = arith.constant 8 : index
      %get3A_156 = tpu.vector_load %arg17[%get3A_155] {strides = array<i32>} : memref<32xf32, #tpu.memory_space<vmem>>, vector<16xf32>,
      %eq3A_157 = arith.cmpi eq, %get3A_154, %masked_sort3A_121 : vector<16xi32>
      %max3A_158 = arith.maximumf %select_n3A_150, %get3A_156 : vector<16xf32>
      %select_n3A_159 = arith.select %eq3A_157, %max3A_158, %select_n3A_150 : vector<16xi1>, vector<16xf32>
      %swap3A_160 = arith.constant 16 : index
      %swap3A_161 = tpu.vector_load %arg17[%swap3A_160] {strides = array<i32>} : memref<32xf32, #tpu.memory_space<vmem>>, vector<16xf32>,
      tpu.vector_store %arg17[%swap3A_160], %select_n3A_159 {strides = array<i32>} : memref<32xf32, #tpu.memory_space<vmem>>, vector<16xf32>,
      %broadcast_in_dim3A_162 = arith.constant true
      %broadcast_in_dim3A_163 = vector.broadcast %broadcast_in_dim3A_162 : i1 to vector<16xi1>
      %unique3A_164, %unique3A_165 = tpu.scan_count mask(%broadcast_in_dim3A_163 : vector<16xi1>) value(%masked_sort3A_121 : vector<16xi32>) : vector<16xi1>, vector<16xi32>
      %gather3A_166 = tpu.vector_load_idx %arg12[%masked_sort3A_121] masked %unique3A_164 : memref<10240xf32, #tpu.memory_space<vmem>>[vector<16xi32>], vector<16xf32>, vector<16xi1>
      %max3A_167 = arith.maximumf %gather3A_166, %select_n3A_159 : vector<16xf32>
      tpu.vector_store_idx %arg12[%masked_sort3A_121], %max3A_167 masked %unique3A_164 : memref<10240xf32, #tpu.memory_space<vmem>>[vector<16xi32>], vector<16xf32>, vector<16xi1>
      %get3A_168 = arith.index_cast %scan3A_30 : i32 to index
      %get3A_169 = arith.constant 32 : index
      %get3A_170 = tpu.vector_load %arg9[%get3A_168, %get3A_169] {strides = array<i32>} : memref<79x128xi32, #tpu.memory_space<vmem>>, vector<16xi32>,
      %get3A_171 = arith.index_cast %scan3A_30 : i32 to index
      %get3A_172 = arith.constant 32 : index
      %get3A_173 = tpu.vector_load %arg10[%get3A_171, %get3A_172] {strides = array<i32>} : memref<79x128xi32, #tpu.memory_space<vmem>>, vector<16xi32>,
      %get3A_174 = arith.index_cast %scan3A_30 : i32 to index
      %get3A_175 = arith.constant 32 : index
      %get3A_176 = tpu.vector_load %arg11[%get3A_174, %get3A_175] {strides = array<i32>} : memref<79x128xf32, #tpu.memory_space<vmem>>, vector<16xf32>,
      %gather3A_177 = tpu.vector_load_idx %arg14[%get3A_170] : memref<10240xf32, #tpu.memory_space<vmem>>[vector<16xi32>], vector<16xf32>,
      %gather3A_178 = tpu.vector_load_idx %arg15[%get3A_173] : memref<10240xf32, #tpu.memory_space<vmem>>[vector<16xi32>], vector<16xf32>,
      %add3A_179 = arith.addf %gather3A_177, %gather3A_178 : vector<16xf32>
      %add3A_180 = arith.addf %add3A_179, %get3A_176 : vector<16xf32>
      %mul3A_181 = vector.broadcast %scan3A_13 : f32 to vector<16xf32>
      %mul3A_182 = arith.mulf %add3A_180, %mul3A_181 : vector<16xf32>
      %swap3A_183 = arith.index_cast %scan3A_30 : i32 to index
      %swap3A_184 = arith.constant 32 : index
      %swap3A_185 = tpu.vector_load %arg11[%swap3A_183, %swap3A_184] {strides = array<i32>} : memref<79x128xf32, #tpu.memory_space<vmem>>, vector<16xf32>,
      tpu.vector_store %arg11[%swap3A_183, %swap3A_184], %mul3A_182 {strides = array<i32>} : memref<79x128xf32, #tpu.memory_space<vmem>>, vector<16xf32>,
      %masked_sort3A_186 = arith.constant dense<true> : vector<16xi1>
      %masked_sort3A_187 = arith.constant -2147483648 : i32
      %masked_sort3A_188 = vector.broadcast %masked_sort3A_187 : i32 to vector<16xi32>
      %masked_sort3A_189 = arith.xori %get3A_170, %masked_sort3A_188 : vector<16xi32>
      %masked_sort3A_190, %masked_sort3A_191, %masked_sort3A_192 = tpu.sort %masked_sort3A_189, %mul3A_182 masked %masked_sort3A_186 : (vector<16xi32>, vector<16xf32>, vector<16xi1>) -> (vector<16xi1>, vector<16xi32>, vector<16xf32>)
      %masked_sort3A_193 = arith.xori %masked_sort3A_191, %masked_sort3A_188 : vector<16xi32>
      %swap3A_194 = arith.constant 16 : index
      %swap3A_195 = tpu.vector_load %arg16[%swap3A_194] {strides = array<i32>} : memref<32xi32, #tpu.memory_space<vmem>>, vector<16xi32>,
      tpu.vector_store %arg16[%swap3A_194], %masked_sort3A_193 {strides = array<i32>} : memref<32xi32, #tpu.memory_space<vmem>>, vector<16xi32>,
      %swap3A_196 = arith.constant 16 : index
      %swap3A_197 = tpu.vector_load %arg17[%swap3A_196] {strides = array<i32>} : memref<32xf32, #tpu.memory_space<vmem>>, vector<16xf32>,
      tpu.vector_store %arg17[%swap3A_196], %masked_sort3A_192 {strides = array<i32>} : memref<32xf32, #tpu.memory_space<vmem>>, vector<16xf32>,
      %get3A_198 = arith.constant 15 : index
      %get3A_199 = tpu.vector_load %arg16[%get3A_198] {strides = array<i32>} : memref<32xi32, #tpu.memory_space<vmem>>, vector<16xi32>,
      %get3A_200 = arith.constant 15 : index
      %get3A_201 = tpu.vector_load %arg17[%get3A_200] {strides = array<i32>} : memref<32xf32, #tpu.memory_space<vmem>>, vector<16xf32>,
      %eq3A_202 = arith.cmpi eq, %get3A_199, %masked_sort3A_193 : vector<16xi32>
      %max3A_203 = arith.maximumf %masked_sort3A_192, %get3A_201 : vector<16xf32>
      %select_n3A_204 = arith.select %eq3A_202, %max3A_203, %masked_sort3A_192 : vector<16xi1>, vector<16xf32>
      %swap3A_205 = arith.constant 16 : index
      %swap3A_206 = tpu.vector_load %arg17[%swap3A_205] {strides = array<i32>} : memref<32xf32, #tpu.memory_space<vmem>>, vector<16xf32>,
      tpu.vector_store %arg17[%swap3A_205], %select_n3A_204 {strides = array<i32>} : memref<32xf32, #tpu.memory_space<vmem>>, vector<16xf32>,
      %get3A_207 = arith.constant 14 : index
      %get3A_208 = tpu.vector_load %arg16[%get3A_207] {strides = array<i32>} : memref<32xi32, #tpu.memory_space<vmem>>, vector<16xi32>,
      %get3A_209 = arith.constant 14 : index
      %get3A_210 = tpu.vector_load %arg17[%get3A_209] {strides = array<i32>} : memref<32xf32, #tpu.memory_space<vmem>>, vector<16xf32>,
      %eq3A_211 = arith.cmpi eq, %get3A_208, %masked_sort3A_193 : vector<16xi32>
      %max3A_212 = arith.maximumf %select_n3A_204, %get3A_210 : vector<16xf32>
      %select_n3A_213 = arith.select %eq3A_211, %max3A_212, %select_n3A_204 : vector<16xi1>, vector<16xf32>
      %swap3A_214 = arith.constant 16 : index
      %swap3A_215 = tpu.vector_load %arg17[%swap3A_214] {strides = array<i32>} : memref<32xf32, #tpu.memory_space<vmem>>, vector<16xf32>,
      tpu.vector_store %arg17[%swap3A_214], %select_n3A_213 {strides = array<i32>} : memref<32xf32, #tpu.memory_space<vmem>>, vector<16xf32>,
      %get3A_216 = arith.constant 12 : index
      %get3A_217 = tpu.vector_load %arg16[%get3A_216] {strides = array<i32>} : memref<32xi32, #tpu.memory_space<vmem>>, vector<16xi32>,
      %get3A_218 = arith.constant 12 : index
      %get3A_219 = tpu.vector_load %arg17[%get3A_218] {strides = array<i32>} : memref<32xf32, #tpu.memory_space<vmem>>, vector<16xf32>,
      %eq3A_220 = arith.cmpi eq, %get3A_217, %masked_sort3A_193 : vector<16xi32>
      %max3A_221 = arith.maximumf %select_n3A_213, %get3A_219 : vector<16xf32>
      %select_n3A_222 = arith.select %eq3A_220, %max3A_221, %select_n3A_213 : vector<16xi1>, vector<16xf32>
      %swap3A_223 = arith.constant 16 : index
      %swap3A_224 = tpu.vector_load %arg17[%swap3A_223] {strides = array<i32>} : memref<32xf32, #tpu.memory_space<vmem>>, vector<16xf32>,
      tpu.vector_store %arg17[%swap3A_223], %select_n3A_222 {strides = array<i32>} : memref<32xf32, #tpu.memory_space<vmem>>, vector<16xf32>,
      %get3A_225 = arith.constant 8 : index
      %get3A_226 = tpu.vector_load %arg16[%get3A_225] {strides = array<i32>} : memref<32xi32, #tpu.memory_space<vmem>>, vector<16xi32>,
      %get3A_227 = arith.constant 8 : index
      %get3A_228 = tpu.vector_load %arg17[%get3A_227] {strides = array<i32>} : memref<32xf32, #tpu.memory_space<vmem>>, vector<16xf32>,
      %eq3A_229 = arith.cmpi eq, %get3A_226, %masked_sort3A_193 : vector<16xi32>
      %max3A_230 = arith.maximumf %select_n3A_222, %get3A_228 : vector<16xf32>
      %select_n3A_231 = arith.select %eq3A_229, %max3A_230, %select_n3A_222 : vector<16xi1>, vector<16xf32>
      %swap3A_232 = arith.constant 16 : index
      %swap3A_233 = tpu.vector_load %arg17[%swap3A_232] {strides = array<i32>} : memref<32xf32, #tpu.memory_space<vmem>>, vector<16xf32>,
      tpu.vector_store %arg17[%swap3A_232], %select_n3A_231 {strides = array<i32>} : memref<32xf32, #tpu.memory_space<vmem>>, vector<16xf32>,
      %broadcast_in_dim3A_234 = arith.constant true
      %broadcast_in_dim3A_235 = vector.broadcast %broadcast_in_dim3A_234 : i1 to vector<16xi1>
      %unique3A_236, %unique3A_237 = tpu.scan_count mask(%broadcast_in_dim3A_235 : vector<16xi1>) value(%masked_sort3A_193 : vector<16xi32>) : vector<16xi1>, vector<16xi32>
      %gather3A_238 = tpu.vector_load_idx %arg12[%masked_sort3A_193] masked %unique3A_236 : memref<10240xf32, #tpu.memory_space<vmem>>[vector<16xi32>], vector<16xf32>, vector<16xi1>
      %max3A_239 = arith.maximumf %gather3A_238, %select_n3A_231 : vector<16xf32>
      tpu.vector_store_idx %arg12[%masked_sort3A_193], %max3A_239 masked %unique3A_236 : memref<10240xf32, #tpu.memory_space<vmem>>[vector<16xi32>], vector<16xf32>, vector<16xi1>
      %get3A_240 = arith.index_cast %scan3A_30 : i32 to index
      %get3A_241 = arith.constant 48 : index
      %get3A_242 = tpu.vector_load %arg9[%get3A_240, %get3A_241] {strides = array<i32>} : memref<79x128xi32, #tpu.memory_space<vmem>>, vector<16xi32>,
      %get3A_243 = arith.index_cast %scan3A_30 : i32 to index
      %get3A_244 = arith.constant 48 : index
      %get3A_245 = tpu.vector_load %arg10[%get3A_243, %get3A_244] {strides = array<i32>} : memref<79x128xi32, #tpu.memory_space<vmem>>, vector<16xi32>,
      %get3A_246 = arith.index_cast %scan3A_30 : i32 to index
      %get3A_247 = arith.constant 48 : index
      %get3A_248 = tpu.vector_load %arg11[%get3A_246, %get3A_247] {strides = array<i32>} : memref<79x128xf32, #tpu.memory_space<vmem>>, vector<16xf32>,
      %gather3A_249 = tpu.vector_load_idx %arg14[%get3A_242] : memref<10240xf32, #tpu.memory_space<vmem>>[vector<16xi32>], vector<16xf32>,
      %gather3A_250 = tpu.vector_load_idx %arg15[%get3A_245] : memref<10240xf32, #tpu.memory_space<vmem>>[vector<16xi32>], vector<16xf32>,
      %add3A_251 = arith.addf %gather3A_249, %gather3A_250 : vector<16xf32>
      %add3A_252 = arith.addf %add3A_251, %get3A_248 : vector<16xf32>
      %mul3A_253 = vector.broadcast %scan3A_13 : f32 to vector<16xf32>
      %mul3A_254 = arith.mulf %add3A_252, %mul3A_253 : vector<16xf32>
      %swap3A_255 = arith.index_cast %scan3A_30 : i32 to index
      %swap3A_256 = arith.constant 48 : index
      %swap3A_257 = tpu.vector_load %arg11[%swap3A_255, %swap3A_256] {strides = array<i32>} : memref<79x128xf32, #tpu.memory_space<vmem>>, vector<16xf32>,
      tpu.vector_store %arg11[%swap3A_255, %swap3A_256], %mul3A_254 {strides = array<i32>} : memref<79x128xf32, #tpu.memory_space<vmem>>, vector<16xf32>,
      %masked_sort3A_258 = arith.constant dense<true> : vector<16xi1>
      %masked_sort3A_259 = arith.constant -2147483648 : i32
      %masked_sort3A_260 = vector.broadcast %masked_sort3A_259 : i32 to vector<16xi32>
      %masked_sort3A_261 = arith.xori %get3A_242, %masked_sort3A_260 : vector<16xi32>
      %masked_sort3A_262, %masked_sort3A_263, %masked_sort3A_264 = tpu.sort %masked_sort3A_261, %mul3A_254 masked %masked_sort3A_258 : (vector<16xi32>, vector<16xf32>, vector<16xi1>) -> (vector<16xi1>, vector<16xi32>, vector<16xf32>)
      %masked_sort3A_265 = arith.xori %masked_sort3A_263, %masked_sort3A_260 : vector<16xi32>
      %swap3A_266 = arith.constant 16 : index
      %swap3A_267 = tpu.vector_load %arg16[%swap3A_266] {strides = array<i32>} : memref<32xi32, #tpu.memory_space<vmem>>, vector<16xi32>,
      tpu.vector_store %arg16[%swap3A_266], %masked_sort3A_265 {strides = array<i32>} : memref<32xi32, #tpu.memory_space<vmem>>, vector<16xi32>,
      %swap3A_268 = arith.constant 16 : index
      %swap3A_269 = tpu.vector_load %arg17[%swap3A_268] {strides = array<i32>} : memref<32xf32, #tpu.memory_space<vmem>>, vector<16xf32>,
      tpu.vector_store %arg17[%swap3A_268], %masked_sort3A_264 {strides = array<i32>} : memref<32xf32, #tpu.memory_space<vmem>>, vector<16xf32>,
      %get3A_270 = arith.constant 15 : index
      %get3A_271 = tpu.vector_load %arg16[%get3A_270] {strides = array<i32>} : memref<32xi32, #tpu.memory_space<vmem>>, vector<16xi32>,
      %get3A_272 = arith.constant 15 : index
      %get3A_273 = tpu.vector_load %arg17[%get3A_272] {strides = array<i32>} : memref<32xf32, #tpu.memory_space<vmem>>, vector<16xf32>,
      %eq3A_274 = arith.cmpi eq, %get3A_271, %masked_sort3A_265 : vector<16xi32>
      %max3A_275 = arith.maximumf %masked_sort3A_264, %get3A_273 : vector<16xf32>
      %select_n3A_276 = arith.select %eq3A_274, %max3A_275, %masked_sort3A_264 : vector<16xi1>, vector<16xf32>
      %swap3A_277 = arith.constant 16 : index
      %swap3A_278 = tpu.vector_load %arg17[%swap3A_277] {strides = array<i32>} : memref<32xf32, #tpu.memory_space<vmem>>, vector<16xf32>,
      tpu.vector_store %arg17[%swap3A_277], %select_n3A_276 {strides = array<i32>} : memref<32xf32, #tpu.memory_space<vmem>>, vector<16xf32>,
      %get3A_279 = arith.constant 14 : index
      %get3A_280 = tpu.vector_load %arg16[%get3A_279] {strides = array<i32>} : memref<32xi32, #tpu.memory_space<vmem>>, vector<16xi32>,
      %get3A_281 = arith.constant 14 : index
      %get3A_282 = tpu.vector_load %arg17[%get3A_281] {strides = array<i32>} : memref<32xf32, #tpu.memory_space<vmem>>, vector<16xf32>,
      %eq3A_283 = arith.cmpi eq, %get3A_280, %masked_sort3A_265 : vector<16xi32>
      %max3A_284 = arith.maximumf %select_n3A_276, %get3A_282 : vector<16xf32>
      %select_n3A_285 = arith.select %eq3A_283, %max3A_284, %select_n3A_276 : vector<16xi1>, vector<16xf32>
      %swap3A_286 = arith.constant 16 : index
      %swap3A_287 = tpu.vector_load %arg17[%swap3A_286] {strides = array<i32>} : memref<32xf32, #tpu.memory_space<vmem>>, vector<16xf32>,
      tpu.vector_store %arg17[%swap3A_286], %select_n3A_285 {strides = array<i32>} : memref<32xf32, #tpu.memory_space<vmem>>, vector<16xf32>,
      %get3A_288 = arith.constant 12 : index
      %get3A_289 = tpu.vector_load %arg16[%get3A_288] {strides = array<i32>} : memref<32xi32, #tpu.memory_space<vmem>>, vector<16xi32>,
      %get3A_290 = arith.constant 12 : index
      %get3A_291 = tpu.vector_load %arg17[%get3A_290] {strides = array<i32>} : memref<32xf32, #tpu.memory_space<vmem>>, vector<16xf32>,
      %eq3A_292 = arith.cmpi eq, %get3A_289, %masked_sort3A_265 : vector<16xi32>
      %max3A_293 = arith.maximumf %select_n3A_285, %get3A_291 : vector<16xf32>
      %select_n3A_294 = arith.select %eq3A_292, %max3A_293, %select_n3A_285 : vector<16xi1>, vector<16xf32>
      %swap3A_295 = arith.constant 16 : index
      %swap3A_296 = tpu.vector_load %arg17[%swap3A_295] {strides = array<i32>} : memref<32xf32, #tpu.memory_space<vmem>>, vector<16xf32>,
      tpu.vector_store %arg17[%swap3A_295], %select_n3A_294 {strides = array<i32>} : memref<32xf32, #tpu.memory_space<vmem>>, vector<16xf32>,
      %get3A_297 = arith.constant 8 : index
      %get3A_298 = tpu.vector_load %arg16[%get3A_297] {strides = array<i32>} : memref<32xi32, #tpu.memory_space<vmem>>, vector<16xi32>,
      %get3A_299 = arith.constant 8 : index
      %get3A_300 = tpu.vector_load %arg17[%get3A_299] {strides = array<i32>} : memref<32xf32, #tpu.memory_space<vmem>>, vector<16xf32>,
      %eq3A_301 = arith.cmpi eq, %get3A_298, %masked_sort3A_265 : vector<16xi32>
      %max3A_302 = arith.maximumf %select_n3A_294, %get3A_300 : vector<16xf32>
      %select_n3A_303 = arith.select %eq3A_301, %max3A_302, %select_n3A_294 : vector<16xi1>, vector<16xf32>
      %swap3A_304 = arith.constant 16 : index
      %swap3A_305 = tpu.vector_load %arg17[%swap3A_304] {strides = array<i32>} : memref<32xf32, #tpu.memory_space<vmem>>, vector<16xf32>,
      tpu.vector_store %arg17[%swap3A_304], %select_n3A_303 {strides = array<i32>} : memref<32xf32, #tpu.memory_space<vmem>>, vector<16xf32>,
      %broadcast_in_dim3A_306 = arith.constant true
      %broadcast_in_dim3A_307 = vector.broadcast %broadcast_in_dim3A_306 : i1 to vector<16xi1>
      %unique3A_308, %unique3A_309 = tpu.scan_count mask(%broadcast_in_dim3A_307 : vector<16xi1>) value(%masked_sort3A_265 : vector<16xi32>) : vector<16xi1>, vector<16xi32>
      %gather3A_310 = tpu.vector_load_idx %arg12[%masked_sort3A_265] masked %unique3A_308 : memref<10240xf32, #tpu.memory_space<vmem>>[vector<16xi32>], vector<16xf32>, vector<16xi1>
      %max3A_311 = arith.maximumf %gather3A_310, %select_n3A_303 : vector<16xf32>
      tpu.vector_store_idx %arg12[%masked_sort3A_265], %max3A_311 masked %unique3A_308 : memref<10240xf32, #tpu.memory_space<vmem>>[vector<16xi32>], vector<16xf32>, vector<16xi1>
      %get3A_312 = arith.index_cast %scan3A_30 : i32 to index
      %get3A_313 = arith.constant 64 : index
      %get3A_314 = tpu.vector_load %arg9[%get3A_312, %get3A_313] {strides = array<i32>} : memref<79x128xi32, #tpu.memory_space<vmem>>, vector<16xi32>,
      %get3A_315 = arith.index_cast %scan3A_30 : i32 to index
      %get3A_316 = arith.constant 64 : index
      %get3A_317 = tpu.vector_load %arg10[%get3A_315, %get3A_316] {strides = array<i32>} : memref<79x128xi32, #tpu.memory_space<vmem>>, vector<16xi32>,
      %get3A_318 = arith.index_cast %scan3A_30 : i32 to index
      %get3A_319 = arith.constant 64 : index
      %get3A_320 = tpu.vector_load %arg11[%get3A_318, %get3A_319] {strides = array<i32>} : memref<79x128xf32, #tpu.memory_space<vmem>>, vector<16xf32>,
      %gather3A_321 = tpu.vector_load_idx %arg14[%get3A_314] : memref<10240xf32, #tpu.memory_space<vmem>>[vector<16xi32>], vector<16xf32>,
      %gather3A_322 = tpu.vector_load_idx %arg15[%get3A_317] : memref<10240xf32, #tpu.memory_space<vmem>>[vector<16xi32>], vector<16xf32>,
      %add3A_323 = arith.addf %gather3A_321, %gather3A_322 : vector<16xf32>
      %add3A_324 = arith.addf %add3A_323, %get3A_320 : vector<16xf32>
      %mul3A_325 = vector.broadcast %scan3A_13 : f32 to vector<16xf32>
      %mul3A_326 = arith.mulf %add3A_324, %mul3A_325 : vector<16xf32>
      %swap3A_327 = arith.index_cast %scan3A_30 : i32 to index
      %swap3A_328 = arith.constant 64 : index
      %swap3A_329 = tpu.vector_load %arg11[%swap3A_327, %swap3A_328] {strides = array<i32>} : memref<79x128xf32, #tpu.memory_space<vmem>>, vector<16xf32>,
      tpu.vector_store %arg11[%swap3A_327, %swap3A_328], %mul3A_326 {strides = array<i32>} : memref<79x128xf32, #tpu.memory_space<vmem>>, vector<16xf32>,
      %masked_sort3A_330 = arith.constant dense<true> : vector<16xi1>
      %masked_sort3A_331 = arith.constant -2147483648 : i32
      %masked_sort3A_332 = vector.broadcast %masked_sort3A_331 : i32 to vector<16xi32>
      %masked_sort3A_333 = arith.xori %get3A_314, %masked_sort3A_332 : vector<16xi32>
      %masked_sort3A_334, %masked_sort3A_335, %masked_sort3A_336 = tpu.sort %masked_sort3A_333, %mul3A_326 masked %masked_sort3A_330 : (vector<16xi32>, vector<16xf32>, vector<16xi1>) -> (vector<16xi1>, vector<16xi32>, vector<16xf32>)
      %masked_sort3A_337 = arith.xori %masked_sort3A_335, %masked_sort3A_332 : vector<16xi32>
      %swap3A_338 = arith.constant 16 : index
      %swap3A_339 = tpu.vector_load %arg16[%swap3A_338] {strides = array<i32>} : memref<32xi32, #tpu.memory_space<vmem>>, vector<16xi32>,
      tpu.vector_store %arg16[%swap3A_338], %masked_sort3A_337 {strides = array<i32>} : memref<32xi32, #tpu.memory_space<vmem>>, vector<16xi32>,
      %swap3A_340 = arith.constant 16 : index
      %swap3A_341 = tpu.vector_load %arg17[%swap3A_340] {strides = array<i32>} : memref<32xf32, #tpu.memory_space<vmem>>, vector<16xf32>,
      tpu.vector_store %arg17[%swap3A_340], %masked_sort3A_336 {strides = array<i32>} : memref<32xf32, #tpu.memory_space<vmem>>, vector<16xf32>,
      %get3A_342 = arith.constant 15 : index
      %get3A_343 = tpu.vector_load %arg16[%get3A_342] {strides = array<i32>} : memref<32xi32, #tpu.memory_space<vmem>>, vector<16xi32>,
      %get3A_344 = arith.constant 15 : index
      %get3A_345 = tpu.vector_load %arg17[%get3A_344] {strides = array<i32>} : memref<32xf32, #tpu.memory_space<vmem>>, vector<16xf32>,
      %eq3A_346 = arith.cmpi eq, %get3A_343, %masked_sort3A_337 : vector<16xi32>
      %max3A_347 = arith.maximumf %masked_sort3A_336, %get3A_345 : vector<16xf32>
      %select_n3A_348 = arith.select %eq3A_346, %max3A_347, %masked_sort3A_336 : vector<16xi1>, vector<16xf32>
      %swap3A_349 = arith.constant 16 : index
      %swap3A_350 = tpu.vector_load %arg17[%swap3A_349] {strides = array<i32>} : memref<32xf32, #tpu.memory_space<vmem>>, vector<16xf32>,
      tpu.vector_store %arg17[%swap3A_349], %select_n3A_348 {strides = array<i32>} : memref<32xf32, #tpu.memory_space<vmem>>, vector<16xf32>,
      %get3A_351 = arith.constant 14 : index
      %get3A_352 = tpu.vector_load %arg16[%get3A_351] {strides = array<i32>} : memref<32xi32, #tpu.memory_space<vmem>>, vector<16xi32>,
      %get3A_353 = arith.constant 14 : index
      %get3A_354 = tpu.vector_load %arg17[%get3A_353] {strides = array<i32>} : memref<32xf32, #tpu.memory_space<vmem>>, vector<16xf32>,
      %eq3A_355 = arith.cmpi eq, %get3A_352, %masked_sort3A_337 : vector<16xi32>
      %max3A_356 = arith.maximumf %select_n3A_348, %get3A_354 : vector<16xf32>
      %select_n3A_357 = arith.select %eq3A_355, %max3A_356, %select_n3A_348 : vector<16xi1>, vector<16xf32>
      %swap3A_358 = arith.constant 16 : index
      %swap3A_359 = tpu.vector_load %arg17[%swap3A_358] {strides = array<i32>} : memref<32xf32, #tpu.memory_space<vmem>>, vector<16xf32>,
      tpu.vector_store %arg17[%swap3A_358], %select_n3A_357 {strides = array<i32>} : memref<32xf32, #tpu.memory_space<vmem>>, vector<16xf32>,
      %get3A_360 = arith.constant 12 : index
      %get3A_361 = tpu.vector_load %arg16[%get3A_360] {strides = array<i32>} : memref<32xi32, #tpu.memory_space<vmem>>, vector<16xi32>,
      %get3A_362 = arith.constant 12 : index
      %get3A_363 = tpu.vector_load %arg17[%get3A_362] {strides = array<i32>} : memref<32xf32, #tpu.memory_space<vmem>>, vector<16xf32>,
      %eq3A_364 = arith.cmpi eq, %get3A_361, %masked_sort3A_337 : vector<16xi32>
      %max3A_365 = arith.maximumf %select_n3A_357, %get3A_363 : vector<16xf32>
      %select_n3A_366 = arith.select %eq3A_364, %max3A_365, %select_n3A_357 : vector<16xi1>, vector<16xf32>
      %swap3A_367 = arith.constant 16 : index
      %swap3A_368 = tpu.vector_load %arg17[%swap3A_367] {strides = array<i32>} : memref<32xf32, #tpu.memory_space<vmem>>, vector<16xf32>,
      tpu.vector_store %arg17[%swap3A_367], %select_n3A_366 {strides = array<i32>} : memref<32xf32, #tpu.memory_space<vmem>>, vector<16xf32>,
      %get3A_369 = arith.constant 8 : index
      %get3A_370 = tpu.vector_load %arg16[%get3A_369] {strides = array<i32>} : memref<32xi32, #tpu.memory_space<vmem>>, vector<16xi32>,
      %get3A_371 = arith.constant 8 : index
      %get3A_372 = tpu.vector_load %arg17[%get3A_371] {strides = array<i32>} : memref<32xf32, #tpu.memory_space<vmem>>, vector<16xf32>,
      %eq3A_373 = arith.cmpi eq, %get3A_370, %masked_sort3A_337 : vector<16xi32>
      %max3A_374 = arith.maximumf %select_n3A_366, %get3A_372 : vector<16xf32>
      %select_n3A_375 = arith.select %eq3A_373, %max3A_374, %select_n3A_366 : vector<16xi1>, vector<16xf32>
      %swap3A_376 = arith.constant 16 : index
      %swap3A_377 = tpu.vector_load %arg17[%swap3A_376] {strides = array<i32>} : memref<32xf32, #tpu.memory_space<vmem>>, vector<16xf32>,
      tpu.vector_store %arg17[%swap3A_376], %select_n3A_375 {strides = array<i32>} : memref<32xf32, #tpu.memory_space<vmem>>, vector<16xf32>,
      %broadcast_in_dim3A_378 = arith.constant true
      %broadcast_in_dim3A_379 = vector.broadcast %broadcast_in_dim3A_378 : i1 to vector<16xi1>
      %unique3A_380, %unique3A_381 = tpu.scan_count mask(%broadcast_in_dim3A_379 : vector<16xi1>) value(%masked_sort3A_337 : vector<16xi32>) : vector<16xi1>, vector<16xi32>
      %gather3A_382 = tpu.vector_load_idx %arg12[%masked_sort3A_337] masked %unique3A_380 : memref<10240xf32, #tpu.memory_space<vmem>>[vector<16xi32>], vector<16xf32>, vector<16xi1>
      %max3A_383 = arith.maximumf %gather3A_382, %select_n3A_375 : vector<16xf32>
      tpu.vector_store_idx %arg12[%masked_sort3A_337], %max3A_383 masked %unique3A_380 : memref<10240xf32, #tpu.memory_space<vmem>>[vector<16xi32>], vector<16xf32>, vector<16xi1>
      %get3A_384 = arith.index_cast %scan3A_30 : i32 to index
      %get3A_385 = arith.constant 80 : index
      %get3A_386 = tpu.vector_load %arg9[%get3A_384, %get3A_385] {strides = array<i32>} : memref<79x128xi32, #tpu.memory_space<vmem>>, vector<16xi32>,
      %get3A_387 = arith.index_cast %scan3A_30 : i32 to index
      %get3A_388 = arith.constant 80 : index
      %get3A_389 = tpu.vector_load %arg10[%get3A_387, %get3A_388] {strides = array<i32>} : memref<79x128xi32, #tpu.memory_space<vmem>>, vector<16xi32>,
      %get3A_390 = arith.index_cast %scan3A_30 : i32 to index
      %get3A_391 = arith.constant 80 : index
      %get3A_392 = tpu.vector_load %arg11[%get3A_390, %get3A_391] {strides = array<i32>} : memref<79x128xf32, #tpu.memory_space<vmem>>, vector<16xf32>,
      %gather3A_393 = tpu.vector_load_idx %arg14[%get3A_386] : memref<10240xf32, #tpu.memory_space<vmem>>[vector<16xi32>], vector<16xf32>,
      %gather3A_394 = tpu.vector_load_idx %arg15[%get3A_389] : memref<10240xf32, #tpu.memory_space<vmem>>[vector<16xi32>], vector<16xf32>,
      %add3A_395 = arith.addf %gather3A_393, %gather3A_394 : vector<16xf32>
      %add3A_396 = arith.addf %add3A_395, %get3A_392 : vector<16xf32>
      %mul3A_397 = vector.broadcast %scan3A_13 : f32 to vector<16xf32>
      %mul3A_398 = arith.mulf %add3A_396, %mul3A_397 : vector<16xf32>
      %swap3A_399 = arith.index_cast %scan3A_30 : i32 to index
      %swap3A_400 = arith.constant 80 : index
      %swap3A_401 = tpu.vector_load %arg11[%swap3A_399, %swap3A_400] {strides = array<i32>} : memref<79x128xf32, #tpu.memory_space<vmem>>, vector<16xf32>,
      tpu.vector_store %arg11[%swap3A_399, %swap3A_400], %mul3A_398 {strides = array<i32>} : memref<79x128xf32, #tpu.memory_space<vmem>>, vector<16xf32>,
      %masked_sort3A_402 = arith.constant dense<true> : vector<16xi1>
      %masked_sort3A_403 = arith.constant -2147483648 : i32
      %masked_sort3A_404 = vector.broadcast %masked_sort3A_403 : i32 to vector<16xi32>
      %masked_sort3A_405 = arith.xori %get3A_386, %masked_sort3A_404 : vector<16xi32>
      %masked_sort3A_406, %masked_sort3A_407, %masked_sort3A_408 = tpu.sort %masked_sort3A_405, %mul3A_398 masked %masked_sort3A_402 : (vector<16xi32>, vector<16xf32>, vector<16xi1>) -> (vector<16xi1>, vector<16xi32>, vector<16xf32>)
      %masked_sort3A_409 = arith.xori %masked_sort3A_407, %masked_sort3A_404 : vector<16xi32>
      %swap3A_410 = arith.constant 16 : index
      %swap3A_411 = tpu.vector_load %arg16[%swap3A_410] {strides = array<i32>} : memref<32xi32, #tpu.memory_space<vmem>>, vector<16xi32>,
      tpu.vector_store %arg16[%swap3A_410], %masked_sort3A_409 {strides = array<i32>} : memref<32xi32, #tpu.memory_space<vmem>>, vector<16xi32>,
      %swap3A_412 = arith.constant 16 : index
      %swap3A_413 = tpu.vector_load %arg17[%swap3A_412] {strides = array<i32>} : memref<32xf32, #tpu.memory_space<vmem>>, vector<16xf32>,
      tpu.vector_store %arg17[%swap3A_412], %masked_sort3A_408 {strides = array<i32>} : memref<32xf32, #tpu.memory_space<vmem>>, vector<16xf32>,
      %get3A_414 = arith.constant 15 : index
      %get3A_415 = tpu.vector_load %arg16[%get3A_414] {strides = array<i32>} : memref<32xi32, #tpu.memory_space<vmem>>, vector<16xi32>,
      %get3A_416 = arith.constant 15 : index
      %get3A_417 = tpu.vector_load %arg17[%get3A_416] {strides = array<i32>} : memref<32xf32, #tpu.memory_space<vmem>>, vector<16xf32>,
      %eq3A_418 = arith.cmpi eq, %get3A_415, %masked_sort3A_409 : vector<16xi32>
      %max3A_419 = arith.maximumf %masked_sort3A_408, %get3A_417 : vector<16xf32>
      %select_n3A_420 = arith.select %eq3A_418, %max3A_419, %masked_sort3A_408 : vector<16xi1>, vector<16xf32>
      %swap3A_421 = arith.constant 16 : index
      %swap3A_422 = tpu.vector_load %arg17[%swap3A_421] {strides = array<i32>} : memref<32xf32, #tpu.memory_space<vmem>>, vector<16xf32>,
      tpu.vector_store %arg17[%swap3A_421], %select_n3A_420 {strides = array<i32>} : memref<32xf32, #tpu.memory_space<vmem>>, vector<16xf32>,
      %get3A_423 = arith.constant 14 : index
      %get3A_424 = tpu.vector_load %arg16[%get3A_423] {strides = array<i32>} : memref<32xi32, #tpu.memory_space<vmem>>, vector<16xi32>,
      %get3A_425 = arith.constant 14 : index
      %get3A_426 = tpu.vector_load %arg17[%get3A_425] {strides = array<i32>} : memref<32xf32, #tpu.memory_space<vmem>>, vector<16xf32>,
      %eq3A_427 = arith.cmpi eq, %get3A_424, %masked_sort3A_409 : vector<16xi32>
      %max3A_428 = arith.maximumf %select_n3A_420, %get3A_426 : vector<16xf32>
      %select_n3A_429 = arith.select %eq3A_427, %max3A_428, %select_n3A_420 : vector<16xi1>, vector<16xf32>
      %swap3A_430 = arith.constant 16 : index
      %swap3A_431 = tpu.vector_load %arg17[%swap3A_430] {strides = array<i32>} : memref<32xf32, #tpu.memory_space<vmem>>, vector<16xf32>,
      tpu.vector_store %arg17[%swap3A_430], %select_n3A_429 {strides = array<i32>} : memref<32xf32, #tpu.memory_space<vmem>>, vector<16xf32>,
      %get3A_432 = arith.constant 12 : index
      %get3A_433 = tpu.vector_load %arg16[%get3A_432] {strides = array<i32>} : memref<32xi32, #tpu.memory_space<vmem>>, vector<16xi32>,
      %get3A_434 = arith.constant 12 : index
      %get3A_435 = tpu.vector_load %arg17[%get3A_434] {strides = array<i32>} : memref<32xf32, #tpu.memory_space<vmem>>, vector<16xf32>,
      %eq3A_436 = arith.cmpi eq, %get3A_433, %masked_sort3A_409 : vector<16xi32>
      %max3A_437 = arith.maximumf %select_n3A_429, %get3A_435 : vector<16xf32>
      %select_n3A_438 = arith.select %eq3A_436, %max3A_437, %select_n3A_429 : vector<16xi1>, vector<16xf32>
      %swap3A_439 = arith.constant 16 : index
      %swap3A_440 = tpu.vector_load %arg17[%swap3A_439] {strides = array<i32>} : memref<32xf32, #tpu.memory_space<vmem>>, vector<16xf32>,
      tpu.vector_store %arg17[%swap3A_439], %select_n3A_438 {strides = array<i32>} : memref<32xf32, #tpu.memory_space<vmem>>, vector<16xf32>,
      %get3A_441 = arith.constant 8 : index
      %get3A_442 = tpu.vector_load %arg16[%get3A_441] {strides = array<i32>} : memref<32xi32, #tpu.memory_space<vmem>>, vector<16xi32>,
      %get3A_443 = arith.constant 8 : index
      %get3A_444 = tpu.vector_load %arg17[%get3A_443] {strides = array<i32>} : memref<32xf32, #tpu.memory_space<vmem>>, vector<16xf32>,
      %eq3A_445 = arith.cmpi eq, %get3A_442, %masked_sort3A_409 : vector<16xi32>
      %max3A_446 = arith.maximumf %select_n3A_438, %get3A_444 : vector<16xf32>
      %select_n3A_447 = arith.select %eq3A_445, %max3A_446, %select_n3A_438 : vector<16xi1>, vector<16xf32>
      %swap3A_448 = arith.constant 16 : index
      %swap3A_449 = tpu.vector_load %arg17[%swap3A_448] {strides = array<i32>} : memref<32xf32, #tpu.memory_space<vmem>>, vector<16xf32>,
      tpu.vector_store %arg17[%swap3A_448], %select_n3A_447 {strides = array<i32>} : memref<32xf32, #tpu.memory_space<vmem>>, vector<16xf32>,
      %broadcast_in_dim3A_450 = arith.constant true
      %broadcast_in_dim3A_451 = vector.broadcast %broadcast_in_dim3A_450 : i1 to vector<16xi1>
      %unique3A_452, %unique3A_453 = tpu.scan_count mask(%broadcast_in_dim3A_451 : vector<16xi1>) value(%masked_sort3A_409 : vector<16xi32>) : vector<16xi1>, vector<16xi32>
      %gather3A_454 = tpu.vector_load_idx %arg12[%masked_sort3A_409] masked %unique3A_452 : memref<10240xf32, #tpu.memory_space<vmem>>[vector<16xi32>], vector<16xf32>, vector<16xi1>
      %max3A_455 = arith.maximumf %gather3A_454, %select_n3A_447 : vector<16xf32>
      tpu.vector_store_idx %arg12[%masked_sort3A_409], %max3A_455 masked %unique3A_452 : memref<10240xf32, #tpu.memory_space<vmem>>[vector<16xi32>], vector<16xf32>, vector<16xi1>
      %get3A_456 = arith.index_cast %scan3A_30 : i32 to index
      %get3A_457 = arith.constant 96 : index
      %get3A_458 = tpu.vector_load %arg9[%get3A_456, %get3A_457] {strides = array<i32>} : memref<79x128xi32, #tpu.memory_space<vmem>>, vector<16xi32>,
      %get3A_459 = arith.index_cast %scan3A_30 : i32 to index
      %get3A_460 = arith.constant 96 : index
      %get3A_461 = tpu.vector_load %arg10[%get3A_459, %get3A_460] {strides = array<i32>} : memref<79x128xi32, #tpu.memory_space<vmem>>, vector<16xi32>,
      %get3A_462 = arith.index_cast %scan3A_30 : i32 to index
      %get3A_463 = arith.constant 96 : index
      %get3A_464 = tpu.vector_load %arg11[%get3A_462, %get3A_463] {strides = array<i32>} : memref<79x128xf32, #tpu.memory_space<vmem>>, vector<16xf32>,
      %gather3A_465 = tpu.vector_load_idx %arg14[%get3A_458] : memref<10240xf32, #tpu.memory_space<vmem>>[vector<16xi32>], vector<16xf32>,
      %gather3A_466 = tpu.vector_load_idx %arg15[%get3A_461] : memref<10240xf32, #tpu.memory_space<vmem>>[vector<16xi32>], vector<16xf32>,
      %add3A_467 = arith.addf %gather3A_465, %gather3A_466 : vector<16xf32>
      %add3A_468 = arith.addf %add3A_467, %get3A_464 : vector<16xf32>
      %mul3A_469 = vector.broadcast %scan3A_13 : f32 to vector<16xf32>
      %mul3A_470 = arith.mulf %add3A_468, %mul3A_469 : vector<16xf32>
      %swap3A_471 = arith.index_cast %scan3A_30 : i32 to index
      %swap3A_472 = arith.constant 96 : index
      %swap3A_473 = tpu.vector_load %arg11[%swap3A_471, %swap3A_472] {strides = array<i32>} : memref<79x128xf32, #tpu.memory_space<vmem>>, vector<16xf32>,
      tpu.vector_store %arg11[%swap3A_471, %swap3A_472], %mul3A_470 {strides = array<i32>} : memref<79x128xf32, #tpu.memory_space<vmem>>, vector<16xf32>,
      %masked_sort3A_474 = arith.constant dense<true> : vector<16xi1>
      %masked_sort3A_475 = arith.constant -2147483648 : i32
      %masked_sort3A_476 = vector.broadcast %masked_sort3A_475 : i32 to vector<16xi32>
      %masked_sort3A_477 = arith.xori %get3A_458, %masked_sort3A_476 : vector<16xi32>
      %masked_sort3A_478, %masked_sort3A_479, %masked_sort3A_480 = tpu.sort %masked_sort3A_477, %mul3A_470 masked %masked_sort3A_474 : (vector<16xi32>, vector<16xf32>, vector<16xi1>) -> (vector<16xi1>, vector<16xi32>, vector<16xf32>)
      %masked_sort3A_481 = arith.xori %masked_sort3A_479, %masked_sort3A_476 : vector<16xi32>
      %swap3A_482 = arith.constant 16 : index
      %swap3A_483 = tpu.vector_load %arg16[%swap3A_482] {strides = array<i32>} : memref<32xi32, #tpu.memory_space<vmem>>, vector<16xi32>,
      tpu.vector_store %arg16[%swap3A_482], %masked_sort3A_481 {strides = array<i32>} : memref<32xi32, #tpu.memory_space<vmem>>, vector<16xi32>,
      %swap3A_484 = arith.constant 16 : index
      %swap3A_485 = tpu.vector_load %arg17[%swap3A_484] {strides = array<i32>} : memref<32xf32, #tpu.memory_space<vmem>>, vector<16xf32>,
      tpu.vector_store %arg17[%swap3A_484], %masked_sort3A_480 {strides = array<i32>} : memref<32xf32, #tpu.memory_space<vmem>>, vector<16xf32>,
      %get3A_486 = arith.constant 15 : index
      %get3A_487 = tpu.vector_load %arg16[%get3A_486] {strides = array<i32>} : memref<32xi32, #tpu.memory_space<vmem>>, vector<16xi32>,
      %get3A_488 = arith.constant 15 : index
      %get3A_489 = tpu.vector_load %arg17[%get3A_488] {strides = array<i32>} : memref<32xf32, #tpu.memory_space<vmem>>, vector<16xf32>,
      %eq3A_490 = arith.cmpi eq, %get3A_487, %masked_sort3A_481 : vector<16xi32>
      %max3A_491 = arith.maximumf %masked_sort3A_480, %get3A_489 : vector<16xf32>
      %select_n3A_492 = arith.select %eq3A_490, %max3A_491, %masked_sort3A_480 : vector<16xi1>, vector<16xf32>
      %swap3A_493 = arith.constant 16 : index
      %swap3A_494 = tpu.vector_load %arg17[%swap3A_493] {strides = array<i32>} : memref<32xf32, #tpu.memory_space<vmem>>, vector<16xf32>,
      tpu.vector_store %arg17[%swap3A_493], %select_n3A_492 {strides = array<i32>} : memref<32xf32, #tpu.memory_space<vmem>>, vector<16xf32>,
      %get3A_495 = arith.constant 14 : index
      %get3A_496 = tpu.vector_load %arg16[%get3A_495] {strides = array<i32>} : memref<32xi32, #tpu.memory_space<vmem>>, vector<16xi32>,
      %get3A_497 = arith.constant 14 : index
      %get3A_498 = tpu.vector_load %arg17[%get3A_497] {strides = array<i32>} : memref<32xf32, #tpu.memory_space<vmem>>, vector<16xf32>,
      %eq3A_499 = arith.cmpi eq, %get3A_496, %masked_sort3A_481 : vector<16xi32>
      %max3A_500 = arith.maximumf %select_n3A_492, %get3A_498 : vector<16xf32>
      %select_n3A_501 = arith.select %eq3A_499, %max3A_500, %select_n3A_492 : vector<16xi1>, vector<16xf32>
      %swap3A_502 = arith.constant 16 : index
      %swap3A_503 = tpu.vector_load %arg17[%swap3A_502] {strides = array<i32>} : memref<32xf32, #tpu.memory_space<vmem>>, vector<16xf32>,
      tpu.vector_store %arg17[%swap3A_502], %select_n3A_501 {strides = array<i32>} : memref<32xf32, #tpu.memory_space<vmem>>, vector<16xf32>,
      %get3A_504 = arith.constant 12 : index
      %get3A_505 = tpu.vector_load %arg16[%get3A_504] {strides = array<i32>} : memref<32xi32, #tpu.memory_space<vmem>>, vector<16xi32>,
      %get3A_506 = arith.constant 12 : index
      %get3A_507 = tpu.vector_load %arg17[%get3A_506] {strides = array<i32>} : memref<32xf32, #tpu.memory_space<vmem>>, vector<16xf32>,
      %eq3A_508 = arith.cmpi eq, %get3A_505, %masked_sort3A_481 : vector<16xi32>
      %max3A_509 = arith.maximumf %select_n3A_501, %get3A_507 : vector<16xf32>
      %select_n3A_510 = arith.select %eq3A_508, %max3A_509, %select_n3A_501 : vector<16xi1>, vector<16xf32>
      %swap3A_511 = arith.constant 16 : index
      %swap3A_512 = tpu.vector_load %arg17[%swap3A_511] {strides = array<i32>} : memref<32xf32, #tpu.memory_space<vmem>>, vector<16xf32>,
      tpu.vector_store %arg17[%swap3A_511], %select_n3A_510 {strides = array<i32>} : memref<32xf32, #tpu.memory_space<vmem>>, vector<16xf32>,
      %get3A_513 = arith.constant 8 : index
      %get3A_514 = tpu.vector_load %arg16[%get3A_513] {strides = array<i32>} : memref<32xi32, #tpu.memory_space<vmem>>, vector<16xi32>,
      %get3A_515 = arith.constant 8 : index
      %get3A_516 = tpu.vector_load %arg17[%get3A_515] {strides = array<i32>} : memref<32xf32, #tpu.memory_space<vmem>>, vector<16xf32>,
      %eq3A_517 = arith.cmpi eq, %get3A_514, %masked_sort3A_481 : vector<16xi32>
      %max3A_518 = arith.maximumf %select_n3A_510, %get3A_516 : vector<16xf32>
      %select_n3A_519 = arith.select %eq3A_517, %max3A_518, %select_n3A_510 : vector<16xi1>, vector<16xf32>
      %swap3A_520 = arith.constant 16 : index
      %swap3A_521 = tpu.vector_load %arg17[%swap3A_520] {strides = array<i32>} : memref<32xf32, #tpu.memory_space<vmem>>, vector<16xf32>,
      tpu.vector_store %arg17[%swap3A_520], %select_n3A_519 {strides = array<i32>} : memref<32xf32, #tpu.memory_space<vmem>>, vector<16xf32>,
      %broadcast_in_dim3A_522 = arith.constant true
      %broadcast_in_dim3A_523 = vector.broadcast %broadcast_in_dim3A_522 : i1 to vector<16xi1>
      %unique3A_524, %unique3A_525 = tpu.scan_count mask(%broadcast_in_dim3A_523 : vector<16xi1>) value(%masked_sort3A_481 : vector<16xi32>) : vector<16xi1>, vector<16xi32>
      %gather3A_526 = tpu.vector_load_idx %arg12[%masked_sort3A_481] masked %unique3A_524 : memref<10240xf32, #tpu.memory_space<vmem>>[vector<16xi32>], vector<16xf32>, vector<16xi1>
      %max3A_527 = arith.maximumf %gather3A_526, %select_n3A_519 : vector<16xf32>
      tpu.vector_store_idx %arg12[%masked_sort3A_481], %max3A_527 masked %unique3A_524 : memref<10240xf32, #tpu.memory_space<vmem>>[vector<16xi32>], vector<16xf32>, vector<16xi1>
      %get3A_528 = arith.index_cast %scan3A_30 : i32 to index
      %get3A_529 = arith.constant 112 : index
      %get3A_530 = tpu.vector_load %arg9[%get3A_528, %get3A_529] {strides = array<i32>} : memref<79x128xi32, #tpu.memory_space<vmem>>, vector<16xi32>,
      %get3A_531 = arith.index_cast %scan3A_30 : i32 to index
      %get3A_532 = arith.constant 112 : index
      %get3A_533 = tpu.vector_load %arg10[%get3A_531, %get3A_532] {strides = array<i32>} : memref<79x128xi32, #tpu.memory_space<vmem>>, vector<16xi32>,
      %get3A_534 = arith.index_cast %scan3A_30 : i32 to index
      %get3A_535 = arith.constant 112 : index
      %get3A_536 = tpu.vector_load %arg11[%get3A_534, %get3A_535] {strides = array<i32>} : memref<79x128xf32, #tpu.memory_space<vmem>>, vector<16xf32>,
      %gather3A_537 = tpu.vector_load_idx %arg14[%get3A_530] : memref<10240xf32, #tpu.memory_space<vmem>>[vector<16xi32>], vector<16xf32>,
      %gather3A_538 = tpu.vector_load_idx %arg15[%get3A_533] : memref<10240xf32, #tpu.memory_space<vmem>>[vector<16xi32>], vector<16xf32>,
      %add3A_539 = arith.addf %gather3A_537, %gather3A_538 : vector<16xf32>
      %add3A_540 = arith.addf %add3A_539, %get3A_536 : vector<16xf32>
      %mul3A_541 = vector.broadcast %scan3A_13 : f32 to vector<16xf32>
      %mul3A_542 = arith.mulf %add3A_540, %mul3A_541 : vector<16xf32>
      %swap3A_543 = arith.index_cast %scan3A_30 : i32 to index
      %swap3A_544 = arith.constant 112 : index
      %swap3A_545 = tpu.vector_load %arg11[%swap3A_543, %swap3A_544] {strides = array<i32>} : memref<79x128xf32, #tpu.memory_space<vmem>>, vector<16xf32>,
      tpu.vector_store %arg11[%swap3A_543, %swap3A_544], %mul3A_542 {strides = array<i32>} : memref<79x128xf32, #tpu.memory_space<vmem>>, vector<16xf32>,
      %masked_sort3A_546 = arith.constant dense<true> : vector<16xi1>
      %masked_sort3A_547 = arith.constant -2147483648 : i32
      %masked_sort3A_548 = vector.broadcast %masked_sort3A_547 : i32 to vector<16xi32>
      %masked_sort3A_549 = arith.xori %get3A_530, %masked_sort3A_548 : vector<16xi32>
      %masked_sort3A_550, %masked_sort3A_551, %masked_sort3A_552 = tpu.sort %masked_sort3A_549, %mul3A_542 masked %masked_sort3A_546 : (vector<16xi32>, vector<16xf32>, vector<16xi1>) -> (vector<16xi1>, vector<16xi32>, vector<16xf32>)
      %masked_sort3A_553 = arith.xori %masked_sort3A_551, %masked_sort3A_548 : vector<16xi32>
      %swap3A_554 = arith.constant 16 : index
      %swap3A_555 = tpu.vector_load %arg16[%swap3A_554] {strides = array<i32>} : memref<32xi32, #tpu.memory_space<vmem>>, vector<16xi32>,
      tpu.vector_store %arg16[%swap3A_554], %masked_sort3A_553 {strides = array<i32>} : memref<32xi32, #tpu.memory_space<vmem>>, vector<16xi32>,
      %swap3A_556 = arith.constant 16 : index
      %swap3A_557 = tpu.vector_load %arg17[%swap3A_556] {strides = array<i32>} : memref<32xf32, #tpu.memory_space<vmem>>, vector<16xf32>,
      tpu.vector_store %arg17[%swap3A_556], %masked_sort3A_552 {strides = array<i32>} : memref<32xf32, #tpu.memory_space<vmem>>, vector<16xf32>,
      %get3A_558 = arith.constant 15 : index
      %get3A_559 = tpu.vector_load %arg16[%get3A_558] {strides = array<i32>} : memref<32xi32, #tpu.memory_space<vmem>>, vector<16xi32>,
      %get3A_560 = arith.constant 15 : index
      %get3A_561 = tpu.vector_load %arg17[%get3A_560] {strides = array<i32>} : memref<32xf32, #tpu.memory_space<vmem>>, vector<16xf32>,
      %eq3A_562 = arith.cmpi eq, %get3A_559, %masked_sort3A_553 : vector<16xi32>
      %max3A_563 = arith.maximumf %masked_sort3A_552, %get3A_561 : vector<16xf32>
      %select_n3A_564 = arith.select %eq3A_562, %max3A_563, %masked_sort3A_552 : vector<16xi1>, vector<16xf32>
      %swap3A_565 = arith.constant 16 : index
      %swap3A_566 = tpu.vector_load %arg17[%swap3A_565] {strides = array<i32>} : memref<32xf32, #tpu.memory_space<vmem>>, vector<16xf32>,
      tpu.vector_store %arg17[%swap3A_565], %select_n3A_564 {strides = array<i32>} : memref<32xf32, #tpu.memory_space<vmem>>, vector<16xf32>,
      %get3A_567 = arith.constant 14 : index
      %get3A_568 = tpu.vector_load %arg16[%get3A_567] {strides = array<i32>} : memref<32xi32, #tpu.memory_space<vmem>>, vector<16xi32>,
      %get3A_569 = arith.constant 14 : index
      %get3A_570 = tpu.vector_load %arg17[%get3A_569] {strides = array<i32>} : memref<32xf32, #tpu.memory_space<vmem>>, vector<16xf32>,
      %eq3A_571 = arith.cmpi eq, %get3A_568, %masked_sort3A_553 : vector<16xi32>
      %max3A_572 = arith.maximumf %select_n3A_564, %get3A_570 : vector<16xf32>
      %select_n3A_573 = arith.select %eq3A_571, %max3A_572, %select_n3A_564 : vector<16xi1>, vector<16xf32>
      %swap3A_574 = arith.constant 16 : index
      %swap3A_575 = tpu.vector_load %arg17[%swap3A_574] {strides = array<i32>} : memref<32xf32, #tpu.memory_space<vmem>>, vector<16xf32>,
      tpu.vector_store %arg17[%swap3A_574], %select_n3A_573 {strides = array<i32>} : memref<32xf32, #tpu.memory_space<vmem>>, vector<16xf32>,
      %get3A_576 = arith.constant 12 : index
      %get3A_577 = tpu.vector_load %arg16[%get3A_576] {strides = array<i32>} : memref<32xi32, #tpu.memory_space<vmem>>, vector<16xi32>,
      %get3A_578 = arith.constant 12 : index
      %get3A_579 = tpu.vector_load %arg17[%get3A_578] {strides = array<i32>} : memref<32xf32, #tpu.memory_space<vmem>>, vector<16xf32>,
      %eq3A_580 = arith.cmpi eq, %get3A_577, %masked_sort3A_553 : vector<16xi32>
      %max3A_581 = arith.maximumf %select_n3A_573, %get3A_579 : vector<16xf32>
      %select_n3A_582 = arith.select %eq3A_580, %max3A_581, %select_n3A_573 : vector<16xi1>, vector<16xf32>
      %swap3A_583 = arith.constant 16 : index
      %swap3A_584 = tpu.vector_load %arg17[%swap3A_583] {strides = array<i32>} : memref<32xf32, #tpu.memory_space<vmem>>, vector<16xf32>,
      tpu.vector_store %arg17[%swap3A_583], %select_n3A_582 {strides = array<i32>} : memref<32xf32, #tpu.memory_space<vmem>>, vector<16xf32>,
      %get3A_585 = arith.constant 8 : index
      %get3A_586 = tpu.vector_load %arg16[%get3A_585] {strides = array<i32>} : memref<32xi32, #tpu.memory_space<vmem>>, vector<16xi32>,
      %get3A_587 = arith.constant 8 : index
      %get3A_588 = tpu.vector_load %arg17[%get3A_587] {strides = array<i32>} : memref<32xf32, #tpu.memory_space<vmem>>, vector<16xf32>,
      %eq3A_589 = arith.cmpi eq, %get3A_586, %masked_sort3A_553 : vector<16xi32>
      %max3A_590 = arith.maximumf %select_n3A_582, %get3A_588 : vector<16xf32>
      %select_n3A_591 = arith.select %eq3A_589, %max3A_590, %select_n3A_582 : vector<16xi1>, vector<16xf32>
      %swap3A_592 = arith.constant 16 : index
      %swap3A_593 = tpu.vector_load %arg17[%swap3A_592] {strides = array<i32>} : memref<32xf32, #tpu.memory_space<vmem>>, vector<16xf32>,
      tpu.vector_store %arg17[%swap3A_592], %select_n3A_591 {strides = array<i32>} : memref<32xf32, #tpu.memory_space<vmem>>, vector<16xf32>,
      %broadcast_in_dim3A_594 = arith.constant true
      %broadcast_in_dim3A_595 = vector.broadcast %broadcast_in_dim3A_594 : i1 to vector<16xi1>
      %unique3A_596, %unique3A_597 = tpu.scan_count mask(%broadcast_in_dim3A_595 : vector<16xi1>) value(%masked_sort3A_553 : vector<16xi32>) : vector<16xi1>, vector<16xi32>
      %gather3A_598 = tpu.vector_load_idx %arg12[%masked_sort3A_553] masked %unique3A_596 : memref<10240xf32, #tpu.memory_space<vmem>>[vector<16xi32>], vector<16xf32>, vector<16xi1>
      %max3A_599 = arith.maximumf %gather3A_598, %select_n3A_591 : vector<16xf32>
      tpu.vector_store_idx %arg12[%masked_sort3A_553], %max3A_599 masked %unique3A_596 : memref<10240xf32, #tpu.memory_space<vmem>>[vector<16xi32>], vector<16xf32>, vector<16xi1>
    }
    %scan3A_18 = arith.constant 79 : i32
    "tpu.region"() ({
      %run_scoped3A_30 = tpu.sem_alloc : memref<!tpu.dma_semaphore, #tpu.memory_space<semaphore_mem>>
      %dma_start3A = arith.constant 0 : i32
      %dma_start3A_31 = arith.constant 0 : i32
      %dma_start3A_32 = tpu.memref_slice %arg7[%add3A, %dma_start3A, %dma_start3A_31] : memref<32x79x128xf32, #tpu.memory_space<hbm>> -> memref<1x79x128xf32, #tpu.memory_space<hbm>>
      %dma_start3A_33 = tpu.memref_squeeze %dma_start3A_32 : memref<1x79x128xf32, #tpu.memory_space<hbm>> -> memref<79x128xf32, #tpu.memory_space<hbm>>
      %dma_start3A_34 = arith.constant 0 : i32
      %dma_start3A_35 = arith.constant 0 : i32
      %dma_start3A_36 = tpu.memref_slice %arg7[%add3A, %dma_start3A_34, %dma_start3A_35] : memref<32x79x128xf32, #tpu.memory_space<hbm>> -> memref<1x79x128xf32, #tpu.memory_space<hbm>>
      %dma_start3A_37 = tpu.memref_squeeze %dma_start3A_36 : memref<1x79x128xf32, #tpu.memory_space<hbm>> -> memref<79x128xf32, #tpu.memory_space<hbm>>
      tpu.enqueue_dma source(%arg11 : memref<79x128xf32, #tpu.memory_space<vmem>>) target(%dma_start3A_37 : memref<79x128xf32, #tpu.memory_space<hbm>>) target_semaphore(%run_scoped3A_30 : memref<!tpu.dma_semaphore, #tpu.memory_space<semaphore_mem>>)
      %dma_wait3A = arith.constant 0 : i32
      %dma_wait3A_38 = arith.constant 0 : i32
      %dma_wait3A_39 = tpu.memref_slice %arg7[%add3A, %dma_wait3A, %dma_wait3A_38] : memref<32x79x128xf32, #tpu.memory_space<hbm>> -> memref<1x79x128xf32, #tpu.memory_space<hbm>>
      %dma_wait3A_40 = tpu.memref_squeeze %dma_wait3A_39 : memref<1x79x128xf32, #tpu.memory_space<hbm>> -> memref<79x128xf32, #tpu.memory_space<hbm>>
      %dma_wait3A_41 = arith.constant 0 : i32
      %dma_wait3A_42 = arith.constant 0 : i32
      %dma_wait3A_43 = tpu.memref_slice %arg7[%add3A, %dma_wait3A_41, %dma_wait3A_42] : memref<32x79x128xf32, #tpu.memory_space<hbm>> -> memref<1x79x128xf32, #tpu.memory_space<hbm>>
      %dma_wait3A_44 = tpu.memref_squeeze %dma_wait3A_43 : memref<1x79x128xf32, #tpu.memory_space<hbm>> -> memref<79x128xf32, #tpu.memory_space<hbm>>
      tpu.wait_dma2 semaphore(%run_scoped3A_30 : memref<!tpu.dma_semaphore, #tpu.memory_space<semaphore_mem>>) src(%arg11 : memref<79x128xf32, #tpu.memory_space<vmem>>) dst(%dma_wait3A_44 : memref<79x128xf32, #tpu.memory_space<hbm>>)
      tpu.yield
    }) : () -> ()
    %broadcast_in_dim3A_19 = arith.constant 0.000000e+00 : f32
    %broadcast_in_dim3A_20 = vector.broadcast %broadcast_in_dim3A_19 : f32 to vector<16xf32>
    %swap3A_21 = arith.constant 0 : index
    %swap3A_22 = tpu.vector_load %arg17[%swap3A_21] {strides = array<i32>} : memref<32xf32, #tpu.memory_space<vmem>>, vector<16xf32>,
    tpu.vector_store %arg17[%swap3A_21], %broadcast_in_dim3A_20 {strides = array<i32>} : memref<32xf32, #tpu.memory_space<vmem>>, vector<16xf32>,
    %scan3A_23 = arith.constant 0 : i32
    %scan3A_24 = arith.constant 0 : i32
    %scan3A_25 = arith.constant 79 : i32
    %scan3A_26 = arith.addi %scan3A_24, %scan3A_25 : i32
    %scan3A_27 = arith.constant 1 : i32
    scf.for %scan3A_30 = %scan3A_24 to %scan3A_26 step %scan3A_27  : i32 {
      %get3A = arith.index_cast %scan3A_30 : i32 to index
      %get3A_31 = arith.constant 0 : index
      %get3A_32 = tpu.vector_load %arg9[%get3A, %get3A_31] {strides = array<i32>} : memref<79x128xi32, #tpu.memory_space<vmem>>, vector<16xi32>,
      %get3A_33 = arith.index_cast %scan3A_30 : i32 to index
      %get3A_34 = arith.constant 0 : index
      %get3A_35 = tpu.vector_load %arg11[%get3A_33, %get3A_34] {strides = array<i32>} : memref<79x128xf32, #tpu.memory_space<vmem>>, vector<16xf32>,
      %gather3A = tpu.vector_load_idx %arg12[%get3A_32] : memref<10240xf32, #tpu.memory_space<vmem>>[vector<16xi32>], vector<16xf32>,
      %sub3A = arith.subf %get3A_35, %gather3A : vector<16xf32>
      %exp3A = math.exp %sub3A : vector<16xf32>
      %masked_sort3A = arith.constant dense<true> : vector<16xi1>
      %masked_sort3A_36 = arith.constant -2147483648 : i32
      %masked_sort3A_37 = vector.broadcast %masked_sort3A_36 : i32 to vector<16xi32>
      %masked_sort3A_38 = arith.xori %get3A_32, %masked_sort3A_37 : vector<16xi32>
      %masked_sort3A_39, %masked_sort3A_40, %masked_sort3A_41 = tpu.sort %masked_sort3A_38, %exp3A masked %masked_sort3A : (vector<16xi32>, vector<16xf32>, vector<16xi1>) -> (vector<16xi1>, vector<16xi32>, vector<16xf32>)
      %masked_sort3A_42 = arith.xori %masked_sort3A_40, %masked_sort3A_37 : vector<16xi32>
      %swap3A_43 = arith.constant 16 : index
      %swap3A_44 = tpu.vector_load %arg16[%swap3A_43] {strides = array<i32>} : memref<32xi32, #tpu.memory_space<vmem>>, vector<16xi32>,
      tpu.vector_store %arg16[%swap3A_43], %masked_sort3A_42 {strides = array<i32>} : memref<32xi32, #tpu.memory_space<vmem>>, vector<16xi32>,
      %swap3A_45 = arith.constant 16 : index
      %swap3A_46 = tpu.vector_load %arg17[%swap3A_45] {strides = array<i32>} : memref<32xf32, #tpu.memory_space<vmem>>, vector<16xf32>,
      tpu.vector_store %arg17[%swap3A_45], %masked_sort3A_41 {strides = array<i32>} : memref<32xf32, #tpu.memory_space<vmem>>, vector<16xf32>,
      %get3A_47 = arith.constant 15 : index
      %get3A_48 = tpu.vector_load %arg16[%get3A_47] {strides = array<i32>} : memref<32xi32, #tpu.memory_space<vmem>>, vector<16xi32>,
      %get3A_49 = arith.constant 15 : index
      %get3A_50 = tpu.vector_load %arg17[%get3A_49] {strides = array<i32>} : memref<32xf32, #tpu.memory_space<vmem>>, vector<16xf32>,
      %eq3A = arith.cmpi eq, %get3A_48, %masked_sort3A_42 : vector<16xi32>
      %jit3A = arith.constant 0.000000e+00 : f32
      %broadcast_in_dim3A_51 = vector.broadcast %jit3A : f32 to vector<16xf32>
      %select_n3A = arith.select %eq3A, %get3A_50, %broadcast_in_dim3A_51 : vector<16xi1>, vector<16xf32>
      %add3A_52 = arith.addf %masked_sort3A_41, %select_n3A : vector<16xf32>
      %swap3A_53 = arith.constant 16 : index
      %swap3A_54 = tpu.vector_load %arg17[%swap3A_53] {strides = array<i32>} : memref<32xf32, #tpu.memory_space<vmem>>, vector<16xf32>,
      tpu.vector_store %arg17[%swap3A_53], %add3A_52 {strides = array<i32>} : memref<32xf32, #tpu.memory_space<vmem>>, vector<16xf32>,
      %get3A_55 = arith.constant 14 : index
      %get3A_56 = tpu.vector_load %arg16[%get3A_55] {strides = array<i32>} : memref<32xi32, #tpu.memory_space<vmem>>, vector<16xi32>,
      %get3A_57 = arith.constant 14 : index
      %get3A_58 = tpu.vector_load %arg17[%get3A_57] {strides = array<i32>} : memref<32xf32, #tpu.memory_space<vmem>>, vector<16xf32>,
      %eq3A_59 = arith.cmpi eq, %get3A_56, %masked_sort3A_42 : vector<16xi32>
      %jit3A_60 = arith.constant 0.000000e+00 : f32
      %broadcast_in_dim3A_61 = vector.broadcast %jit3A_60 : f32 to vector<16xf32>
      %select_n3A_62 = arith.select %eq3A_59, %get3A_58, %broadcast_in_dim3A_61 : vector<16xi1>, vector<16xf32>
      %add3A_63 = arith.addf %add3A_52, %select_n3A_62 : vector<16xf32>
      %swap3A_64 = arith.constant 16 : index
      %swap3A_65 = tpu.vector_load %arg17[%swap3A_64] {strides = array<i32>} : memref<32xf32, #tpu.memory_space<vmem>>, vector<16xf32>,
      tpu.vector_store %arg17[%swap3A_64], %add3A_63 {strides = array<i32>} : memref<32xf32, #tpu.memory_space<vmem>>, vector<16xf32>,
      %get3A_66 = arith.constant 12 : index
      %get3A_67 = tpu.vector_load %arg16[%get3A_66] {strides = array<i32>} : memref<32xi32, #tpu.memory_space<vmem>>, vector<16xi32>,
      %get3A_68 = arith.constant 12 : index
      %get3A_69 = tpu.vector_load %arg17[%get3A_68] {strides = array<i32>} : memref<32xf32, #tpu.memory_space<vmem>>, vector<16xf32>,
      %eq3A_70 = arith.cmpi eq, %get3A_67, %masked_sort3A_42 : vector<16xi32>
      %jit3A_71 = arith.constant 0.000000e+00 : f32
      %broadcast_in_dim3A_72 = vector.broadcast %jit3A_71 : f32 to vector<16xf32>
      %select_n3A_73 = arith.select %eq3A_70, %get3A_69, %broadcast_in_dim3A_72 : vector<16xi1>, vector<16xf32>
      %add3A_74 = arith.addf %add3A_63, %select_n3A_73 : vector<16xf32>
      %swap3A_75 = arith.constant 16 : index
      %swap3A_76 = tpu.vector_load %arg17[%swap3A_75] {strides = array<i32>} : memref<32xf32, #tpu.memory_space<vmem>>, vector<16xf32>,
      tpu.vector_store %arg17[%swap3A_75], %add3A_74 {strides = array<i32>} : memref<32xf32, #tpu.memory_space<vmem>>, vector<16xf32>,
      %get3A_77 = arith.constant 8 : index
      %get3A_78 = tpu.vector_load %arg16[%get3A_77] {strides = array<i32>} : memref<32xi32, #tpu.memory_space<vmem>>, vector<16xi32>,
      %get3A_79 = arith.constant 8 : index
      %get3A_80 = tpu.vector_load %arg17[%get3A_79] {strides = array<i32>} : memref<32xf32, #tpu.memory_space<vmem>>, vector<16xf32>,
      %eq3A_81 = arith.cmpi eq, %get3A_78, %masked_sort3A_42 : vector<16xi32>
      %jit3A_82 = arith.constant 0.000000e+00 : f32
      %broadcast_in_dim3A_83 = vector.broadcast %jit3A_82 : f32 to vector<16xf32>
      %select_n3A_84 = arith.select %eq3A_81, %get3A_80, %broadcast_in_dim3A_83 : vector<16xi1>, vector<16xf32>
      %add3A_85 = arith.addf %add3A_74, %select_n3A_84 : vector<16xf32>
      %swap3A_86 = arith.constant 16 : index
      %swap3A_87 = tpu.vector_load %arg17[%swap3A_86] {strides = array<i32>} : memref<32xf32, #tpu.memory_space<vmem>>, vector<16xf32>,
      tpu.vector_store %arg17[%swap3A_86], %add3A_85 {strides = array<i32>} : memref<32xf32, #tpu.memory_space<vmem>>, vector<16xf32>,
      %broadcast_in_dim3A_88 = arith.constant true
      %broadcast_in_dim3A_89 = vector.broadcast %broadcast_in_dim3A_88 : i1 to vector<16xi1>
      %unique3A, %unique3A_90 = tpu.scan_count mask(%broadcast_in_dim3A_89 : vector<16xi1>) value(%masked_sort3A_42 : vector<16xi32>) : vector<16xi1>, vector<16xi32>
      tpu.vector_store_idx %arg13[%masked_sort3A_42], %add3A_85 masked %unique3A {add = true} : memref<10240xf32, #tpu.memory_space<vmem>>[vector<16xi32>], vector<16xf32>, vector<16xi1>
      %get3A_91 = arith.index_cast %scan3A_30 : i32 to index
      %get3A_92 = arith.constant 16 : index
      %get3A_93 = tpu.vector_load %arg9[%get3A_91, %get3A_92] {strides = array<i32>} : memref<79x128xi32, #tpu.memory_space<vmem>>, vector<16xi32>,
      %get3A_94 = arith.index_cast %scan3A_30 : i32 to index
      %get3A_95 = arith.constant 16 : index
      %get3A_96 = tpu.vector_load %arg11[%get3A_94, %get3A_95] {strides = array<i32>} : memref<79x128xf32, #tpu.memory_space<vmem>>, vector<16xf32>,
      %gather3A_97 = tpu.vector_load_idx %arg12[%get3A_93] : memref<10240xf32, #tpu.memory_space<vmem>>[vector<16xi32>], vector<16xf32>,
      %sub3A_98 = arith.subf %get3A_96, %gather3A_97 : vector<16xf32>
      %exp3A_99 = math.exp %sub3A_98 : vector<16xf32>
      %masked_sort3A_100 = arith.constant dense<true> : vector<16xi1>
      %masked_sort3A_101 = arith.constant -2147483648 : i32
      %masked_sort3A_102 = vector.broadcast %masked_sort3A_101 : i32 to vector<16xi32>
      %masked_sort3A_103 = arith.xori %get3A_93, %masked_sort3A_102 : vector<16xi32>
      %masked_sort3A_104, %masked_sort3A_105, %masked_sort3A_106 = tpu.sort %masked_sort3A_103, %exp3A_99 masked %masked_sort3A_100 : (vector<16xi32>, vector<16xf32>, vector<16xi1>) -> (vector<16xi1>, vector<16xi32>, vector<16xf32>)
      %masked_sort3A_107 = arith.xori %masked_sort3A_105, %masked_sort3A_102 : vector<16xi32>
      %swap3A_108 = arith.constant 16 : index
      %swap3A_109 = tpu.vector_load %arg16[%swap3A_108] {strides = array<i32>} : memref<32xi32, #tpu.memory_space<vmem>>, vector<16xi32>,
      tpu.vector_store %arg16[%swap3A_108], %masked_sort3A_107 {strides = array<i32>} : memref<32xi32, #tpu.memory_space<vmem>>, vector<16xi32>,
      %swap3A_110 = arith.constant 16 : index
      %swap3A_111 = tpu.vector_load %arg17[%swap3A_110] {strides = array<i32>} : memref<32xf32, #tpu.memory_space<vmem>>, vector<16xf32>,
      tpu.vector_store %arg17[%swap3A_110], %masked_sort3A_106 {strides = array<i32>} : memref<32xf32, #tpu.memory_space<vmem>>, vector<16xf32>,
      %get3A_112 = arith.constant 15 : index
      %get3A_113 = tpu.vector_load %arg16[%get3A_112] {strides = array<i32>} : memref<32xi32, #tpu.memory_space<vmem>>, vector<16xi32>,
      %get3A_114 = arith.constant 15 : index
      %get3A_115 = tpu.vector_load %arg17[%get3A_114] {strides = array<i32>} : memref<32xf32, #tpu.memory_space<vmem>>, vector<16xf32>,
      %eq3A_116 = arith.cmpi eq, %get3A_113, %masked_sort3A_107 : vector<16xi32>
      %jit3A_117 = arith.constant 0.000000e+00 : f32
      %broadcast_in_dim3A_118 = vector.broadcast %jit3A_117 : f32 to vector<16xf32>
      %select_n3A_119 = arith.select %eq3A_116, %get3A_115, %broadcast_in_dim3A_118 : vector<16xi1>, vector<16xf32>
      %add3A_120 = arith.addf %masked_sort3A_106, %select_n3A_119 : vector<16xf32>
      %swap3A_121 = arith.constant 16 : index
      %swap3A_122 = tpu.vector_load %arg17[%swap3A_121] {strides = array<i32>} : memref<32xf32, #tpu.memory_space<vmem>>, vector<16xf32>,
      tpu.vector_store %arg17[%swap3A_121], %add3A_120 {strides = array<i32>} : memref<32xf32, #tpu.memory_space<vmem>>, vector<16xf32>,
      %get3A_123 = arith.constant 14 : index
      %get3A_124 = tpu.vector_load %arg16[%get3A_123] {strides = array<i32>} : memref<32xi32, #tpu.memory_space<vmem>>, vector<16xi32>,
      %get3A_125 = arith.constant 14 : index
      %get3A_126 = tpu.vector_load %arg17[%get3A_125] {strides = array<i32>} : memref<32xf32, #tpu.memory_space<vmem>>, vector<16xf32>,
      %eq3A_127 = arith.cmpi eq, %get3A_124, %masked_sort3A_107 : vector<16xi32>
      %jit3A_128 = arith.constant 0.000000e+00 : f32
      %broadcast_in_dim3A_129 = vector.broadcast %jit3A_128 : f32 to vector<16xf32>
      %select_n3A_130 = arith.select %eq3A_127, %get3A_126, %broadcast_in_dim3A_129 : vector<16xi1>, vector<16xf32>
      %add3A_131 = arith.addf %add3A_120, %select_n3A_130 : vector<16xf32>
      %swap3A_132 = arith.constant 16 : index
      %swap3A_133 = tpu.vector_load %arg17[%swap3A_132] {strides = array<i32>} : memref<32xf32, #tpu.memory_space<vmem>>, vector<16xf32>,
      tpu.vector_store %arg17[%swap3A_132], %add3A_131 {strides = array<i32>} : memref<32xf32, #tpu.memory_space<vmem>>, vector<16xf32>,
      %get3A_134 = arith.constant 12 : index
      %get3A_135 = tpu.vector_load %arg16[%get3A_134] {strides = array<i32>} : memref<32xi32, #tpu.memory_space<vmem>>, vector<16xi32>,
      %get3A_136 = arith.constant 12 : index
      %get3A_137 = tpu.vector_load %arg17[%get3A_136] {strides = array<i32>} : memref<32xf32, #tpu.memory_space<vmem>>, vector<16xf32>,
      %eq3A_138 = arith.cmpi eq, %get3A_135, %masked_sort3A_107 : vector<16xi32>
      %jit3A_139 = arith.constant 0.000000e+00 : f32
      %broadcast_in_dim3A_140 = vector.broadcast %jit3A_139 : f32 to vector<16xf32>
      %select_n3A_141 = arith.select %eq3A_138, %get3A_137, %broadcast_in_dim3A_140 : vector<16xi1>, vector<16xf32>
      %add3A_142 = arith.addf %add3A_131, %select_n3A_141 : vector<16xf32>
      %swap3A_143 = arith.constant 16 : index
      %swap3A_144 = tpu.vector_load %arg17[%swap3A_143] {strides = array<i32>} : memref<32xf32, #tpu.memory_space<vmem>>, vector<16xf32>,
      tpu.vector_store %arg17[%swap3A_143], %add3A_142 {strides = array<i32>} : memref<32xf32, #tpu.memory_space<vmem>>, vector<16xf32>,
      %get3A_145 = arith.constant 8 : index
      %get3A_146 = tpu.vector_load %arg16[%get3A_145] {strides = array<i32>} : memref<32xi32, #tpu.memory_space<vmem>>, vector<16xi32>,
      %get3A_147 = arith.constant 8 : index
      %get3A_148 = tpu.vector_load %arg17[%get3A_147] {strides = array<i32>} : memref<32xf32, #tpu.memory_space<vmem>>, vector<16xf32>,
      %eq3A_149 = arith.cmpi eq, %get3A_146, %masked_sort3A_107 : vector<16xi32>
      %jit3A_150 = arith.constant 0.000000e+00 : f32
      %broadcast_in_dim3A_151 = vector.broadcast %jit3A_150 : f32 to vector<16xf32>
      %select_n3A_152 = arith.select %eq3A_149, %get3A_148, %broadcast_in_dim3A_151 : vector<16xi1>, vector<16xf32>
      %add3A_153 = arith.addf %add3A_142, %select_n3A_152 : vector<16xf32>
      %swap3A_154 = arith.constant 16 : index
      %swap3A_155 = tpu.vector_load %arg17[%swap3A_154] {strides = array<i32>} : memref<32xf32, #tpu.memory_space<vmem>>, vector<16xf32>,
      tpu.vector_store %arg17[%swap3A_154], %add3A_153 {strides = array<i32>} : memref<32xf32, #tpu.memory_space<vmem>>, vector<16xf32>,
      %broadcast_in_dim3A_156 = arith.constant true
      %broadcast_in_dim3A_157 = vector.broadcast %broadcast_in_dim3A_156 : i1 to vector<16xi1>
      %unique3A_158, %unique3A_159 = tpu.scan_count mask(%broadcast_in_dim3A_157 : vector<16xi1>) value(%masked_sort3A_107 : vector<16xi32>) : vector<16xi1>, vector<16xi32>
      tpu.vector_store_idx %arg13[%masked_sort3A_107], %add3A_153 masked %unique3A_158 {add = true} : memref<10240xf32, #tpu.memory_space<vmem>>[vector<16xi32>], vector<16xf32>, vector<16xi1>
      %get3A_160 = arith.index_cast %scan3A_30 : i32 to index
      %get3A_161 = arith.constant 32 : index
      %get3A_162 = tpu.vector_load %arg9[%get3A_160, %get3A_161] {strides = array<i32>} : memref<79x128xi32, #tpu.memory_space<vmem>>, vector<16xi32>,
      %get3A_163 = arith.index_cast %scan3A_30 : i32 to index
      %get3A_164 = arith.constant 32 : index
      %get3A_165 = tpu.vector_load %arg11[%get3A_163, %get3A_164] {strides = array<i32>} : memref<79x128xf32, #tpu.memory_space<vmem>>, vector<16xf32>,
      %gather3A_166 = tpu.vector_load_idx %arg12[%get3A_162] : memref<10240xf32, #tpu.memory_space<vmem>>[vector<16xi32>], vector<16xf32>,
      %sub3A_167 = arith.subf %get3A_165, %gather3A_166 : vector<16xf32>
      %exp3A_168 = math.exp %sub3A_167 : vector<16xf32>
      %masked_sort3A_169 = arith.constant dense<true> : vector<16xi1>
      %masked_sort3A_170 = arith.constant -2147483648 : i32
      %masked_sort3A_171 = vector.broadcast %masked_sort3A_170 : i32 to vector<16xi32>
      %masked_sort3A_172 = arith.xori %get3A_162, %masked_sort3A_171 : vector<16xi32>
      %masked_sort3A_173, %masked_sort3A_174, %masked_sort3A_175 = tpu.sort %masked_sort3A_172, %exp3A_168 masked %masked_sort3A_169 : (vector<16xi32>, vector<16xf32>, vector<16xi1>) -> (vector<16xi1>, vector<16xi32>, vector<16xf32>)
      %masked_sort3A_176 = arith.xori %masked_sort3A_174, %masked_sort3A_171 : vector<16xi32>
      %swap3A_177 = arith.constant 16 : index
      %swap3A_178 = tpu.vector_load %arg16[%swap3A_177] {strides = array<i32>} : memref<32xi32, #tpu.memory_space<vmem>>, vector<16xi32>,
      tpu.vector_store %arg16[%swap3A_177], %masked_sort3A_176 {strides = array<i32>} : memref<32xi32, #tpu.memory_space<vmem>>, vector<16xi32>,
      %swap3A_179 = arith.constant 16 : index
      %swap3A_180 = tpu.vector_load %arg17[%swap3A_179] {strides = array<i32>} : memref<32xf32, #tpu.memory_space<vmem>>, vector<16xf32>,
      tpu.vector_store %arg17[%swap3A_179], %masked_sort3A_175 {strides = array<i32>} : memref<32xf32, #tpu.memory_space<vmem>>, vector<16xf32>,
      %get3A_181 = arith.constant 15 : index
      %get3A_182 = tpu.vector_load %arg16[%get3A_181] {strides = array<i32>} : memref<32xi32, #tpu.memory_space<vmem>>, vector<16xi32>,
      %get3A_183 = arith.constant 15 : index
      %get3A_184 = tpu.vector_load %arg17[%get3A_183] {strides = array<i32>} : memref<32xf32, #tpu.memory_space<vmem>>, vector<16xf32>,
      %eq3A_185 = arith.cmpi eq, %get3A_182, %masked_sort3A_176 : vector<16xi32>
      %jit3A_186 = arith.constant 0.000000e+00 : f32
      %broadcast_in_dim3A_187 = vector.broadcast %jit3A_186 : f32 to vector<16xf32>
      %select_n3A_188 = arith.select %eq3A_185, %get3A_184, %broadcast_in_dim3A_187 : vector<16xi1>, vector<16xf32>
      %add3A_189 = arith.addf %masked_sort3A_175, %select_n3A_188 : vector<16xf32>
      %swap3A_190 = arith.constant 16 : index
      %swap3A_191 = tpu.vector_load %arg17[%swap3A_190] {strides = array<i32>} : memref<32xf32, #tpu.memory_space<vmem>>, vector<16xf32>,
      tpu.vector_store %arg17[%swap3A_190], %add3A_189 {strides = array<i32>} : memref<32xf32, #tpu.memory_space<vmem>>, vector<16xf32>,
      %get3A_192 = arith.constant 14 : index
      %get3A_193 = tpu.vector_load %arg16[%get3A_192] {strides = array<i32>} : memref<32xi32, #tpu.memory_space<vmem>>, vector<16xi32>,
      %get3A_194 = arith.constant 14 : index
      %get3A_195 = tpu.vector_load %arg17[%get3A_194] {strides = array<i32>} : memref<32xf32, #tpu.memory_space<vmem>>, vector<16xf32>,
      %eq3A_196 = arith.cmpi eq, %get3A_193, %masked_sort3A_176 : vector<16xi32>
      %jit3A_197 = arith.constant 0.000000e+00 : f32
      %broadcast_in_dim3A_198 = vector.broadcast %jit3A_197 : f32 to vector<16xf32>
      %select_n3A_199 = arith.select %eq3A_196, %get3A_195, %broadcast_in_dim3A_198 : vector<16xi1>, vector<16xf32>
      %add3A_200 = arith.addf %add3A_189, %select_n3A_199 : vector<16xf32>
      %swap3A_201 = arith.constant 16 : index
      %swap3A_202 = tpu.vector_load %arg17[%swap3A_201] {strides = array<i32>} : memref<32xf32, #tpu.memory_space<vmem>>, vector<16xf32>,
      tpu.vector_store %arg17[%swap3A_201], %add3A_200 {strides = array<i32>} : memref<32xf32, #tpu.memory_space<vmem>>, vector<16xf32>,
      %get3A_203 = arith.constant 12 : index
      %get3A_204 = tpu.vector_load %arg16[%get3A_203] {strides = array<i32>} : memref<32xi32, #tpu.memory_space<vmem>>, vector<16xi32>,
      %get3A_205 = arith.constant 12 : index
      %get3A_206 = tpu.vector_load %arg17[%get3A_205] {strides = array<i32>} : memref<32xf32, #tpu.memory_space<vmem>>, vector<16xf32>,
      %eq3A_207 = arith.cmpi eq, %get3A_204, %masked_sort3A_176 : vector<16xi32>
      %jit3A_208 = arith.constant 0.000000e+00 : f32
      %broadcast_in_dim3A_209 = vector.broadcast %jit3A_208 : f32 to vector<16xf32>
      %select_n3A_210 = arith.select %eq3A_207, %get3A_206, %broadcast_in_dim3A_209 : vector<16xi1>, vector<16xf32>
      %add3A_211 = arith.addf %add3A_200, %select_n3A_210 : vector<16xf32>
      %swap3A_212 = arith.constant 16 : index
      %swap3A_213 = tpu.vector_load %arg17[%swap3A_212] {strides = array<i32>} : memref<32xf32, #tpu.memory_space<vmem>>, vector<16xf32>,
      tpu.vector_store %arg17[%swap3A_212], %add3A_211 {strides = array<i32>} : memref<32xf32, #tpu.memory_space<vmem>>, vector<16xf32>,
      %get3A_214 = arith.constant 8 : index
      %get3A_215 = tpu.vector_load %arg16[%get3A_214] {strides = array<i32>} : memref<32xi32, #tpu.memory_space<vmem>>, vector<16xi32>,
      %get3A_216 = arith.constant 8 : index
      %get3A_217 = tpu.vector_load %arg17[%get3A_216] {strides = array<i32>} : memref<32xf32, #tpu.memory_space<vmem>>, vector<16xf32>,
      %eq3A_218 = arith.cmpi eq, %get3A_215, %masked_sort3A_176 : vector<16xi32>
      %jit3A_219 = arith.constant 0.000000e+00 : f32
      %broadcast_in_dim3A_220 = vector.broadcast %jit3A_219 : f32 to vector<16xf32>
      %select_n3A_221 = arith.select %eq3A_218, %get3A_217, %broadcast_in_dim3A_220 : vector<16xi1>, vector<16xf32>
      %add3A_222 = arith.addf %add3A_211, %select_n3A_221 : vector<16xf32>
      %swap3A_223 = arith.constant 16 : index
      %swap3A_224 = tpu.vector_load %arg17[%swap3A_223] {strides = array<i32>} : memref<32xf32, #tpu.memory_space<vmem>>, vector<16xf32>,
      tpu.vector_store %arg17[%swap3A_223], %add3A_222 {strides = array<i32>} : memref<32xf32, #tpu.memory_space<vmem>>, vector<16xf32>,
      %broadcast_in_dim3A_225 = arith.constant true
      %broadcast_in_dim3A_226 = vector.broadcast %broadcast_in_dim3A_225 : i1 to vector<16xi1>
      %unique3A_227, %unique3A_228 = tpu.scan_count mask(%broadcast_in_dim3A_226 : vector<16xi1>) value(%masked_sort3A_176 : vector<16xi32>) : vector<16xi1>, vector<16xi32>
      tpu.vector_store_idx %arg13[%masked_sort3A_176], %add3A_222 masked %unique3A_227 {add = true} : memref<10240xf32, #tpu.memory_space<vmem>>[vector<16xi32>], vector<16xf32>, vector<16xi1>
      %get3A_229 = arith.index_cast %scan3A_30 : i32 to index
      %get3A_230 = arith.constant 48 : index
      %get3A_231 = tpu.vector_load %arg9[%get3A_229, %get3A_230] {strides = array<i32>} : memref<79x128xi32, #tpu.memory_space<vmem>>, vector<16xi32>,
      %get3A_232 = arith.index_cast %scan3A_30 : i32 to index
      %get3A_233 = arith.constant 48 : index
      %get3A_234 = tpu.vector_load %arg11[%get3A_232, %get3A_233] {strides = array<i32>} : memref<79x128xf32, #tpu.memory_space<vmem>>, vector<16xf32>,
      %gather3A_235 = tpu.vector_load_idx %arg12[%get3A_231] : memref<10240xf32, #tpu.memory_space<vmem>>[vector<16xi32>], vector<16xf32>,
      %sub3A_236 = arith.subf %get3A_234, %gather3A_235 : vector<16xf32>
      %exp3A_237 = math.exp %sub3A_236 : vector<16xf32>
      %masked_sort3A_238 = arith.constant dense<true> : vector<16xi1>
      %masked_sort3A_239 = arith.constant -2147483648 : i32
      %masked_sort3A_240 = vector.broadcast %masked_sort3A_239 : i32 to vector<16xi32>
      %masked_sort3A_241 = arith.xori %get3A_231, %masked_sort3A_240 : vector<16xi32>
      %masked_sort3A_242, %masked_sort3A_243, %masked_sort3A_244 = tpu.sort %masked_sort3A_241, %exp3A_237 masked %masked_sort3A_238 : (vector<16xi32>, vector<16xf32>, vector<16xi1>) -> (vector<16xi1>, vector<16xi32>, vector<16xf32>)
      %masked_sort3A_245 = arith.xori %masked_sort3A_243, %masked_sort3A_240 : vector<16xi32>
      %swap3A_246 = arith.constant 16 : index
      %swap3A_247 = tpu.vector_load %arg16[%swap3A_246] {strides = array<i32>} : memref<32xi32, #tpu.memory_space<vmem>>, vector<16xi32>,
      tpu.vector_store %arg16[%swap3A_246], %masked_sort3A_245 {strides = array<i32>} : memref<32xi32, #tpu.memory_space<vmem>>, vector<16xi32>,
      %swap3A_248 = arith.constant 16 : index
      %swap3A_249 = tpu.vector_load %arg17[%swap3A_248] {strides = array<i32>} : memref<32xf32, #tpu.memory_space<vmem>>, vector<16xf32>,
      tpu.vector_store %arg17[%swap3A_248], %masked_sort3A_244 {strides = array<i32>} : memref<32xf32, #tpu.memory_space<vmem>>, vector<16xf32>,
      %get3A_250 = arith.constant 15 : index
      %get3A_251 = tpu.vector_load %arg16[%get3A_250] {strides = array<i32>} : memref<32xi32, #tpu.memory_space<vmem>>, vector<16xi32>,
      %get3A_252 = arith.constant 15 : index
      %get3A_253 = tpu.vector_load %arg17[%get3A_252] {strides = array<i32>} : memref<32xf32, #tpu.memory_space<vmem>>, vector<16xf32>,
      %eq3A_254 = arith.cmpi eq, %get3A_251, %masked_sort3A_245 : vector<16xi32>
      %jit3A_255 = arith.constant 0.000000e+00 : f32
      %broadcast_in_dim3A_256 = vector.broadcast %jit3A_255 : f32 to vector<16xf32>
      %select_n3A_257 = arith.select %eq3A_254, %get3A_253, %broadcast_in_dim3A_256 : vector<16xi1>, vector<16xf32>
      %add3A_258 = arith.addf %masked_sort3A_244, %select_n3A_257 : vector<16xf32>
      %swap3A_259 = arith.constant 16 : index
      %swap3A_260 = tpu.vector_load %arg17[%swap3A_259] {strides = array<i32>} : memref<32xf32, #tpu.memory_space<vmem>>, vector<16xf32>,
      tpu.vector_store %arg17[%swap3A_259], %add3A_258 {strides = array<i32>} : memref<32xf32, #tpu.memory_space<vmem>>, vector<16xf32>,
      %get3A_261 = arith.constant 14 : index
      %get3A_262 = tpu.vector_load %arg16[%get3A_261] {strides = array<i32>} : memref<32xi32, #tpu.memory_space<vmem>>, vector<16xi32>,
      %get3A_263 = arith.constant 14 : index
      %get3A_264 = tpu.vector_load %arg17[%get3A_263] {strides = array<i32>} : memref<32xf32, #tpu.memory_space<vmem>>, vector<16xf32>,
      %eq3A_265 = arith.cmpi eq, %get3A_262, %masked_sort3A_245 : vector<16xi32>
      %jit3A_266 = arith.constant 0.000000e+00 : f32
      %broadcast_in_dim3A_267 = vector.broadcast %jit3A_266 : f32 to vector<16xf32>
      %select_n3A_268 = arith.select %eq3A_265, %get3A_264, %broadcast_in_dim3A_267 : vector<16xi1>, vector<16xf32>
      %add3A_269 = arith.addf %add3A_258, %select_n3A_268 : vector<16xf32>
      %swap3A_270 = arith.constant 16 : index
      %swap3A_271 = tpu.vector_load %arg17[%swap3A_270] {strides = array<i32>} : memref<32xf32, #tpu.memory_space<vmem>>, vector<16xf32>,
      tpu.vector_store %arg17[%swap3A_270], %add3A_269 {strides = array<i32>} : memref<32xf32, #tpu.memory_space<vmem>>, vector<16xf32>,
      %get3A_272 = arith.constant 12 : index
      %get3A_273 = tpu.vector_load %arg16[%get3A_272] {strides = array<i32>} : memref<32xi32, #tpu.memory_space<vmem>>, vector<16xi32>,
      %get3A_274 = arith.constant 12 : index
      %get3A_275 = tpu.vector_load %arg17[%get3A_274] {strides = array<i32>} : memref<32xf32, #tpu.memory_space<vmem>>, vector<16xf32>,
      %eq3A_276 = arith.cmpi eq, %get3A_273, %masked_sort3A_245 : vector<16xi32>
      %jit3A_277 = arith.constant 0.000000e+00 : f32
      %broadcast_in_dim3A_278 = vector.broadcast %jit3A_277 : f32 to vector<16xf32>
      %select_n3A_279 = arith.select %eq3A_276, %get3A_275, %broadcast_in_dim3A_278 : vector<16xi1>, vector<16xf32>
      %add3A_280 = arith.addf %add3A_269, %select_n3A_279 : vector<16xf32>
      %swap3A_281 = arith.constant 16 : index
      %swap3A_282 = tpu.vector_load %arg17[%swap3A_281] {strides = array<i32>} : memref<32xf32, #tpu.memory_space<vmem>>, vector<16xf32>,
      tpu.vector_store %arg17[%swap3A_281], %add3A_280 {strides = array<i32>} : memref<32xf32, #tpu.memory_space<vmem>>, vector<16xf32>,
      %get3A_283 = arith.constant 8 : index
      %get3A_284 = tpu.vector_load %arg16[%get3A_283] {strides = array<i32>} : memref<32xi32, #tpu.memory_space<vmem>>, vector<16xi32>,
      %get3A_285 = arith.constant 8 : index
      %get3A_286 = tpu.vector_load %arg17[%get3A_285] {strides = array<i32>} : memref<32xf32, #tpu.memory_space<vmem>>, vector<16xf32>,
      %eq3A_287 = arith.cmpi eq, %get3A_284, %masked_sort3A_245 : vector<16xi32>
      %jit3A_288 = arith.constant 0.000000e+00 : f32
      %broadcast_in_dim3A_289 = vector.broadcast %jit3A_288 : f32 to vector<16xf32>
      %select_n3A_290 = arith.select %eq3A_287, %get3A_286, %broadcast_in_dim3A_289 : vector<16xi1>, vector<16xf32>
      %add3A_291 = arith.addf %add3A_280, %select_n3A_290 : vector<16xf32>
      %swap3A_292 = arith.constant 16 : index
      %swap3A_293 = tpu.vector_load %arg17[%swap3A_292] {strides = array<i32>} : memref<32xf32, #tpu.memory_space<vmem>>, vector<16xf32>,
      tpu.vector_store %arg17[%swap3A_292], %add3A_291 {strides = array<i32>} : memref<32xf32, #tpu.memory_space<vmem>>, vector<16xf32>,
      %broadcast_in_dim3A_294 = arith.constant true
      %broadcast_in_dim3A_295 = vector.broadcast %broadcast_in_dim3A_294 : i1 to vector<16xi1>
      %unique3A_296, %unique3A_297 = tpu.scan_count mask(%broadcast_in_dim3A_295 : vector<16xi1>) value(%masked_sort3A_245 : vector<16xi32>) : vector<16xi1>, vector<16xi32>
      tpu.vector_store_idx %arg13[%masked_sort3A_245], %add3A_291 masked %unique3A_296 {add = true} : memref<10240xf32, #tpu.memory_space<vmem>>[vector<16xi32>], vector<16xf32>, vector<16xi1>
      %get3A_298 = arith.index_cast %scan3A_30 : i32 to index
      %get3A_299 = arith.constant 64 : index
      %get3A_300 = tpu.vector_load %arg9[%get3A_298, %get3A_299] {strides = array<i32>} : memref<79x128xi32, #tpu.memory_space<vmem>>, vector<16xi32>,
      %get3A_301 = arith.index_cast %scan3A_30 : i32 to index
      %get3A_302 = arith.constant 64 : index
      %get3A_303 = tpu.vector_load %arg11[%get3A_301, %get3A_302] {strides = array<i32>} : memref<79x128xf32, #tpu.memory_space<vmem>>, vector<16xf32>,
      %gather3A_304 = tpu.vector_load_idx %arg12[%get3A_300] : memref<10240xf32, #tpu.memory_space<vmem>>[vector<16xi32>], vector<16xf32>,
      %sub3A_305 = arith.subf %get3A_303, %gather3A_304 : vector<16xf32>
      %exp3A_306 = math.exp %sub3A_305 : vector<16xf32>
      %masked_sort3A_307 = arith.constant dense<true> : vector<16xi1>
      %masked_sort3A_308 = arith.constant -2147483648 : i32
      %masked_sort3A_309 = vector.broadcast %masked_sort3A_308 : i32 to vector<16xi32>
      %masked_sort3A_310 = arith.xori %get3A_300, %masked_sort3A_309 : vector<16xi32>
      %masked_sort3A_311, %masked_sort3A_312, %masked_sort3A_313 = tpu.sort %masked_sort3A_310, %exp3A_306 masked %masked_sort3A_307 : (vector<16xi32>, vector<16xf32>, vector<16xi1>) -> (vector<16xi1>, vector<16xi32>, vector<16xf32>)
      %masked_sort3A_314 = arith.xori %masked_sort3A_312, %masked_sort3A_309 : vector<16xi32>
      %swap3A_315 = arith.constant 16 : index
      %swap3A_316 = tpu.vector_load %arg16[%swap3A_315] {strides = array<i32>} : memref<32xi32, #tpu.memory_space<vmem>>, vector<16xi32>,
      tpu.vector_store %arg16[%swap3A_315], %masked_sort3A_314 {strides = array<i32>} : memref<32xi32, #tpu.memory_space<vmem>>, vector<16xi32>,
      %swap3A_317 = arith.constant 16 : index
      %swap3A_318 = tpu.vector_load %arg17[%swap3A_317] {strides = array<i32>} : memref<32xf32, #tpu.memory_space<vmem>>, vector<16xf32>,
      tpu.vector_store %arg17[%swap3A_317], %masked_sort3A_313 {strides = array<i32>} : memref<32xf32, #tpu.memory_space<vmem>>, vector<16xf32>,
      %get3A_319 = arith.constant 15 : index
      %get3A_320 = tpu.vector_load %arg16[%get3A_319] {strides = array<i32>} : memref<32xi32, #tpu.memory_space<vmem>>, vector<16xi32>,
      %get3A_321 = arith.constant 15 : index
      %get3A_322 = tpu.vector_load %arg17[%get3A_321] {strides = array<i32>} : memref<32xf32, #tpu.memory_space<vmem>>, vector<16xf32>,
      %eq3A_323 = arith.cmpi eq, %get3A_320, %masked_sort3A_314 : vector<16xi32>
      %jit3A_324 = arith.constant 0.000000e+00 : f32
      %broadcast_in_dim3A_325 = vector.broadcast %jit3A_324 : f32 to vector<16xf32>
      %select_n3A_326 = arith.select %eq3A_323, %get3A_322, %broadcast_in_dim3A_325 : vector<16xi1>, vector<16xf32>
      %add3A_327 = arith.addf %masked_sort3A_313, %select_n3A_326 : vector<16xf32>
      %swap3A_328 = arith.constant 16 : index
      %swap3A_329 = tpu.vector_load %arg17[%swap3A_328] {strides = array<i32>} : memref<32xf32, #tpu.memory_space<vmem>>, vector<16xf32>,
      tpu.vector_store %arg17[%swap3A_328], %add3A_327 {strides = array<i32>} : memref<32xf32, #tpu.memory_space<vmem>>, vector<16xf32>,
      %get3A_330 = arith.constant 14 : index
      %get3A_331 = tpu.vector_load %arg16[%get3A_330] {strides = array<i32>} : memref<32xi32, #tpu.memory_space<vmem>>, vector<16xi32>,
      %get3A_332 = arith.constant 14 : index
      %get3A_333 = tpu.vector_load %arg17[%get3A_332] {strides = array<i32>} : memref<32xf32, #tpu.memory_space<vmem>>, vector<16xf32>,
      %eq3A_334 = arith.cmpi eq, %get3A_331, %masked_sort3A_314 : vector<16xi32>
      %jit3A_335 = arith.constant 0.000000e+00 : f32
      %broadcast_in_dim3A_336 = vector.broadcast %jit3A_335 : f32 to vector<16xf32>
      %select_n3A_337 = arith.select %eq3A_334, %get3A_333, %broadcast_in_dim3A_336 : vector<16xi1>, vector<16xf32>
      %add3A_338 = arith.addf %add3A_327, %select_n3A_337 : vector<16xf32>
      %swap3A_339 = arith.constant 16 : index
      %swap3A_340 = tpu.vector_load %arg17[%swap3A_339] {strides = array<i32>} : memref<32xf32, #tpu.memory_space<vmem>>, vector<16xf32>,
      tpu.vector_store %arg17[%swap3A_339], %add3A_338 {strides = array<i32>} : memref<32xf32, #tpu.memory_space<vmem>>, vector<16xf32>,
      %get3A_341 = arith.constant 12 : index
      %get3A_342 = tpu.vector_load %arg16[%get3A_341] {strides = array<i32>} : memref<32xi32, #tpu.memory_space<vmem>>, vector<16xi32>,
      %get3A_343 = arith.constant 12 : index
      %get3A_344 = tpu.vector_load %arg17[%get3A_343] {strides = array<i32>} : memref<32xf32, #tpu.memory_space<vmem>>, vector<16xf32>,
      %eq3A_345 = arith.cmpi eq, %get3A_342, %masked_sort3A_314 : vector<16xi32>
      %jit3A_346 = arith.constant 0.000000e+00 : f32
      %broadcast_in_dim3A_347 = vector.broadcast %jit3A_346 : f32 to vector<16xf32>
      %select_n3A_348 = arith.select %eq3A_345, %get3A_344, %broadcast_in_dim3A_347 : vector<16xi1>, vector<16xf32>
      %add3A_349 = arith.addf %add3A_338, %select_n3A_348 : vector<16xf32>
      %swap3A_350 = arith.constant 16 : index
      %swap3A_351 = tpu.vector_load %arg17[%swap3A_350] {strides = array<i32>} : memref<32xf32, #tpu.memory_space<vmem>>, vector<16xf32>,
      tpu.vector_store %arg17[%swap3A_350], %add3A_349 {strides = array<i32>} : memref<32xf32, #tpu.memory_space<vmem>>, vector<16xf32>,
      %get3A_352 = arith.constant 8 : index
      %get3A_353 = tpu.vector_load %arg16[%get3A_352] {strides = array<i32>} : memref<32xi32, #tpu.memory_space<vmem>>, vector<16xi32>,
      %get3A_354 = arith.constant 8 : index
      %get3A_355 = tpu.vector_load %arg17[%get3A_354] {strides = array<i32>} : memref<32xf32, #tpu.memory_space<vmem>>, vector<16xf32>,
      %eq3A_356 = arith.cmpi eq, %get3A_353, %masked_sort3A_314 : vector<16xi32>
      %jit3A_357 = arith.constant 0.000000e+00 : f32
      %broadcast_in_dim3A_358 = vector.broadcast %jit3A_357 : f32 to vector<16xf32>
      %select_n3A_359 = arith.select %eq3A_356, %get3A_355, %broadcast_in_dim3A_358 : vector<16xi1>, vector<16xf32>
      %add3A_360 = arith.addf %add3A_349, %select_n3A_359 : vector<16xf32>
      %swap3A_361 = arith.constant 16 : index
      %swap3A_362 = tpu.vector_load %arg17[%swap3A_361] {strides = array<i32>} : memref<32xf32, #tpu.memory_space<vmem>>, vector<16xf32>,
      tpu.vector_store %arg17[%swap3A_361], %add3A_360 {strides = array<i32>} : memref<32xf32, #tpu.memory_space<vmem>>, vector<16xf32>,
      %broadcast_in_dim3A_363 = arith.constant true
      %broadcast_in_dim3A_364 = vector.broadcast %broadcast_in_dim3A_363 : i1 to vector<16xi1>
      %unique3A_365, %unique3A_366 = tpu.scan_count mask(%broadcast_in_dim3A_364 : vector<16xi1>) value(%masked_sort3A_314 : vector<16xi32>) : vector<16xi1>, vector<16xi32>
      tpu.vector_store_idx %arg13[%masked_sort3A_314], %add3A_360 masked %unique3A_365 {add = true} : memref<10240xf32, #tpu.memory_space<vmem>>[vector<16xi32>], vector<16xf32>, vector<16xi1>
      %get3A_367 = arith.index_cast %scan3A_30 : i32 to index
      %get3A_368 = arith.constant 80 : index
      %get3A_369 = tpu.vector_load %arg9[%get3A_367, %get3A_368] {strides = array<i32>} : memref<79x128xi32, #tpu.memory_space<vmem>>, vector<16xi32>,
      %get3A_370 = arith.index_cast %scan3A_30 : i32 to index
      %get3A_371 = arith.constant 80 : index
      %get3A_372 = tpu.vector_load %arg11[%get3A_370, %get3A_371] {strides = array<i32>} : memref<79x128xf32, #tpu.memory_space<vmem>>, vector<16xf32>,
      %gather3A_373 = tpu.vector_load_idx %arg12[%get3A_369] : memref<10240xf32, #tpu.memory_space<vmem>>[vector<16xi32>], vector<16xf32>,
      %sub3A_374 = arith.subf %get3A_372, %gather3A_373 : vector<16xf32>
      %exp3A_375 = math.exp %sub3A_374 : vector<16xf32>
      %masked_sort3A_376 = arith.constant dense<true> : vector<16xi1>
      %masked_sort3A_377 = arith.constant -2147483648 : i32
      %masked_sort3A_378 = vector.broadcast %masked_sort3A_377 : i32 to vector<16xi32>
      %masked_sort3A_379 = arith.xori %get3A_369, %masked_sort3A_378 : vector<16xi32>
      %masked_sort3A_380, %masked_sort3A_381, %masked_sort3A_382 = tpu.sort %masked_sort3A_379, %exp3A_375 masked %masked_sort3A_376 : (vector<16xi32>, vector<16xf32>, vector<16xi1>) -> (vector<16xi1>, vector<16xi32>, vector<16xf32>)
      %masked_sort3A_383 = arith.xori %masked_sort3A_381, %masked_sort3A_378 : vector<16xi32>
      %swap3A_384 = arith.constant 16 : index
      %swap3A_385 = tpu.vector_load %arg16[%swap3A_384] {strides = array<i32>} : memref<32xi32, #tpu.memory_space<vmem>>, vector<16xi32>,
      tpu.vector_store %arg16[%swap3A_384], %masked_sort3A_383 {strides = array<i32>} : memref<32xi32, #tpu.memory_space<vmem>>, vector<16xi32>,
      %swap3A_386 = arith.constant 16 : index
      %swap3A_387 = tpu.vector_load %arg17[%swap3A_386] {strides = array<i32>} : memref<32xf32, #tpu.memory_space<vmem>>, vector<16xf32>,
      tpu.vector_store %arg17[%swap3A_386], %masked_sort3A_382 {strides = array<i32>} : memref<32xf32, #tpu.memory_space<vmem>>, vector<16xf32>,
      %get3A_388 = arith.constant 15 : index
      %get3A_389 = tpu.vector_load %arg16[%get3A_388] {strides = array<i32>} : memref<32xi32, #tpu.memory_space<vmem>>, vector<16xi32>,
      %get3A_390 = arith.constant 15 : index
      %get3A_391 = tpu.vector_load %arg17[%get3A_390] {strides = array<i32>} : memref<32xf32, #tpu.memory_space<vmem>>, vector<16xf32>,
      %eq3A_392 = arith.cmpi eq, %get3A_389, %masked_sort3A_383 : vector<16xi32>
      %jit3A_393 = arith.constant 0.000000e+00 : f32
      %broadcast_in_dim3A_394 = vector.broadcast %jit3A_393 : f32 to vector<16xf32>
      %select_n3A_395 = arith.select %eq3A_392, %get3A_391, %broadcast_in_dim3A_394 : vector<16xi1>, vector<16xf32>
      %add3A_396 = arith.addf %masked_sort3A_382, %select_n3A_395 : vector<16xf32>
      %swap3A_397 = arith.constant 16 : index
      %swap3A_398 = tpu.vector_load %arg17[%swap3A_397] {strides = array<i32>} : memref<32xf32, #tpu.memory_space<vmem>>, vector<16xf32>,
      tpu.vector_store %arg17[%swap3A_397], %add3A_396 {strides = array<i32>} : memref<32xf32, #tpu.memory_space<vmem>>, vector<16xf32>,
      %get3A_399 = arith.constant 14 : index
      %get3A_400 = tpu.vector_load %arg16[%get3A_399] {strides = array<i32>} : memref<32xi32, #tpu.memory_space<vmem>>, vector<16xi32>,
      %get3A_401 = arith.constant 14 : index
      %get3A_402 = tpu.vector_load %arg17[%get3A_401] {strides = array<i32>} : memref<32xf32, #tpu.memory_space<vmem>>, vector<16xf32>,
      %eq3A_403 = arith.cmpi eq, %get3A_400, %masked_sort3A_383 : vector<16xi32>
      %jit3A_404 = arith.constant 0.000000e+00 : f32
      %broadcast_in_dim3A_405 = vector.broadcast %jit3A_404 : f32 to vector<16xf32>
      %select_n3A_406 = arith.select %eq3A_403, %get3A_402, %broadcast_in_dim3A_405 : vector<16xi1>, vector<16xf32>
      %add3A_407 = arith.addf %add3A_396, %select_n3A_406 : vector<16xf32>
      %swap3A_408 = arith.constant 16 : index
      %swap3A_409 = tpu.vector_load %arg17[%swap3A_408] {strides = array<i32>} : memref<32xf32, #tpu.memory_space<vmem>>, vector<16xf32>,
      tpu.vector_store %arg17[%swap3A_408], %add3A_407 {strides = array<i32>} : memref<32xf32, #tpu.memory_space<vmem>>, vector<16xf32>,
      %get3A_410 = arith.constant 12 : index
      %get3A_411 = tpu.vector_load %arg16[%get3A_410] {strides = array<i32>} : memref<32xi32, #tpu.memory_space<vmem>>, vector<16xi32>,
      %get3A_412 = arith.constant 12 : index
      %get3A_413 = tpu.vector_load %arg17[%get3A_412] {strides = array<i32>} : memref<32xf32, #tpu.memory_space<vmem>>, vector<16xf32>,
      %eq3A_414 = arith.cmpi eq, %get3A_411, %masked_sort3A_383 : vector<16xi32>
      %jit3A_415 = arith.constant 0.000000e+00 : f32
      %broadcast_in_dim3A_416 = vector.broadcast %jit3A_415 : f32 to vector<16xf32>
      %select_n3A_417 = arith.select %eq3A_414, %get3A_413, %broadcast_in_dim3A_416 : vector<16xi1>, vector<16xf32>
      %add3A_418 = arith.addf %add3A_407, %select_n3A_417 : vector<16xf32>
      %swap3A_419 = arith.constant 16 : index
      %swap3A_420 = tpu.vector_load %arg17[%swap3A_419] {strides = array<i32>} : memref<32xf32, #tpu.memory_space<vmem>>, vector<16xf32>,
      tpu.vector_store %arg17[%swap3A_419], %add3A_418 {strides = array<i32>} : memref<32xf32, #tpu.memory_space<vmem>>, vector<16xf32>,
      %get3A_421 = arith.constant 8 : index
      %get3A_422 = tpu.vector_load %arg16[%get3A_421] {strides = array<i32>} : memref<32xi32, #tpu.memory_space<vmem>>, vector<16xi32>,
      %get3A_423 = arith.constant 8 : index
      %get3A_424 = tpu.vector_load %arg17[%get3A_423] {strides = array<i32>} : memref<32xf32, #tpu.memory_space<vmem>>, vector<16xf32>,
      %eq3A_425 = arith.cmpi eq, %get3A_422, %masked_sort3A_383 : vector<16xi32>
      %jit3A_426 = arith.constant 0.000000e+00 : f32
      %broadcast_in_dim3A_427 = vector.broadcast %jit3A_426 : f32 to vector<16xf32>
      %select_n3A_428 = arith.select %eq3A_425, %get3A_424, %broadcast_in_dim3A_427 : vector<16xi1>, vector<16xf32>
      %add3A_429 = arith.addf %add3A_418, %select_n3A_428 : vector<16xf32>
      %swap3A_430 = arith.constant 16 : index
      %swap3A_431 = tpu.vector_load %arg17[%swap3A_430] {strides = array<i32>} : memref<32xf32, #tpu.memory_space<vmem>>, vector<16xf32>,
      tpu.vector_store %arg17[%swap3A_430], %add3A_429 {strides = array<i32>} : memref<32xf32, #tpu.memory_space<vmem>>, vector<16xf32>,
      %broadcast_in_dim3A_432 = arith.constant true
      %broadcast_in_dim3A_433 = vector.broadcast %broadcast_in_dim3A_432 : i1 to vector<16xi1>
      %unique3A_434, %unique3A_435 = tpu.scan_count mask(%broadcast_in_dim3A_433 : vector<16xi1>) value(%masked_sort3A_383 : vector<16xi32>) : vector<16xi1>, vector<16xi32>
      tpu.vector_store_idx %arg13[%masked_sort3A_383], %add3A_429 masked %unique3A_434 {add = true} : memref<10240xf32, #tpu.memory_space<vmem>>[vector<16xi32>], vector<16xf32>, vector<16xi1>
      %get3A_436 = arith.index_cast %scan3A_30 : i32 to index
      %get3A_437 = arith.constant 96 : index
      %get3A_438 = tpu.vector_load %arg9[%get3A_436, %get3A_437] {strides = array<i32>} : memref<79x128xi32, #tpu.memory_space<vmem>>, vector<16xi32>,
      %get3A_439 = arith.index_cast %scan3A_30 : i32 to index
      %get3A_440 = arith.constant 96 : index
      %get3A_441 = tpu.vector_load %arg11[%get3A_439, %get3A_440] {strides = array<i32>} : memref<79x128xf32, #tpu.memory_space<vmem>>, vector<16xf32>,
      %gather3A_442 = tpu.vector_load_idx %arg12[%get3A_438] : memref<10240xf32, #tpu.memory_space<vmem>>[vector<16xi32>], vector<16xf32>,
      %sub3A_443 = arith.subf %get3A_441, %gather3A_442 : vector<16xf32>
      %exp3A_444 = math.exp %sub3A_443 : vector<16xf32>
      %masked_sort3A_445 = arith.constant dense<true> : vector<16xi1>
      %masked_sort3A_446 = arith.constant -2147483648 : i32
      %masked_sort3A_447 = vector.broadcast %masked_sort3A_446 : i32 to vector<16xi32>
      %masked_sort3A_448 = arith.xori %get3A_438, %masked_sort3A_447 : vector<16xi32>
      %masked_sort3A_449, %masked_sort3A_450, %masked_sort3A_451 = tpu.sort %masked_sort3A_448, %exp3A_444 masked %masked_sort3A_445 : (vector<16xi32>, vector<16xf32>, vector<16xi1>) -> (vector<16xi1>, vector<16xi32>, vector<16xf32>)
      %masked_sort3A_452 = arith.xori %masked_sort3A_450, %masked_sort3A_447 : vector<16xi32>
      %swap3A_453 = arith.constant 16 : index
      %swap3A_454 = tpu.vector_load %arg16[%swap3A_453] {strides = array<i32>} : memref<32xi32, #tpu.memory_space<vmem>>, vector<16xi32>,
      tpu.vector_store %arg16[%swap3A_453], %masked_sort3A_452 {strides = array<i32>} : memref<32xi32, #tpu.memory_space<vmem>>, vector<16xi32>,
      %swap3A_455 = arith.constant 16 : index
      %swap3A_456 = tpu.vector_load %arg17[%swap3A_455] {strides = array<i32>} : memref<32xf32, #tpu.memory_space<vmem>>, vector<16xf32>,
      tpu.vector_store %arg17[%swap3A_455], %masked_sort3A_451 {strides = array<i32>} : memref<32xf32, #tpu.memory_space<vmem>>, vector<16xf32>,
      %get3A_457 = arith.constant 15 : index
      %get3A_458 = tpu.vector_load %arg16[%get3A_457] {strides = array<i32>} : memref<32xi32, #tpu.memory_space<vmem>>, vector<16xi32>,
      %get3A_459 = arith.constant 15 : index
      %get3A_460 = tpu.vector_load %arg17[%get3A_459] {strides = array<i32>} : memref<32xf32, #tpu.memory_space<vmem>>, vector<16xf32>,
      %eq3A_461 = arith.cmpi eq, %get3A_458, %masked_sort3A_452 : vector<16xi32>
      %jit3A_462 = arith.constant 0.000000e+00 : f32
      %broadcast_in_dim3A_463 = vector.broadcast %jit3A_462 : f32 to vector<16xf32>
      %select_n3A_464 = arith.select %eq3A_461, %get3A_460, %broadcast_in_dim3A_463 : vector<16xi1>, vector<16xf32>
      %add3A_465 = arith.addf %masked_sort3A_451, %select_n3A_464 : vector<16xf32>
      %swap3A_466 = arith.constant 16 : index
      %swap3A_467 = tpu.vector_load %arg17[%swap3A_466] {strides = array<i32>} : memref<32xf32, #tpu.memory_space<vmem>>, vector<16xf32>,
      tpu.vector_store %arg17[%swap3A_466], %add3A_465 {strides = array<i32>} : memref<32xf32, #tpu.memory_space<vmem>>, vector<16xf32>,
      %get3A_468 = arith.constant 14 : index
      %get3A_469 = tpu.vector_load %arg16[%get3A_468] {strides = array<i32>} : memref<32xi32, #tpu.memory_space<vmem>>, vector<16xi32>,
      %get3A_470 = arith.constant 14 : index
      %get3A_471 = tpu.vector_load %arg17[%get3A_470] {strides = array<i32>} : memref<32xf32, #tpu.memory_space<vmem>>, vector<16xf32>,
      %eq3A_472 = arith.cmpi eq, %get3A_469, %masked_sort3A_452 : vector<16xi32>
      %jit3A_473 = arith.constant 0.000000e+00 : f32
      %broadcast_in_dim3A_474 = vector.broadcast %jit3A_473 : f32 to vector<16xf32>
      %select_n3A_475 = arith.select %eq3A_472, %get3A_471, %broadcast_in_dim3A_474 : vector<16xi1>, vector<16xf32>
      %add3A_476 = arith.addf %add3A_465, %select_n3A_475 : vector<16xf32>
      %swap3A_477 = arith.constant 16 : index
      %swap3A_478 = tpu.vector_load %arg17[%swap3A_477] {strides = array<i32>} : memref<32xf32, #tpu.memory_space<vmem>>, vector<16xf32>,
      tpu.vector_store %arg17[%swap3A_477], %add3A_476 {strides = array<i32>} : memref<32xf32, #tpu.memory_space<vmem>>, vector<16xf32>,
      %get3A_479 = arith.constant 12 : index
      %get3A_480 = tpu.vector_load %arg16[%get3A_479] {strides = array<i32>} : memref<32xi32, #tpu.memory_space<vmem>>, vector<16xi32>,
      %get3A_481 = arith.constant 12 : index
      %get3A_482 = tpu.vector_load %arg17[%get3A_481] {strides = array<i32>} : memref<32xf32, #tpu.memory_space<vmem>>, vector<16xf32>,
      %eq3A_483 = arith.cmpi eq, %get3A_480, %masked_sort3A_452 : vector<16xi32>
      %jit3A_484 = arith.constant 0.000000e+00 : f32
      %broadcast_in_dim3A_485 = vector.broadcast %jit3A_484 : f32 to vector<16xf32>
      %select_n3A_486 = arith.select %eq3A_483, %get3A_482, %broadcast_in_dim3A_485 : vector<16xi1>, vector<16xf32>
      %add3A_487 = arith.addf %add3A_476, %select_n3A_486 : vector<16xf32>
      %swap3A_488 = arith.constant 16 : index
      %swap3A_489 = tpu.vector_load %arg17[%swap3A_488] {strides = array<i32>} : memref<32xf32, #tpu.memory_space<vmem>>, vector<16xf32>,
      tpu.vector_store %arg17[%swap3A_488], %add3A_487 {strides = array<i32>} : memref<32xf32, #tpu.memory_space<vmem>>, vector<16xf32>,
      %get3A_490 = arith.constant 8 : index
      %get3A_491 = tpu.vector_load %arg16[%get3A_490] {strides = array<i32>} : memref<32xi32, #tpu.memory_space<vmem>>, vector<16xi32>,
      %get3A_492 = arith.constant 8 : index
      %get3A_493 = tpu.vector_load %arg17[%get3A_492] {strides = array<i32>} : memref<32xf32, #tpu.memory_space<vmem>>, vector<16xf32>,
      %eq3A_494 = arith.cmpi eq, %get3A_491, %masked_sort3A_452 : vector<16xi32>
      %jit3A_495 = arith.constant 0.000000e+00 : f32
      %broadcast_in_dim3A_496 = vector.broadcast %jit3A_495 : f32 to vector<16xf32>
      %select_n3A_497 = arith.select %eq3A_494, %get3A_493, %broadcast_in_dim3A_496 : vector<16xi1>, vector<16xf32>
      %add3A_498 = arith.addf %add3A_487, %select_n3A_497 : vector<16xf32>
      %swap3A_499 = arith.constant 16 : index
      %swap3A_500 = tpu.vector_load %arg17[%swap3A_499] {strides = array<i32>} : memref<32xf32, #tpu.memory_space<vmem>>, vector<16xf32>,
      tpu.vector_store %arg17[%swap3A_499], %add3A_498 {strides = array<i32>} : memref<32xf32, #tpu.memory_space<vmem>>, vector<16xf32>,
      %broadcast_in_dim3A_501 = arith.constant true
      %broadcast_in_dim3A_502 = vector.broadcast %broadcast_in_dim3A_501 : i1 to vector<16xi1>
      %unique3A_503, %unique3A_504 = tpu.scan_count mask(%broadcast_in_dim3A_502 : vector<16xi1>) value(%masked_sort3A_452 : vector<16xi32>) : vector<16xi1>, vector<16xi32>
      tpu.vector_store_idx %arg13[%masked_sort3A_452], %add3A_498 masked %unique3A_503 {add = true} : memref<10240xf32, #tpu.memory_space<vmem>>[vector<16xi32>], vector<16xf32>, vector<16xi1>
      %get3A_505 = arith.index_cast %scan3A_30 : i32 to index
      %get3A_506 = arith.constant 112 : index
      %get3A_507 = tpu.vector_load %arg9[%get3A_505, %get3A_506] {strides = array<i32>} : memref<79x128xi32, #tpu.memory_space<vmem>>, vector<16xi32>,
      %get3A_508 = arith.index_cast %scan3A_30 : i32 to index
      %get3A_509 = arith.constant 112 : index
      %get3A_510 = tpu.vector_load %arg11[%get3A_508, %get3A_509] {strides = array<i32>} : memref<79x128xf32, #tpu.memory_space<vmem>>, vector<16xf32>,
      %gather3A_511 = tpu.vector_load_idx %arg12[%get3A_507] : memref<10240xf32, #tpu.memory_space<vmem>>[vector<16xi32>], vector<16xf32>,
      %sub3A_512 = arith.subf %get3A_510, %gather3A_511 : vector<16xf32>
      %exp3A_513 = math.exp %sub3A_512 : vector<16xf32>
      %masked_sort3A_514 = arith.constant dense<true> : vector<16xi1>
      %masked_sort3A_515 = arith.constant -2147483648 : i32
      %masked_sort3A_516 = vector.broadcast %masked_sort3A_515 : i32 to vector<16xi32>
      %masked_sort3A_517 = arith.xori %get3A_507, %masked_sort3A_516 : vector<16xi32>
      %masked_sort3A_518, %masked_sort3A_519, %masked_sort3A_520 = tpu.sort %masked_sort3A_517, %exp3A_513 masked %masked_sort3A_514 : (vector<16xi32>, vector<16xf32>, vector<16xi1>) -> (vector<16xi1>, vector<16xi32>, vector<16xf32>)
      %masked_sort3A_521 = arith.xori %masked_sort3A_519, %masked_sort3A_516 : vector<16xi32>
      %swap3A_522 = arith.constant 16 : index
      %swap3A_523 = tpu.vector_load %arg16[%swap3A_522] {strides = array<i32>} : memref<32xi32, #tpu.memory_space<vmem>>, vector<16xi32>,
      tpu.vector_store %arg16[%swap3A_522], %masked_sort3A_521 {strides = array<i32>} : memref<32xi32, #tpu.memory_space<vmem>>, vector<16xi32>,
      %swap3A_524 = arith.constant 16 : index
      %swap3A_525 = tpu.vector_load %arg17[%swap3A_524] {strides = array<i32>} : memref<32xf32, #tpu.memory_space<vmem>>, vector<16xf32>,
      tpu.vector_store %arg17[%swap3A_524], %masked_sort3A_520 {strides = array<i32>} : memref<32xf32, #tpu.memory_space<vmem>>, vector<16xf32>,
      %get3A_526 = arith.constant 15 : index
      %get3A_527 = tpu.vector_load %arg16[%get3A_526] {strides = array<i32>} : memref<32xi32, #tpu.memory_space<vmem>>, vector<16xi32>,
      %get3A_528 = arith.constant 15 : index
      %get3A_529 = tpu.vector_load %arg17[%get3A_528] {strides = array<i32>} : memref<32xf32, #tpu.memory_space<vmem>>, vector<16xf32>,
      %eq3A_530 = arith.cmpi eq, %get3A_527, %masked_sort3A_521 : vector<16xi32>
      %jit3A_531 = arith.constant 0.000000e+00 : f32
      %broadcast_in_dim3A_532 = vector.broadcast %jit3A_531 : f32 to vector<16xf32>
      %select_n3A_533 = arith.select %eq3A_530, %get3A_529, %broadcast_in_dim3A_532 : vector<16xi1>, vector<16xf32>
      %add3A_534 = arith.addf %masked_sort3A_520, %select_n3A_533 : vector<16xf32>
      %swap3A_535 = arith.constant 16 : index
      %swap3A_536 = tpu.vector_load %arg17[%swap3A_535] {strides = array<i32>} : memref<32xf32, #tpu.memory_space<vmem>>, vector<16xf32>,
      tpu.vector_store %arg17[%swap3A_535], %add3A_534 {strides = array<i32>} : memref<32xf32, #tpu.memory_space<vmem>>, vector<16xf32>,
      %get3A_537 = arith.constant 14 : index
      %get3A_538 = tpu.vector_load %arg16[%get3A_537] {strides = array<i32>} : memref<32xi32, #tpu.memory_space<vmem>>, vector<16xi32>,
      %get3A_539 = arith.constant 14 : index
      %get3A_540 = tpu.vector_load %arg17[%get3A_539] {strides = array<i32>} : memref<32xf32, #tpu.memory_space<vmem>>, vector<16xf32>,
      %eq3A_541 = arith.cmpi eq, %get3A_538, %masked_sort3A_521 : vector<16xi32>
      %jit3A_542 = arith.constant 0.000000e+00 : f32
      %broadcast_in_dim3A_543 = vector.broadcast %jit3A_542 : f32 to vector<16xf32>
      %select_n3A_544 = arith.select %eq3A_541, %get3A_540, %broadcast_in_dim3A_543 : vector<16xi1>, vector<16xf32>
      %add3A_545 = arith.addf %add3A_534, %select_n3A_544 : vector<16xf32>
      %swap3A_546 = arith.constant 16 : index
      %swap3A_547 = tpu.vector_load %arg17[%swap3A_546] {strides = array<i32>} : memref<32xf32, #tpu.memory_space<vmem>>, vector<16xf32>,
      tpu.vector_store %arg17[%swap3A_546], %add3A_545 {strides = array<i32>} : memref<32xf32, #tpu.memory_space<vmem>>, vector<16xf32>,
      %get3A_548 = arith.constant 12 : index
      %get3A_549 = tpu.vector_load %arg16[%get3A_548] {strides = array<i32>} : memref<32xi32, #tpu.memory_space<vmem>>, vector<16xi32>,
      %get3A_550 = arith.constant 12 : index
      %get3A_551 = tpu.vector_load %arg17[%get3A_550] {strides = array<i32>} : memref<32xf32, #tpu.memory_space<vmem>>, vector<16xf32>,
      %eq3A_552 = arith.cmpi eq, %get3A_549, %masked_sort3A_521 : vector<16xi32>
      %jit3A_553 = arith.constant 0.000000e+00 : f32
      %broadcast_in_dim3A_554 = vector.broadcast %jit3A_553 : f32 to vector<16xf32>
      %select_n3A_555 = arith.select %eq3A_552, %get3A_551, %broadcast_in_dim3A_554 : vector<16xi1>, vector<16xf32>
      %add3A_556 = arith.addf %add3A_545, %select_n3A_555 : vector<16xf32>
      %swap3A_557 = arith.constant 16 : index
      %swap3A_558 = tpu.vector_load %arg17[%swap3A_557] {strides = array<i32>} : memref<32xf32, #tpu.memory_space<vmem>>, vector<16xf32>,
      tpu.vector_store %arg17[%swap3A_557], %add3A_556 {strides = array<i32>} : memref<32xf32, #tpu.memory_space<vmem>>, vector<16xf32>,
      %get3A_559 = arith.constant 8 : index
      %get3A_560 = tpu.vector_load %arg16[%get3A_559] {strides = array<i32>} : memref<32xi32, #tpu.memory_space<vmem>>, vector<16xi32>,
      %get3A_561 = arith.constant 8 : index
      %get3A_562 = tpu.vector_load %arg17[%get3A_561] {strides = array<i32>} : memref<32xf32, #tpu.memory_space<vmem>>, vector<16xf32>,
      %eq3A_563 = arith.cmpi eq, %get3A_560, %masked_sort3A_521 : vector<16xi32>
      %jit3A_564 = arith.constant 0.000000e+00 : f32
      %broadcast_in_dim3A_565 = vector.broadcast %jit3A_564 : f32 to vector<16xf32>
      %select_n3A_566 = arith.select %eq3A_563, %get3A_562, %broadcast_in_dim3A_565 : vector<16xi1>, vector<16xf32>
      %add3A_567 = arith.addf %add3A_556, %select_n3A_566 : vector<16xf32>
      %swap3A_568 = arith.constant 16 : index
      %swap3A_569 = tpu.vector_load %arg17[%swap3A_568] {strides = array<i32>} : memref<32xf32, #tpu.memory_space<vmem>>, vector<16xf32>,
      tpu.vector_store %arg17[%swap3A_568], %add3A_567 {strides = array<i32>} : memref<32xf32, #tpu.memory_space<vmem>>, vector<16xf32>,
      %broadcast_in_dim3A_570 = arith.constant true
      %broadcast_in_dim3A_571 = vector.broadcast %broadcast_in_dim3A_570 : i1 to vector<16xi1>
      %unique3A_572, %unique3A_573 = tpu.scan_count mask(%broadcast_in_dim3A_571 : vector<16xi1>) value(%masked_sort3A_521 : vector<16xi32>) : vector<16xi1>, vector<16xi32>
      tpu.vector_store_idx %arg13[%masked_sort3A_521], %add3A_567 masked %unique3A_572 {add = true} : memref<10240xf32, #tpu.memory_space<vmem>>[vector<16xi32>], vector<16xf32>, vector<16xi1>
    }
    %scan3A_28 = arith.constant 79 : i32
    %run_scoped3A = arith.constant 0 : i32
    "tpu.region"() ({
      %run_scoped3A_30 = tpu.sem_alloc : memref<!tpu.dma_semaphore, #tpu.memory_space<semaphore_mem>>
      %dma_start3A = arith.constant 0 : i32
      %dma_start3A_31 = tpu.memref_slice %arg8[%add3A, %run_scoped3A, %dma_start3A] : memref<32x2x10240xf32, #tpu.memory_space<hbm>> -> memref<1x1x10240xf32, #tpu.memory_space<hbm>>
      %dma_start3A_32 = tpu.memref_squeeze %dma_start3A_31 : memref<1x1x10240xf32, #tpu.memory_space<hbm>> -> memref<10240xf32, #tpu.memory_space<hbm>>
      %dma_start3A_33 = arith.constant 0 : i32
      %dma_start3A_34 = tpu.memref_slice %arg8[%add3A, %run_scoped3A, %dma_start3A_33] : memref<32x2x10240xf32, #tpu.memory_space<hbm>> -> memref<1x1x10240xf32, #tpu.memory_space<hbm>>
      %dma_start3A_35 = tpu.memref_squeeze %dma_start3A_34 : memref<1x1x10240xf32, #tpu.memory_space<hbm>> -> memref<10240xf32, #tpu.memory_space<hbm>>
      tpu.enqueue_dma source(%arg12 : memref<10240xf32, #tpu.memory_space<vmem>>) target(%dma_start3A_35 : memref<10240xf32, #tpu.memory_space<hbm>>) target_semaphore(%run_scoped3A_30 : memref<!tpu.dma_semaphore, #tpu.memory_space<semaphore_mem>>)
      %dma_wait3A = arith.constant 0 : i32
      %dma_wait3A_36 = tpu.memref_slice %arg8[%add3A, %run_scoped3A, %dma_wait3A] : memref<32x2x10240xf32, #tpu.memory_space<hbm>> -> memref<1x1x10240xf32, #tpu.memory_space<hbm>>
      %dma_wait3A_37 = tpu.memref_squeeze %dma_wait3A_36 : memref<1x1x10240xf32, #tpu.memory_space<hbm>> -> memref<10240xf32, #tpu.memory_space<hbm>>
      %dma_wait3A_38 = arith.constant 0 : i32
      %dma_wait3A_39 = tpu.memref_slice %arg8[%add3A, %run_scoped3A, %dma_wait3A_38] : memref<32x2x10240xf32, #tpu.memory_space<hbm>> -> memref<1x1x10240xf32, #tpu.memory_space<hbm>>
      %dma_wait3A_40 = tpu.memref_squeeze %dma_wait3A_39 : memref<1x1x10240xf32, #tpu.memory_space<hbm>> -> memref<10240xf32, #tpu.memory_space<hbm>>
      tpu.wait_dma2 semaphore(%run_scoped3A_30 : memref<!tpu.dma_semaphore, #tpu.memory_space<semaphore_mem>>) src(%arg12 : memref<10240xf32, #tpu.memory_space<vmem>>) dst(%dma_wait3A_40 : memref<10240xf32, #tpu.memory_space<hbm>>)
      tpu.yield
    }) : () -> ()
    %run_scoped3A_29 = arith.constant 1 : i32
    "tpu.region"() ({
      %run_scoped3A_30 = tpu.sem_alloc : memref<!tpu.dma_semaphore, #tpu.memory_space<semaphore_mem>>
      %dma_start3A = arith.constant 0 : i32
      %dma_start3A_31 = tpu.memref_slice %arg8[%add3A, %run_scoped3A_29, %dma_start3A] : memref<32x2x10240xf32, #tpu.memory_space<hbm>> -> memref<1x1x10240xf32, #tpu.memory_space<hbm>>
      %dma_start3A_32 = tpu.memref_squeeze %dma_start3A_31 : memref<1x1x10240xf32, #tpu.memory_space<hbm>> -> memref<10240xf32, #tpu.memory_space<hbm>>
      %dma_start3A_33 = arith.constant 0 : i32
      %dma_start3A_34 = tpu.memref_slice %arg8[%add3A, %run_scoped3A_29, %dma_start3A_33] : memref<32x2x10240xf32, #tpu.memory_space<hbm>> -> memref<1x1x10240xf32, #tpu.memory_space<hbm>>
      %dma_start3A_35 = tpu.memref_squeeze %dma_start3A_34 : memref<1x1x10240xf32, #tpu.memory_space<hbm>> -> memref<10240xf32, #tpu.memory_space<hbm>>
      tpu.enqueue_dma source(%arg13 : memref<10240xf32, #tpu.memory_space<vmem>>) target(%dma_start3A_35 : memref<10240xf32, #tpu.memory_space<hbm>>) target_semaphore(%run_scoped3A_30 : memref<!tpu.dma_semaphore, #tpu.memory_space<semaphore_mem>>)
      %dma_wait3A = arith.constant 0 : i32
      %dma_wait3A_36 = tpu.memref_slice %arg8[%add3A, %run_scoped3A_29, %dma_wait3A] : memref<32x2x10240xf32, #tpu.memory_space<hbm>> -> memref<1x1x10240xf32, #tpu.memory_space<hbm>>
      %dma_wait3A_37 = tpu.memref_squeeze %dma_wait3A_36 : memref<1x1x10240xf32, #tpu.memory_space<hbm>> -> memref<10240xf32, #tpu.memory_space<hbm>>
      %dma_wait3A_38 = arith.constant 0 : i32
      %dma_wait3A_39 = tpu.memref_slice %arg8[%add3A, %run_scoped3A_29, %dma_wait3A_38] : memref<32x2x10240xf32, #tpu.memory_space<hbm>> -> memref<1x1x10240xf32, #tpu.memory_space<hbm>>
      %dma_wait3A_40 = tpu.memref_squeeze %dma_wait3A_39 : memref<1x1x10240xf32, #tpu.memory_space<hbm>> -> memref<10240xf32, #tpu.memory_space<hbm>>
      tpu.wait_dma2 semaphore(%run_scoped3A_30 : memref<!tpu.dma_semaphore, #tpu.memory_space<semaphore_mem>>) src(%arg13 : memref<10240xf32, #tpu.memory_space<vmem>>) dst(%dma_wait3A_40 : memref<10240xf32, #tpu.memory_space<hbm>>)
      tpu.yield
    }) : () -> ()
    return
  }
}

#map = affine_map<(d0, d1) -> (0, 0)>
#map1 = affine_map<(d0, d1) -> (0, 0, 0)>
#map2 = affine_map<(d0, d1) -> (0)>
module attributes {stable_mosaic.version = 14 : i64} {
  func.func @_scb_body(%arg0: i32, %arg1: i32, %arg2: memref<20000x64xf32, #tpu.memory_space<hbm>>, %arg3: memref<16x158x128xi32, #tpu.memory_space<hbm>>, %arg4: memref<16x158x128xi32, #tpu.memory_space<hbm>>, %arg5: memref<16x158x128xf32, #tpu.memory_space<hbm>>, %arg6: memref<10240xf32, #tpu.memory_space<hbm>>, %arg7: memref<2x10240x64xf32, #tpu.memory_space<hbm>>, %arg8: memref<158x128xi32, #tpu.memory_space<vmem>>, %arg9: memref<158x128xi32, #tpu.memory_space<vmem>>, %arg10: memref<158x128xf32, #tpu.memory_space<vmem>>, %arg11: memref<10240xf32, #tpu.memory_space<vmem>>, %arg12: memref<2x128x64xf32, #tpu.memory_space<vmem>>, %arg13: memref<!tpu.dma_semaphore, #tpu.memory_space<semaphore_mem>>, %arg14: memref<!tpu.dma_semaphore, #tpu.memory_space<semaphore_mem>>, %arg15: memref<10240x64xf32, #tpu.memory_space<vmem_shared>>) attributes {dimension_semantics = [#tpu.dimension_semantics<core_parallel>, #tpu.dimension_semantics<subcore_parallel>], iteration_bounds = array<i64: 2, 16>, scalar_prefetch = 0 : i64, scratch_operands = 8 : i64, tpu.core_type = #tpu.core_type<sc_vector_subcore>, window_params = [{transform_indices = #map}, {transform_indices = #map1}, {transform_indices = #map1}, {transform_indices = #map1}, {transform_indices = #map2}, {transform_indices = #map1}]} {
    "tpu.region"() ({
      %run_scoped3A_78 = tpu.sem_alloc : memref<!tpu.dma_semaphore, #tpu.memory_space<semaphore_mem>>
      %dma_start3A_79 = arith.constant 0 : i32
      %dma_start3A_80 = arith.constant 0 : i32
      %dma_start3A_81 = tpu.memref_slice %arg3[%arg1, %dma_start3A_79, %dma_start3A_80] : memref<16x158x128xi32, #tpu.memory_space<hbm>> -> memref<1x158x128xi32, #tpu.memory_space<hbm>>
      %dma_start3A_82 = tpu.memref_squeeze %dma_start3A_81 : memref<1x158x128xi32, #tpu.memory_space<hbm>> -> memref<158x128xi32, #tpu.memory_space<hbm>>
      %dma_start3A_83 = arith.constant 0 : i32
      %dma_start3A_84 = arith.constant 0 : i32
      %dma_start3A_85 = tpu.memref_slice %arg3[%arg1, %dma_start3A_83, %dma_start3A_84] : memref<16x158x128xi32, #tpu.memory_space<hbm>> -> memref<1x158x128xi32, #tpu.memory_space<hbm>>
      %dma_start3A_86 = tpu.memref_squeeze %dma_start3A_85 : memref<1x158x128xi32, #tpu.memory_space<hbm>> -> memref<158x128xi32, #tpu.memory_space<hbm>>
      tpu.enqueue_dma source(%dma_start3A_86 : memref<158x128xi32, #tpu.memory_space<hbm>>) target(%arg8 : memref<158x128xi32, #tpu.memory_space<vmem>>) target_semaphore(%run_scoped3A_78 : memref<!tpu.dma_semaphore, #tpu.memory_space<semaphore_mem>>)
      %dma_wait3A_87 = arith.constant 0 : i32
      %dma_wait3A_88 = arith.constant 0 : i32
      %dma_wait3A_89 = tpu.memref_slice %arg3[%arg1, %dma_wait3A_87, %dma_wait3A_88] : memref<16x158x128xi32, #tpu.memory_space<hbm>> -> memref<1x158x128xi32, #tpu.memory_space<hbm>>
      %dma_wait3A_90 = tpu.memref_squeeze %dma_wait3A_89 : memref<1x158x128xi32, #tpu.memory_space<hbm>> -> memref<158x128xi32, #tpu.memory_space<hbm>>
      %dma_wait3A_91 = arith.constant 0 : i32
      %dma_wait3A_92 = arith.constant 0 : i32
      %dma_wait3A_93 = tpu.memref_slice %arg3[%arg1, %dma_wait3A_91, %dma_wait3A_92] : memref<16x158x128xi32, #tpu.memory_space<hbm>> -> memref<1x158x128xi32, #tpu.memory_space<hbm>>
      %dma_wait3A_94 = tpu.memref_squeeze %dma_wait3A_93 : memref<1x158x128xi32, #tpu.memory_space<hbm>> -> memref<158x128xi32, #tpu.memory_space<hbm>>
      tpu.wait_dma2 semaphore(%run_scoped3A_78 : memref<!tpu.dma_semaphore, #tpu.memory_space<semaphore_mem>>) src(%dma_wait3A_94 : memref<158x128xi32, #tpu.memory_space<hbm>>) dst(%arg8 : memref<158x128xi32, #tpu.memory_space<vmem>>)
      tpu.yield
    }) : () -> ()
    "tpu.region"() ({
      %run_scoped3A_78 = tpu.sem_alloc : memref<!tpu.dma_semaphore, #tpu.memory_space<semaphore_mem>>
      %dma_start3A_79 = arith.constant 0 : i32
      %dma_start3A_80 = arith.constant 0 : i32
      %dma_start3A_81 = tpu.memref_slice %arg4[%arg1, %dma_start3A_79, %dma_start3A_80] : memref<16x158x128xi32, #tpu.memory_space<hbm>> -> memref<1x158x128xi32, #tpu.memory_space<hbm>>
      %dma_start3A_82 = tpu.memref_squeeze %dma_start3A_81 : memref<1x158x128xi32, #tpu.memory_space<hbm>> -> memref<158x128xi32, #tpu.memory_space<hbm>>
      %dma_start3A_83 = arith.constant 0 : i32
      %dma_start3A_84 = arith.constant 0 : i32
      %dma_start3A_85 = tpu.memref_slice %arg4[%arg1, %dma_start3A_83, %dma_start3A_84] : memref<16x158x128xi32, #tpu.memory_space<hbm>> -> memref<1x158x128xi32, #tpu.memory_space<hbm>>
      %dma_start3A_86 = tpu.memref_squeeze %dma_start3A_85 : memref<1x158x128xi32, #tpu.memory_space<hbm>> -> memref<158x128xi32, #tpu.memory_space<hbm>>
      tpu.enqueue_dma source(%dma_start3A_86 : memref<158x128xi32, #tpu.memory_space<hbm>>) target(%arg9 : memref<158x128xi32, #tpu.memory_space<vmem>>) target_semaphore(%run_scoped3A_78 : memref<!tpu.dma_semaphore, #tpu.memory_space<semaphore_mem>>)
      %dma_wait3A_87 = arith.constant 0 : i32
      %dma_wait3A_88 = arith.constant 0 : i32
      %dma_wait3A_89 = tpu.memref_slice %arg4[%arg1, %dma_wait3A_87, %dma_wait3A_88] : memref<16x158x128xi32, #tpu.memory_space<hbm>> -> memref<1x158x128xi32, #tpu.memory_space<hbm>>
      %dma_wait3A_90 = tpu.memref_squeeze %dma_wait3A_89 : memref<1x158x128xi32, #tpu.memory_space<hbm>> -> memref<158x128xi32, #tpu.memory_space<hbm>>
      %dma_wait3A_91 = arith.constant 0 : i32
      %dma_wait3A_92 = arith.constant 0 : i32
      %dma_wait3A_93 = tpu.memref_slice %arg4[%arg1, %dma_wait3A_91, %dma_wait3A_92] : memref<16x158x128xi32, #tpu.memory_space<hbm>> -> memref<1x158x128xi32, #tpu.memory_space<hbm>>
      %dma_wait3A_94 = tpu.memref_squeeze %dma_wait3A_93 : memref<1x158x128xi32, #tpu.memory_space<hbm>> -> memref<158x128xi32, #tpu.memory_space<hbm>>
      tpu.wait_dma2 semaphore(%run_scoped3A_78 : memref<!tpu.dma_semaphore, #tpu.memory_space<semaphore_mem>>) src(%dma_wait3A_94 : memref<158x128xi32, #tpu.memory_space<hbm>>) dst(%arg9 : memref<158x128xi32, #tpu.memory_space<vmem>>)
      tpu.yield
    }) : () -> ()
    "tpu.region"() ({
      %run_scoped3A_78 = tpu.sem_alloc : memref<!tpu.dma_semaphore, #tpu.memory_space<semaphore_mem>>
      %dma_start3A_79 = arith.constant 0 : i32
      %dma_start3A_80 = arith.constant 0 : i32
      %dma_start3A_81 = tpu.memref_slice %arg5[%arg1, %dma_start3A_79, %dma_start3A_80] : memref<16x158x128xf32, #tpu.memory_space<hbm>> -> memref<1x158x128xf32, #tpu.memory_space<hbm>>
      %dma_start3A_82 = tpu.memref_squeeze %dma_start3A_81 : memref<1x158x128xf32, #tpu.memory_space<hbm>> -> memref<158x128xf32, #tpu.memory_space<hbm>>
      %dma_start3A_83 = arith.constant 0 : i32
      %dma_start3A_84 = arith.constant 0 : i32
      %dma_start3A_85 = tpu.memref_slice %arg5[%arg1, %dma_start3A_83, %dma_start3A_84] : memref<16x158x128xf32, #tpu.memory_space<hbm>> -> memref<1x158x128xf32, #tpu.memory_space<hbm>>
      %dma_start3A_86 = tpu.memref_squeeze %dma_start3A_85 : memref<1x158x128xf32, #tpu.memory_space<hbm>> -> memref<158x128xf32, #tpu.memory_space<hbm>>
      tpu.enqueue_dma source(%dma_start3A_86 : memref<158x128xf32, #tpu.memory_space<hbm>>) target(%arg10 : memref<158x128xf32, #tpu.memory_space<vmem>>) target_semaphore(%run_scoped3A_78 : memref<!tpu.dma_semaphore, #tpu.memory_space<semaphore_mem>>)
      %dma_wait3A_87 = arith.constant 0 : i32
      %dma_wait3A_88 = arith.constant 0 : i32
      %dma_wait3A_89 = tpu.memref_slice %arg5[%arg1, %dma_wait3A_87, %dma_wait3A_88] : memref<16x158x128xf32, #tpu.memory_space<hbm>> -> memref<1x158x128xf32, #tpu.memory_space<hbm>>
      %dma_wait3A_90 = tpu.memref_squeeze %dma_wait3A_89 : memref<1x158x128xf32, #tpu.memory_space<hbm>> -> memref<158x128xf32, #tpu.memory_space<hbm>>
      %dma_wait3A_91 = arith.constant 0 : i32
      %dma_wait3A_92 = arith.constant 0 : i32
      %dma_wait3A_93 = tpu.memref_slice %arg5[%arg1, %dma_wait3A_91, %dma_wait3A_92] : memref<16x158x128xf32, #tpu.memory_space<hbm>> -> memref<1x158x128xf32, #tpu.memory_space<hbm>>
      %dma_wait3A_94 = tpu.memref_squeeze %dma_wait3A_93 : memref<1x158x128xf32, #tpu.memory_space<hbm>> -> memref<158x128xf32, #tpu.memory_space<hbm>>
      tpu.wait_dma2 semaphore(%run_scoped3A_78 : memref<!tpu.dma_semaphore, #tpu.memory_space<semaphore_mem>>) src(%dma_wait3A_94 : memref<158x128xf32, #tpu.memory_space<hbm>>) dst(%arg10 : memref<158x128xf32, #tpu.memory_space<vmem>>)
      tpu.yield
    }) : () -> ()
    "tpu.region"() ({
      %run_scoped3A_78 = tpu.sem_alloc : memref<!tpu.dma_semaphore, #tpu.memory_space<semaphore_mem>>
      tpu.enqueue_dma source(%arg6 : memref<10240xf32, #tpu.memory_space<hbm>>) target(%arg11 : memref<10240xf32, #tpu.memory_space<vmem>>) target_semaphore(%run_scoped3A_78 : memref<!tpu.dma_semaphore, #tpu.memory_space<semaphore_mem>>)
      tpu.wait_dma2 semaphore(%run_scoped3A_78 : memref<!tpu.dma_semaphore, #tpu.memory_space<semaphore_mem>>) src(%arg6 : memref<10240xf32, #tpu.memory_space<hbm>>) dst(%arg11 : memref<10240xf32, #tpu.memory_space<vmem>>)
      tpu.yield
    }) : () -> ()
    %scan3A = arith.constant 0 : i32
    %scan3A_0 = arith.constant 0 : i32
    %scan3A_1 = arith.constant 128 : i32
    %scan3A_2 = arith.addi %scan3A_0, %scan3A_1 : i32
    %scan3A_3 = arith.constant 1 : i32
    scf.for %scan3A_78 = %scan3A_0 to %scan3A_2 step %scan3A_3  : i32 {
      %broadcast_in_dim3A = arith.constant 0.000000e+00 : f32
      %broadcast_in_dim3A_79 = vector.broadcast %broadcast_in_dim3A : f32 to vector<16xf32>
      %swap3A = arith.constant 0 : i32
      %swap3A_80 = arith.index_cast %swap3A : i32 to index
      %swap3A_81 = arith.index_cast %scan3A_78 : i32 to index
      %swap3A_82 = arith.constant 0 : index
      %swap3A_83 = tpu.vector_load %arg12[%swap3A_80, %swap3A_81, %swap3A_82] {strides = array<i32>} : memref<2x128x64xf32, #tpu.memory_space<vmem>>, vector<16xf32>,
      tpu.vector_store %arg12[%swap3A_80, %swap3A_81, %swap3A_82], %broadcast_in_dim3A_79 {strides = array<i32>} : memref<2x128x64xf32, #tpu.memory_space<vmem>>, vector<16xf32>,
      %broadcast_in_dim3A_84 = arith.constant 0.000000e+00 : f32
      %broadcast_in_dim3A_85 = vector.broadcast %broadcast_in_dim3A_84 : f32 to vector<16xf32>
      %swap3A_86 = arith.constant 0 : i32
      %swap3A_87 = arith.index_cast %swap3A_86 : i32 to index
      %swap3A_88 = arith.index_cast %scan3A_78 : i32 to index
      %swap3A_89 = arith.constant 16 : index
      %swap3A_90 = tpu.vector_load %arg12[%swap3A_87, %swap3A_88, %swap3A_89] {strides = array<i32>} : memref<2x128x64xf32, #tpu.memory_space<vmem>>, vector<16xf32>,
      tpu.vector_store %arg12[%swap3A_87, %swap3A_88, %swap3A_89], %broadcast_in_dim3A_85 {strides = array<i32>} : memref<2x128x64xf32, #tpu.memory_space<vmem>>, vector<16xf32>,
      %broadcast_in_dim3A_91 = arith.constant 0.000000e+00 : f32
      %broadcast_in_dim3A_92 = vector.broadcast %broadcast_in_dim3A_91 : f32 to vector<16xf32>
      %swap3A_93 = arith.constant 0 : i32
      %swap3A_94 = arith.index_cast %swap3A_93 : i32 to index
      %swap3A_95 = arith.index_cast %scan3A_78 : i32 to index
      %swap3A_96 = arith.constant 32 : index
      %swap3A_97 = tpu.vector_load %arg12[%swap3A_94, %swap3A_95, %swap3A_96] {strides = array<i32>} : memref<2x128x64xf32, #tpu.memory_space<vmem>>, vector<16xf32>,
      tpu.vector_store %arg12[%swap3A_94, %swap3A_95, %swap3A_96], %broadcast_in_dim3A_92 {strides = array<i32>} : memref<2x128x64xf32, #tpu.memory_space<vmem>>, vector<16xf32>,
      %broadcast_in_dim3A_98 = arith.constant 0.000000e+00 : f32
      %broadcast_in_dim3A_99 = vector.broadcast %broadcast_in_dim3A_98 : f32 to vector<16xf32>
      %swap3A_100 = arith.constant 0 : i32
      %swap3A_101 = arith.index_cast %swap3A_100 : i32 to index
      %swap3A_102 = arith.index_cast %scan3A_78 : i32 to index
      %swap3A_103 = arith.constant 48 : index
      %swap3A_104 = tpu.vector_load %arg12[%swap3A_101, %swap3A_102, %swap3A_103] {strides = array<i32>} : memref<2x128x64xf32, #tpu.memory_space<vmem>>, vector<16xf32>,
      tpu.vector_store %arg12[%swap3A_101, %swap3A_102, %swap3A_103], %broadcast_in_dim3A_99 {strides = array<i32>} : memref<2x128x64xf32, #tpu.memory_space<vmem>>, vector<16xf32>,
    }
    %scan3A_4 = arith.constant 128 : i32
    %mul3A = arith.constant 640 : i32
    %mul3A_5 = arith.muli %arg1, %mul3A : i32
    %add3A = arith.constant 0 : i32
    %add3A_6 = arith.addi %mul3A_5, %add3A : i32
    %run_scoped3A = arith.constant 0 : i32
    "tpu.region"() ({
      %run_scoped3A_78 = tpu.sem_alloc : memref<!tpu.dma_semaphore, #tpu.memory_space<semaphore_mem>>
      %dma_start3A_79 = arith.constant 0 : i32
      %dma_start3A_80 = arith.constant 0 : i32
      %dma_start3A_81 = tpu.memref_slice %arg12[%run_scoped3A, %dma_start3A_79, %dma_start3A_80] : memref<2x128x64xf32, #tpu.memory_space<vmem>> -> memref<1x128x64xf32, #tpu.memory_space<vmem>>
      %dma_start3A_82 = tpu.memref_squeeze %dma_start3A_81 : memref<1x128x64xf32, #tpu.memory_space<vmem>> -> memref<128x64xf32, #tpu.memory_space<vmem>>
      %dma_start3A_83 = arith.constant 0 : i32
      %dma_start3A_84 = tpu.memref_slice %arg15[%add3A_6, %dma_start3A_83] : memref<10240x64xf32, #tpu.memory_space<vmem_shared>> -> memref<128x64xf32, #tpu.memory_space<vmem_shared>>
      %dma_start3A_85 = arith.constant 0 : i32
      %dma_start3A_86 = tpu.memref_slice %arg15[%add3A_6, %dma_start3A_85] : memref<10240x64xf32, #tpu.memory_space<vmem_shared>> -> memref<128x64xf32, #tpu.memory_space<vmem_shared>>
      %dma_start3A_87 = arith.constant 0 : i32
      %dma_start3A_88 = arith.constant 0 : i32
      %dma_start3A_89 = tpu.memref_slice %arg12[%run_scoped3A, %dma_start3A_87, %dma_start3A_88] : memref<2x128x64xf32, #tpu.memory_space<vmem>> -> memref<1x128x64xf32, #tpu.memory_space<vmem>>
      %dma_start3A_90 = tpu.memref_squeeze %dma_start3A_89 : memref<1x128x64xf32, #tpu.memory_space<vmem>> -> memref<128x64xf32, #tpu.memory_space<vmem>>
      tpu.enqueue_dma source(%dma_start3A_90 : memref<128x64xf32, #tpu.memory_space<vmem>>) target(%dma_start3A_86 : memref<128x64xf32, #tpu.memory_space<vmem_shared>>) target_semaphore(%run_scoped3A_78 : memref<!tpu.dma_semaphore, #tpu.memory_space<semaphore_mem>>)
      %dma_wait3A_91 = arith.constant 0 : i32
      %dma_wait3A_92 = arith.constant 0 : i32
      %dma_wait3A_93 = tpu.memref_slice %arg12[%run_scoped3A, %dma_wait3A_91, %dma_wait3A_92] : memref<2x128x64xf32, #tpu.memory_space<vmem>> -> memref<1x128x64xf32, #tpu.memory_space<vmem>>
      %dma_wait3A_94 = tpu.memref_squeeze %dma_wait3A_93 : memref<1x128x64xf32, #tpu.memory_space<vmem>> -> memref<128x64xf32, #tpu.memory_space<vmem>>
      %dma_wait3A_95 = arith.constant 0 : i32
      %dma_wait3A_96 = tpu.memref_slice %arg15[%add3A_6, %dma_wait3A_95] : memref<10240x64xf32, #tpu.memory_space<vmem_shared>> -> memref<128x64xf32, #tpu.memory_space<vmem_shared>>
      %dma_wait3A_97 = arith.constant 0 : i32
      %dma_wait3A_98 = tpu.memref_slice %arg15[%add3A_6, %dma_wait3A_97] : memref<10240x64xf32, #tpu.memory_space<vmem_shared>> -> memref<128x64xf32, #tpu.memory_space<vmem_shared>>
      %dma_wait3A_99 = arith.constant 0 : i32
      %dma_wait3A_100 = arith.constant 0 : i32
      %dma_wait3A_101 = tpu.memref_slice %arg12[%run_scoped3A, %dma_wait3A_99, %dma_wait3A_100] : memref<2x128x64xf32, #tpu.memory_space<vmem>> -> memref<1x128x64xf32, #tpu.memory_space<vmem>>
      %dma_wait3A_102 = tpu.memref_squeeze %dma_wait3A_101 : memref<1x128x64xf32, #tpu.memory_space<vmem>> -> memref<128x64xf32, #tpu.memory_space<vmem>>
      tpu.wait_dma2 semaphore(%run_scoped3A_78 : memref<!tpu.dma_semaphore, #tpu.memory_space<semaphore_mem>>) src(%dma_wait3A_102 : memref<128x64xf32, #tpu.memory_space<vmem>>) dst(%dma_wait3A_98 : memref<128x64xf32, #tpu.memory_space<vmem_shared>>)
      tpu.yield
    }) : () -> ()
    %mul3A_7 = arith.constant 640 : i32
    %mul3A_8 = arith.muli %arg1, %mul3A_7 : i32
    %add3A_9 = arith.constant 128 : i32
    %add3A_10 = arith.addi %mul3A_8, %add3A_9 : i32
    %run_scoped3A_11 = arith.constant 0 : i32
    "tpu.region"() ({
      %run_scoped3A_78 = tpu.sem_alloc : memref<!tpu.dma_semaphore, #tpu.memory_space<semaphore_mem>>
      %dma_start3A_79 = arith.constant 0 : i32
      %dma_start3A_80 = arith.constant 0 : i32
      %dma_start3A_81 = tpu.memref_slice %arg12[%run_scoped3A_11, %dma_start3A_79, %dma_start3A_80] : memref<2x128x64xf32, #tpu.memory_space<vmem>> -> memref<1x128x64xf32, #tpu.memory_space<vmem>>
      %dma_start3A_82 = tpu.memref_squeeze %dma_start3A_81 : memref<1x128x64xf32, #tpu.memory_space<vmem>> -> memref<128x64xf32, #tpu.memory_space<vmem>>
      %dma_start3A_83 = arith.constant 0 : i32
      %dma_start3A_84 = tpu.memref_slice %arg15[%add3A_10, %dma_start3A_83] : memref<10240x64xf32, #tpu.memory_space<vmem_shared>> -> memref<128x64xf32, #tpu.memory_space<vmem_shared>>
      %dma_start3A_85 = arith.constant 0 : i32
      %dma_start3A_86 = tpu.memref_slice %arg15[%add3A_10, %dma_start3A_85] : memref<10240x64xf32, #tpu.memory_space<vmem_shared>> -> memref<128x64xf32, #tpu.memory_space<vmem_shared>>
      %dma_start3A_87 = arith.constant 0 : i32
      %dma_start3A_88 = arith.constant 0 : i32
      %dma_start3A_89 = tpu.memref_slice %arg12[%run_scoped3A_11, %dma_start3A_87, %dma_start3A_88] : memref<2x128x64xf32, #tpu.memory_space<vmem>> -> memref<1x128x64xf32, #tpu.memory_space<vmem>>
      %dma_start3A_90 = tpu.memref_squeeze %dma_start3A_89 : memref<1x128x64xf32, #tpu.memory_space<vmem>> -> memref<128x64xf32, #tpu.memory_space<vmem>>
      tpu.enqueue_dma source(%dma_start3A_90 : memref<128x64xf32, #tpu.memory_space<vmem>>) target(%dma_start3A_86 : memref<128x64xf32, #tpu.memory_space<vmem_shared>>) target_semaphore(%run_scoped3A_78 : memref<!tpu.dma_semaphore, #tpu.memory_space<semaphore_mem>>)
      %dma_wait3A_91 = arith.constant 0 : i32
      %dma_wait3A_92 = arith.constant 0 : i32
      %dma_wait3A_93 = tpu.memref_slice %arg12[%run_scoped3A_11, %dma_wait3A_91, %dma_wait3A_92] : memref<2x128x64xf32, #tpu.memory_space<vmem>> -> memref<1x128x64xf32, #tpu.memory_space<vmem>>
      %dma_wait3A_94 = tpu.memref_squeeze %dma_wait3A_93 : memref<1x128x64xf32, #tpu.memory_space<vmem>> -> memref<128x64xf32, #tpu.memory_space<vmem>>
      %dma_wait3A_95 = arith.constant 0 : i32
      %dma_wait3A_96 = tpu.memref_slice %arg15[%add3A_10, %dma_wait3A_95] : memref<10240x64xf32, #tpu.memory_space<vmem_shared>> -> memref<128x64xf32, #tpu.memory_space<vmem_shared>>
      %dma_wait3A_97 = arith.constant 0 : i32
      %dma_wait3A_98 = tpu.memref_slice %arg15[%add3A_10, %dma_wait3A_97] : memref<10240x64xf32, #tpu.memory_space<vmem_shared>> -> memref<128x64xf32, #tpu.memory_space<vmem_shared>>
      %dma_wait3A_99 = arith.constant 0 : i32
      %dma_wait3A_100 = arith.constant 0 : i32
      %dma_wait3A_101 = tpu.memref_slice %arg12[%run_scoped3A_11, %dma_wait3A_99, %dma_wait3A_100] : memref<2x128x64xf32, #tpu.memory_space<vmem>> -> memref<1x128x64xf32, #tpu.memory_space<vmem>>
      %dma_wait3A_102 = tpu.memref_squeeze %dma_wait3A_101 : memref<1x128x64xf32, #tpu.memory_space<vmem>> -> memref<128x64xf32, #tpu.memory_space<vmem>>
      tpu.wait_dma2 semaphore(%run_scoped3A_78 : memref<!tpu.dma_semaphore, #tpu.memory_space<semaphore_mem>>) src(%dma_wait3A_102 : memref<128x64xf32, #tpu.memory_space<vmem>>) dst(%dma_wait3A_98 : memref<128x64xf32, #tpu.memory_space<vmem_shared>>)
      tpu.yield
    }) : () -> ()
    %mul3A_12 = arith.constant 640 : i32
    %mul3A_13 = arith.muli %arg1, %mul3A_12 : i32
    %add3A_14 = arith.constant 256 : i32
    %add3A_15 = arith.addi %mul3A_13, %add3A_14 : i32
    %run_scoped3A_16 = arith.constant 0 : i32
    "tpu.region"() ({
      %run_scoped3A_78 = tpu.sem_alloc : memref<!tpu.dma_semaphore, #tpu.memory_space<semaphore_mem>>
      %dma_start3A_79 = arith.constant 0 : i32
      %dma_start3A_80 = arith.constant 0 : i32
      %dma_start3A_81 = tpu.memref_slice %arg12[%run_scoped3A_16, %dma_start3A_79, %dma_start3A_80] : memref<2x128x64xf32, #tpu.memory_space<vmem>> -> memref<1x128x64xf32, #tpu.memory_space<vmem>>
      %dma_start3A_82 = tpu.memref_squeeze %dma_start3A_81 : memref<1x128x64xf32, #tpu.memory_space<vmem>> -> memref<128x64xf32, #tpu.memory_space<vmem>>
      %dma_start3A_83 = arith.constant 0 : i32
      %dma_start3A_84 = tpu.memref_slice %arg15[%add3A_15, %dma_start3A_83] : memref<10240x64xf32, #tpu.memory_space<vmem_shared>> -> memref<128x64xf32, #tpu.memory_space<vmem_shared>>
      %dma_start3A_85 = arith.constant 0 : i32
      %dma_start3A_86 = tpu.memref_slice %arg15[%add3A_15, %dma_start3A_85] : memref<10240x64xf32, #tpu.memory_space<vmem_shared>> -> memref<128x64xf32, #tpu.memory_space<vmem_shared>>
      %dma_start3A_87 = arith.constant 0 : i32
      %dma_start3A_88 = arith.constant 0 : i32
      %dma_start3A_89 = tpu.memref_slice %arg12[%run_scoped3A_16, %dma_start3A_87, %dma_start3A_88] : memref<2x128x64xf32, #tpu.memory_space<vmem>> -> memref<1x128x64xf32, #tpu.memory_space<vmem>>
      %dma_start3A_90 = tpu.memref_squeeze %dma_start3A_89 : memref<1x128x64xf32, #tpu.memory_space<vmem>> -> memref<128x64xf32, #tpu.memory_space<vmem>>
      tpu.enqueue_dma source(%dma_start3A_90 : memref<128x64xf32, #tpu.memory_space<vmem>>) target(%dma_start3A_86 : memref<128x64xf32, #tpu.memory_space<vmem_shared>>) target_semaphore(%run_scoped3A_78 : memref<!tpu.dma_semaphore, #tpu.memory_space<semaphore_mem>>)
      %dma_wait3A_91 = arith.constant 0 : i32
      %dma_wait3A_92 = arith.constant 0 : i32
      %dma_wait3A_93 = tpu.memref_slice %arg12[%run_scoped3A_16, %dma_wait3A_91, %dma_wait3A_92] : memref<2x128x64xf32, #tpu.memory_space<vmem>> -> memref<1x128x64xf32, #tpu.memory_space<vmem>>
      %dma_wait3A_94 = tpu.memref_squeeze %dma_wait3A_93 : memref<1x128x64xf32, #tpu.memory_space<vmem>> -> memref<128x64xf32, #tpu.memory_space<vmem>>
      %dma_wait3A_95 = arith.constant 0 : i32
      %dma_wait3A_96 = tpu.memref_slice %arg15[%add3A_15, %dma_wait3A_95] : memref<10240x64xf32, #tpu.memory_space<vmem_shared>> -> memref<128x64xf32, #tpu.memory_space<vmem_shared>>
      %dma_wait3A_97 = arith.constant 0 : i32
      %dma_wait3A_98 = tpu.memref_slice %arg15[%add3A_15, %dma_wait3A_97] : memref<10240x64xf32, #tpu.memory_space<vmem_shared>> -> memref<128x64xf32, #tpu.memory_space<vmem_shared>>
      %dma_wait3A_99 = arith.constant 0 : i32
      %dma_wait3A_100 = arith.constant 0 : i32
      %dma_wait3A_101 = tpu.memref_slice %arg12[%run_scoped3A_16, %dma_wait3A_99, %dma_wait3A_100] : memref<2x128x64xf32, #tpu.memory_space<vmem>> -> memref<1x128x64xf32, #tpu.memory_space<vmem>>
      %dma_wait3A_102 = tpu.memref_squeeze %dma_wait3A_101 : memref<1x128x64xf32, #tpu.memory_space<vmem>> -> memref<128x64xf32, #tpu.memory_space<vmem>>
      tpu.wait_dma2 semaphore(%run_scoped3A_78 : memref<!tpu.dma_semaphore, #tpu.memory_space<semaphore_mem>>) src(%dma_wait3A_102 : memref<128x64xf32, #tpu.memory_space<vmem>>) dst(%dma_wait3A_98 : memref<128x64xf32, #tpu.memory_space<vmem_shared>>)
      tpu.yield
    }) : () -> ()
    %mul3A_17 = arith.constant 640 : i32
    %mul3A_18 = arith.muli %arg1, %mul3A_17 : i32
    %add3A_19 = arith.constant 384 : i32
    %add3A_20 = arith.addi %mul3A_18, %add3A_19 : i32
    %run_scoped3A_21 = arith.constant 0 : i32
    "tpu.region"() ({
      %run_scoped3A_78 = tpu.sem_alloc : memref<!tpu.dma_semaphore, #tpu.memory_space<semaphore_mem>>
      %dma_start3A_79 = arith.constant 0 : i32
      %dma_start3A_80 = arith.constant 0 : i32
      %dma_start3A_81 = tpu.memref_slice %arg12[%run_scoped3A_21, %dma_start3A_79, %dma_start3A_80] : memref<2x128x64xf32, #tpu.memory_space<vmem>> -> memref<1x128x64xf32, #tpu.memory_space<vmem>>
      %dma_start3A_82 = tpu.memref_squeeze %dma_start3A_81 : memref<1x128x64xf32, #tpu.memory_space<vmem>> -> memref<128x64xf32, #tpu.memory_space<vmem>>
      %dma_start3A_83 = arith.constant 0 : i32
      %dma_start3A_84 = tpu.memref_slice %arg15[%add3A_20, %dma_start3A_83] : memref<10240x64xf32, #tpu.memory_space<vmem_shared>> -> memref<128x64xf32, #tpu.memory_space<vmem_shared>>
      %dma_start3A_85 = arith.constant 0 : i32
      %dma_start3A_86 = tpu.memref_slice %arg15[%add3A_20, %dma_start3A_85] : memref<10240x64xf32, #tpu.memory_space<vmem_shared>> -> memref<128x64xf32, #tpu.memory_space<vmem_shared>>
      %dma_start3A_87 = arith.constant 0 : i32
      %dma_start3A_88 = arith.constant 0 : i32
      %dma_start3A_89 = tpu.memref_slice %arg12[%run_scoped3A_21, %dma_start3A_87, %dma_start3A_88] : memref<2x128x64xf32, #tpu.memory_space<vmem>> -> memref<1x128x64xf32, #tpu.memory_space<vmem>>
      %dma_start3A_90 = tpu.memref_squeeze %dma_start3A_89 : memref<1x128x64xf32, #tpu.memory_space<vmem>> -> memref<128x64xf32, #tpu.memory_space<vmem>>
      tpu.enqueue_dma source(%dma_start3A_90 : memref<128x64xf32, #tpu.memory_space<vmem>>) target(%dma_start3A_86 : memref<128x64xf32, #tpu.memory_space<vmem_shared>>) target_semaphore(%run_scoped3A_78 : memref<!tpu.dma_semaphore, #tpu.memory_space<semaphore_mem>>)
      %dma_wait3A_91 = arith.constant 0 : i32
      %dma_wait3A_92 = arith.constant 0 : i32
      %dma_wait3A_93 = tpu.memref_slice %arg12[%run_scoped3A_21, %dma_wait3A_91, %dma_wait3A_92] : memref<2x128x64xf32, #tpu.memory_space<vmem>> -> memref<1x128x64xf32, #tpu.memory_space<vmem>>
      %dma_wait3A_94 = tpu.memref_squeeze %dma_wait3A_93 : memref<1x128x64xf32, #tpu.memory_space<vmem>> -> memref<128x64xf32, #tpu.memory_space<vmem>>
      %dma_wait3A_95 = arith.constant 0 : i32
      %dma_wait3A_96 = tpu.memref_slice %arg15[%add3A_20, %dma_wait3A_95] : memref<10240x64xf32, #tpu.memory_space<vmem_shared>> -> memref<128x64xf32, #tpu.memory_space<vmem_shared>>
      %dma_wait3A_97 = arith.constant 0 : i32
      %dma_wait3A_98 = tpu.memref_slice %arg15[%add3A_20, %dma_wait3A_97] : memref<10240x64xf32, #tpu.memory_space<vmem_shared>> -> memref<128x64xf32, #tpu.memory_space<vmem_shared>>
      %dma_wait3A_99 = arith.constant 0 : i32
      %dma_wait3A_100 = arith.constant 0 : i32
      %dma_wait3A_101 = tpu.memref_slice %arg12[%run_scoped3A_21, %dma_wait3A_99, %dma_wait3A_100] : memref<2x128x64xf32, #tpu.memory_space<vmem>> -> memref<1x128x64xf32, #tpu.memory_space<vmem>>
      %dma_wait3A_102 = tpu.memref_squeeze %dma_wait3A_101 : memref<1x128x64xf32, #tpu.memory_space<vmem>> -> memref<128x64xf32, #tpu.memory_space<vmem>>
      tpu.wait_dma2 semaphore(%run_scoped3A_78 : memref<!tpu.dma_semaphore, #tpu.memory_space<semaphore_mem>>) src(%dma_wait3A_102 : memref<128x64xf32, #tpu.memory_space<vmem>>) dst(%dma_wait3A_98 : memref<128x64xf32, #tpu.memory_space<vmem_shared>>)
      tpu.yield
    }) : () -> ()
    %mul3A_22 = arith.constant 640 : i32
    %mul3A_23 = arith.muli %arg1, %mul3A_22 : i32
    %add3A_24 = arith.constant 512 : i32
    %add3A_25 = arith.addi %mul3A_23, %add3A_24 : i32
    %run_scoped3A_26 = arith.constant 0 : i32
    "tpu.region"() ({
      %run_scoped3A_78 = tpu.sem_alloc : memref<!tpu.dma_semaphore, #tpu.memory_space<semaphore_mem>>
      %dma_start3A_79 = arith.constant 0 : i32
      %dma_start3A_80 = arith.constant 0 : i32
      %dma_start3A_81 = tpu.memref_slice %arg12[%run_scoped3A_26, %dma_start3A_79, %dma_start3A_80] : memref<2x128x64xf32, #tpu.memory_space<vmem>> -> memref<1x128x64xf32, #tpu.memory_space<vmem>>
      %dma_start3A_82 = tpu.memref_squeeze %dma_start3A_81 : memref<1x128x64xf32, #tpu.memory_space<vmem>> -> memref<128x64xf32, #tpu.memory_space<vmem>>
      %dma_start3A_83 = arith.constant 0 : i32
      %dma_start3A_84 = tpu.memref_slice %arg15[%add3A_25, %dma_start3A_83] : memref<10240x64xf32, #tpu.memory_space<vmem_shared>> -> memref<128x64xf32, #tpu.memory_space<vmem_shared>>
      %dma_start3A_85 = arith.constant 0 : i32
      %dma_start3A_86 = tpu.memref_slice %arg15[%add3A_25, %dma_start3A_85] : memref<10240x64xf32, #tpu.memory_space<vmem_shared>> -> memref<128x64xf32, #tpu.memory_space<vmem_shared>>
      %dma_start3A_87 = arith.constant 0 : i32
      %dma_start3A_88 = arith.constant 0 : i32
      %dma_start3A_89 = tpu.memref_slice %arg12[%run_scoped3A_26, %dma_start3A_87, %dma_start3A_88] : memref<2x128x64xf32, #tpu.memory_space<vmem>> -> memref<1x128x64xf32, #tpu.memory_space<vmem>>
      %dma_start3A_90 = tpu.memref_squeeze %dma_start3A_89 : memref<1x128x64xf32, #tpu.memory_space<vmem>> -> memref<128x64xf32, #tpu.memory_space<vmem>>
      tpu.enqueue_dma source(%dma_start3A_90 : memref<128x64xf32, #tpu.memory_space<vmem>>) target(%dma_start3A_86 : memref<128x64xf32, #tpu.memory_space<vmem_shared>>) target_semaphore(%run_scoped3A_78 : memref<!tpu.dma_semaphore, #tpu.memory_space<semaphore_mem>>)
      %dma_wait3A_91 = arith.constant 0 : i32
      %dma_wait3A_92 = arith.constant 0 : i32
      %dma_wait3A_93 = tpu.memref_slice %arg12[%run_scoped3A_26, %dma_wait3A_91, %dma_wait3A_92] : memref<2x128x64xf32, #tpu.memory_space<vmem>> -> memref<1x128x64xf32, #tpu.memory_space<vmem>>
      %dma_wait3A_94 = tpu.memref_squeeze %dma_wait3A_93 : memref<1x128x64xf32, #tpu.memory_space<vmem>> -> memref<128x64xf32, #tpu.memory_space<vmem>>
      %dma_wait3A_95 = arith.constant 0 : i32
      %dma_wait3A_96 = tpu.memref_slice %arg15[%add3A_25, %dma_wait3A_95] : memref<10240x64xf32, #tpu.memory_space<vmem_shared>> -> memref<128x64xf32, #tpu.memory_space<vmem_shared>>
      %dma_wait3A_97 = arith.constant 0 : i32
      %dma_wait3A_98 = tpu.memref_slice %arg15[%add3A_25, %dma_wait3A_97] : memref<10240x64xf32, #tpu.memory_space<vmem_shared>> -> memref<128x64xf32, #tpu.memory_space<vmem_shared>>
      %dma_wait3A_99 = arith.constant 0 : i32
      %dma_wait3A_100 = arith.constant 0 : i32
      %dma_wait3A_101 = tpu.memref_slice %arg12[%run_scoped3A_26, %dma_wait3A_99, %dma_wait3A_100] : memref<2x128x64xf32, #tpu.memory_space<vmem>> -> memref<1x128x64xf32, #tpu.memory_space<vmem>>
      %dma_wait3A_102 = tpu.memref_squeeze %dma_wait3A_101 : memref<1x128x64xf32, #tpu.memory_space<vmem>> -> memref<128x64xf32, #tpu.memory_space<vmem>>
      tpu.wait_dma2 semaphore(%run_scoped3A_78 : memref<!tpu.dma_semaphore, #tpu.memory_space<semaphore_mem>>) src(%dma_wait3A_102 : memref<128x64xf32, #tpu.memory_space<vmem>>) dst(%dma_wait3A_98 : memref<128x64xf32, #tpu.memory_space<vmem_shared>>)
      tpu.yield
    }) : () -> ()
    %scan3A_27 = arith.constant 0 : i32
    %scan3A_28 = arith.constant 0 : i32
    %scan3A_29 = arith.constant 158 : i32
    %scan3A_30 = arith.addi %scan3A_28, %scan3A_29 : i32
    %scan3A_31 = arith.constant 1 : i32
    scf.for %scan3A_78 = %scan3A_28 to %scan3A_30 step %scan3A_31  : i32 {
      %get3A = arith.index_cast %scan3A_78 : i32 to index
      %get3A_79 = arith.constant 0 : index
      %get3A_80 = tpu.vector_load %arg8[%get3A, %get3A_79] {strides = array<i32>} : memref<158x128xi32, #tpu.memory_space<vmem>>, vector<16xi32>,
      %get3A_81 = arith.index_cast %scan3A_78 : i32 to index
      %get3A_82 = arith.constant 0 : index
      %get3A_83 = tpu.vector_load %arg10[%get3A_81, %get3A_82] {strides = array<i32>} : memref<158x128xf32, #tpu.memory_space<vmem>>, vector<16xf32>,
      %gather3A = tpu.vector_load_idx %arg11[%get3A_80] : memref<10240xf32, #tpu.memory_space<vmem>>[vector<16xi32>], vector<16xf32>,
      %sub3A = arith.subf %get3A_83, %gather3A : vector<16xf32>
      %exp3A = math.exp %sub3A : vector<16xf32>
      %swap3A = arith.index_cast %scan3A_78 : i32 to index
      %swap3A_84 = arith.constant 0 : index
      %swap3A_85 = tpu.vector_load %arg10[%swap3A, %swap3A_84] {strides = array<i32>} : memref<158x128xf32, #tpu.memory_space<vmem>>, vector<16xf32>,
      tpu.vector_store %arg10[%swap3A, %swap3A_84], %exp3A {strides = array<i32>} : memref<158x128xf32, #tpu.memory_space<vmem>>, vector<16xf32>,
      %lt3A = arith.constant 10000 : i32
      %lt3A_86 = vector.broadcast %lt3A : i32 to vector<16xi32>
      %lt3A_87 = arith.cmpi slt, %get3A_80, %lt3A_86 : vector<16xi32>
      %mul3A_88 = arith.constant 2 : i32
      %mul3A_89 = vector.broadcast %mul3A_88 : i32 to vector<16xi32>
      %mul3A_90 = arith.muli %get3A_80, %mul3A_89 : vector<16xi32>
      %add3A_91 = vector.broadcast %arg0 : i32 to vector<16xi32>
      %add3A_92 = arith.addi %mul3A_90, %add3A_91 : vector<16xi32>
      %sub3A_93 = arith.constant 10000 : i32
      %sub3A_94 = vector.broadcast %sub3A_93 : i32 to vector<16xi32>
      %sub3A_95 = arith.subi %get3A_80, %sub3A_94 : vector<16xi32>
      %select_n3A = arith.select %lt3A_87, %add3A_92, %sub3A_95 : vector<16xi1>, vector<16xi32>
      %swap3A_96 = arith.index_cast %scan3A_78 : i32 to index
      %swap3A_97 = arith.constant 0 : index
      %swap3A_98 = tpu.vector_load %arg8[%swap3A_96, %swap3A_97] {strides = array<i32>} : memref<158x128xi32, #tpu.memory_space<vmem>>, vector<16xi32>,
      tpu.vector_store %arg8[%swap3A_96, %swap3A_97], %select_n3A {strides = array<i32>} : memref<158x128xi32, #tpu.memory_space<vmem>>, vector<16xi32>,
      %get3A_99 = arith.index_cast %scan3A_78 : i32 to index
      %get3A_100 = arith.constant 16 : index
      %get3A_101 = tpu.vector_load %arg8[%get3A_99, %get3A_100] {strides = array<i32>} : memref<158x128xi32, #tpu.memory_space<vmem>>, vector<16xi32>,
      %get3A_102 = arith.index_cast %scan3A_78 : i32 to index
      %get3A_103 = arith.constant 16 : index
      %get3A_104 = tpu.vector_load %arg10[%get3A_102, %get3A_103] {strides = array<i32>} : memref<158x128xf32, #tpu.memory_space<vmem>>, vector<16xf32>,
      %gather3A_105 = tpu.vector_load_idx %arg11[%get3A_101] : memref<10240xf32, #tpu.memory_space<vmem>>[vector<16xi32>], vector<16xf32>,
      %sub3A_106 = arith.subf %get3A_104, %gather3A_105 : vector<16xf32>
      %exp3A_107 = math.exp %sub3A_106 : vector<16xf32>
      %swap3A_108 = arith.index_cast %scan3A_78 : i32 to index
      %swap3A_109 = arith.constant 16 : index
      %swap3A_110 = tpu.vector_load %arg10[%swap3A_108, %swap3A_109] {strides = array<i32>} : memref<158x128xf32, #tpu.memory_space<vmem>>, vector<16xf32>,
      tpu.vector_store %arg10[%swap3A_108, %swap3A_109], %exp3A_107 {strides = array<i32>} : memref<158x128xf32, #tpu.memory_space<vmem>>, vector<16xf32>,
      %lt3A_111 = arith.constant 10000 : i32
      %lt3A_112 = vector.broadcast %lt3A_111 : i32 to vector<16xi32>
      %lt3A_113 = arith.cmpi slt, %get3A_101, %lt3A_112 : vector<16xi32>
      %mul3A_114 = arith.constant 2 : i32
      %mul3A_115 = vector.broadcast %mul3A_114 : i32 to vector<16xi32>
      %mul3A_116 = arith.muli %get3A_101, %mul3A_115 : vector<16xi32>
      %add3A_117 = vector.broadcast %arg0 : i32 to vector<16xi32>
      %add3A_118 = arith.addi %mul3A_116, %add3A_117 : vector<16xi32>
      %sub3A_119 = arith.constant 10000 : i32
      %sub3A_120 = vector.broadcast %sub3A_119 : i32 to vector<16xi32>
      %sub3A_121 = arith.subi %get3A_101, %sub3A_120 : vector<16xi32>
      %select_n3A_122 = arith.select %lt3A_113, %add3A_118, %sub3A_121 : vector<16xi1>, vector<16xi32>
      %swap3A_123 = arith.index_cast %scan3A_78 : i32 to index
      %swap3A_124 = arith.constant 16 : index
      %swap3A_125 = tpu.vector_load %arg8[%swap3A_123, %swap3A_124] {strides = array<i32>} : memref<158x128xi32, #tpu.memory_space<vmem>>, vector<16xi32>,
      tpu.vector_store %arg8[%swap3A_123, %swap3A_124], %select_n3A_122 {strides = array<i32>} : memref<158x128xi32, #tpu.memory_space<vmem>>, vector<16xi32>,
      %get3A_126 = arith.index_cast %scan3A_78 : i32 to index
      %get3A_127 = arith.constant 32 : index
      %get3A_128 = tpu.vector_load %arg8[%get3A_126, %get3A_127] {strides = array<i32>} : memref<158x128xi32, #tpu.memory_space<vmem>>, vector<16xi32>,
      %get3A_129 = arith.index_cast %scan3A_78 : i32 to index
      %get3A_130 = arith.constant 32 : index
      %get3A_131 = tpu.vector_load %arg10[%get3A_129, %get3A_130] {strides = array<i32>} : memref<158x128xf32, #tpu.memory_space<vmem>>, vector<16xf32>,
      %gather3A_132 = tpu.vector_load_idx %arg11[%get3A_128] : memref<10240xf32, #tpu.memory_space<vmem>>[vector<16xi32>], vector<16xf32>,
      %sub3A_133 = arith.subf %get3A_131, %gather3A_132 : vector<16xf32>
      %exp3A_134 = math.exp %sub3A_133 : vector<16xf32>
      %swap3A_135 = arith.index_cast %scan3A_78 : i32 to index
      %swap3A_136 = arith.constant 32 : index
      %swap3A_137 = tpu.vector_load %arg10[%swap3A_135, %swap3A_136] {strides = array<i32>} : memref<158x128xf32, #tpu.memory_space<vmem>>, vector<16xf32>,
      tpu.vector_store %arg10[%swap3A_135, %swap3A_136], %exp3A_134 {strides = array<i32>} : memref<158x128xf32, #tpu.memory_space<vmem>>, vector<16xf32>,
      %lt3A_138 = arith.constant 10000 : i32
      %lt3A_139 = vector.broadcast %lt3A_138 : i32 to vector<16xi32>
      %lt3A_140 = arith.cmpi slt, %get3A_128, %lt3A_139 : vector<16xi32>
      %mul3A_141 = arith.constant 2 : i32
      %mul3A_142 = vector.broadcast %mul3A_141 : i32 to vector<16xi32>
      %mul3A_143 = arith.muli %get3A_128, %mul3A_142 : vector<16xi32>
      %add3A_144 = vector.broadcast %arg0 : i32 to vector<16xi32>
      %add3A_145 = arith.addi %mul3A_143, %add3A_144 : vector<16xi32>
      %sub3A_146 = arith.constant 10000 : i32
      %sub3A_147 = vector.broadcast %sub3A_146 : i32 to vector<16xi32>
      %sub3A_148 = arith.subi %get3A_128, %sub3A_147 : vector<16xi32>
      %select_n3A_149 = arith.select %lt3A_140, %add3A_145, %sub3A_148 : vector<16xi1>, vector<16xi32>
      %swap3A_150 = arith.index_cast %scan3A_78 : i32 to index
      %swap3A_151 = arith.constant 32 : index
      %swap3A_152 = tpu.vector_load %arg8[%swap3A_150, %swap3A_151] {strides = array<i32>} : memref<158x128xi32, #tpu.memory_space<vmem>>, vector<16xi32>,
      tpu.vector_store %arg8[%swap3A_150, %swap3A_151], %select_n3A_149 {strides = array<i32>} : memref<158x128xi32, #tpu.memory_space<vmem>>, vector<16xi32>,
      %get3A_153 = arith.index_cast %scan3A_78 : i32 to index
      %get3A_154 = arith.constant 48 : index
      %get3A_155 = tpu.vector_load %arg8[%get3A_153, %get3A_154] {strides = array<i32>} : memref<158x128xi32, #tpu.memory_space<vmem>>, vector<16xi32>,
      %get3A_156 = arith.index_cast %scan3A_78 : i32 to index
      %get3A_157 = arith.constant 48 : index
      %get3A_158 = tpu.vector_load %arg10[%get3A_156, %get3A_157] {strides = array<i32>} : memref<158x128xf32, #tpu.memory_space<vmem>>, vector<16xf32>,
      %gather3A_159 = tpu.vector_load_idx %arg11[%get3A_155] : memref<10240xf32, #tpu.memory_space<vmem>>[vector<16xi32>], vector<16xf32>,
      %sub3A_160 = arith.subf %get3A_158, %gather3A_159 : vector<16xf32>
      %exp3A_161 = math.exp %sub3A_160 : vector<16xf32>
      %swap3A_162 = arith.index_cast %scan3A_78 : i32 to index
      %swap3A_163 = arith.constant 48 : index
      %swap3A_164 = tpu.vector_load %arg10[%swap3A_162, %swap3A_163] {strides = array<i32>} : memref<158x128xf32, #tpu.memory_space<vmem>>, vector<16xf32>,
      tpu.vector_store %arg10[%swap3A_162, %swap3A_163], %exp3A_161 {strides = array<i32>} : memref<158x128xf32, #tpu.memory_space<vmem>>, vector<16xf32>,
      %lt3A_165 = arith.constant 10000 : i32
      %lt3A_166 = vector.broadcast %lt3A_165 : i32 to vector<16xi32>
      %lt3A_167 = arith.cmpi slt, %get3A_155, %lt3A_166 : vector<16xi32>
      %mul3A_168 = arith.constant 2 : i32
      %mul3A_169 = vector.broadcast %mul3A_168 : i32 to vector<16xi32>
      %mul3A_170 = arith.muli %get3A_155, %mul3A_169 : vector<16xi32>
      %add3A_171 = vector.broadcast %arg0 : i32 to vector<16xi32>
      %add3A_172 = arith.addi %mul3A_170, %add3A_171 : vector<16xi32>
      %sub3A_173 = arith.constant 10000 : i32
      %sub3A_174 = vector.broadcast %sub3A_173 : i32 to vector<16xi32>
      %sub3A_175 = arith.subi %get3A_155, %sub3A_174 : vector<16xi32>
      %select_n3A_176 = arith.select %lt3A_167, %add3A_172, %sub3A_175 : vector<16xi1>, vector<16xi32>
      %swap3A_177 = arith.index_cast %scan3A_78 : i32 to index
      %swap3A_178 = arith.constant 48 : index
      %swap3A_179 = tpu.vector_load %arg8[%swap3A_177, %swap3A_178] {strides = array<i32>} : memref<158x128xi32, #tpu.memory_space<vmem>>, vector<16xi32>,
      tpu.vector_store %arg8[%swap3A_177, %swap3A_178], %select_n3A_176 {strides = array<i32>} : memref<158x128xi32, #tpu.memory_space<vmem>>, vector<16xi32>,
      %get3A_180 = arith.index_cast %scan3A_78 : i32 to index
      %get3A_181 = arith.constant 64 : index
      %get3A_182 = tpu.vector_load %arg8[%get3A_180, %get3A_181] {strides = array<i32>} : memref<158x128xi32, #tpu.memory_space<vmem>>, vector<16xi32>,
      %get3A_183 = arith.index_cast %scan3A_78 : i32 to index
      %get3A_184 = arith.constant 64 : index
      %get3A_185 = tpu.vector_load %arg10[%get3A_183, %get3A_184] {strides = array<i32>} : memref<158x128xf32, #tpu.memory_space<vmem>>, vector<16xf32>,
      %gather3A_186 = tpu.vector_load_idx %arg11[%get3A_182] : memref<10240xf32, #tpu.memory_space<vmem>>[vector<16xi32>], vector<16xf32>,
      %sub3A_187 = arith.subf %get3A_185, %gather3A_186 : vector<16xf32>
      %exp3A_188 = math.exp %sub3A_187 : vector<16xf32>
      %swap3A_189 = arith.index_cast %scan3A_78 : i32 to index
      %swap3A_190 = arith.constant 64 : index
      %swap3A_191 = tpu.vector_load %arg10[%swap3A_189, %swap3A_190] {strides = array<i32>} : memref<158x128xf32, #tpu.memory_space<vmem>>, vector<16xf32>,
      tpu.vector_store %arg10[%swap3A_189, %swap3A_190], %exp3A_188 {strides = array<i32>} : memref<158x128xf32, #tpu.memory_space<vmem>>, vector<16xf32>,
      %lt3A_192 = arith.constant 10000 : i32
      %lt3A_193 = vector.broadcast %lt3A_192 : i32 to vector<16xi32>
      %lt3A_194 = arith.cmpi slt, %get3A_182, %lt3A_193 : vector<16xi32>
      %mul3A_195 = arith.constant 2 : i32
      %mul3A_196 = vector.broadcast %mul3A_195 : i32 to vector<16xi32>
      %mul3A_197 = arith.muli %get3A_182, %mul3A_196 : vector<16xi32>
      %add3A_198 = vector.broadcast %arg0 : i32 to vector<16xi32>
      %add3A_199 = arith.addi %mul3A_197, %add3A_198 : vector<16xi32>
      %sub3A_200 = arith.constant 10000 : i32
      %sub3A_201 = vector.broadcast %sub3A_200 : i32 to vector<16xi32>
      %sub3A_202 = arith.subi %get3A_182, %sub3A_201 : vector<16xi32>
      %select_n3A_203 = arith.select %lt3A_194, %add3A_199, %sub3A_202 : vector<16xi1>, vector<16xi32>
      %swap3A_204 = arith.index_cast %scan3A_78 : i32 to index
      %swap3A_205 = arith.constant 64 : index
      %swap3A_206 = tpu.vector_load %arg8[%swap3A_204, %swap3A_205] {strides = array<i32>} : memref<158x128xi32, #tpu.memory_space<vmem>>, vector<16xi32>,
      tpu.vector_store %arg8[%swap3A_204, %swap3A_205], %select_n3A_203 {strides = array<i32>} : memref<158x128xi32, #tpu.memory_space<vmem>>, vector<16xi32>,
      %get3A_207 = arith.index_cast %scan3A_78 : i32 to index
      %get3A_208 = arith.constant 80 : index
      %get3A_209 = tpu.vector_load %arg8[%get3A_207, %get3A_208] {strides = array<i32>} : memref<158x128xi32, #tpu.memory_space<vmem>>, vector<16xi32>,
      %get3A_210 = arith.index_cast %scan3A_78 : i32 to index
      %get3A_211 = arith.constant 80 : index
      %get3A_212 = tpu.vector_load %arg10[%get3A_210, %get3A_211] {strides = array<i32>} : memref<158x128xf32, #tpu.memory_space<vmem>>, vector<16xf32>,
      %gather3A_213 = tpu.vector_load_idx %arg11[%get3A_209] : memref<10240xf32, #tpu.memory_space<vmem>>[vector<16xi32>], vector<16xf32>,
      %sub3A_214 = arith.subf %get3A_212, %gather3A_213 : vector<16xf32>
      %exp3A_215 = math.exp %sub3A_214 : vector<16xf32>
      %swap3A_216 = arith.index_cast %scan3A_78 : i32 to index
      %swap3A_217 = arith.constant 80 : index
      %swap3A_218 = tpu.vector_load %arg10[%swap3A_216, %swap3A_217] {strides = array<i32>} : memref<158x128xf32, #tpu.memory_space<vmem>>, vector<16xf32>,
      tpu.vector_store %arg10[%swap3A_216, %swap3A_217], %exp3A_215 {strides = array<i32>} : memref<158x128xf32, #tpu.memory_space<vmem>>, vector<16xf32>,
      %lt3A_219 = arith.constant 10000 : i32
      %lt3A_220 = vector.broadcast %lt3A_219 : i32 to vector<16xi32>
      %lt3A_221 = arith.cmpi slt, %get3A_209, %lt3A_220 : vector<16xi32>
      %mul3A_222 = arith.constant 2 : i32
      %mul3A_223 = vector.broadcast %mul3A_222 : i32 to vector<16xi32>
      %mul3A_224 = arith.muli %get3A_209, %mul3A_223 : vector<16xi32>
      %add3A_225 = vector.broadcast %arg0 : i32 to vector<16xi32>
      %add3A_226 = arith.addi %mul3A_224, %add3A_225 : vector<16xi32>
      %sub3A_227 = arith.constant 10000 : i32
      %sub3A_228 = vector.broadcast %sub3A_227 : i32 to vector<16xi32>
      %sub3A_229 = arith.subi %get3A_209, %sub3A_228 : vector<16xi32>
      %select_n3A_230 = arith.select %lt3A_221, %add3A_226, %sub3A_229 : vector<16xi1>, vector<16xi32>
      %swap3A_231 = arith.index_cast %scan3A_78 : i32 to index
      %swap3A_232 = arith.constant 80 : index
      %swap3A_233 = tpu.vector_load %arg8[%swap3A_231, %swap3A_232] {strides = array<i32>} : memref<158x128xi32, #tpu.memory_space<vmem>>, vector<16xi32>,
      tpu.vector_store %arg8[%swap3A_231, %swap3A_232], %select_n3A_230 {strides = array<i32>} : memref<158x128xi32, #tpu.memory_space<vmem>>, vector<16xi32>,
      %get3A_234 = arith.index_cast %scan3A_78 : i32 to index
      %get3A_235 = arith.constant 96 : index
      %get3A_236 = tpu.vector_load %arg8[%get3A_234, %get3A_235] {strides = array<i32>} : memref<158x128xi32, #tpu.memory_space<vmem>>, vector<16xi32>,
      %get3A_237 = arith.index_cast %scan3A_78 : i32 to index
      %get3A_238 = arith.constant 96 : index
      %get3A_239 = tpu.vector_load %arg10[%get3A_237, %get3A_238] {strides = array<i32>} : memref<158x128xf32, #tpu.memory_space<vmem>>, vector<16xf32>,
      %gather3A_240 = tpu.vector_load_idx %arg11[%get3A_236] : memref<10240xf32, #tpu.memory_space<vmem>>[vector<16xi32>], vector<16xf32>,
      %sub3A_241 = arith.subf %get3A_239, %gather3A_240 : vector<16xf32>
      %exp3A_242 = math.exp %sub3A_241 : vector<16xf32>
      %swap3A_243 = arith.index_cast %scan3A_78 : i32 to index
      %swap3A_244 = arith.constant 96 : index
      %swap3A_245 = tpu.vector_load %arg10[%swap3A_243, %swap3A_244] {strides = array<i32>} : memref<158x128xf32, #tpu.memory_space<vmem>>, vector<16xf32>,
      tpu.vector_store %arg10[%swap3A_243, %swap3A_244], %exp3A_242 {strides = array<i32>} : memref<158x128xf32, #tpu.memory_space<vmem>>, vector<16xf32>,
      %lt3A_246 = arith.constant 10000 : i32
      %lt3A_247 = vector.broadcast %lt3A_246 : i32 to vector<16xi32>
      %lt3A_248 = arith.cmpi slt, %get3A_236, %lt3A_247 : vector<16xi32>
      %mul3A_249 = arith.constant 2 : i32
      %mul3A_250 = vector.broadcast %mul3A_249 : i32 to vector<16xi32>
      %mul3A_251 = arith.muli %get3A_236, %mul3A_250 : vector<16xi32>
      %add3A_252 = vector.broadcast %arg0 : i32 to vector<16xi32>
      %add3A_253 = arith.addi %mul3A_251, %add3A_252 : vector<16xi32>
      %sub3A_254 = arith.constant 10000 : i32
      %sub3A_255 = vector.broadcast %sub3A_254 : i32 to vector<16xi32>
      %sub3A_256 = arith.subi %get3A_236, %sub3A_255 : vector<16xi32>
      %select_n3A_257 = arith.select %lt3A_248, %add3A_253, %sub3A_256 : vector<16xi1>, vector<16xi32>
      %swap3A_258 = arith.index_cast %scan3A_78 : i32 to index
      %swap3A_259 = arith.constant 96 : index
      %swap3A_260 = tpu.vector_load %arg8[%swap3A_258, %swap3A_259] {strides = array<i32>} : memref<158x128xi32, #tpu.memory_space<vmem>>, vector<16xi32>,
      tpu.vector_store %arg8[%swap3A_258, %swap3A_259], %select_n3A_257 {strides = array<i32>} : memref<158x128xi32, #tpu.memory_space<vmem>>, vector<16xi32>,
      %get3A_261 = arith.index_cast %scan3A_78 : i32 to index
      %get3A_262 = arith.constant 112 : index
      %get3A_263 = tpu.vector_load %arg8[%get3A_261, %get3A_262] {strides = array<i32>} : memref<158x128xi32, #tpu.memory_space<vmem>>, vector<16xi32>,
      %get3A_264 = arith.index_cast %scan3A_78 : i32 to index
      %get3A_265 = arith.constant 112 : index
      %get3A_266 = tpu.vector_load %arg10[%get3A_264, %get3A_265] {strides = array<i32>} : memref<158x128xf32, #tpu.memory_space<vmem>>, vector<16xf32>,
      %gather3A_267 = tpu.vector_load_idx %arg11[%get3A_263] : memref<10240xf32, #tpu.memory_space<vmem>>[vector<16xi32>], vector<16xf32>,
      %sub3A_268 = arith.subf %get3A_266, %gather3A_267 : vector<16xf32>
      %exp3A_269 = math.exp %sub3A_268 : vector<16xf32>
      %swap3A_270 = arith.index_cast %scan3A_78 : i32 to index
      %swap3A_271 = arith.constant 112 : index
      %swap3A_272 = tpu.vector_load %arg10[%swap3A_270, %swap3A_271] {strides = array<i32>} : memref<158x128xf32, #tpu.memory_space<vmem>>, vector<16xf32>,
      tpu.vector_store %arg10[%swap3A_270, %swap3A_271], %exp3A_269 {strides = array<i32>} : memref<158x128xf32, #tpu.memory_space<vmem>>, vector<16xf32>,
      %lt3A_273 = arith.constant 10000 : i32
      %lt3A_274 = vector.broadcast %lt3A_273 : i32 to vector<16xi32>
      %lt3A_275 = arith.cmpi slt, %get3A_263, %lt3A_274 : vector<16xi32>
      %mul3A_276 = arith.constant 2 : i32
      %mul3A_277 = vector.broadcast %mul3A_276 : i32 to vector<16xi32>
      %mul3A_278 = arith.muli %get3A_263, %mul3A_277 : vector<16xi32>
      %add3A_279 = vector.broadcast %arg0 : i32 to vector<16xi32>
      %add3A_280 = arith.addi %mul3A_278, %add3A_279 : vector<16xi32>
      %sub3A_281 = arith.constant 10000 : i32
      %sub3A_282 = vector.broadcast %sub3A_281 : i32 to vector<16xi32>
      %sub3A_283 = arith.subi %get3A_263, %sub3A_282 : vector<16xi32>
      %select_n3A_284 = arith.select %lt3A_275, %add3A_280, %sub3A_283 : vector<16xi1>, vector<16xi32>
      %swap3A_285 = arith.index_cast %scan3A_78 : i32 to index
      %swap3A_286 = arith.constant 112 : index
      %swap3A_287 = tpu.vector_load %arg8[%swap3A_285, %swap3A_286] {strides = array<i32>} : memref<158x128xi32, #tpu.memory_space<vmem>>, vector<16xi32>,
      tpu.vector_store %arg8[%swap3A_285, %swap3A_286], %select_n3A_284 {strides = array<i32>} : memref<158x128xi32, #tpu.memory_space<vmem>>, vector<16xi32>,
    }
    %scan3A_32 = arith.constant 158 : i32
    %barrier3A = arith.constant 0 : index
    tpu.barrier barrier_id(%barrier3A)
    %dma_start3A = arith.constant 0 : i32
    %dma_start3A_33 = arith.constant 0 : i32
    %dma_start3A_34 = arith.constant 0 : i32
    %dma_start3A_35 = arith.constant 0 : i32
    %dma_start3A_36 = tpu.memref_slice %arg12[%dma_start3A_33, %dma_start3A_34, %dma_start3A_35] : memref<2x128x64xf32, #tpu.memory_space<vmem>> -> memref<1x128x64xf32, #tpu.memory_space<vmem>>
    %dma_start3A_37 = tpu.memref_squeeze %dma_start3A_36 : memref<1x128x64xf32, #tpu.memory_space<vmem>> -> memref<128x64xf32, #tpu.memory_space<vmem>>
    %dma_start3A_38 = arith.constant 0 : i32
    %dma_start3A_39 = tpu.memref_slice %arg8[%dma_start3A, %dma_start3A_38] : memref<158x128xi32, #tpu.memory_space<vmem>> -> memref<1x128xi32, #tpu.memory_space<vmem>>
    %dma_start3A_40 = tpu.memref_squeeze %dma_start3A_39 : memref<1x128xi32, #tpu.memory_space<vmem>> -> memref<128xi32, #tpu.memory_space<vmem>>
    %dma_start3A_41 = arith.constant 0 : i32
    %dma_start3A_42 = arith.constant 0 : i32
    %dma_start3A_43 = tpu.memref_slice %arg2[%dma_start3A_41, %dma_start3A_42] : memref<20000x64xf32, #tpu.memory_space<hbm>> -> memref<20000x64xf32, #tpu.memory_space<hbm>>
    tpu.enqueue_indirect_dma source(%dma_start3A_43 : memref<20000x64xf32, #tpu.memory_space<hbm>>) target(%dma_start3A_37 : memref<128x64xf32, #tpu.memory_space<vmem>>) offsets(%dma_start3A_40 : memref<128xi32, #tpu.memory_space<vmem>>) semaphore(%arg13 : memref<!tpu.dma_semaphore, #tpu.memory_space<semaphore_mem>>)
    %scan3A_44 = arith.constant 0 : i32
    %scan3A_45 = arith.constant 0 : i32
    %scan3A_46 = arith.constant 158 : i32
    %scan3A_47 = arith.addi %scan3A_45, %scan3A_46 : i32
    %scan3A_48 = arith.constant 1 : i32
    scf.for %scan3A_78 = %scan3A_45 to %scan3A_47 step %scan3A_48  : i32 {
      %jit3A = arith.constant 2 : i32
      %eq3A = arith.constant 0 : i32
      %eq3A_79 = arith.cmpi eq, %jit3A, %eq3A : i32
      %jit3A_80 = arith.constant 1 : i32
      %select_n3A = arith.select %eq3A_79, %jit3A_80, %jit3A : i32
      %rem3A = arith.remsi %scan3A_78, %select_n3A : i32
      %ne3A = arith.constant 0 : i32
      %ne3A_81 = arith.cmpi ne, %rem3A, %ne3A : i32
      %lt3A = arith.constant 0 : i32
      %lt3A_82 = arith.cmpi slt, %rem3A, %lt3A : i32
      %lt3A_83 = arith.constant 0 : i32
      %lt3A_84 = arith.cmpi slt, %select_n3A, %lt3A_83 : i32
      %ne3A_85 = arith.xori %lt3A_82, %lt3A_84 : i1
      %and3A = arith.andi %ne3A_85, %ne3A_81 : i1
      %add3A_86 = arith.addi %rem3A, %select_n3A : i32
      %select_n3A_87 = arith.select %and3A, %add3A_86, %rem3A : i32
      %dma_wait3A_88 = arith.constant 0 : i32
      %dma_wait3A_89 = arith.constant 0 : i32
      %dma_wait3A_90 = tpu.memref_slice %arg12[%select_n3A_87, %dma_wait3A_88, %dma_wait3A_89] : memref<2x128x64xf32, #tpu.memory_space<vmem>> -> memref<1x128x64xf32, #tpu.memory_space<vmem>>
      %dma_wait3A_91 = tpu.memref_squeeze %dma_wait3A_90 : memref<1x128x64xf32, #tpu.memory_space<vmem>> -> memref<128x64xf32, #tpu.memory_space<vmem>>
      %dma_wait3A_92 = arith.constant 0 : i32
      %dma_wait3A_93 = tpu.memref_slice %arg8[%scan3A_78, %dma_wait3A_92] : memref<158x128xi32, #tpu.memory_space<vmem>> -> memref<1x128xi32, #tpu.memory_space<vmem>>
      %dma_wait3A_94 = tpu.memref_squeeze %dma_wait3A_93 : memref<1x128xi32, #tpu.memory_space<vmem>> -> memref<128xi32, #tpu.memory_space<vmem>>
      %dma_wait3A_95 = arith.constant 0 : i32
      %dma_wait3A_96 = arith.constant 0 : i32
      %dma_wait3A_97 = tpu.memref_slice %arg2[%dma_wait3A_95, %dma_wait3A_96] : memref<20000x64xf32, #tpu.memory_space<hbm>> -> memref<20000x64xf32, #tpu.memory_space<hbm>>
      tpu.wait_indirect_dma semaphore(%arg13 : memref<!tpu.dma_semaphore, #tpu.memory_space<semaphore_mem>>) src(%dma_wait3A_97 : memref<20000x64xf32, #tpu.memory_space<hbm>>) dst(%dma_wait3A_91 : memref<128x64xf32, #tpu.memory_space<vmem>>)
      %add3A_98 = arith.constant 1 : i32
      %add3A_99 = arith.addi %scan3A_78, %add3A_98 : i32
      %lt3A_100 = arith.constant 158 : i32
      %lt3A_101 = arith.cmpi slt, %add3A_99, %lt3A_100 : i32
      %convert_element_type3A = arith.extui %lt3A_101 : i1 to i32
      %cond3A = arith.constant 0 : i32
      %cond3A_102 = arith.cmpi ne, %convert_element_type3A, %cond3A : i32
      scf.if %cond3A_102 {
        %ge3A = arith.constant 1 : i32
        %ge3A_115 = arith.cmpi sge, %scan3A_78, %ge3A : i32
        %convert_element_type3A_116 = arith.extui %ge3A_115 : i1 to i32
        %cond3A_117 = arith.constant 0 : i32
        %cond3A_118 = arith.cmpi ne, %convert_element_type3A_116, %cond3A_117 : i32
        scf.if %cond3A_118 {
          %sub3A_132 = arith.constant 1 : i32
          %sub3A_133 = arith.subi %sub3A_132, %select_n3A_87 : i32
          %sub3A_134 = arith.constant 1 : i32
          %sub3A_135 = arith.subi %scan3A_78, %sub3A_134 : i32
          %dma_wait3A_136 = arith.constant 0 : i32
          %dma_wait3A_137 = arith.constant 0 : i32
          %dma_wait3A_138 = tpu.memref_slice %arg12[%sub3A_133, %dma_wait3A_136, %dma_wait3A_137] : memref<2x128x64xf32, #tpu.memory_space<vmem>> -> memref<1x128x64xf32, #tpu.memory_space<vmem>>
          %dma_wait3A_139 = tpu.memref_squeeze %dma_wait3A_138 : memref<1x128x64xf32, #tpu.memory_space<vmem>> -> memref<128x64xf32, #tpu.memory_space<vmem>>
          %dma_wait3A_140 = arith.constant 0 : i32
          %dma_wait3A_141 = tpu.memref_slice %arg9[%sub3A_135, %dma_wait3A_140] : memref<158x128xi32, #tpu.memory_space<vmem>> -> memref<1x128xi32, #tpu.memory_space<vmem>>
          %dma_wait3A_142 = tpu.memref_squeeze %dma_wait3A_141 : memref<1x128xi32, #tpu.memory_space<vmem>> -> memref<128xi32, #tpu.memory_space<vmem>>
          %dma_wait3A_143 = arith.constant 0 : i32
          %dma_wait3A_144 = arith.constant 0 : i32
          %dma_wait3A_145 = tpu.memref_slice %arg15[%dma_wait3A_143, %dma_wait3A_144] : memref<10240x64xf32, #tpu.memory_space<vmem_shared>> -> memref<10240x64xf32, #tpu.memory_space<vmem_shared>>
          tpu.wait_indirect_dma semaphore(%arg14 : memref<!tpu.dma_semaphore, #tpu.memory_space<semaphore_mem>>) src(%dma_wait3A_139 : memref<128x64xf32, #tpu.memory_space<vmem>>) dst(%dma_wait3A_145 : memref<10240x64xf32, #tpu.memory_space<vmem_shared>>)
        } else {
        }
        %add3A_119 = arith.constant 1 : i32
        %add3A_120 = arith.addi %scan3A_78, %add3A_119 : i32
        %sub3A = arith.constant 1 : i32
        %sub3A_121 = arith.subi %sub3A, %select_n3A_87 : i32
        %dma_start3A_122 = arith.constant 0 : i32
        %dma_start3A_123 = arith.constant 0 : i32
        %dma_start3A_124 = tpu.memref_slice %arg12[%sub3A_121, %dma_start3A_122, %dma_start3A_123] : memref<2x128x64xf32, #tpu.memory_space<vmem>> -> memref<1x128x64xf32, #tpu.memory_space<vmem>>
        %dma_start3A_125 = tpu.memref_squeeze %dma_start3A_124 : memref<1x128x64xf32, #tpu.memory_space<vmem>> -> memref<128x64xf32, #tpu.memory_space<vmem>>
        %dma_start3A_126 = arith.constant 0 : i32
        %dma_start3A_127 = tpu.memref_slice %arg8[%add3A_120, %dma_start3A_126] : memref<158x128xi32, #tpu.memory_space<vmem>> -> memref<1x128xi32, #tpu.memory_space<vmem>>
        %dma_start3A_128 = tpu.memref_squeeze %dma_start3A_127 : memref<1x128xi32, #tpu.memory_space<vmem>> -> memref<128xi32, #tpu.memory_space<vmem>>
        %dma_start3A_129 = arith.constant 0 : i32
        %dma_start3A_130 = arith.constant 0 : i32
        %dma_start3A_131 = tpu.memref_slice %arg2[%dma_start3A_129, %dma_start3A_130] : memref<20000x64xf32, #tpu.memory_space<hbm>> -> memref<20000x64xf32, #tpu.memory_space<hbm>>
        tpu.enqueue_indirect_dma source(%dma_start3A_131 : memref<20000x64xf32, #tpu.memory_space<hbm>>) target(%dma_start3A_125 : memref<128x64xf32, #tpu.memory_space<vmem>>) offsets(%dma_start3A_128 : memref<128xi32, #tpu.memory_space<vmem>>) semaphore(%arg13 : memref<!tpu.dma_semaphore, #tpu.memory_space<semaphore_mem>>)
      } else {
      }
      %broadcast_in_dim3A = vector.broadcast %scan3A_78 : i32 to vector<16xi32>
      %parallel_loop3A = arith.constant 0 : i32
      %parallel_loop3A_103 = arith.constant 128 : i32
      %parallel_loop3A_104 = arith.constant 1 : i32
      scf.for %parallel_loop3A_115 = %parallel_loop3A to %parallel_loop3A_103 step %parallel_loop3A_104  : i32 {
        %parallel_loop3A_116 = vector.broadcast %parallel_loop3A_115 : i32 to vector<16xi32>
        %parallel_loop3A_117 = tpu.vector_load_idx %arg10[%broadcast_in_dim3A, %parallel_loop3A_116] : memref<158x128xf32, #tpu.memory_space<vmem>>[vector<16xi32>, vector<16xi32>], vector<16xf32>,
        %parallel_loop3A_118 = arith.index_cast %select_n3A_87 : i32 to index
        %parallel_loop3A_119 = arith.index_cast %parallel_loop3A_115 : i32 to index
        %parallel_loop3A_120 = arith.constant 0 : index
        %parallel_loop3A_121 = tpu.vector_load %arg12[%parallel_loop3A_118, %parallel_loop3A_119, %parallel_loop3A_120] {strides = array<i32>} : memref<2x128x64xf32, #tpu.memory_space<vmem>>, vector<16xf32>,
        %parallel_loop3A_122 = arith.mulf %parallel_loop3A_121, %parallel_loop3A_117 : vector<16xf32>
        %parallel_loop3A_123 = arith.index_cast %select_n3A_87 : i32 to index
        %parallel_loop3A_124 = arith.index_cast %parallel_loop3A_115 : i32 to index
        %parallel_loop3A_125 = arith.constant 0 : index
        %parallel_loop3A_126 = tpu.vector_load %arg12[%parallel_loop3A_123, %parallel_loop3A_124, %parallel_loop3A_125] {strides = array<i32>} : memref<2x128x64xf32, #tpu.memory_space<vmem>>, vector<16xf32>,
        tpu.vector_store %arg12[%parallel_loop3A_123, %parallel_loop3A_124, %parallel_loop3A_125], %parallel_loop3A_122 {strides = array<i32>} : memref<2x128x64xf32, #tpu.memory_space<vmem>>, vector<16xf32>,
        %parallel_loop3A_127 = arith.index_cast %select_n3A_87 : i32 to index
        %parallel_loop3A_128 = arith.index_cast %parallel_loop3A_115 : i32 to index
        %parallel_loop3A_129 = arith.constant 16 : index
        %parallel_loop3A_130 = tpu.vector_load %arg12[%parallel_loop3A_127, %parallel_loop3A_128, %parallel_loop3A_129] {strides = array<i32>} : memref<2x128x64xf32, #tpu.memory_space<vmem>>, vector<16xf32>,
        %parallel_loop3A_131 = arith.mulf %parallel_loop3A_130, %parallel_loop3A_117 : vector<16xf32>
        %parallel_loop3A_132 = arith.index_cast %select_n3A_87 : i32 to index
        %parallel_loop3A_133 = arith.index_cast %parallel_loop3A_115 : i32 to index
        %parallel_loop3A_134 = arith.constant 16 : index
        %parallel_loop3A_135 = tpu.vector_load %arg12[%parallel_loop3A_132, %parallel_loop3A_133, %parallel_loop3A_134] {strides = array<i32>} : memref<2x128x64xf32, #tpu.memory_space<vmem>>, vector<16xf32>,
        tpu.vector_store %arg12[%parallel_loop3A_132, %parallel_loop3A_133, %parallel_loop3A_134], %parallel_loop3A_131 {strides = array<i32>} : memref<2x128x64xf32, #tpu.memory_space<vmem>>, vector<16xf32>,
        %parallel_loop3A_136 = arith.index_cast %select_n3A_87 : i32 to index
        %parallel_loop3A_137 = arith.index_cast %parallel_loop3A_115 : i32 to index
        %parallel_loop3A_138 = arith.constant 32 : index
        %parallel_loop3A_139 = tpu.vector_load %arg12[%parallel_loop3A_136, %parallel_loop3A_137, %parallel_loop3A_138] {strides = array<i32>} : memref<2x128x64xf32, #tpu.memory_space<vmem>>, vector<16xf32>,
        %parallel_loop3A_140 = arith.mulf %parallel_loop3A_139, %parallel_loop3A_117 : vector<16xf32>
        %parallel_loop3A_141 = arith.index_cast %select_n3A_87 : i32 to index
        %parallel_loop3A_142 = arith.index_cast %parallel_loop3A_115 : i32 to index
        %parallel_loop3A_143 = arith.constant 32 : index
        %parallel_loop3A_144 = tpu.vector_load %arg12[%parallel_loop3A_141, %parallel_loop3A_142, %parallel_loop3A_143] {strides = array<i32>} : memref<2x128x64xf32, #tpu.memory_space<vmem>>, vector<16xf32>,
        tpu.vector_store %arg12[%parallel_loop3A_141, %parallel_loop3A_142, %parallel_loop3A_143], %parallel_loop3A_140 {strides = array<i32>} : memref<2x128x64xf32, #tpu.memory_space<vmem>>, vector<16xf32>,
        %parallel_loop3A_145 = arith.index_cast %select_n3A_87 : i32 to index
        %parallel_loop3A_146 = arith.index_cast %parallel_loop3A_115 : i32 to index
        %parallel_loop3A_147 = arith.constant 48 : index
        %parallel_loop3A_148 = tpu.vector_load %arg12[%parallel_loop3A_145, %parallel_loop3A_146, %parallel_loop3A_147] {strides = array<i32>} : memref<2x128x64xf32, #tpu.memory_space<vmem>>, vector<16xf32>,
        %parallel_loop3A_149 = arith.mulf %parallel_loop3A_148, %parallel_loop3A_117 : vector<16xf32>
        %parallel_loop3A_150 = arith.index_cast %select_n3A_87 : i32 to index
        %parallel_loop3A_151 = arith.index_cast %parallel_loop3A_115 : i32 to index
        %parallel_loop3A_152 = arith.constant 48 : index
        %parallel_loop3A_153 = tpu.vector_load %arg12[%parallel_loop3A_150, %parallel_loop3A_151, %parallel_loop3A_152] {strides = array<i32>} : memref<2x128x64xf32, #tpu.memory_space<vmem>>, vector<16xf32>,
        tpu.vector_store %arg12[%parallel_loop3A_150, %parallel_loop3A_151, %parallel_loop3A_152], %parallel_loop3A_149 {strides = array<i32>} : memref<2x128x64xf32, #tpu.memory_space<vmem>>, vector<16xf32>,
      } {sc.loop_unroll_factor = 8 : i64, sc.parallel_access}
      %dma_start3A_105 = arith.constant 0 : i32
      %dma_start3A_106 = arith.constant 0 : i32
      %dma_start3A_107 = tpu.memref_slice %arg12[%select_n3A_87, %dma_start3A_105, %dma_start3A_106] : memref<2x128x64xf32, #tpu.memory_space<vmem>> -> memref<1x128x64xf32, #tpu.memory_space<vmem>>
      %dma_start3A_108 = tpu.memref_squeeze %dma_start3A_107 : memref<1x128x64xf32, #tpu.memory_space<vmem>> -> memref<128x64xf32, #tpu.memory_space<vmem>>
      %dma_start3A_109 = arith.constant 0 : i32
      %dma_start3A_110 = tpu.memref_slice %arg9[%scan3A_78, %dma_start3A_109] : memref<158x128xi32, #tpu.memory_space<vmem>> -> memref<1x128xi32, #tpu.memory_space<vmem>>
      %dma_start3A_111 = tpu.memref_squeeze %dma_start3A_110 : memref<1x128xi32, #tpu.memory_space<vmem>> -> memref<128xi32, #tpu.memory_space<vmem>>
      %dma_start3A_112 = arith.constant 0 : i32
      %dma_start3A_113 = arith.constant 0 : i32
      %dma_start3A_114 = tpu.memref_slice %arg15[%dma_start3A_112, %dma_start3A_113] : memref<10240x64xf32, #tpu.memory_space<vmem_shared>> -> memref<10240x64xf32, #tpu.memory_space<vmem_shared>>
      tpu.enqueue_indirect_dma source(%dma_start3A_108 : memref<128x64xf32, #tpu.memory_space<vmem>>) target(%dma_start3A_114 : memref<10240x64xf32, #tpu.memory_space<vmem_shared>>) offsets(%dma_start3A_111 : memref<128xi32, #tpu.memory_space<vmem>>) semaphore(%arg14 : memref<!tpu.dma_semaphore, #tpu.memory_space<semaphore_mem>>) {add = true}
    }
    %scan3A_49 = arith.constant 158 : i32
    %dma_wait3A = arith.constant 0 : i32
    %dma_wait3A_50 = arith.constant 156 : i32
    %dma_wait3A_51 = arith.constant 0 : i32
    %dma_wait3A_52 = arith.constant 0 : i32
    %dma_wait3A_53 = tpu.memref_slice %arg12[%dma_wait3A, %dma_wait3A_51, %dma_wait3A_52] : memref<2x128x64xf32, #tpu.memory_space<vmem>> -> memref<1x128x64xf32, #tpu.memory_space<vmem>>
    %dma_wait3A_54 = tpu.memref_squeeze %dma_wait3A_53 : memref<1x128x64xf32, #tpu.memory_space<vmem>> -> memref<128x64xf32, #tpu.memory_space<vmem>>
    %dma_wait3A_55 = arith.constant 0 : i32
    %dma_wait3A_56 = tpu.memref_slice %arg9[%dma_wait3A_50, %dma_wait3A_55] : memref<158x128xi32, #tpu.memory_space<vmem>> -> memref<1x128xi32, #tpu.memory_space<vmem>>
    %dma_wait3A_57 = tpu.memref_squeeze %dma_wait3A_56 : memref<1x128xi32, #tpu.memory_space<vmem>> -> memref<128xi32, #tpu.memory_space<vmem>>
    %dma_wait3A_58 = arith.constant 0 : i32
    %dma_wait3A_59 = arith.constant 0 : i32
    %dma_wait3A_60 = tpu.memref_slice %arg15[%dma_wait3A_58, %dma_wait3A_59] : memref<10240x64xf32, #tpu.memory_space<vmem_shared>> -> memref<10240x64xf32, #tpu.memory_space<vmem_shared>>
    tpu.wait_indirect_dma semaphore(%arg14 : memref<!tpu.dma_semaphore, #tpu.memory_space<semaphore_mem>>) src(%dma_wait3A_54 : memref<128x64xf32, #tpu.memory_space<vmem>>) dst(%dma_wait3A_60 : memref<10240x64xf32, #tpu.memory_space<vmem_shared>>)
    %dma_wait3A_61 = arith.constant 1 : i32
    %dma_wait3A_62 = arith.constant 157 : i32
    %dma_wait3A_63 = arith.constant 0 : i32
    %dma_wait3A_64 = arith.constant 0 : i32
    %dma_wait3A_65 = tpu.memref_slice %arg12[%dma_wait3A_61, %dma_wait3A_63, %dma_wait3A_64] : memref<2x128x64xf32, #tpu.memory_space<vmem>> -> memref<1x128x64xf32, #tpu.memory_space<vmem>>
    %dma_wait3A_66 = tpu.memref_squeeze %dma_wait3A_65 : memref<1x128x64xf32, #tpu.memory_space<vmem>> -> memref<128x64xf32, #tpu.memory_space<vmem>>
    %dma_wait3A_67 = arith.constant 0 : i32
    %dma_wait3A_68 = tpu.memref_slice %arg9[%dma_wait3A_62, %dma_wait3A_67] : memref<158x128xi32, #tpu.memory_space<vmem>> -> memref<1x128xi32, #tpu.memory_space<vmem>>
    %dma_wait3A_69 = tpu.memref_squeeze %dma_wait3A_68 : memref<1x128xi32, #tpu.memory_space<vmem>> -> memref<128xi32, #tpu.memory_space<vmem>>
    %dma_wait3A_70 = arith.constant 0 : i32
    %dma_wait3A_71 = arith.constant 0 : i32
    %dma_wait3A_72 = tpu.memref_slice %arg15[%dma_wait3A_70, %dma_wait3A_71] : memref<10240x64xf32, #tpu.memory_space<vmem_shared>> -> memref<10240x64xf32, #tpu.memory_space<vmem_shared>>
    tpu.wait_indirect_dma semaphore(%arg14 : memref<!tpu.dma_semaphore, #tpu.memory_space<semaphore_mem>>) src(%dma_wait3A_66 : memref<128x64xf32, #tpu.memory_space<vmem>>) dst(%dma_wait3A_72 : memref<10240x64xf32, #tpu.memory_space<vmem_shared>>)
    %barrier3A_73 = arith.constant 0 : index
    tpu.barrier barrier_id(%barrier3A_73)
    %mul3A_74 = arith.constant 640 : i32
    %mul3A_75 = arith.muli %arg1, %mul3A_74 : i32
    %mul3A_76 = arith.constant 640 : i32
    %mul3A_77 = arith.muli %arg1, %mul3A_76 : i32
    "tpu.region"() ({
      %run_scoped3A_78 = tpu.sem_alloc : memref<!tpu.dma_semaphore, #tpu.memory_space<semaphore_mem>>
      %dma_start3A_79 = arith.constant 0 : i32
      %dma_start3A_80 = tpu.memref_slice %arg7[%arg0, %mul3A_77, %dma_start3A_79] : memref<2x10240x64xf32, #tpu.memory_space<hbm>> -> memref<1x640x64xf32, #tpu.memory_space<hbm>>
      %dma_start3A_81 = tpu.memref_squeeze %dma_start3A_80 : memref<1x640x64xf32, #tpu.memory_space<hbm>> -> memref<640x64xf32, #tpu.memory_space<hbm>>
      %dma_start3A_82 = arith.constant 0 : i32
      %dma_start3A_83 = tpu.memref_slice %arg15[%mul3A_75, %dma_start3A_82] : memref<10240x64xf32, #tpu.memory_space<vmem_shared>> -> memref<640x64xf32, #tpu.memory_space<vmem_shared>>
      tpu.enqueue_dma source(%dma_start3A_83 : memref<640x64xf32, #tpu.memory_space<vmem_shared>>) target(%dma_start3A_81 : memref<640x64xf32, #tpu.memory_space<hbm>>) target_semaphore(%run_scoped3A_78 : memref<!tpu.dma_semaphore, #tpu.memory_space<semaphore_mem>>)
      %dma_wait3A_84 = arith.constant 0 : i32
      %dma_wait3A_85 = tpu.memref_slice %arg7[%arg0, %mul3A_77, %dma_wait3A_84] : memref<2x10240x64xf32, #tpu.memory_space<hbm>> -> memref<1x640x64xf32, #tpu.memory_space<hbm>>
      %dma_wait3A_86 = tpu.memref_squeeze %dma_wait3A_85 : memref<1x640x64xf32, #tpu.memory_space<hbm>> -> memref<640x64xf32, #tpu.memory_space<hbm>>
      %dma_wait3A_87 = arith.constant 0 : i32
      %dma_wait3A_88 = tpu.memref_slice %arg15[%mul3A_75, %dma_wait3A_87] : memref<10240x64xf32, #tpu.memory_space<vmem_shared>> -> memref<640x64xf32, #tpu.memory_space<vmem_shared>>
      tpu.wait_dma2 semaphore(%run_scoped3A_78 : memref<!tpu.dma_semaphore, #tpu.memory_space<semaphore_mem>>) src(%dma_wait3A_88 : memref<640x64xf32, #tpu.memory_space<vmem_shared>>) dst(%dma_wait3A_86 : memref<640x64xf32, #tpu.memory_space<hbm>>)
      tpu.yield
    }) : () -> ()
    return
  }
}

module attributes {stable_mosaic.version = 14 : i64} {
  func.func @_tc2_body(%arg0: memref<32x2x10240xf32, #tpu.memory_space<vmem>>, %arg1: memref<10240xf32, #tpu.memory_space<vmem>>) attributes {dimension_semantics = [], scalar_prefetch = 0 : i64, scratch_operands = 0 : i64, tpu.core_type = #tpu.core_type<tc>} {
    %get3A = arith.constant 0 : index
    %get3A_0 = arith.constant 0 : index
    %get3A_1 = arith.constant 0 : index
    %get3A_2 = vector.load %arg0[%get3A, %get3A_0, %get3A_1] : memref<32x2x10240xf32, #tpu.memory_space<vmem>>, vector<32x1x10240xf32>
    %get3A_3 = vector.shape_cast %get3A_2 : vector<32x1x10240xf32> to vector<32x10240xf32>
    %get3A_4 = arith.constant 0 : index
    %get3A_5 = arith.constant 1 : index
    %get3A_6 = arith.constant 0 : index
    %get3A_7 = vector.load %arg0[%get3A_4, %get3A_5, %get3A_6] : memref<32x2x10240xf32, #tpu.memory_space<vmem>>, vector<32x1x10240xf32>
    %get3A_8 = vector.shape_cast %get3A_7 : vector<32x1x10240xf32> to vector<32x10240xf32>
    %reduce_max3A = arith.constant dense<0xFF800000> : vector<10240xf32>
    %reduce_max3A_9 = vector.multi_reduction <maximumf>, %get3A_3, %reduce_max3A [0] : vector<32x10240xf32> to vector<10240xf32>
    %broadcast_in_dim3A = vector.shape_cast %reduce_max3A_9 : vector<10240xf32> to vector<1x10240xf32>
    %sub3A = vector.broadcast %broadcast_in_dim3A : vector<1x10240xf32> to vector<32x10240xf32>
    %sub3A_10 = arith.subf %get3A_3, %sub3A : vector<32x10240xf32>
    %exp3A = math.exp %sub3A_10 : vector<32x10240xf32>
    %mul3A = arith.mulf %get3A_8, %exp3A : vector<32x10240xf32>
    %reduce_sum3A = arith.constant dense<0.000000e+00> : vector<10240xf32>
    %reduce_sum3A_11 = vector.multi_reduction <add>, %mul3A, %reduce_sum3A [0] : vector<32x10240xf32> to vector<10240xf32>
    %add3A = arith.constant 1.000000e-16 : f32
    %add3A_12 = vector.broadcast %add3A : f32 to vector<10240xf32>
    %add3A_13 = arith.addf %reduce_sum3A_11, %add3A_12 : vector<10240xf32>
    %log3A = math.log %add3A_13 : vector<10240xf32>
    %add3A_14 = arith.addf %reduce_max3A_9, %log3A : vector<10240xf32>
    %swap3A = arith.constant 0 : index
    %swap3A_15 = vector.load %arg1[%swap3A] : memref<10240xf32, #tpu.memory_space<vmem>>, vector<10240xf32>
    tpu.vector_store %arg1[%swap3A], %add3A_14 {strides = array<i32>} : memref<10240xf32, #tpu.memory_space<vmem>>, vector<10240xf32>,
    return
  }
}

module attributes {stable_mosaic.version = 14 : i64} {
  func.func @_tc1_body(%arg0: memref<10000x128xf32, #tpu.memory_space<vmem>>, %arg1: memref<2x128xf32, #tpu.memory_space<vmem>>, %arg2: memref<2500x128xf32, #tpu.memory_space<vmem>>, %arg3: memref<2x320000xi32, #tpu.memory_space<vmem>>, %arg4: memref<10240xf32, #tpu.memory_space<vmem>>, %arg5: memref<10240xf32, #tpu.memory_space<vmem>>, %arg6: memref<2528x128xf32, #tpu.memory_space<vmem>>, %arg7: memref<2528x128xi32, #tpu.memory_space<vmem>>, %arg8: memref<2528x128xi32, #tpu.memory_space<vmem>>) attributes {dimension_semantics = [], scalar_prefetch = 0 : i64, scratch_operands = 0 : i64, tpu.core_type = #tpu.core_type<tc>} {
    %get3A = arith.constant 0 : index
    %get3A_0 = arith.constant 0 : index
    %get3A_1 = vector.load %arg0[%get3A, %get3A_0] : memref<10000x128xf32, #tpu.memory_space<vmem>>, vector<10000x128xf32>
    %get3A_2 = arith.constant 0 : index
    %get3A_3 = arith.constant 0 : index
    %get3A_4 = vector.load %arg1[%get3A_2, %get3A_3] : memref<2x128xf32, #tpu.memory_space<vmem>>, vector<1x128xf32>
    %get3A_5 = vector.shape_cast %get3A_4 : vector<1x128xf32> to vector<128xf32>
    %broadcast_in_dim3A = vector.shape_cast %get3A_5 : vector<128xf32> to vector<1x128xf32>
    %mul3A = vector.broadcast %broadcast_in_dim3A : vector<1x128xf32> to vector<10000x128xf32>
    %mul3A_6 = arith.mulf %get3A_1, %mul3A : vector<10000x128xf32>
    %reduce_sum3A = arith.constant dense<0.000000e+00> : vector<10000xf32>
    %reduce_sum3A_7 = vector.multi_reduction <add>, %mul3A_6, %reduce_sum3A [1] : vector<10000x128xf32> to vector<10000xf32>
    %swap3A = arith.constant 0 : index
    %swap3A_8 = vector.load %arg4[%swap3A] : memref<10240xf32, #tpu.memory_space<vmem>>, vector<10000xf32>
    tpu.vector_store %arg4[%swap3A], %reduce_sum3A_7 {strides = array<i32>} : memref<10240xf32, #tpu.memory_space<vmem>>, vector<10000xf32>,
    %get3A_9 = arith.constant 1 : index
    %get3A_10 = arith.constant 0 : index
    %get3A_11 = vector.load %arg1[%get3A_9, %get3A_10] : memref<2x128xf32, #tpu.memory_space<vmem>>, vector<1x128xf32>
    %get3A_12 = vector.shape_cast %get3A_11 : vector<1x128xf32> to vector<128xf32>
    %broadcast_in_dim3A_13 = vector.shape_cast %get3A_12 : vector<128xf32> to vector<1x128xf32>
    %mul3A_14 = vector.broadcast %broadcast_in_dim3A_13 : vector<1x128xf32> to vector<10000x128xf32>
    %mul3A_15 = arith.mulf %get3A_1, %mul3A_14 : vector<10000x128xf32>
    %reduce_sum3A_16 = arith.constant dense<0.000000e+00> : vector<10000xf32>
    %reduce_sum3A_17 = vector.multi_reduction <add>, %mul3A_15, %reduce_sum3A_16 [1] : vector<10000x128xf32> to vector<10000xf32>
    %swap3A_18 = arith.constant 0 : index
    %swap3A_19 = vector.load %arg5[%swap3A_18] : memref<10240xf32, #tpu.memory_space<vmem>>, vector<10000xf32>
    tpu.vector_store %arg5[%swap3A_18], %reduce_sum3A_17 {strides = array<i32>} : memref<10240xf32, #tpu.memory_space<vmem>>, vector<10000xf32>,
    %broadcast_in_dim3A_20 = arith.constant 0.000000e+00 : f32
    %broadcast_in_dim3A_21 = vector.broadcast %broadcast_in_dim3A_20 : f32 to vector<240xf32>
    %swap3A_22 = arith.constant 10000 : index
    %swap3A_23 = vector.load %arg4[%swap3A_22] : memref<10240xf32, #tpu.memory_space<vmem>>, vector<240xf32>
    tpu.vector_store %arg4[%swap3A_22], %broadcast_in_dim3A_21 {strides = array<i32>} : memref<10240xf32, #tpu.memory_space<vmem>>, vector<240xf32>,
    %swap3A_24 = arith.constant 10000 : index
    %swap3A_25 = vector.load %arg5[%swap3A_24] : memref<10240xf32, #tpu.memory_space<vmem>>, vector<240xf32>
    tpu.vector_store %arg5[%swap3A_24], %broadcast_in_dim3A_21 {strides = array<i32>} : memref<10240xf32, #tpu.memory_space<vmem>>, vector<240xf32>,
    %get3A_26 = arith.constant 0 : index
    %get3A_27 = arith.constant 0 : index
    %get3A_28 = vector.load %arg2[%get3A_26, %get3A_27] : memref<2500x128xf32, #tpu.memory_space<vmem>>, vector<2500x128xf32>
    %add3A = arith.constant 9.99999968E-21 : f32
    %add3A_29 = vector.broadcast %add3A : f32 to vector<2500x128xf32>
    %add3A_30 = arith.addf %get3A_28, %add3A_29 : vector<2500x128xf32>
    %log3A = math.log %add3A_30 : vector<2500x128xf32>
    %neg3A = arith.constant 0.000000e+00 : f32
    %neg3A_31 = vector.broadcast %neg3A : f32 to vector<2500x128xf32>
    %neg3A_32 = arith.subf %neg3A_31, %log3A : vector<2500x128xf32>
    %add3A_33 = arith.constant 9.99999968E-21 : f32
    %add3A_34 = vector.broadcast %add3A_33 : f32 to vector<2500x128xf32>
    %add3A_35 = arith.addf %neg3A_32, %add3A_34 : vector<2500x128xf32>
    %log3A_36 = math.log %add3A_35 : vector<2500x128xf32>
    %neg3A_37 = arith.constant 0.000000e+00 : f32
    %neg3A_38 = vector.broadcast %neg3A_37 : f32 to vector<2500x128xf32>
    %neg3A_39 = arith.subf %neg3A_38, %log3A_36 : vector<2500x128xf32>
    %swap3A_40 = arith.constant 0 : index
    %swap3A_41 = arith.constant 0 : index
    %swap3A_42 = vector.load %arg6[%swap3A_40, %swap3A_41] : memref<2528x128xf32, #tpu.memory_space<vmem>>, vector<2500x128xf32>
    tpu.vector_store %arg6[%swap3A_40, %swap3A_41], %neg3A_39 {strides = array<i32>} : memref<2528x128xf32, #tpu.memory_space<vmem>>, vector<2500x128xf32>,
    %broadcast_in_dim3A_43 = arith.constant 0.366512924 : f32
    %broadcast_in_dim3A_44 = vector.broadcast %broadcast_in_dim3A_43 : f32 to vector<28x128xf32>
    %swap3A_45 = arith.constant 2500 : index
    %swap3A_46 = arith.constant 0 : index
    %swap3A_47 = vector.load %arg6[%swap3A_45, %swap3A_46] : memref<2528x128xf32, #tpu.memory_space<vmem>>, vector<28x128xf32>
    tpu.vector_store %arg6[%swap3A_45, %swap3A_46], %broadcast_in_dim3A_44 {strides = array<i32>} : memref<2528x128xf32, #tpu.memory_space<vmem>>, vector<28x128xf32>,
    %get3A_48 = arith.constant 0 : index
    %get3A_49 = arith.constant 0 : index
    %get3A_50 = vector.load %arg3[%get3A_48, %get3A_49] : memref<2x320000xi32, #tpu.memory_space<vmem>>, vector<1x320000xi32>
    %get3A_51 = vector.shape_cast %get3A_50 : vector<1x320000xi32> to vector<320000xi32>
    %reshape3A = vector.shape_cast %get3A_51 : vector<320000xi32> to vector<2500x128xi32>
    %swap3A_52 = arith.constant 0 : index
    %swap3A_53 = arith.constant 0 : index
    %swap3A_54 = vector.load %arg7[%swap3A_52, %swap3A_53] : memref<2528x128xi32, #tpu.memory_space<vmem>>, vector<2500x128xi32>
    tpu.vector_store %arg7[%swap3A_52, %swap3A_53], %reshape3A {strides = array<i32>} : memref<2528x128xi32, #tpu.memory_space<vmem>>, vector<2500x128xi32>,
    %get3A_55 = arith.constant 1 : index
    %get3A_56 = arith.constant 0 : index
    %get3A_57 = vector.load %arg3[%get3A_55, %get3A_56] : memref<2x320000xi32, #tpu.memory_space<vmem>>, vector<1x320000xi32>
    %get3A_58 = vector.shape_cast %get3A_57 : vector<1x320000xi32> to vector<320000xi32>
    %reshape3A_59 = vector.shape_cast %get3A_58 : vector<320000xi32> to vector<2500x128xi32>
    %swap3A_60 = arith.constant 0 : index
    %swap3A_61 = arith.constant 0 : index
    %swap3A_62 = vector.load %arg8[%swap3A_60, %swap3A_61] : memref<2528x128xi32, #tpu.memory_space<vmem>>, vector<2500x128xi32>
    tpu.vector_store %arg8[%swap3A_60, %swap3A_61], %reshape3A_59 {strides = array<i32>} : memref<2528x128xi32, #tpu.memory_space<vmem>>, vector<2500x128xi32>,
    %iota3A = tpu.iota {dimensions = array<i32: 0>} : vector<28x128xi32>
    %mul3A_63 = arith.constant 128 : i32
    %mul3A_64 = vector.broadcast %mul3A_63 : i32 to vector<28x128xi32>
    %mul3A_65 = arith.muli %iota3A, %mul3A_64 : vector<28x128xi32>
    %iota3A_66 = tpu.iota {dimensions = array<i32: 1>} : vector<28x128xi32>
    %add3A_67 = arith.addi %mul3A_65, %iota3A_66 : vector<28x128xi32>
    %jit3A = arith.constant 240 : i32
    %eq3A = arith.constant 0 : i32
    %eq3A_68 = arith.cmpi eq, %jit3A, %eq3A : i32
    %jit3A_69 = arith.constant 1 : i32
    %select_n3A = arith.select %eq3A_68, %jit3A_69, %jit3A : i32
    %rem3A = vector.broadcast %select_n3A : i32 to vector<28x128xi32>
    %rem3A_70 = arith.remsi %add3A_67, %rem3A : vector<28x128xi32>
    %ne3A = arith.constant 0 : i32
    %ne3A_71 = vector.broadcast %ne3A : i32 to vector<28x128xi32>
    %ne3A_72 = arith.cmpi ne, %rem3A_70, %ne3A_71 : vector<28x128xi32>
    %lt3A = arith.constant 0 : i32
    %lt3A_73 = vector.broadcast %lt3A : i32 to vector<28x128xi32>
    %lt3A_74 = arith.cmpi slt, %rem3A_70, %lt3A_73 : vector<28x128xi32>
    %lt3A_75 = arith.constant 0 : i32
    %lt3A_76 = arith.cmpi slt, %select_n3A, %lt3A_75 : i32
    %ne3A_77 = vector.broadcast %lt3A_76 : i1 to vector<28x128xi1>
    %ne3A_78 = vector.broadcast %ne3A_77 : vector<28x128xi1> to vector<28x128xi1>
    %ne3A_79 = arith.xori %lt3A_74, %ne3A_78 : vector<28x128xi1>
    %and3A = arith.andi %ne3A_79, %ne3A_72 : vector<28x128xi1>
    %add3A_80 = vector.broadcast %select_n3A : i32 to vector<28x128xi32>
    %add3A_81 = arith.addi %rem3A_70, %add3A_80 : vector<28x128xi32>
    %select_n3A_82 = arith.select %and3A, %add3A_81, %rem3A_70 : vector<28x128xi1>, vector<28x128xi32>
    %add3A_83 = arith.constant 10000 : i32
    %add3A_84 = vector.broadcast %add3A_83 : i32 to vector<28x128xi32>
    %add3A_85 = arith.addi %add3A_84, %select_n3A_82 : vector<28x128xi32>
    %swap3A_86 = arith.constant 2500 : index
    %swap3A_87 = arith.constant 0 : index
    %swap3A_88 = vector.load %arg7[%swap3A_86, %swap3A_87] : memref<2528x128xi32, #tpu.memory_space<vmem>>, vector<28x128xi32>
    tpu.vector_store %arg7[%swap3A_86, %swap3A_87], %add3A_85 {strides = array<i32>} : memref<2528x128xi32, #tpu.memory_space<vmem>>, vector<28x128xi32>,
    %swap3A_89 = arith.constant 2500 : index
    %swap3A_90 = arith.constant 0 : index
    %swap3A_91 = vector.load %arg8[%swap3A_89, %swap3A_90] : memref<2528x128xi32, #tpu.memory_space<vmem>>, vector<28x128xi32>
    tpu.vector_store %arg8[%swap3A_89, %swap3A_90], %add3A_85 {strides = array<i32>} : memref<2528x128xi32, #tpu.memory_space<vmem>>, vector<28x128xi32>,
    return
  }
}

</mosaic_0001>

<sc_bundles>
// kernel: kernel.6.cloned.1.call-start
scs
__scs_entry_jumppad:
0x0: {  	(pc) =	sbr.rel $0x88, $3  }
0x1: {  	(tag) =	ssettag $0x0;
	lr =	simm.s32 $0x1  }
0x2: {  	[smem:$0x3F9D] =	sst lr;
	_ =	strace $0xD0000000  }
0x3: {  	_ = 	snop  }
0x4: {  	_ = 	snop  }
0x5: {  	_ = 	snop  }
0x6: {  	_ = 	snop  }
0x7: {  	_ = 	snop  }
__scs_overlays_trampoline_lowered:
0x8: {  	[smem:$0x3FAC] =	sst s0  }
0x9: {  	[smem:$0x3FAD] =	sst s1  }
0xa: {  	[smem:$0x3FAE] =	sst s2  }
0xb: {  	[smem:$0x3FAF] =	sst s3  }
0xc: {  	[smem:$0x3FB0] =	sst s4  }
0xd: {  	[smem:$0x3FB1] =	sst s5  }
0xe: {  	[smem:$0x3FB2] =	sst s6  }
0xf: {  	[smem:$0x3FB3] =	sst s7  }
0x10: {  	[smem:$0x3FB4] =	sst s8  }
0x11: {  	[smem:$0x3FB5] =	sst s9;
	s0 =	simm.s32 @!p0 $0x0  }
0x12: {  	s1 =	sld [smem:$0x3F9B];
	s0 =	simm.s32 @p0 $0x1  }
0x13: {  	[smem:$0x3FB6] =	sst s0;
	s0 =	simm.s32 @!p1 $0x0  }
0x14: {  	s2 =	sld [smem:$0x3F9A];
	s0 =	simm.s32 @p1 $0x1  }
0x15: {  	[smem:$0x3FB7] =	sst s0;
	s0 =	simm.s32 @!p2 $0x0  }
0x16: {  	s3 =	sld [smem:$0x3FDB];
	s0 =	simm.s32 @p2 $0x1  }
0x17: {  	s4 =	simm.s32 $0x1BF5;
	[smem:$0x3FB9] =	sst s0  }
0x18: {  	s0 =	sld [smem:$0x3F9C];
	_ =	swait.ge [sflag:s4], $0x0  }
0x19: {  	s7 =	sld [smem:$0x3F9D]  }
0x1a: {  	s8 =	sadd.s32 $0xFFFFE003, lr  }
0x1b: {  	s9 =	sadd.s32 $0xFFFFFEF7, lr;
	s5 =	simm.s32 $0xFFFFFFFF;
	p2 =	slt.u32 s8, $0xFFFFF086  }
0x1c: {  	p1 =	slt.u32 s9, $0xF7A;
	s5 =	simm.s32 @!p2 $0x0  }
0x1d: {  	s5 =	simm.s32 @p1 $0x1;
	p0 =	seq.s32 s7, s2  }
0x1e: {  	s7 =	smul.u32 @!p0 $0xF7A, s2;
	p2 =	seq.s32 @!p0 s5, $0x0  }
0x1f: {  	s9 =	smul.u32 $0xF7A, s1;
	s8 =	simm.s32 @!p0 $0x1BF5;
	p2 =	por !p2, p0  }
0x20: {  	[sflag:s8] =	ssyncset.s32 @!p0 $0xFFFFF086;
	s6 =	sadd.s32 @!p0 s3, s7;
	s7 =	simm.s32 @!p0 $0x108  }
0x21: {  	s3 =	sadd.s32 s3, s9;
	s6 =	sadd.s32 @!p0 $0x88, s6;
	s7 =	simm.s32 @p2 $0x1082  }
0x22: {  	[simem:s7], [sflag:s8] =	dma.local @!p0 [hbm:s6], $0xF7A  }
0x23: {  	s9 =	sor.u32 $0xD0000000, s2;
	s6 =	simm.s32 $0x108;
	_ =	swait.ge @!p0 [sflag:s8], $0x0  }
0x24: {  	s3 =	sadd.s32 $0x88, s3;
	s6 =	simm.s32 @!p1 $0x1082;
	[sflag:s4] =	ssyncset.s32 $0xFFFFF086  }
0x25: {  	[simem:s6], [sflag:s4] =	dma.local [hbm:s3], $0xF7A  }
0x26: {  	[smem:$0x3F9D] =	sst s1;
	(tag) =	ssettag s2;
	_ =	strace s9  }
0x27: {  	s1 =	sld [smem:$0x3FAD]  }
0x28: {  	s2 =	sld [smem:$0x3FAE]  }
0x29: {  	s4 =	sld [smem:$0x3FB0]  }
0x2a: {  	p0 =	seq.s32 s5, $0x0;
	s5 =	sld [smem:$0x3FB1]  }
0x2b: {  	s6 =	sld [smem:$0x3FB2]  }
0x2c: {  	s7 =	sld [smem:$0x3FB3]  }
0x2d: {  	s3 =	simm.s32 $0x108;
	s8 =	sld [smem:$0x3FB4]  }
0x2e: {  	s3 =	simm.s32 @!p0 $0x1082;
	s9 =	sld [smem:$0x3FB5]  }
0x2f: {  	lr =	sadd.s32 s0, s3;
	s0 =	sld [smem:$0x3FAC]  }
0x30: {  	s3 =	sld [smem:$0x3FAF]  }
0x31: {  	[smem:$0x3FB8] =	sst s10  }
0x32: {  	s10 =	sld [smem:$0x3FB6];
	_ =	sdelay $0x3  }
0x33: {  	p0 =	seq.s32 s10, $0x1;
	s10 =	sld [smem:$0x3FB8];
	_ =	sdelay $0x3  }
0x34: {  	[smem:$0x3FB8] =	sst s10  }
0x35: {  	s10 =	sld [smem:$0x3FB7];
	_ =	sdelay $0x3  }
0x36: {  	p1 =	seq.s32 s10, $0x1;
	s10 =	sld [smem:$0x3FB8];
	_ =	sdelay $0x3  }
0x37: {  	[smem:$0x3FB8] =	sst s10  }
0x38: {  	s10 =	sld [smem:$0x3FB9]  }
0x39: {  	_ = 	snop;
	(pc) =	sbr.ind lr, $3  }
0x3a: {  	_ = 	snop  }
0x3b: {  	_ = 	snop  }
0x3c: {  	p2 =	seq.s32 s10, $0x1;
	s10 =	sld [smem:$0x3FB8]  }
0x3d: {  	_ =	shalt  }
0x3e: {  	_ =	shalt  }
0x3f: {  	_ =	shalt  }
0x40: {  	_ =	shalt  }
0x41: {  	_ =	shalt  }
0x42: {  	_ =	shalt  }
0x43: {  	_ =	shalt  }
0x44: {  	_ =	shalt  }
0x45: {  	_ =	shalt  }
0x46: {  	_ =	shalt  }
0x47: {  	_ =	shalt  }
0x48: {  	_ =	shalt  }
0x49: {  	_ =	shalt  }
0x4a: {  	_ =	shalt  }
0x4b: {  	_ =	shalt  }
0x4c: {  	_ =	shalt  }
0x4d: {  	_ =	shalt  }
0x4e: {  	_ =	shalt  }
0x4f: {  	_ =	shalt  }
0x50: {  	_ =	shalt  }
0x51: {  	_ =	shalt  }
0x52: {  	_ =	shalt  }
0x53: {  	_ =	shalt  }
0x54: {  	_ =	shalt  }
0x55: {  	_ =	shalt  }
0x56: {  	_ =	shalt  }
0x57: {  	_ =	shalt  }
0x58: {  	_ =	shalt  }
0x59: {  	_ =	shalt  }
0x5a: {  	_ =	shalt  }
0x5b: {  	_ =	shalt  }
0x5c: {  	_ =	shalt  }
0x5d: {  	_ =	shalt  }
0x5e: {  	_ =	shalt  }
0x5f: {  	_ =	shalt  }
0x60: {  	_ =	shalt  }
0x61: {  	_ =	shalt  }
0x62: {  	_ =	shalt  }
0x63: {  	_ =	shalt  }
0x64: {  	_ =	shalt  }
0x65: {  	_ =	shalt  }
0x66: {  	_ =	shalt  }
0x67: {  	_ =	shalt  }
0x68: {  	_ =	shalt  }
0x69: {  	_ =	shalt  }
0x6a: {  	_ =	shalt  }
0x6b: {  	_ =	shalt  }
0x6c: {  	_ =	shalt  }
0x6d: {  	_ =	shalt  }
0x6e: {  	_ =	shalt  }
0x6f: {  	_ =	shalt  }
0x70: {  	_ =	shalt  }
0x71: {  	_ =	shalt  }
0x72: {  	_ =	shalt  }
0x73: {  	_ =	shalt  }
0x74: {  	_ =	shalt  }
0x75: {  	_ =	shalt  }
0x76: {  	_ =	shalt  }
0x77: {  	_ =	shalt  }
0x78: {  	_ =	shalt  }
0x79: {  	_ =	shalt  }
0x7a: {  	_ =	shalt  }
0x7b: {  	_ =	shalt  }
0x7c: {  	_ =	shalt  }
0x7d: {  	_ =	shalt  }
0x7e: {  	_ =	shalt  }
0x7f: {  	_ =	shalt  }
0x80: {  	_ =	shalt  }
0x81: {  	_ =	shalt  }
0x82: {  	_ =	shalt  }
0x83: {  	_ =	shalt  }
0x84: {  	_ =	shalt  }
0x85: {  	_ =	shalt  }
0x86: {  	_ =	shalt  }
0x87: {  	_ =	shalt  }
.Lfunc_end0:
.L_simem_size_0:
called_computation_lowered:
.L_overlay_start_0:
0x88: {  	s2 =	sld [smem:$0x3FD9]  }
0x89: {  	s3 =	sld [smem:$0x3FFE];
	_ =	sdelay $0x1  }
0x8a: {  	s1 =	srdreg.scid  }
0x8b: {  	s0 =	sand.u32 $0x1, s1  }
0x8c: {  	s14 =	sshll.u32 s0, $0xA;
	s2 =	sadd.s32 s3, s2  }
0x8d: {  	s2 =	sadd.s32 s2, s14  }
0x8e: {  	[smem:$0x3FC4] =	sst s2  }
0x8f: {  	_ = 	snop  }
0x90: {  	s2 =	sld [smem:$0x3FD0];
	_ =	sdelay $0x2  }
0x91: {  	s15 =	simm.s32 $0xA;
	s4 =	simm.s32 $0x10  }
0x92: {  	[smem:s4], [sflag:s15] =	dma.local [hbm:s2], $0x1  }
0x93: {  	_ =	swait.eq [sflag:s15], $0x1  }
0x94: {  	s16 =	sld [smem:$0x10]  }
0x95: {  	s17 =	sld [smem:$0x11];
	[sflag:s15] =	ssyncset.done $0x0  }
0x96: {  	s5 =	sld [smem:$0x13];
	[sflag:s15] =	ssyncadd.s32 $0xFFFFFFFF  }
0x97: {  	s18 =	sld [smem:$0x14];
	(tm) =	ssettm $0x1  }
0x98: {  	s6 =	sld [smem:$0x3FFB];
	_ =	sdelay $0x3  }
0x99: {  	_ =	strace s6  }
0x9a: {  	s6 =	sld [smem:$0x3FFC];
	_ =	sdelay $0x3  }
0x9b: {  	_ =	strace s6  }
0x9c: {  	s6 =	sld [smem:$0x3FFD];
	_ =	sdelay $0x3  }
0x9d: {  	_ =	strace s6  }
0x9e: {  	_ =	strace $0x8FFFFFFF  }
0x9f: {  	s19 =	sld [smem:$0x3FDB];
	_ =	sdelay $0x1  }
0xa0: {  	s7 =	simm.s32 $_scs_section_size  }
0xa1: {  	s8 =	simm.s32 $_size__tile_overlayer_lowered;
	s9 =	simm.s32 $_tile_overlayer_lowered  }
0xa2: {  	s22 =	simm.s32 $0x1BFF;
	s21 =	sshll.u32 s9, $0x1;
	s6 =	sadd.s32 s7, s19  }
0xa3: {  	s10 =	simm.s32 $0x0;
	s20 =	sshll.u32 s8, $0x1;
	s8 =	sadd.s32 s21, s6  }
0xa4: {  	[timem:s10], [sflag:s22] =	dma.local [hbm:s8], s20  }
0xa5: {  	_ =	swait.ge [sflag:s22], s20  }
0xa6: {  	s7 =	ssub.s32 $0x0, s20;
	[sflag:s22] =	ssyncset.done $0x0  }
0xa7: {  	[sflag:s22] =	ssyncadd.s32 s7;
	_ =	sdelay $0x1  }
0xa8: {  	s23 =	simm.s32 $0x1B8B  }
0xa9: {  	_ =	swait.ge [sflag:s23], $0x1  }
0xaa: {  	[sflag:s23] =	ssyncset.done $0x0  }
0xab: {  	s25 =	simm.s32 $0x1B8E;
	s24 =	sld [smem:$0x3FFE];
	[sflag:s23] =	ssyncadd.s32 $0xFFFFFFFF  }
0xac: {  	s26 =	simm.s32 $execute0_lowered;
	[smem:$0x3FD2] =	sst s25  }
0xad: {  	s8 =	sshll.u32 s26, $0x1;
	_ =	strace $0x80000046;
	[dreg:$0x1] =	wrdreg $0xFFFFFFFF  }
0xae: {  	s28 =	simm.s32 $_size_execute0_lowered;
	s6 =	sadd.s32 s6, s8;
	[dreg:$0x0] =	wrdreg $0x0  }
0xaf: {  	s8 =	sshll.u32 s28, $0x1;
	[dreg:$0x2] =	wrdreg s6  }
0xb0: {  	[dreg:$0x3] =	wrdreg s8  }
0xb1: {  	[dreg:$0x4] =	wrdreg $0xC0  }
0xb2: {  	_ =	task [dreg:s10], $0x5FFFF  }
0xb3: {  	[dreg:$0x1] =	wrdreg $0xFFFFFFFF  }
0xb4: {  	[dreg:$0x0] =	wrdreg $0x60  }
0xb5: {  	[dreg:$0x2] =	wrdreg s17  }
0xb6: {  	[dreg:$0x3] =	wrdreg s24  }
0xb7: {  	[dreg:$0x4] =	wrdreg s18  }
0xb8: {  	[dreg:$0x5] =	wrdreg s5  }
0xb9: {  	[dreg:$0x6] =	wrdreg s16  }
0xba: {  	[dreg:$0x7] =	wrdreg $0x9  }
0xbb: {  	_ =	task.clear_ibuf [dreg:s10], $0x8FFFF;
	_ =	strace $0x90000046  }
0xbc: {  	s29 =	simm.s32 $0x9;
	_ =	strace $0x80000048  }
0xbd: {  	_ =	swait.ge [sflag:s29], $0x1  }
0xbe: {  	[sflag:s29] =	ssyncadd.s32 $0xFFFFFFFF  }
0xbf: {  	_ =	strace $0x90000048  }
0xc0: {  	_ =	sfence  }
0xc1: {  	s30 =	sld [smem:$0x0];
	_ =	sdelay $0x2  }
0xc2: {  	s31 =	sshll.u32 s1, $0xD;
	s1 =	sshrl.u32 s1, $0x2  }
0xc3: {  	s3 =	sand.u32 $0x4000, s31;
	s1 =	sadd.s32 s1, s30  }
0xc4: {  	s0 =	sor.u32 s3, s0;
	s1 =	sshll.u32 s1, $0x11  }
0xc5: {  	s0 =	sor.u32 s1, s0  }
0xc6: {  	s0 =	sadd.s32 $0x8F2B, s0  }
0xc7: {  	[sflag:s0] =	ssyncadd.remote.s32 $0x1  }
0xc8: {  	_ =	sfence.sel $0xFFFF  }
0xc9: {  	[dreg:$0x0] =	wrdreg $0xFFFFFFFF;
	(pc) =	sbr.abs _section_cstart, $3  }
0xca: {  	[dreg:$0x1] =	wrdreg $0xFFFFFFFF  }
0xcb: {  	_ =	task.clear_ibuf [dreg:s10], $0x2FFFF;
	_ =	strace $0x9FFFFFFF  }
0xcc: {  	(tm) =	ssettm $0x7FFFFFFF  }
0xcd: {  	_ =	shalt  }
tec
execute0_lowered:
.L_overlay_start_1:
0x0: {  	(tag) =	ssettag $0x1  }
0x1: {  	s5 =	rddreg [dreg:$0x0]  }
0x2: {  	s6 =	rddreg [dreg:$0x1]  }
0x3: {  	s1 =	rddreg [dreg:$0x2];
	s2 =	srdreg.scid  }
0x4: {  	s0 =	stileid.u32;
	s3 =	rddreg [dreg:$0x3]  }
0x5: {  	s8 =	rddreg [dreg:$0x4];
	s4 =	simm.s32 $0x0;
	s13 =	simm.s32 $0x2780  }
0x6: {  	s14 =	simm.s32 $0x4F00;
	s15 =	simm.s32 $0xC680;
	s16 =	simm.s32 $0xEE80  }
0x7: {  	s17 =	simm.s32 $0x7680;
	s7 =	sand.u32 $0x1, s2;
	s30 =	sshll.u32 s0, $0x1  }
0x8: {  	s18 =	simm.s32 $0x9E80;
	s19 =	simm.s32 $0x0;
	s9 =	sor.u32 s7, s30  }
0x9: {  	s2 =	rddreg [dreg:$0x5];
	s7 =	ssub.s32 $0x2, s7;
	s10 =	smul.u32 $0x4F0, s9  }
0xa: {  	[smem:$0x7FF] =	sst s4;
	s9 =	smul.u32 $0x5000, s9;
	s11 =	sshrl.u32 s7, $0x1  }
0xb: {  	_ =	strace $0x80000047;
	s11 =	ssub.s32 s7, s11;
	s12 =	sadd.s32 s10, s6  }
0xc: {  	s31 =	sshrl.u32 s9, $0x3;
	s5 =	sadd.s32 s5, s10;
	s11 =	smax.u32 s11, $0x1  }
0xd: {  	s6 =	sadd.s32 $0x2200, s12;
	s7 =	sadd.s32 s8, s31;
	s8 =	sadd.s32 $0xC000, s12  }
0xe: {  	v0 =	vimm.f32 $-1.000000020e+30;
	v1 =	vimm.f32 $0.0e+00;
	v2 =	vimm.s32 $0xFFFFFFFF;
	s9 =	sadd.s32 $0x15E00, s12;
	s12 =	simm.s32 $0x1;
	s10 =	sadd.s32 $0x500, s7  }
.LBB2_1:
0xf: {  	[tilespmem:s4], [sflag:$0x1] =	stream.linear.gather [hbm4b:s5+s4], $0x2780, $0x38;
	[tilespmem:$0x116C0] =	vst v63  }
0x10: {  	_ =	swait.ge [sflag:s12], $0x2780  }
0x11: {  	[sflag:s12] =	ssyncset.done $0x0  }
0x12: {  	[sflag:s12] =	ssyncadd.s32 $0xFFFFD880  }
0x13: {  	[tilespmem:s13], [sflag:$0x1] =	stream.linear.gather [hbm4b:s6+s4], $0x2780, $0x38;
	[tilespmem:$0x116C0] =	vst v63  }
0x14: {  	_ =	swait.ge [sflag:s12], $0x2780  }
0x15: {  	[sflag:s12] =	ssyncset.done $0x0  }
0x16: {  	[sflag:s12] =	ssyncadd.s32 $0xFFFFD880  }
0x17: {  	[tilespmem:s14], [sflag:$0x1] =	stream.linear.gather [hbm4b:s8+s4], $0x2780, $0x38;
	[tilespmem:$0x116C0] =	vst v63  }
0x18: {  	_ =	swait.ge [sflag:s12], $0x2780  }
0x19: {  	[sflag:s12] =	ssyncset.done $0x0  }
0x1a: {  	[sflag:s12] =	ssyncadd.s32 $0xFFFFD880  }
0x1b: {  	[tilespmem:s15], [sflag:$0x1] =	stream.linear.gather [hbm4b:s1+s4], $0x2800, $0x38;
	[tilespmem:$0x116C0] =	vst v63  }
0x1c: {  	_ =	swait.ge [sflag:s12], $0x2800  }
0x1d: {  	[sflag:s12] =	ssyncset.done $0x0  }
0x1e: {  	[sflag:s12] =	ssyncadd.s32 $0xFFFFD800  }
0x1f: {  	[tilespmem:s16], [sflag:$0x1] =	stream.linear.gather [hbm4b:s3+s4], $0x2800, $0x38;
	[tilespmem:$0x116C0] =	vst v63  }
0x20: {  	_ =	swait.ge [sflag:s12], $0x2800  }
0x21: {  	[sflag:s12] =	ssyncset.done $0x0  }
0x22: {  	s20 =	simm.s32 $0x40;
	s21 =	simm.s32 $0x0;
	[sflag:s12] =	ssyncadd.s32 $0xFFFFD800  }
.LBB2_2:
0x23: {  	p0 =	sne.s32 s20, $0x9FC0;
	[tilespmem:s21+$0x7680] =	vst v0;
	s22 =	smov.u32 s20;
	s20 =	sadd.s32 $0x40, s20  }
.Ltmp0:
0x24: {  	[tilespmem:s21+$0x9E80] =	vst v1;
	(pc) =	sbr.rel @p0 .LBB2_2-.Ltmp0, $2  }
0x25: {  	_ =	sdelay $0x2  }
0x26: {  	s21 =	sshra.s32 s22, $0x2  }
0x27: {  	[tilespmem:s21+$0x7680] =	vst v0  }
0x28: {  	[tilespmem:s21+$0x9E80] =	vst v1  }
0x29: {  	[tilespmem:$0x11680] =	vst v2  }
0x2a: {  	s20 =	simm.s32 $0x0;
	[tilespmem:$0x116A0] =	vst v0  }
.LBB2_4:
0x2b: {  	s21 =	sshra.s32 s20, $0x2  }
0x2c: {  	v3 =	vld [tilespmem:s21+$0x0]  }
0x2d: {  	v4 =	vld [tilespmem:s21+$0x2780];
	_ =	sdelay $0x6  }
0x2e: {  	v5 =	vld.idx.msk [tilespmem:v3+s15+$0x0], $0xffff  }
0x2f: {  	v4 =	vld.idx.msk [tilespmem:v4+s16+$0x0], $0xffff;
	_ =	sdelay $0x1  }
0x30: {  	v6 =	vld [tilespmem:s21+$0x4F00];
	_ =	sdelay $0x2  }
0x31: {  	v4 =	vadd.f32 v4, v5;
	_ =	sdelay $0x1  }
0x32: {  	v4 =	vadd.f32 v4, v6;
	_ =	sdelay $0x1  }
0x33: {  	v4 =	vmul.f32 $1.000000000e+01, v4  }
0x34: {  	v3 =	vxor.u32 $0x80000000, v3  }
0x35: {  	(xrf1) =	vsort.ascd.msk.u32 $0xffff, v3, v4;
	_ =	sdelay $0xd  }
0x36: {  	[tilespmem:s21+$0x4F00] =	vst v4;
	v3, v57, _ =	vpop (xrf1)  }
0x37: {  	v3 =	vxor.u32 $0x80000000, v3;
	[tilespmem:$0x116B0] =	vst v57  }
0x38: {  	[tilespmem:$0x11690] =	vst v3;
	v58 =	vld [tilespmem:$0x116AF]  }
0x39: {  	v4 =	vld [tilespmem:$0x1168F];
	_ =	sdelay $0x4  }
0x3a: {  	v59 =	vmax.f32 v57, v58;
	vm0 =	veq.s32 v4, v3  }
0x3b: {  	v4 =	vsel vm0, v59, v57  }
0x3c: {  	v60 =	vld [tilespmem:$0x1168E];
	[tilespmem:$0x116B0] =	vst v4  }
0x3d: {  	v61 =	vld [tilespmem:$0x116AE];
	_ =	sdelay $0x3  }
0x3e: {  	(xrf1) =	vunique.msk.u32 $0xffff, v3  }
0x3f: {  	vm14 =	veq.s32 v60, v3;
	v62 =	vmax.f32 v4, v61  }
0x40: {  	v4 =	vsel vm14, v62, v4  }
0x41: {  	v63 =	vld [tilespmem:$0x1168C];
	[tilespmem:$0x116B0] =	vst v4  }
0x42: {  	v9 =	vld [tilespmem:$0x116AC];
	_ =	sdelay $0x4  }
0x43: {  	vm15 =	veq.s32 v63, v3;
	v10 =	vmax.f32 v4, v9  }
0x44: {  	v4 =	vsel vm15, v10, v4  }
0x45: {  	v11 =	vld [tilespmem:$0x11688];
	[tilespmem:$0x116B0] =	vst v4  }
0x46: {  	v12 =	vld [tilespmem:$0x116A8];
	_ =	sdelay $0x1  }
0x47: {  	_, v7, vm4 =	vpop (xrf1);
	_ =	sdelay $0x2  }
0x48: {  	vm1 =	veq.s32 v11, v3;
	v13 =	vmax.f32 v4, v12  }
0x49: {  	v4 =	vsel vm1, v13, v4  }
0x4a: {  	[tilespmem:$0x116B0] =	vst v4  }
0x4b: {  	v14 =	vld.idx.msk [tilespmem:v3+s17+$0x0], vm4;
	_ =	sdelay $0x4  }
0x4c: {  	v4 =	vmax.f32 v14, v4  }
0x4d: {  	[tilespmem:v3+s17+$0x0] =	vst.idx.msk vm4, v4  }
0x4e: {  	v3 =	vld [tilespmem:s21+$0x10]  }
0x4f: {  	v4 =	vld [tilespmem:s21+$0x2790];
	_ =	sdelay $0x6  }
0x50: {  	v15 =	vld.idx.msk [tilespmem:v3+s15+$0x0], $0xffff  }
0x51: {  	v4 =	vld.idx.msk [tilespmem:v4+s16+$0x0], $0xffff;
	_ =	sdelay $0x1  }
0x52: {  	v16 =	vld [tilespmem:s21+$0x4F10];
	_ =	sdelay $0x2  }
0x53: {  	v4 =	vadd.f32 v4, v15;
	_ =	sdelay $0x1  }
0x54: {  	v4 =	vadd.f32 v4, v16;
	_ =	sdelay $0x1  }
0x55: {  	v4 =	vmul.f32 $1.000000000e+01, v4  }
0x56: {  	v3 =	vxor.u32 $0x80000000, v3  }
0x57: {  	(xrf1) =	vsort.ascd.msk.u32 $0xffff, v3, v4;
	_ =	sdelay $0xd  }
0x58: {  	[tilespmem:s21+$0x4F10] =	vst v4;
	v3, v17, _ =	vpop (xrf1)  }
0x59: {  	v3 =	vxor.u32 $0x80000000, v3;
	[tilespmem:$0x116B0] =	vst v17  }
0x5a: {  	[tilespmem:$0x11690] =	vst v3;
	v18 =	vld [tilespmem:$0x116AF]  }
0x5b: {  	v4 =	vld [tilespmem:$0x1168F];
	_ =	sdelay $0x4  }
0x5c: {  	v19 =	vmax.f32 v17, v18;
	vm5 =	veq.s32 v4, v3  }
0x5d: {  	v4 =	vsel vm5, v19, v17  }
0x5e: {  	v20 =	vld [tilespmem:$0x1168E];
	[tilespmem:$0x116B0] =	vst v4  }
0x5f: {  	v21 =	vld [tilespmem:$0x116AE];
	_ =	sdelay $0x3  }
0x60: {  	(xrf1) =	vunique.msk.u32 $0xffff, v3  }
0x61: {  	vm6 =	veq.s32 v20, v3;
	v22 =	vmax.f32 v4, v21  }
0x62: {  	v4 =	vsel vm6, v22, v4  }
0x63: {  	v23 =	vld [tilespmem:$0x1168C];
	[tilespmem:$0x116B0] =	vst v4  }
0x64: {  	v24 =	vld [tilespmem:$0x116AC];
	_ =	sdelay $0x4  }
0x65: {  	vm7 =	veq.s32 v23, v3;
	v25 =	vmax.f32 v4, v24  }
0x66: {  	v4 =	vsel vm7, v25, v4  }
0x67: {  	v26 =	vld [tilespmem:$0x11688];
	[tilespmem:$0x116B0] =	vst v4  }
0x68: {  	v27 =	vld [tilespmem:$0x116A8];
	_ =	sdelay $0x1  }
0x69: {  	_, v7, vm8 =	vpop (xrf1);
	_ =	sdelay $0x2  }
0x6a: {  	vm9 =	veq.s32 v26, v3;
	v28 =	vmax.f32 v4, v27  }
0x6b: {  	v4 =	vsel vm9, v28, v4  }
0x6c: {  	[tilespmem:$0x116B0] =	vst v4  }
0x6d: {  	v29 =	vld.idx.msk [tilespmem:v3+s17+$0x0], vm8;
	_ =	sdelay $0x4  }
0x6e: {  	v4 =	vmax.f32 v29, v4  }
0x6f: {  	[tilespmem:v3+s17+$0x0] =	vst.idx.msk vm8, v4  }
0x70: {  	v3 =	vld [tilespmem:s21+$0x20]  }
0x71: {  	v4 =	vld [tilespmem:s21+$0x27A0];
	_ =	sdelay $0x6  }
0x72: {  	v30 =	vld.idx.msk [tilespmem:v3+s15+$0x0], $0xffff  }
0x73: {  	v4 =	vld.idx.msk [tilespmem:v4+s16+$0x0], $0xffff;
	_ =	sdelay $0x1  }
0x74: {  	v31 =	vld [tilespmem:s21+$0x4F20];
	_ =	sdelay $0x2  }
0x75: {  	v4 =	vadd.f32 v4, v30;
	_ =	sdelay $0x1  }
0x76: {  	v4 =	vadd.f32 v4, v31;
	_ =	sdelay $0x1  }
0x77: {  	v4 =	vmul.f32 $1.000000000e+01, v4  }
0x78: {  	v3 =	vxor.u32 $0x80000000, v3  }
0x79: {  	(xrf1) =	vsort.ascd.msk.u32 $0xffff, v3, v4;
	_ =	sdelay $0xd  }
0x7a: {  	[tilespmem:s21+$0x4F20] =	vst v4;
	v3, v32, _ =	vpop (xrf1)  }
0x7b: {  	v3 =	vxor.u32 $0x80000000, v3;
	[tilespmem:$0x116B0] =	vst v32  }
0x7c: {  	[tilespmem:$0x11690] =	vst v3;
	v33 =	vld [tilespmem:$0x116AF]  }
0x7d: {  	v4 =	vld [tilespmem:$0x1168F];
	_ =	sdelay $0x4  }
0x7e: {  	v34 =	vmax.f32 v32, v33;
	vm10 =	veq.s32 v4, v3  }
0x7f: {  	v4 =	vsel vm10, v34, v32  }
0x80: {  	v35 =	vld [tilespmem:$0x1168E];
	[tilespmem:$0x116B0] =	vst v4  }
0x81: {  	v36 =	vld [tilespmem:$0x116AE];
	_ =	sdelay $0x3  }
0x82: {  	(xrf1) =	vunique.msk.u32 $0xffff, v3  }
0x83: {  	vm11 =	veq.s32 v35, v3;
	v37 =	vmax.f32 v4, v36  }
0x84: {  	v4 =	vsel vm11, v37, v4  }
0x85: {  	v38 =	vld [tilespmem:$0x1168C];
	[tilespmem:$0x116B0] =	vst v4  }
0x86: {  	v39 =	vld [tilespmem:$0x116AC];
	_ =	sdelay $0x4  }
0x87: {  	vm12 =	veq.s32 v38, v3;
	v40 =	vmax.f32 v4, v39  }
0x88: {  	v4 =	vsel vm12, v40, v4  }
0x89: {  	v41 =	vld [tilespmem:$0x11688];
	[tilespmem:$0x116B0] =	vst v4  }
0x8a: {  	v42 =	vld [tilespmem:$0x116A8];
	_ =	sdelay $0x1  }
0x8b: {  	_, v7, vm13 =	vpop (xrf1);
	_ =	sdelay $0x2  }
0x8c: {  	vm14 =	veq.s32 v41, v3;
	v43 =	vmax.f32 v4, v42  }
0x8d: {  	v4 =	vsel vm14, v43, v4  }
0x8e: {  	[tilespmem:$0x116B0] =	vst v4  }
0x8f: {  	v44 =	vld.idx.msk [tilespmem:v3+s17+$0x0], vm13;
	_ =	sdelay $0x4  }
0x90: {  	v4 =	vmax.f32 v44, v4  }
0x91: {  	[tilespmem:v3+s17+$0x0] =	vst.idx.msk vm13, v4  }
0x92: {  	v3 =	vld [tilespmem:s21+$0x30]  }
0x93: {  	v4 =	vld [tilespmem:s21+$0x27B0];
	_ =	sdelay $0x6  }
0x94: {  	v45 =	vld.idx.msk [tilespmem:v3+s15+$0x0], $0xffff  }
0x95: {  	v4 =	vld.idx.msk [tilespmem:v4+s16+$0x0], $0xffff;
	_ =	sdelay $0x1  }
0x96: {  	v46 =	vld [tilespmem:s21+$0x4F30];
	_ =	sdelay $0x2  }
0x97: {  	v4 =	vadd.f32 v4, v45;
	_ =	sdelay $0x1  }
0x98: {  	v4 =	vadd.f32 v4, v46;
	_ =	sdelay $0x1  }
0x99: {  	v4 =	vmul.f32 $1.000000000e+01, v4  }
0x9a: {  	v3 =	vxor.u32 $0x80000000, v3  }
0x9b: {  	(xrf1) =	vsort.ascd.msk.u32 $0xffff, v3, v4;
	_ =	sdelay $0xd  }
0x9c: {  	[tilespmem:s21+$0x4F30] =	vst v4;
	v3, v47, _ =	vpop (xrf1)  }
0x9d: {  	v3 =	vxor.u32 $0x80000000, v3;
	[tilespmem:$0x116B0] =	vst v47  }
0x9e: {  	[tilespmem:$0x11690] =	vst v3;
	v48 =	vld [tilespmem:$0x116AF]  }
0x9f: {  	v4 =	vld [tilespmem:$0x1168F];
	_ =	sdelay $0x4  }
0xa0: {  	v49 =	vmax.f32 v47, v48;
	vm15 =	veq.s32 v4, v3  }
0xa1: {  	v4 =	vsel vm15, v49, v47  }
0xa2: {  	v50 =	vld [tilespmem:$0x1168E];
	[tilespmem:$0x116B0] =	vst v4  }
0xa3: {  	v51 =	vld [tilespmem:$0x116AE];
	_ =	sdelay $0x3  }
0xa4: {  	(xrf1) =	vunique.msk.u32 $0xffff, v3  }
0xa5: {  	vm4 =	veq.s32 v50, v3;
	v52 =	vmax.f32 v4, v51  }
0xa6: {  	v4 =	vsel vm4, v52, v4  }
0xa7: {  	v53 =	vld [tilespmem:$0x1168C];
	[tilespmem:$0x116B0] =	vst v4  }
0xa8: {  	v54 =	vld [tilespmem:$0x116AC];
	_ =	sdelay $0x4  }
0xa9: {  	vm5 =	veq.s32 v53, v3;
	v55 =	vmax.f32 v4, v54  }
0xaa: {  	v4 =	vsel vm5, v55, v4  }
0xab: {  	v56 =	vld [tilespmem:$0x11688];
	[tilespmem:$0x116B0] =	vst v4  }
0xac: {  	v57 =	vld [tilespmem:$0x116A8];
	_ =	sdelay $0x1  }
0xad: {  	_, v7, vm6 =	vpop (xrf1);
	_ =	sdelay $0x2  }
0xae: {  	vm7 =	veq.s32 v56, v3;
	v58 =	vmax.f32 v4, v57  }
0xaf: {  	v4 =	vsel vm7, v58, v4  }
0xb0: {  	[tilespmem:$0x116B0] =	vst v4  }
0xb1: {  	v59 =	vld.idx.msk [tilespmem:v3+s17+$0x0], vm6;
	_ =	sdelay $0x4  }
0xb2: {  	v4 =	vmax.f32 v59, v4  }
0xb3: {  	[tilespmem:v3+s17+$0x0] =	vst.idx.msk vm6, v4  }
0xb4: {  	v3 =	vld [tilespmem:s21+$0x40]  }
0xb5: {  	v4 =	vld [tilespmem:s21+$0x27C0];
	_ =	sdelay $0x6  }
0xb6: {  	v60 =	vld.idx.msk [tilespmem:v3+s15+$0x0], $0xffff  }
0xb7: {  	v4 =	vld.idx.msk [tilespmem:v4+s16+$0x0], $0xffff;
	_ =	sdelay $0x1  }
0xb8: {  	v61 =	vld [tilespmem:s21+$0x4F40];
	_ =	sdelay $0x2  }
0xb9: {  	v4 =	vadd.f32 v4, v60;
	_ =	sdelay $0x1  }
0xba: {  	v4 =	vadd.f32 v4, v61;
	_ =	sdelay $0x1  }
0xbb: {  	v4 =	vmul.f32 $1.000000000e+01, v4  }
0xbc: {  	v3 =	vxor.u32 $0x80000000, v3  }
0xbd: {  	(xrf1) =	vsort.ascd.msk.u32 $0xffff, v3, v4;
	_ =	sdelay $0xd  }
0xbe: {  	[tilespmem:s21+$0x4F40] =	vst v4;
	v3, v62, _ =	vpop (xrf1)  }
0xbf: {  	v3 =	vxor.u32 $0x80000000, v3;
	[tilespmem:$0x116B0] =	vst v62  }
0xc0: {  	[tilespmem:$0x11690] =	vst v3;
	v63 =	vld [tilespmem:$0x116AF]  }
0xc1: {  	v4 =	vld [tilespmem:$0x1168F];
	_ =	sdelay $0x4  }
0xc2: {  	v8 =	vmax.f32 v62, v63;
	vm8 =	veq.s32 v4, v3  }
0xc3: {  	v4 =	vsel vm8, v8, v62  }
0xc4: {  	v9 =	vld [tilespmem:$0x1168E];
	[tilespmem:$0x116B0] =	vst v4  }
0xc5: {  	v10 =	vld [tilespmem:$0x116AE];
	_ =	sdelay $0x3  }
0xc6: {  	(xrf1) =	vunique.msk.u32 $0xffff, v3  }
0xc7: {  	vm9 =	veq.s32 v9, v3;
	v11 =	vmax.f32 v4, v10  }
0xc8: {  	v4 =	vsel vm9, v11, v4  }
0xc9: {  	v12 =	vld [tilespmem:$0x1168C];
	[tilespmem:$0x116B0] =	vst v4  }
0xca: {  	v13 =	vld [tilespmem:$0x116AC];
	_ =	sdelay $0x4  }
0xcb: {  	vm10 =	veq.s32 v12, v3;
	v14 =	vmax.f32 v4, v13  }
0xcc: {  	v4 =	vsel vm10, v14, v4  }
0xcd: {  	v15 =	vld [tilespmem:$0x11688];
	[tilespmem:$0x116B0] =	vst v4  }
0xce: {  	v16 =	vld [tilespmem:$0x116A8];
	_ =	sdelay $0x1  }
0xcf: {  	_, v7, vm11 =	vpop (xrf1);
	_ =	sdelay $0x2  }
0xd0: {  	vm12 =	veq.s32 v15, v3;
	v17 =	vmax.f32 v4, v16  }
0xd1: {  	v4 =	vsel vm12, v17, v4  }
0xd2: {  	[tilespmem:$0x116B0] =	vst v4  }
0xd3: {  	v18 =	vld.idx.msk [tilespmem:v3+s17+$0x0], vm11;
	_ =	sdelay $0x4  }
0xd4: {  	v4 =	vmax.f32 v18, v4  }
0xd5: {  	[tilespmem:v3+s17+$0x0] =	vst.idx.msk vm11, v4  }
0xd6: {  	v3 =	vld [tilespmem:s21+$0x50]  }
0xd7: {  	v4 =	vld [tilespmem:s21+$0x27D0];
	_ =	sdelay $0x6  }
0xd8: {  	v19 =	vld.idx.msk [tilespmem:v3+s15+$0x0], $0xffff  }
0xd9: {  	v4 =	vld.idx.msk [tilespmem:v4+s16+$0x0], $0xffff;
	_ =	sdelay $0x1  }
0xda: {  	v20 =	vld [tilespmem:s21+$0x4F50];
	_ =	sdelay $0x2  }
0xdb: {  	v4 =	vadd.f32 v4, v19;
	_ =	sdelay $0x1  }
0xdc: {  	v4 =	vadd.f32 v4, v20;
	_ =	sdelay $0x1  }
0xdd: {  	v4 =	vmul.f32 $1.000000000e+01, v4  }
0xde: {  	v3 =	vxor.u32 $0x80000000, v3  }
0xdf: {  	(xrf1) =	vsort.ascd.msk.u32 $0xffff, v3, v4;
	_ =	sdelay $0xd  }
0xe0: {  	[tilespmem:s21+$0x4F50] =	vst v4;
	v3, v21, _ =	vpop (xrf1)  }
0xe1: {  	v3 =	vxor.u32 $0x80000000, v3;
	[tilespmem:$0x116B0] =	vst v21  }
0xe2: {  	[tilespmem:$0x11690] =	vst v3;
	v22 =	vld [tilespmem:$0x116AF]  }
0xe3: {  	v4 =	vld [tilespmem:$0x1168F];
	_ =	sdelay $0x4  }
0xe4: {  	v23 =	vmax.f32 v21, v22;
	vm13 =	veq.s32 v4, v3  }
0xe5: {  	v4 =	vsel vm13, v23, v21  }
0xe6: {  	v24 =	vld [tilespmem:$0x1168E];
	[tilespmem:$0x116B0] =	vst v4  }
0xe7: {  	v25 =	vld [tilespmem:$0x116AE];
	_ =	sdelay $0x3  }
0xe8: {  	(xrf1) =	vunique.msk.u32 $0xffff, v3  }
0xe9: {  	vm14 =	veq.s32 v24, v3;
	v26 =	vmax.f32 v4, v25  }
0xea: {  	v4 =	vsel vm14, v26, v4  }
0xeb: {  	v27 =	vld [tilespmem:$0x1168C];
	[tilespmem:$0x116B0] =	vst v4  }
0xec: {  	v28 =	vld [tilespmem:$0x116AC];
	_ =	sdelay $0x4  }
0xed: {  	vm15 =	veq.s32 v27, v3;
	v29 =	vmax.f32 v4, v28  }
0xee: {  	v4 =	vsel vm15, v29, v4  }
0xef: {  	v30 =	vld [tilespmem:$0x11688];
	[tilespmem:$0x116B0] =	vst v4  }
0xf0: {  	v31 =	vld [tilespmem:$0x116A8];
	_ =	sdelay $0x1  }
0xf1: {  	_, v7, vm4 =	vpop (xrf1);
	_ =	sdelay $0x2  }
0xf2: {  	vm5 =	veq.s32 v30, v3;
	v32 =	vmax.f32 v4, v31  }
0xf3: {  	v4 =	vsel vm5, v32, v4  }
0xf4: {  	[tilespmem:$0x116B0] =	vst v4  }
0xf5: {  	v33 =	vld.idx.msk [tilespmem:v3+s17+$0x0], vm4;
	_ =	sdelay $0x4  }
0xf6: {  	v4 =	vmax.f32 v33, v4  }
0xf7: {  	[tilespmem:v3+s17+$0x0] =	vst.idx.msk vm4, v4  }
0xf8: {  	v3 =	vld [tilespmem:s21+$0x60]  }
0xf9: {  	v4 =	vld [tilespmem:s21+$0x27E0];
	_ =	sdelay $0x6  }
0xfa: {  	v34 =	vld.idx.msk [tilespmem:v3+s15+$0x0], $0xffff  }
0xfb: {  	v4 =	vld.idx.msk [tilespmem:v4+s16+$0x0], $0xffff;
	_ =	sdelay $0x1  }
0xfc: {  	v35 =	vld [tilespmem:s21+$0x4F60];
	_ =	sdelay $0x2  }
0xfd: {  	v4 =	vadd.f32 v4, v34;
	_ =	sdelay $0x1  }
0xfe: {  	v4 =	vadd.f32 v4, v35;
	_ =	sdelay $0x1  }
0xff: {  	v4 =	vmul.f32 $1.000000000e+01, v4  }
0x100: {  	v3 =	vxor.u32 $0x80000000, v3  }
0x101: {  	(xrf1) =	vsort.ascd.msk.u32 $0xffff, v3, v4;
	_ =	sdelay $0xd  }
0x102: {  	[tilespmem:s21+$0x4F60] =	vst v4;
	v3, v36, _ =	vpop (xrf1)  }
0x103: {  	v3 =	vxor.u32 $0x80000000, v3;
	[tilespmem:$0x116B0] =	vst v36  }
0x104: {  	[tilespmem:$0x11690] =	vst v3;
	v37 =	vld [tilespmem:$0x116AF]  }
0x105: {  	v4 =	vld [tilespmem:$0x1168F];
	_ =	sdelay $0x4  }
0x106: {  	v38 =	vmax.f32 v36, v37;
	vm6 =	veq.s32 v4, v3  }
0x107: {  	v4 =	vsel vm6, v38, v36  }
0x108: {  	v39 =	vld [tilespmem:$0x1168E];
	[tilespmem:$0x116B0] =	vst v4  }
0x109: {  	v40 =	vld [tilespmem:$0x116AE];
	_ =	sdelay $0x3  }
0x10a: {  	(xrf1) =	vunique.msk.u32 $0xffff, v3  }
0x10b: {  	vm7 =	veq.s32 v39, v3;
	v41 =	vmax.f32 v4, v40  }
0x10c: {  	v4 =	vsel vm7, v41, v4  }
0x10d: {  	v42 =	vld [tilespmem:$0x1168C];
	[tilespmem:$0x116B0] =	vst v4  }
0x10e: {  	v43 =	vld [tilespmem:$0x116AC];
	_ =	sdelay $0x4  }
0x10f: {  	vm8 =	veq.s32 v42, v3;
	v44 =	vmax.f32 v4, v43  }
0x110: {  	v4 =	vsel vm8, v44, v4  }
0x111: {  	v45 =	vld [tilespmem:$0x11688];
	[tilespmem:$0x116B0] =	vst v4  }
0x112: {  	v46 =	vld [tilespmem:$0x116A8];
	_ =	sdelay $0x1  }
0x113: {  	_, v7, vm9 =	vpop (xrf1);
	_ =	sdelay $0x2  }
0x114: {  	vm10 =	veq.s32 v45, v3;
	v47 =	vmax.f32 v4, v46  }
0x115: {  	v4 =	vsel vm10, v47, v4  }
0x116: {  	[tilespmem:$0x116B0] =	vst v4  }
0x117: {  	v48 =	vld.idx.msk [tilespmem:v3+s17+$0x0], vm9;
	_ =	sdelay $0x4  }
0x118: {  	v4 =	vmax.f32 v48, v4  }
0x119: {  	[tilespmem:v3+s17+$0x0] =	vst.idx.msk vm9, v4  }
0x11a: {  	v3 =	vld [tilespmem:s21+$0x70]  }
0x11b: {  	v4 =	vld [tilespmem:s21+$0x27F0];
	_ =	sdelay $0x6  }
0x11c: {  	v49 =	vld.idx.msk [tilespmem:v3+s15+$0x0], $0xffff  }
0x11d: {  	v4 =	vld.idx.msk [tilespmem:v4+s16+$0x0], $0xffff;
	_ =	sdelay $0x1  }
0x11e: {  	v50 =	vld [tilespmem:s21+$0x4F70];
	_ =	sdelay $0x2  }
0x11f: {  	v4 =	vadd.f32 v4, v49;
	_ =	sdelay $0x1  }
0x120: {  	v4 =	vadd.f32 v4, v50;
	_ =	sdelay $0x1  }
0x121: {  	v4 =	vmul.f32 $1.000000000e+01, v4  }
0x122: {  	v3 =	vxor.u32 $0x80000000, v3  }
0x123: {  	(xrf1) =	vsort.ascd.msk.u32 $0xffff, v3, v4;
	_ =	sdelay $0xd  }
0x124: {  	[tilespmem:s21+$0x4F70] =	vst v4;
	v3, v51, _ =	vpop (xrf1)  }
0x125: {  	v3 =	vxor.u32 $0x80000000, v3;
	[tilespmem:$0x116B0] =	vst v51  }
0x126: {  	[tilespmem:$0x11690] =	vst v3;
	v52 =	vld [tilespmem:$0x116AF]  }
0x127: {  	v4 =	vld [tilespmem:$0x1168F];
	_ =	sdelay $0x4  }
0x128: {  	v53 =	vmax.f32 v51, v52;
	vm11 =	veq.s32 v4, v3  }
0x129: {  	v4 =	vsel vm11, v53, v51  }
0x12a: {  	v54 =	vld [tilespmem:$0x1168E];
	[tilespmem:$0x116B0] =	vst v4  }
0x12b: {  	v55 =	vld [tilespmem:$0x116AE];
	_ =	sdelay $0x3  }
0x12c: {  	(xrf1) =	vunique.msk.u32 $0xffff, v3  }
0x12d: {  	vm12 =	veq.s32 v54, v3;
	v56 =	vmax.f32 v4, v55  }
0x12e: {  	v4 =	vsel vm12, v56, v4  }
0x12f: {  	v57 =	vld [tilespmem:$0x1168C];
	[tilespmem:$0x116B0] =	vst v4  }
0x130: {  	v58 =	vld [tilespmem:$0x116AC];
	_ =	sdelay $0x4  }
0x131: {  	vm13 =	veq.s32 v57, v3;
	v59 =	vmax.f32 v4, v58  }
0x132: {  	v4 =	vsel vm13, v59, v4  }
0x133: {  	v60 =	vld [tilespmem:$0x11688];
	[tilespmem:$0x116B0] =	vst v4  }
0x134: {  	v61 =	vld [tilespmem:$0x116A8];
	_ =	sdelay $0x1  }
0x135: {  	_, v7, vm14 =	vpop (xrf1);
	_ =	sdelay $0x2  }
0x136: {  	vm15 =	veq.s32 v60, v3;
	v62 =	vmax.f32 v4, v61  }
0x137: {  	v4 =	vsel vm15, v62, v4  }
0x138: {  	[tilespmem:$0x116B0] =	vst v4  }
0x139: {  	v63 =	vld.idx.msk [tilespmem:v3+s17+$0x0], vm14  }
0x13a: {  	p0 =	sne.s32 s20, $0x9C00  }
.Ltmp1:
0x13b: {  	_ = 	snop;
	(pc) =	sbr.rel @p0 .LBB2_4-.Ltmp1, $3  }
0x13c: {  	_ =	sdelay $0x1  }
0x13d: {  	v4 =	vmax.f32 v63, v4  }
0x13e: {  	s20 =	sadd.s32 $0x200, s20;
	[tilespmem:v3+s17+$0x0] =	vst.idx.msk vm14, v4  }
0x13f: {  	s20 =	simm.s32 $0x0  }
0x140: {  	[hbm4b:s9+s20] =	stream.linear.scatter [tilespmem:s14], [sflag:$0x1], $0x2780, $0x38;
	[tilespmem:$0x116C0] =	vst v63  }
0x141: {  	_ =	swait.ge [sflag:s12], $0x2780  }
0x142: {  	[sflag:s12] =	ssyncset.done $0x0  }
0x143: {  	[sflag:s12] =	ssyncadd.s32 $0xFFFFD880  }
0x144: {  	[tilespmem:$0x116A0] =	vst v1  }
.LBB2_6:
0x145: {  	s21 =	sshra.s32 s20, $0x2  }
0x146: {  	v3 =	vld [tilespmem:s21+$0x0];
	_ =	sdelay $0x6  }
0x147: {  	v4 =	vld [tilespmem:s21+$0x4F00]  }
0x148: {  	v5 =	vld.idx.msk [tilespmem:v3+s17+$0x0], $0xffff;
	_ =	sdelay $0x4  }
0x149: {  	v4 =	vsub.f32 v4, v5;
	_ =	sdelay $0x1  }
0x14a: {  	v4 =	vmul.f32 $1.442695020e+00, v4;
	_ =	sdelay $0x1  }
0x14b: {  	(erf) = vpow2.f32 v4;
	_ =	sdelay $0x8  }
0x14c: {  	v3 =	vxor.u32 $0x80000000, v3;
	v4 =	vpop (erf)  }
0x14d: {  	(xrf1) =	vsort.ascd.msk.u32 $0xffff, v3, v4;
	_ =	sdelay $0xd  }
0x14e: {  	v3, v4, _ =	vpop (xrf1)  }
0x14f: {  	v3 =	vxor.u32 $0x80000000, v3  }
0x150: {  	[tilespmem:$0x11690] =	vst v3  }
0x151: {  	[tilespmem:$0x116B0] =	vst v4;
	v49 =	vld [tilespmem:$0x1168F]  }
0x152: {  	v6 =	vld [tilespmem:$0x116AF];
	_ =	sdelay $0x3  }
0x153: {  	vm0 =	veq.s32 v49, v3  }
0x154: {  	v5 =	vnsel vm0, $0x0, v6  }
0x155: {  	v4 =	vadd.f32 v5, v4;
	_ =	sdelay $0x1  }
0x156: {  	v50 =	vld [tilespmem:$0x1168E];
	[tilespmem:$0x116B0] =	vst v4  }
0x157: {  	v51 =	vld [tilespmem:$0x116AE];
	_ =	sdelay $0x3  }
0x158: {  	vm14 =	veq.s32 v50, v3  }
0x159: {  	v5 =	vnsel vm14, $0x0, v51  }
0x15a: {  	v4 =	vadd.f32 v4, v5  }
0x15b: {  	(xrf1) =	vunique.msk.u32 $0xffff, v3  }
0x15c: {  	v52 =	vld [tilespmem:$0x1168C];
	[tilespmem:$0x116B0] =	vst v4  }
0x15d: {  	v53 =	vld [tilespmem:$0x116AC];
	_ =	sdelay $0x3  }
0x15e: {  	vm15 =	veq.s32 v52, v3  }
0x15f: {  	v5 =	vnsel vm15, $0x0, v53  }
0x160: {  	v4 =	vadd.f32 v5, v4;
	_ =	sdelay $0x1  }
0x161: {  	v54 =	vld [tilespmem:$0x11688];
	[tilespmem:$0x116B0] =	vst v4  }
0x162: {  	v55 =	vld [tilespmem:$0x116A8];
	_ =	sdelay $0x2  }
0x163: {  	_, v7, vm4 =	vpop (xrf1)  }
0x164: {  	vm1 =	veq.s32 v54, v3  }
0x165: {  	v5 =	vnsel vm1, $0x0, v55  }
0x166: {  	v4 =	vadd.f32 v5, v4;
	_ =	sdelay $0x1  }
0x167: {  	[tilespmem:$0x116B0] =	vst v4  }
0x168: {  	[tilespmem:v3+s18+$0x0] =	vst.idx.add.f32.msk vm4, v4  }
0x169: {  	v3 =	vld [tilespmem:s21+$0x10];
	_ =	sdelay $0x6  }
0x16a: {  	v4 =	vld [tilespmem:s21+$0x4F10]  }
0x16b: {  	v56 =	vld.idx.msk [tilespmem:v3+s17+$0x0], $0xffff;
	_ =	sdelay $0x4  }
0x16c: {  	v4 =	vsub.f32 v4, v56;
	_ =	sdelay $0x1  }
0x16d: {  	v4 =	vmul.f32 $1.442695020e+00, v4;
	_ =	sdelay $0x1  }
0x16e: {  	(erf) = vpow2.f32 v4;
	_ =	sdelay $0x8  }
0x16f: {  	v3 =	vxor.u32 $0x80000000, v3;
	v4 =	vpop (erf)  }
0x170: {  	(xrf1) =	vsort.ascd.msk.u32 $0xffff, v3, v4;
	_ =	sdelay $0xd  }
0x171: {  	v3, v4, _ =	vpop (xrf1)  }
0x172: {  	v3 =	vxor.u32 $0x80000000, v3  }
0x173: {  	[tilespmem:$0x11690] =	vst v3  }
0x174: {  	[tilespmem:$0x116B0] =	vst v4;
	v57 =	vld [tilespmem:$0x1168F]  }
0x175: {  	v58 =	vld [tilespmem:$0x116AF];
	_ =	sdelay $0x3  }
0x176: {  	vm5 =	veq.s32 v57, v3  }
0x177: {  	v5 =	vnsel vm5, $0x0, v58  }
0x178: {  	v4 =	vadd.f32 v5, v4;
	_ =	sdelay $0x1  }
0x179: {  	v59 =	vld [tilespmem:$0x1168E];
	[tilespmem:$0x116B0] =	vst v4  }
0x17a: {  	v60 =	vld [tilespmem:$0x116AE];
	_ =	sdelay $0x3  }
0x17b: {  	vm6 =	veq.s32 v59, v3  }
0x17c: {  	v5 =	vnsel vm6, $0x0, v60  }
0x17d: {  	v4 =	vadd.f32 v4, v5  }
0x17e: {  	(xrf1) =	vunique.msk.u32 $0xffff, v3  }
0x17f: {  	v61 =	vld [tilespmem:$0x1168C];
	[tilespmem:$0x116B0] =	vst v4  }
0x180: {  	v62 =	vld [tilespmem:$0x116AC];
	_ =	sdelay $0x3  }
0x181: {  	vm7 =	veq.s32 v61, v3  }
0x182: {  	v5 =	vnsel vm7, $0x0, v62  }
0x183: {  	v4 =	vadd.f32 v5, v4;
	_ =	sdelay $0x1  }
0x184: {  	v63 =	vld [tilespmem:$0x11688];
	[tilespmem:$0x116B0] =	vst v4  }
0x185: {  	v9 =	vld [tilespmem:$0x116A8];
	_ =	sdelay $0x2  }
0x186: {  	_, v7, vm8 =	vpop (xrf1)  }
0x187: {  	vm9 =	veq.s32 v63, v3  }
0x188: {  	v5 =	vnsel vm9, $0x0, v9  }
0x189: {  	v4 =	vadd.f32 v5, v4;
	_ =	sdelay $0x1  }
0x18a: {  	[tilespmem:$0x116B0] =	vst v4  }
0x18b: {  	[tilespmem:v3+s18+$0x0] =	vst.idx.add.f32.msk vm8, v4  }
0x18c: {  	v3 =	vld [tilespmem:s21+$0x20];
	_ =	sdelay $0x6  }
0x18d: {  	v4 =	vld [tilespmem:s21+$0x4F20]  }
0x18e: {  	v10 =	vld.idx.msk [tilespmem:v3+s17+$0x0], $0xffff;
	_ =	sdelay $0x4  }
0x18f: {  	v4 =	vsub.f32 v4, v10;
	_ =	sdelay $0x1  }
0x190: {  	v4 =	vmul.f32 $1.442695020e+00, v4;
	_ =	sdelay $0x1  }
0x191: {  	(erf) = vpow2.f32 v4;
	_ =	sdelay $0x8  }
0x192: {  	v3 =	vxor.u32 $0x80000000, v3;
	v4 =	vpop (erf)  }
0x193: {  	(xrf1) =	vsort.ascd.msk.u32 $0xffff, v3, v4;
	_ =	sdelay $0xd  }
0x194: {  	v3, v4, _ =	vpop (xrf1)  }
0x195: {  	v3 =	vxor.u32 $0x80000000, v3  }
0x196: {  	[tilespmem:$0x11690] =	vst v3  }
0x197: {  	[tilespmem:$0x116B0] =	vst v4;
	v11 =	vld [tilespmem:$0x1168F]  }
0x198: {  	v12 =	vld [tilespmem:$0x116AF];
	_ =	sdelay $0x3  }
0x199: {  	vm10 =	veq.s32 v11, v3  }
0x19a: {  	v5 =	vnsel vm10, $0x0, v12  }
0x19b: {  	v4 =	vadd.f32 v5, v4;
	_ =	sdelay $0x1  }
0x19c: {  	v13 =	vld [tilespmem:$0x1168E];
	[tilespmem:$0x116B0] =	vst v4  }
0x19d: {  	v14 =	vld [tilespmem:$0x116AE];
	_ =	sdelay $0x3  }
0x19e: {  	vm11 =	veq.s32 v13, v3  }
0x19f: {  	v5 =	vnsel vm11, $0x0, v14  }
0x1a0: {  	v4 =	vadd.f32 v4, v5  }
0x1a1: {  	(xrf1) =	vunique.msk.u32 $0xffff, v3  }
0x1a2: {  	v15 =	vld [tilespmem:$0x1168C];
	[tilespmem:$0x116B0] =	vst v4  }
0x1a3: {  	v16 =	vld [tilespmem:$0x116AC];
	_ =	sdelay $0x3  }
0x1a4: {  	vm12 =	veq.s32 v15, v3  }
0x1a5: {  	v5 =	vnsel vm12, $0x0, v16  }
0x1a6: {  	v4 =	vadd.f32 v5, v4;
	_ =	sdelay $0x1  }
0x1a7: {  	v17 =	vld [tilespmem:$0x11688];
	[tilespmem:$0x116B0] =	vst v4  }
0x1a8: {  	v18 =	vld [tilespmem:$0x116A8];
	_ =	sdelay $0x2  }
0x1a9: {  	_, v7, vm13 =	vpop (xrf1)  }
0x1aa: {  	vm14 =	veq.s32 v17, v3  }
0x1ab: {  	v5 =	vnsel vm14, $0x0, v18  }
0x1ac: {  	v4 =	vadd.f32 v5, v4;
	_ =	sdelay $0x1  }
0x1ad: {  	[tilespmem:$0x116B0] =	vst v4  }
0x1ae: {  	[tilespmem:v3+s18+$0x0] =	vst.idx.add.f32.msk vm13, v4  }
0x1af: {  	v3 =	vld [tilespmem:s21+$0x30];
	_ =	sdelay $0x6  }
0x1b0: {  	v4 =	vld [tilespmem:s21+$0x4F30]  }
0x1b1: {  	v19 =	vld.idx.msk [tilespmem:v3+s17+$0x0], $0xffff;
	_ =	sdelay $0x4  }
0x1b2: {  	v4 =	vsub.f32 v4, v19;
	_ =	sdelay $0x1  }
0x1b3: {  	v4 =	vmul.f32 $1.442695020e+00, v4;
	_ =	sdelay $0x1  }
0x1b4: {  	(erf) = vpow2.f32 v4;
	_ =	sdelay $0x8  }
0x1b5: {  	v3 =	vxor.u32 $0x80000000, v3;
	v4 =	vpop (erf)  }
0x1b6: {  	(xrf1) =	vsort.ascd.msk.u32 $0xffff, v3, v4;
	_ =	sdelay $0xd  }
0x1b7: {  	v3, v4, _ =	vpop (xrf1)  }
0x1b8: {  	v3 =	vxor.u32 $0x80000000, v3  }
0x1b9: {  	[tilespmem:$0x11690] =	vst v3  }
0x1ba: {  	[tilespmem:$0x116B0] =	vst v4;
	v20 =	vld [tilespmem:$0x1168F]  }
0x1bb: {  	v21 =	vld [tilespmem:$0x116AF];
	_ =	sdelay $0x3  }
0x1bc: {  	vm15 =	veq.s32 v20, v3  }
0x1bd: {  	v5 =	vnsel vm15, $0x0, v21  }
0x1be: {  	v4 =	vadd.f32 v5, v4;
	_ =	sdelay $0x1  }
0x1bf: {  	v22 =	vld [tilespmem:$0x1168E];
	[tilespmem:$0x116B0] =	vst v4  }
0x1c0: {  	v23 =	vld [tilespmem:$0x116AE];
	_ =	sdelay $0x3  }
0x1c1: {  	vm4 =	veq.s32 v22, v3  }
0x1c2: {  	v5 =	vnsel vm4, $0x0, v23  }
0x1c3: {  	v4 =	vadd.f32 v4, v5  }
0x1c4: {  	(xrf1) =	vunique.msk.u32 $0xffff, v3  }
0x1c5: {  	v24 =	vld [tilespmem:$0x1168C];
	[tilespmem:$0x116B0] =	vst v4  }
0x1c6: {  	v25 =	vld [tilespmem:$0x116AC];
	_ =	sdelay $0x3  }
0x1c7: {  	vm5 =	veq.s32 v24, v3  }
0x1c8: {  	v5 =	vnsel vm5, $0x0, v25  }
0x1c9: {  	v4 =	vadd.f32 v5, v4;
	_ =	sdelay $0x1  }
0x1ca: {  	v26 =	vld [tilespmem:$0x11688];
	[tilespmem:$0x116B0] =	vst v4  }
0x1cb: {  	v27 =	vld [tilespmem:$0x116A8];
	_ =	sdelay $0x2  }
0x1cc: {  	_, v7, vm6 =	vpop (xrf1)  }
0x1cd: {  	vm7 =	veq.s32 v26, v3  }
0x1ce: {  	v5 =	vnsel vm7, $0x0, v27  }
0x1cf: {  	v4 =	vadd.f32 v5, v4;
	_ =	sdelay $0x1  }
0x1d0: {  	[tilespmem:$0x116B0] =	vst v4  }
0x1d1: {  	[tilespmem:v3+s18+$0x0] =	vst.idx.add.f32.msk vm6, v4  }
0x1d2: {  	v3 =	vld [tilespmem:s21+$0x40];
	_ =	sdelay $0x6  }
0x1d3: {  	v4 =	vld [tilespmem:s21+$0x4F40]  }
0x1d4: {  	v28 =	vld.idx.msk [tilespmem:v3+s17+$0x0], $0xffff;
	_ =	sdelay $0x4  }
0x1d5: {  	v4 =	vsub.f32 v4, v28;
	_ =	sdelay $0x1  }
0x1d6: {  	v4 =	vmul.f32 $1.442695020e+00, v4;
	_ =	sdelay $0x1  }
0x1d7: {  	(erf) = vpow2.f32 v4;
	_ =	sdelay $0x8  }
0x1d8: {  	v3 =	vxor.u32 $0x80000000, v3;
	v4 =	vpop (erf)  }
0x1d9: {  	(xrf1) =	vsort.ascd.msk.u32 $0xffff, v3, v4;
	_ =	sdelay $0xd  }
0x1da: {  	v3, v4, _ =	vpop (xrf1)  }
0x1db: {  	v3 =	vxor.u32 $0x80000000, v3  }
0x1dc: {  	[tilespmem:$0x11690] =	vst v3  }
0x1dd: {  	[tilespmem:$0x116B0] =	vst v4;
	v29 =	vld [tilespmem:$0x1168F]  }
0x1de: {  	v30 =	vld [tilespmem:$0x116AF];
	_ =	sdelay $0x3  }
0x1df: {  	vm8 =	veq.s32 v29, v3  }
0x1e0: {  	v5 =	vnsel vm8, $0x0, v30  }
0x1e1: {  	v4 =	vadd.f32 v5, v4;
	_ =	sdelay $0x1  }
0x1e2: {  	v31 =	vld [tilespmem:$0x1168E];
	[tilespmem:$0x116B0] =	vst v4  }
0x1e3: {  	v32 =	vld [tilespmem:$0x116AE];
	_ =	sdelay $0x3  }
0x1e4: {  	vm9 =	veq.s32 v31, v3  }
0x1e5: {  	v5 =	vnsel vm9, $0x0, v32  }
0x1e6: {  	v4 =	vadd.f32 v4, v5  }
0x1e7: {  	(xrf1) =	vunique.msk.u32 $0xffff, v3  }
0x1e8: {  	v33 =	vld [tilespmem:$0x1168C];
	[tilespmem:$0x116B0] =	vst v4  }
0x1e9: {  	v34 =	vld [tilespmem:$0x116AC];
	_ =	sdelay $0x3  }
0x1ea: {  	vm10 =	veq.s32 v33, v3  }
0x1eb: {  	v5 =	vnsel vm10, $0x0, v34  }
0x1ec: {  	v4 =	vadd.f32 v5, v4;
	_ =	sdelay $0x1  }
0x1ed: {  	v35 =	vld [tilespmem:$0x11688];
	[tilespmem:$0x116B0] =	vst v4  }
0x1ee: {  	v36 =	vld [tilespmem:$0x116A8];
	_ =	sdelay $0x2  }
0x1ef: {  	_, v7, vm11 =	vpop (xrf1)  }
0x1f0: {  	vm12 =	veq.s32 v35, v3  }
0x1f1: {  	v5 =	vnsel vm12, $0x0, v36  }
0x1f2: {  	v4 =	vadd.f32 v5, v4;
	_ =	sdelay $0x1  }
0x1f3: {  	[tilespmem:$0x116B0] =	vst v4  }
0x1f4: {  	[tilespmem:v3+s18+$0x0] =	vst.idx.add.f32.msk vm11, v4  }
0x1f5: {  	v3 =	vld [tilespmem:s21+$0x50];
	_ =	sdelay $0x6  }
0x1f6: {  	v4 =	vld [tilespmem:s21+$0x4F50]  }
0x1f7: {  	v37 =	vld.idx.msk [tilespmem:v3+s17+$0x0], $0xffff;
	_ =	sdelay $0x4  }
0x1f8: {  	v4 =	vsub.f32 v4, v37;
	_ =	sdelay $0x1  }
0x1f9: {  	v4 =	vmul.f32 $1.442695020e+00, v4;
	_ =	sdelay $0x1  }
0x1fa: {  	(erf) = vpow2.f32 v4;
	_ =	sdelay $0x8  }
0x1fb: {  	v3 =	vxor.u32 $0x80000000, v3;
	v4 =	vpop (erf)  }
0x1fc: {  	(xrf1) =	vsort.ascd.msk.u32 $0xffff, v3, v4;
	_ =	sdelay $0xd  }
0x1fd: {  	v3, v4, _ =	vpop (xrf1)  }
0x1fe: {  	v3 =	vxor.u32 $0x80000000, v3  }
0x1ff: {  	[tilespmem:$0x11690] =	vst v3  }
0x200: {  	[tilespmem:$0x116B0] =	vst v4;
	v38 =	vld [tilespmem:$0x1168F]  }
0x201: {  	v39 =	vld [tilespmem:$0x116AF];
	_ =	sdelay $0x3  }
0x202: {  	vm13 =	veq.s32 v38, v3  }
0x203: {  	v5 =	vnsel vm13, $0x0, v39  }
0x204: {  	v4 =	vadd.f32 v5, v4;
	_ =	sdelay $0x1  }
0x205: {  	v40 =	vld [tilespmem:$0x1168E];
	[tilespmem:$0x116B0] =	vst v4  }
0x206: {  	v41 =	vld [tilespmem:$0x116AE];
	_ =	sdelay $0x3  }
0x207: {  	vm14 =	veq.s32 v40, v3  }
0x208: {  	v5 =	vnsel vm14, $0x0, v41  }
0x209: {  	v4 =	vadd.f32 v4, v5  }
0x20a: {  	(xrf1) =	vunique.msk.u32 $0xffff, v3  }
0x20b: {  	v42 =	vld [tilespmem:$0x1168C];
	[tilespmem:$0x116B0] =	vst v4  }
0x20c: {  	v43 =	vld [tilespmem:$0x116AC];
	_ =	sdelay $0x3  }
0x20d: {  	vm15 =	veq.s32 v42, v3  }
0x20e: {  	v5 =	vnsel vm15, $0x0, v43  }
0x20f: {  	v4 =	vadd.f32 v5, v4;
	_ =	sdelay $0x1  }
0x210: {  	v44 =	vld [tilespmem:$0x11688];
	[tilespmem:$0x116B0] =	vst v4  }
0x211: {  	v45 =	vld [tilespmem:$0x116A8];
	_ =	sdelay $0x2  }
0x212: {  	_, v7, vm4 =	vpop (xrf1)  }
0x213: {  	vm5 =	veq.s32 v44, v3  }
0x214: {  	v5 =	vnsel vm5, $0x0, v45  }
0x215: {  	v4 =	vadd.f32 v5, v4;
	_ =	sdelay $0x1  }
0x216: {  	[tilespmem:$0x116B0] =	vst v4  }
0x217: {  	[tilespmem:v3+s18+$0x0] =	vst.idx.add.f32.msk vm4, v4  }
0x218: {  	v3 =	vld [tilespmem:s21+$0x60];
	_ =	sdelay $0x6  }
0x219: {  	v4 =	vld [tilespmem:s21+$0x4F60]  }
0x21a: {  	v46 =	vld.idx.msk [tilespmem:v3+s17+$0x0], $0xffff;
	_ =	sdelay $0x4  }
0x21b: {  	v4 =	vsub.f32 v4, v46;
	_ =	sdelay $0x1  }
0x21c: {  	v4 =	vmul.f32 $1.442695020e+00, v4;
	_ =	sdelay $0x1  }
0x21d: {  	(erf) = vpow2.f32 v4;
	_ =	sdelay $0x8  }
0x21e: {  	v3 =	vxor.u32 $0x80000000, v3;
	v4 =	vpop (erf)  }
0x21f: {  	(xrf1) =	vsort.ascd.msk.u32 $0xffff, v3, v4;
	_ =	sdelay $0xd  }
0x220: {  	v3, v4, _ =	vpop (xrf1)  }
0x221: {  	v3 =	vxor.u32 $0x80000000, v3  }
0x222: {  	[tilespmem:$0x11690] =	vst v3  }
0x223: {  	[tilespmem:$0x116B0] =	vst v4;
	v47 =	vld [tilespmem:$0x1168F]  }
0x224: {  	v48 =	vld [tilespmem:$0x116AF];
	_ =	sdelay $0x3  }
0x225: {  	vm6 =	veq.s32 v47, v3  }
0x226: {  	v5 =	vnsel vm6, $0x0, v48  }
0x227: {  	v4 =	vadd.f32 v5, v4;
	_ =	sdelay $0x1  }
0x228: {  	v49 =	vld [tilespmem:$0x1168E];
	[tilespmem:$0x116B0] =	vst v4  }
0x229: {  	v50 =	vld [tilespmem:$0x116AE];
	_ =	sdelay $0x3  }
0x22a: {  	vm7 =	veq.s32 v49, v3  }
0x22b: {  	v5 =	vnsel vm7, $0x0, v50  }
0x22c: {  	v4 =	vadd.f32 v4, v5  }
0x22d: {  	(xrf1) =	vunique.msk.u32 $0xffff, v3  }
0x22e: {  	v51 =	vld [tilespmem:$0x1168C];
	[tilespmem:$0x116B0] =	vst v4  }
0x22f: {  	v52 =	vld [tilespmem:$0x116AC];
	_ =	sdelay $0x3  }
0x230: {  	vm8 =	veq.s32 v51, v3  }
0x231: {  	v5 =	vnsel vm8, $0x0, v52  }
0x232: {  	v4 =	vadd.f32 v5, v4;
	_ =	sdelay $0x1  }
0x233: {  	v53 =	vld [tilespmem:$0x11688];
	[tilespmem:$0x116B0] =	vst v4  }
0x234: {  	v54 =	vld [tilespmem:$0x116A8];
	_ =	sdelay $0x2  }
0x235: {  	_, v7, vm9 =	vpop (xrf1)  }
0x236: {  	vm10 =	veq.s32 v53, v3  }
0x237: {  	v5 =	vnsel vm10, $0x0, v54  }
0x238: {  	v4 =	vadd.f32 v5, v4;
	_ =	sdelay $0x1  }
0x239: {  	[tilespmem:$0x116B0] =	vst v4  }
0x23a: {  	[tilespmem:v3+s18+$0x0] =	vst.idx.add.f32.msk vm9, v4  }
0x23b: {  	v3 =	vld [tilespmem:s21+$0x70];
	_ =	sdelay $0x6  }
0x23c: {  	v4 =	vld [tilespmem:s21+$0x4F70]  }
0x23d: {  	v55 =	vld.idx.msk [tilespmem:v3+s17+$0x0], $0xffff;
	_ =	sdelay $0x4  }
0x23e: {  	v4 =	vsub.f32 v4, v55;
	_ =	sdelay $0x1  }
0x23f: {  	v4 =	vmul.f32 $1.442695020e+00, v4;
	_ =	sdelay $0x1  }
0x240: {  	(erf) = vpow2.f32 v4;
	_ =	sdelay $0x8  }
0x241: {  	v3 =	vxor.u32 $0x80000000, v3;
	v4 =	vpop (erf)  }
0x242: {  	(xrf1) =	vsort.ascd.msk.u32 $0xffff, v3, v4;
	_ =	sdelay $0xd  }
0x243: {  	v3, v4, _ =	vpop (xrf1)  }
0x244: {  	v3 =	vxor.u32 $0x80000000, v3  }
0x245: {  	[tilespmem:$0x11690] =	vst v3  }
0x246: {  	[tilespmem:$0x116B0] =	vst v4;
	v56 =	vld [tilespmem:$0x1168F]  }
0x247: {  	v57 =	vld [tilespmem:$0x116AF];
	_ =	sdelay $0x3  }
0x248: {  	vm11 =	veq.s32 v56, v3  }
0x249: {  	v5 =	vnsel vm11, $0x0, v57  }
0x24a: {  	v4 =	vadd.f32 v5, v4;
	_ =	sdelay $0x1  }
0x24b: {  	v58 =	vld [tilespmem:$0x1168E];
	[tilespmem:$0x116B0] =	vst v4  }
0x24c: {  	v59 =	vld [tilespmem:$0x116AE];
	_ =	sdelay $0x3  }
0x24d: {  	vm12 =	veq.s32 v58, v3  }
0x24e: {  	v5 =	vnsel vm12, $0x0, v59  }
0x24f: {  	v4 =	vadd.f32 v4, v5  }
0x250: {  	(xrf1) =	vunique.msk.u32 $0xffff, v3  }
0x251: {  	v60 =	vld [tilespmem:$0x1168C];
	[tilespmem:$0x116B0] =	vst v4  }
0x252: {  	v61 =	vld [tilespmem:$0x116AC];
	_ =	sdelay $0x3  }
0x253: {  	vm13 =	veq.s32 v60, v3  }
0x254: {  	v5 =	vnsel vm13, $0x0, v61  }
0x255: {  	v4 =	vadd.f32 v5, v4;
	_ =	sdelay $0x1  }
0x256: {  	v62 =	vld [tilespmem:$0x11688];
	[tilespmem:$0x116B0] =	vst v4  }
0x257: {  	v63 =	vld [tilespmem:$0x116A8];
	_ =	sdelay $0x2  }
0x258: {  	_, v7, vm14 =	vpop (xrf1)  }
0x259: {  	p0 =	sne.s32 s20, $0x9C00;
	vm15 =	veq.s32 v62, v3  }
.Ltmp2:
0x25a: {  	v5 =	vnsel vm15, $0x0, v63;
	(pc) =	sbr.rel @p0 .LBB2_6-.Ltmp2, $3  }
0x25b: {  	v4 =	vadd.f32 v5, v4;
	_ =	sdelay $0x1  }
0x25c: {  	[tilespmem:$0x116B0] =	vst v4  }
0x25d: {  	s20 =	sadd.s32 $0x200, s20;
	[tilespmem:v3+s18+$0x0] =	vst.idx.add.f32.msk vm14, v4  }
0x25e: {  	[hbm4b:s7+s4] =	stream.linear.scatter [tilespmem:s17], [sflag:$0x1], $0x2800, $0x38;
	[tilespmem:$0x116C0] =	vst v63  }
0x25f: {  	s19 =	sadd.s32 $0x1, s19;
	_ =	swait.ge [sflag:s12], $0x2800  }
0x260: {  	p0 =	sne.s32 s19, s11;
	[sflag:s12] =	ssyncset.done $0x0  }
.Ltmp3:
0x261: {  	[sflag:s12] =	ssyncadd.s32 $0xFFFFD800;
	(pc) =	sbr.rel @p0 .LBB2_1-.Ltmp3, $4  }
0x262: {  	[hbm4b:s10+s4] =	stream.linear.scatter [tilespmem:s18], [sflag:$0x1], $0x2800, $0x38;
	[tilespmem:$0x116C0] =	vst v63  }
0x263: {  	_ =	swait.ge [sflag:s12], $0x2800  }
0x264: {  	[sflag:s12] =	ssyncset.done $0x0  }
0x265: {  	[sflag:s12] =	ssyncadd.s32 $0xFFFFD800  }
0x266: {  	_ =	sfence.sel $0x180000  }
0x267: {  	[bflag:$0x0] =	sbarrier.arrive $0xFFFF  }
0x268: {  	p0 =	sne.s32 s0, $0x0;
	_ =	strace $0x90000047  }
0x269: {  	s0 =	sadd.s32 @!p0 $0x100000, s2;
	[bflag:$0x2] =	sbarrier.arrive $0xFFFF  }
0x26a: {  	[sflag:s0] =	ssyncadd.tile.s32 @!p0 $0x1;
	_ =	shalt  }
.Lfunc_end2:
_tile_overlayer_lowered:
.L_overlay_start_2:
0x26b: {  	(tag) =	ssettag $0x2  }
0x26c: {  	s0 =	rddreg [dreg:$0x0];
	s2 =	stileid.u32  }
0x26d: {  	s1 =	rddreg [dreg:$0x1];
	p0 =	sne.s32 s2, $0x0  }
0x26e: {  	s3 =	rddreg [dreg:$0x2];
	[bflag:$0x3] =	sbarrier.arrive $0xFFFF;
	s2 =	simm.s32 @!p0 $0x1C01  }
0x26f: {  	[timem:s3], [sflag:s2] =	dma.local @!p0 [hbm:s0], s1  }
0x270: {  	s0 =	simm.s32 @!p0 $0x1  }
0x271: {  	_ =	swait.ge @!p0 [sflag:s0], s1  }
0x272: {  	s1 =	ssub.s32 @!p0 $0x0, s1;
	[sflag:s0] =	ssyncset.done @!p0 $0x0  }
0x273: {  	[sflag:s0] =	ssyncadd.s32 @!p0 s1  }
0x274: {  	[bflag:$0x3] =	sbarrier.arrive $0xFFFF  }
0x275: {  	_ =	shalt  }

// kernel: kernel.9.cloned.1.call-start
scs
__scs_entry_jumppad:
0x0: {  	(pc) =	sbr.rel $0x88, $3  }
0x1: {  	(tag) =	ssettag $0x0;
	lr =	simm.s32 $0x1  }
0x2: {  	[smem:$0x3F9D] =	sst lr;
	_ =	strace $0xD0000000  }
0x3: {  	_ = 	snop  }
0x4: {  	_ = 	snop  }
0x5: {  	_ = 	snop  }
0x6: {  	_ = 	snop  }
0x7: {  	_ = 	snop  }
__scs_overlays_trampoline_lowered:
0x8: {  	[smem:$0x3FAC] =	sst s0  }
0x9: {  	[smem:$0x3FAD] =	sst s1  }
0xa: {  	[smem:$0x3FAE] =	sst s2  }
0xb: {  	[smem:$0x3FAF] =	sst s3  }
0xc: {  	[smem:$0x3FB0] =	sst s4  }
0xd: {  	[smem:$0x3FB1] =	sst s5  }
0xe: {  	[smem:$0x3FB2] =	sst s6  }
0xf: {  	[smem:$0x3FB3] =	sst s7  }
0x10: {  	[smem:$0x3FB4] =	sst s8  }
0x11: {  	[smem:$0x3FB5] =	sst s9;
	s0 =	simm.s32 @!p0 $0x0  }
0x12: {  	s1 =	sld [smem:$0x3F9B];
	s0 =	simm.s32 @p0 $0x1  }
0x13: {  	[smem:$0x3FB6] =	sst s0;
	s0 =	simm.s32 @!p1 $0x0  }
0x14: {  	s2 =	sld [smem:$0x3F9A];
	s0 =	simm.s32 @p1 $0x1  }
0x15: {  	[smem:$0x3FB7] =	sst s0;
	s0 =	simm.s32 @!p2 $0x0  }
0x16: {  	s3 =	sld [smem:$0x3FDB];
	s0 =	simm.s32 @p2 $0x1  }
0x17: {  	s4 =	simm.s32 $0x1BF5;
	[smem:$0x3FB9] =	sst s0  }
0x18: {  	s0 =	sld [smem:$0x3F9C];
	_ =	swait.ge [sflag:s4], $0x0  }
0x19: {  	s7 =	sld [smem:$0x3F9D]  }
0x1a: {  	s8 =	sadd.s32 $0xFFFFE003, lr  }
0x1b: {  	s9 =	sadd.s32 $0xFFFFFEF7, lr;
	s5 =	simm.s32 $0xFFFFFFFF;
	p2 =	slt.u32 s8, $0xFFFFF086  }
0x1c: {  	p1 =	slt.u32 s9, $0xF7A;
	s5 =	simm.s32 @!p2 $0x0  }
0x1d: {  	s5 =	simm.s32 @p1 $0x1;
	p0 =	seq.s32 s7, s2  }
0x1e: {  	s7 =	smul.u32 @!p0 $0xF7A, s2;
	p2 =	seq.s32 @!p0 s5, $0x0  }
0x1f: {  	s9 =	smul.u32 $0xF7A, s1;
	s8 =	simm.s32 @!p0 $0x1BF5;
	p2 =	por !p2, p0  }
0x20: {  	[sflag:s8] =	ssyncset.s32 @!p0 $0xFFFFF086;
	s6 =	sadd.s32 @!p0 s3, s7;
	s7 =	simm.s32 @!p0 $0x108  }
0x21: {  	s3 =	sadd.s32 s3, s9;
	s6 =	sadd.s32 @!p0 $0x88, s6;
	s7 =	simm.s32 @p2 $0x1082  }
0x22: {  	[simem:s7], [sflag:s8] =	dma.local @!p0 [hbm:s6], $0xF7A  }
0x23: {  	s9 =	sor.u32 $0xD0000000, s2;
	s6 =	simm.s32 $0x108;
	_ =	swait.ge @!p0 [sflag:s8], $0x0  }
0x24: {  	s3 =	sadd.s32 $0x88, s3;
	s6 =	simm.s32 @!p1 $0x1082;
	[sflag:s4] =	ssyncset.s32 $0xFFFFF086  }
0x25: {  	[simem:s6], [sflag:s4] =	dma.local [hbm:s3], $0xF7A  }
0x26: {  	[smem:$0x3F9D] =	sst s1;
	(tag) =	ssettag s2;
	_ =	strace s9  }
0x27: {  	s1 =	sld [smem:$0x3FAD]  }
0x28: {  	s2 =	sld [smem:$0x3FAE]  }
0x29: {  	s4 =	sld [smem:$0x3FB0]  }
0x2a: {  	p0 =	seq.s32 s5, $0x0;
	s5 =	sld [smem:$0x3FB1]  }
0x2b: {  	s6 =	sld [smem:$0x3FB2]  }
0x2c: {  	s7 =	sld [smem:$0x3FB3]  }
0x2d: {  	s3 =	simm.s32 $0x108;
	s8 =	sld [smem:$0x3FB4]  }
0x2e: {  	s3 =	simm.s32 @!p0 $0x1082;
	s9 =	sld [smem:$0x3FB5]  }
0x2f: {  	lr =	sadd.s32 s0, s3;
	s0 =	sld [smem:$0x3FAC]  }
0x30: {  	s3 =	sld [smem:$0x3FAF]  }
0x31: {  	[smem:$0x3FB8] =	sst s10  }
0x32: {  	s10 =	sld [smem:$0x3FB6];
	_ =	sdelay $0x3  }
0x33: {  	p0 =	seq.s32 s10, $0x1;
	s10 =	sld [smem:$0x3FB8];
	_ =	sdelay $0x3  }
0x34: {  	[smem:$0x3FB8] =	sst s10  }
0x35: {  	s10 =	sld [smem:$0x3FB7];
	_ =	sdelay $0x3  }
0x36: {  	p1 =	seq.s32 s10, $0x1;
	s10 =	sld [smem:$0x3FB8];
	_ =	sdelay $0x3  }
0x37: {  	[smem:$0x3FB8] =	sst s10  }
0x38: {  	s10 =	sld [smem:$0x3FB9]  }
0x39: {  	_ = 	snop;
	(pc) =	sbr.ind lr, $3  }
0x3a: {  	_ = 	snop  }
0x3b: {  	_ = 	snop  }
0x3c: {  	p2 =	seq.s32 s10, $0x1;
	s10 =	sld [smem:$0x3FB8]  }
0x3d: {  	_ =	shalt  }
0x3e: {  	_ =	shalt  }
0x3f: {  	_ =	shalt  }
0x40: {  	_ =	shalt  }
0x41: {  	_ =	shalt  }
0x42: {  	_ =	shalt  }
0x43: {  	_ =	shalt  }
0x44: {  	_ =	shalt  }
0x45: {  	_ =	shalt  }
0x46: {  	_ =	shalt  }
0x47: {  	_ =	shalt  }
0x48: {  	_ =	shalt  }
0x49: {  	_ =	shalt  }
0x4a: {  	_ =	shalt  }
0x4b: {  	_ =	shalt  }
0x4c: {  	_ =	shalt  }
0x4d: {  	_ =	shalt  }
0x4e: {  	_ =	shalt  }
0x4f: {  	_ =	shalt  }
0x50: {  	_ =	shalt  }
0x51: {  	_ =	shalt  }
0x52: {  	_ =	shalt  }
0x53: {  	_ =	shalt  }
0x54: {  	_ =	shalt  }
0x55: {  	_ =	shalt  }
0x56: {  	_ =	shalt  }
0x57: {  	_ =	shalt  }
0x58: {  	_ =	shalt  }
0x59: {  	_ =	shalt  }
0x5a: {  	_ =	shalt  }
0x5b: {  	_ =	shalt  }
0x5c: {  	_ =	shalt  }
0x5d: {  	_ =	shalt  }
0x5e: {  	_ =	shalt  }
0x5f: {  	_ =	shalt  }
0x60: {  	_ =	shalt  }
0x61: {  	_ =	shalt  }
0x62: {  	_ =	shalt  }
0x63: {  	_ =	shalt  }
0x64: {  	_ =	shalt  }
0x65: {  	_ =	shalt  }
0x66: {  	_ =	shalt  }
0x67: {  	_ =	shalt  }
0x68: {  	_ =	shalt  }
0x69: {  	_ =	shalt  }
0x6a: {  	_ =	shalt  }
0x6b: {  	_ =	shalt  }
0x6c: {  	_ =	shalt  }
0x6d: {  	_ =	shalt  }
0x6e: {  	_ =	shalt  }
0x6f: {  	_ =	shalt  }
0x70: {  	_ =	shalt  }
0x71: {  	_ =	shalt  }
0x72: {  	_ =	shalt  }
0x73: {  	_ =	shalt  }
0x74: {  	_ =	shalt  }
0x75: {  	_ =	shalt  }
0x76: {  	_ =	shalt  }
0x77: {  	_ =	shalt  }
0x78: {  	_ =	shalt  }
0x79: {  	_ =	shalt  }
0x7a: {  	_ =	shalt  }
0x7b: {  	_ =	shalt  }
0x7c: {  	_ =	shalt  }
0x7d: {  	_ =	shalt  }
0x7e: {  	_ =	shalt  }
0x7f: {  	_ =	shalt  }
0x80: {  	_ =	shalt  }
0x81: {  	_ =	shalt  }
0x82: {  	_ =	shalt  }
0x83: {  	_ =	shalt  }
0x84: {  	_ =	shalt  }
0x85: {  	_ =	shalt  }
0x86: {  	_ =	shalt  }
0x87: {  	_ =	shalt  }
.Lfunc_end0:
.L_simem_size_0:
called_computation.1_lowered:
.L_overlay_start_0:
0x88: {  	s2 =	sld [smem:$0x3FD9]  }
0x89: {  	s3 =	sld [smem:$0x3FFE];
	_ =	sdelay $0x1  }
0x8a: {  	s1 =	srdreg.scid  }
0x8b: {  	s0 =	sand.u32 $0x1, s1  }
0x8c: {  	s14 =	sshll.u32 s0, $0xA;
	s2 =	sadd.s32 s3, s2  }
0x8d: {  	s2 =	sadd.s32 s2, s14  }
0x8e: {  	[smem:$0x3FC4] =	sst s2  }
0x8f: {  	_ = 	snop  }
0x90: {  	s2 =	sld [smem:$0x3FD0];
	_ =	sdelay $0x2  }
0x91: {  	s4 =	simm.s32 $0xA;
	s5 =	simm.s32 $0x10;
	s15 =	sld [smem:$0x3FC9]  }
0x92: {  	[smem:s5], [sflag:s4] =	dma.local [hbm:s2], $0x1  }
0x93: {  	_ =	swait.eq [sflag:s4], $0x1  }
0x94: {  	[sflag:s4] =	ssyncset.done $0x0  }
0x95: {  	s16 =	sld [smem:$0x11];
	[sflag:s4] =	ssyncadd.s32 $0xFFFFFFFF  }
0x96: {  	s17 =	sld [smem:$0x14];
	(tm) =	ssettm $0x1  }
0x97: {  	s18 =	sld [smem:$0x3FFB];
	_ =	sdelay $0x3  }
0x98: {  	_ =	strace s18  }
0x99: {  	s5 =	sld [smem:$0x3FFC];
	_ =	sdelay $0x3  }
0x9a: {  	_ =	strace s5  }
0x9b: {  	s5 =	sld [smem:$0x3FFD];
	_ =	sdelay $0x3  }
0x9c: {  	_ =	strace s5  }
0x9d: {  	_ =	strace $0x8FFFFFFF  }
0x9e: {  	s19 =	sld [smem:$0x3FDB];
	_ =	sdelay $0x1  }
0x9f: {  	s6 =	simm.s32 $_scs_section_size  }
0xa0: {  	s7 =	simm.s32 $_size__tile_overlayer_lowered;
	s8 =	simm.s32 $_tile_overlayer_lowered  }
0xa1: {  	s22 =	simm.s32 $0x1BFF;
	s21 =	sshll.u32 s8, $0x1;
	s5 =	sadd.s32 s6, s19  }
0xa2: {  	s9 =	simm.s32 $0x0;
	s20 =	sshll.u32 s7, $0x1;
	s7 =	sadd.s32 s21, s5  }
0xa3: {  	[timem:s9], [sflag:s22] =	dma.local [hbm:s7], s20  }
0xa4: {  	_ =	swait.ge [sflag:s22], s20  }
0xa5: {  	s6 =	ssub.s32 $0x0, s20;
	[sflag:s22] =	ssyncset.done $0x0  }
0xa6: {  	[sflag:s22] =	ssyncadd.s32 s6;
	_ =	sdelay $0x1  }
0xa7: {  	s23 =	simm.s32 $0x1B8B  }
0xa8: {  	_ =	swait.ge [sflag:s23], $0x1  }
0xa9: {  	[sflag:s23] =	ssyncset.done $0x0  }
0xaa: {  	s25 =	simm.s32 $0x1B8E;
	s24 =	sld [smem:$0x3FFE];
	[sflag:s23] =	ssyncadd.s32 $0xFFFFFFFF  }
0xab: {  	s26 =	simm.s32 $execute0_lowered;
	[smem:$0x3FD2] =	sst s25  }
0xac: {  	s7 =	sshll.u32 s26, $0x1;
	_ =	strace $0x80000049;
	[dreg:$0x1] =	wrdreg $0xFFFFFFFF  }
0xad: {  	s28 =	simm.s32 $_size_execute0_lowered;
	s5 =	sadd.s32 s5, s7;
	[dreg:$0x0] =	wrdreg $0x0  }
0xae: {  	s7 =	sshll.u32 s28, $0x1;
	[dreg:$0x2] =	wrdreg s5  }
0xaf: {  	[dreg:$0x3] =	wrdreg s7  }
0xb0: {  	[dreg:$0x4] =	wrdreg $0xC0  }
0xb1: {  	_ =	task [dreg:s9], $0x5FFFF  }
0xb2: {  	[dreg:$0x1] =	wrdreg $0xFFFFFFFF  }
0xb3: {  	[dreg:$0x0] =	wrdreg $0x60  }
0xb4: {  	[dreg:$0x2] =	wrdreg s15  }
0xb5: {  	[dreg:$0x3] =	wrdreg s16  }
0xb6: {  	[dreg:$0x4] =	wrdreg s24  }
0xb7: {  	[dreg:$0x5] =	wrdreg s17  }
0xb8: {  	[dreg:$0x6] =	wrdreg $0x155000  }
0xb9: {  	[dreg:$0x7] =	wrdreg $0x9  }
0xba: {  	_ =	task.clear_ibuf [dreg:s9], $0x8FFFF;
	_ =	strace $0x90000049  }
0xbb: {  	s29 =	simm.s32 $0x9;
	_ =	strace $0x8000004B  }
0xbc: {  	_ =	swait.ge [sflag:s29], $0x1  }
0xbd: {  	[sflag:s29] =	ssyncadd.s32 $0xFFFFFFFF  }
0xbe: {  	_ =	strace $0x9000004B  }
0xbf: {  	_ =	sfence  }
0xc0: {  	s30 =	sld [smem:$0x0];
	_ =	sdelay $0x2  }
0xc1: {  	s31 =	sshll.u32 s1, $0xD;
	s1 =	sshrl.u32 s1, $0x2  }
0xc2: {  	s3 =	sand.u32 $0x4000, s31;
	s1 =	sadd.s32 s1, s30  }
0xc3: {  	s0 =	sor.u32 s3, s0;
	s1 =	sshll.u32 s1, $0x11  }
0xc4: {  	s0 =	sor.u32 s1, s0  }
0xc5: {  	s0 =	sadd.s32 $0x8F2B, s0  }
0xc6: {  	[sflag:s0] =	ssyncadd.remote.s32 $0x1  }
0xc7: {  	_ =	sfence.sel $0xFFFF  }
0xc8: {  	[dreg:$0x0] =	wrdreg $0xFFFFFFFF;
	(pc) =	sbr.abs _section_cstart, $3  }
0xc9: {  	[dreg:$0x1] =	wrdreg $0xFFFFFFFF  }
0xca: {  	_ =	task.clear_ibuf [dreg:s9], $0x2FFFF;
	_ =	strace $0x9FFFFFFF  }
0xcb: {  	(tm) =	ssettm $0x7FFFFFFF  }
tec
execute0_lowered:
.L_overlay_start_1:
0x0: {  	(tag) =	ssettag $0x1  }
0x1: {  	s1 =	rddreg [dreg:$0x0]  }
0x2: {  	s6 =	rddreg [dreg:$0x1]  }
0x3: {  	s7 =	rddreg [dreg:$0x2]  }
0x4: {  	s3 =	rddreg [dreg:$0x3]  }
0x5: {  	s4 =	rddreg [dreg:$0x4]  }
0x6: {  	s2 =	stileid.u32;
	s8 =	srdreg.scid  }
0x7: {  	s5 =	simm.s32 $0x0;
	s17 =	simm.s32 $0x4F00;
	s18 =	simm.s32 $0x9E00  }
0x8: {  	s19 =	simm.s32 $0xED00;
	s20 =	simm.s32 $0x11500;
	s9 =	smul.u32 $0xA000, s2  }
0x9: {  	s21 =	simm.s32 $0x80;
	s23 =	simm.s32 $0x2;
	s10 =	smul.u32 $0x9E0, s2  }
0xa: {  	s24 =	simm.s32 $0x0;
	s22 =	sand.u32 $0x1, s8;
	s13 =	smul.u32 $0x28000, s2  }
0xb: {  	[smem:$0x7FF] =	sst s5;
	s8 =	smul.u32 $0xA0000, s22;
	s11 =	ssub.s32 $0x2, s22  }
0xc: {  	_ =	strace $0x8000004A;
	v0 =	vmov s22;
	s22 =	simm.s32 $0x1;
	s12 =	sshrl.u32 s11, $0x1  }
0xd: {  	s14 =	sadd.s32 s10, s7;
	s6 =	sadd.s32 s6, s10;
	s31 =	sshrl.u32 s13, $0x2  }
0xe: {  	s8 =	sadd.s32 s9, s8;
	s16 =	ssub.s32 s11, s12;
	s13 =	sadd.s32 s31, s4  }
0xf: {  	s9 =	sadd.s32 s9, s4;
	s8 =	sshrl.u32 s8, $0x3;
	s10 =	sadd.s32 $0x2000, s13  }
0x10: {  	s11 =	sadd.s32 $0x4000, s13;
	s12 =	sadd.s32 $0x6000, s13;
	s13 =	sadd.s32 $0x8000, s13  }
0x11: {  	v2 =	vimm.s32 $0x0;
	vm0 =	vcmask $0x300;
	s15 =	sadd.s32 s8, s7;
	s7 =	sadd.s32 $0x2200, s14;
	s8 =	sadd.s32 $0x15E00, s14  }
0x12: {  	v1 =	vimm.f32 $0.0e+00;
	v2 =	vsel vm0, $0x3, v2;
	s14 =	sadd.s32 $0x1FC00, s15;
	s15 =	smax.u32 s16, $0x1;
	s16 =	simm.s32 $0x3  }
.LBB2_1:
0x13: {  	[tilespmem:s5], [sflag:$0x3] =	stream.linear.gather [hbm4b:s6+s5], $0x4F00, $0x38;
	[tilespmem:$0x1F500] =	vst v63  }
0x14: {  	_ =	swait.ge [sflag:s16], $0x4F00  }
0x15: {  	[sflag:s16] =	ssyncset.done $0x0  }
0x16: {  	[sflag:s16] =	ssyncadd.s32 $0xFFFFB100  }
0x17: {  	[tilespmem:s17], [sflag:$0x3] =	stream.linear.gather [hbm4b:s7+s5], $0x4F00, $0x38;
	[tilespmem:$0x1F500] =	vst v63  }
0x18: {  	_ =	swait.ge [sflag:s16], $0x4F00  }
0x19: {  	[sflag:s16] =	ssyncset.done $0x0  }
0x1a: {  	[sflag:s16] =	ssyncadd.s32 $0xFFFFB100  }
0x1b: {  	[tilespmem:s18], [sflag:$0x3] =	stream.linear.gather [hbm4b:s8+s5], $0x4F00, $0x38;
	[tilespmem:$0x1F500] =	vst v63  }
0x1c: {  	_ =	swait.ge [sflag:s16], $0x4F00  }
0x1d: {  	[sflag:s16] =	ssyncset.done $0x0  }
0x1e: {  	[sflag:s16] =	ssyncadd.s32 $0xFFFFB100  }
0x1f: {  	[tilespmem:s19], [sflag:$0x3] =	stream.linear.gather [hbm4b:s3+s5], $0x2800, $0x38;
	[tilespmem:$0x1F500] =	vst v63  }
0x20: {  	_ =	swait.ge [sflag:s16], $0x2800  }
0x21: {  	[sflag:s16] =	ssyncset.done $0x0  }
0x22: {  	s26 =	simm.s32 $0x100;
	s25 =	simm.s32 $0x0;
	[sflag:s16] =	ssyncadd.s32 $0xFFFFD800  }
.LBB2_2:
0x23: {  	p0 =	sne.s32 s26, $0x7F00;
	[tilespmem:s25+$0x11530] =	vst v1;
	s28 =	smov.u32 s26;
	s26 =	sadd.s32 $0x100, s26  }
.Ltmp0:
0x24: {  	[tilespmem:s25+$0x11520] =	vst v1;
	(pc) =	sbr.rel @p0 .LBB2_2-.Ltmp0, $3  }
0x25: {  	[tilespmem:s25+$0x11500] =	vst v1  }
0x26: {  	[tilespmem:s25+$0x11510] =	vst v1;
	_ =	sdelay $0x1  }
0x27: {  	s25 =	sshra.s32 s28, $0x2  }
0x28: {  	[tilespmem:s25+$0x11530] =	vst v1  }
0x29: {  	[tilespmem:s25+$0x11520] =	vst v1  }
0x2a: {  	[tilespmem:s25+$0x11500] =	vst v1  }
0x2b: {  	[tilespmem:s25+$0x11510] =	vst v1  }
0x2c: {  	[spmem:s9] =	stream.linear.scatter [tilespmem:s20], [sflag:$0x3], $0x2000, $0x38;
	[tilespmem:$0x1F500] =	vst v63  }
0x2d: {  	_ =	swait.ge [sflag:s16], $0x2000  }
0x2e: {  	[sflag:s16] =	ssyncset.done $0x0  }
0x2f: {  	[sflag:s16] =	ssyncadd.s32 $0xFFFFE000  }
0x30: {  	[spmem:s10] =	stream.linear.scatter [tilespmem:s20], [sflag:$0x3], $0x2000, $0x38;
	[tilespmem:$0x1F500] =	vst v63  }
0x31: {  	_ =	swait.ge [sflag:s16], $0x2000  }
0x32: {  	[sflag:s16] =	ssyncset.done $0x0  }
0x33: {  	[sflag:s16] =	ssyncadd.s32 $0xFFFFE000  }
0x34: {  	[spmem:s11] =	stream.linear.scatter [tilespmem:s20], [sflag:$0x3], $0x2000, $0x38;
	[tilespmem:$0x1F500] =	vst v63  }
0x35: {  	_ =	swait.ge [sflag:s16], $0x2000  }
0x36: {  	[sflag:s16] =	ssyncset.done $0x0  }
0x37: {  	[sflag:s16] =	ssyncadd.s32 $0xFFFFE000  }
0x38: {  	[spmem:s12] =	stream.linear.scatter [tilespmem:s20], [sflag:$0x3], $0x2000, $0x38;
	[tilespmem:$0x1F500] =	vst v63  }
0x39: {  	_ =	swait.ge [sflag:s16], $0x2000  }
0x3a: {  	[sflag:s16] =	ssyncset.done $0x0  }
0x3b: {  	[sflag:s16] =	ssyncadd.s32 $0xFFFFE000  }
0x3c: {  	[spmem:s13] =	stream.linear.scatter [tilespmem:s20], [sflag:$0x3], $0x2000, $0x38;
	[tilespmem:$0x1F500] =	vst v63  }
0x3d: {  	_ =	swait.ge [sflag:s16], $0x2000  }
0x3e: {  	[sflag:s16] =	ssyncset.done $0x0  }
0x3f: {  	s25 =	simm.s32 $0x0;
	[sflag:s16] =	ssyncadd.s32 $0xFFFFE000  }
0x40: {  	v3 =	vld [tilespmem:s25+$0x0];
	_ =	sdelay $0x6  }
0x41: {  	v39 =	vld [tilespmem:s25+$0x9E00]  }
0x42: {  	v4 =	vshll.u32 v3, $0x1;
	vm0 =	vlt.s32 v3, $0x2710;
	v5 =	vadd.s32 $0xFFFFD8F0, v3;
	v3 =	vld.idx.msk [tilespmem:v3+s19+$0x0], $0xffff;
	_ =	sdelay $0x4  }
0x43: {  	v3 =	vsub.f32 v39, v3;
	_ =	sdelay $0x1  }
0x44: {  	v3 =	vmul.f32 $1.442695020e+00, v3;
	_ =	sdelay $0x1  }
0x45: {  	(erf) = vpow2.f32 v3;
	_ =	sdelay $0x2  }
0x46: {  	v3 =	vld [tilespmem:s25+$0x10];
	_ =	sdelay $0x3  }
0x47: {  	v4 =	vor.u32 v0, v4  }
0x48: {  	v4 =	vsel vm0, v4, v5  }
0x49: {  	[tilespmem:s25+$0x0] =	vst v4;
	v41 =	vpop (erf)  }
0x4a: {  	v42 =	vld [tilespmem:s25+$0x9E10];
	[tilespmem:s25+$0x9E00] =	vst v41  }
0x4b: {  	v40 =	vshll.u32 v3, $0x1;
	vm9 =	vlt.s32 v3, $0x2710;
	v6 =	vadd.s32 $0xFFFFD8F0, v3;
	v3 =	vld.idx.msk [tilespmem:v3+s19+$0x0], $0xffff;
	_ =	sdelay $0x4  }
0x4c: {  	v3 =	vsub.f32 v42, v3;
	_ =	sdelay $0x1  }
0x4d: {  	v3 =	vmul.f32 $1.442695020e+00, v3;
	_ =	sdelay $0x1  }
0x4e: {  	(erf) = vpow2.f32 v3;
	_ =	sdelay $0x2  }
0x4f: {  	v3 =	vld [tilespmem:s25+$0x20];
	_ =	sdelay $0x3  }
0x50: {  	v4 =	vor.u32 v0, v40  }
0x51: {  	v4 =	vsel vm9, v4, v6  }
0x52: {  	[tilespmem:s25+$0x10] =	vst v4;
	v43 =	vpop (erf)  }
0x53: {  	v44 =	vld [tilespmem:s25+$0x9E20];
	[tilespmem:s25+$0x9E10] =	vst v43  }
0x54: {  	v4 =	vld.idx.msk [tilespmem:v3+s19+$0x0], $0xffff;
	_ =	sdelay $0x4  }
0x55: {  	v4 =	vsub.f32 v44, v4;
	_ =	sdelay $0x1  }
0x56: {  	v4 =	vmul.f32 $1.442695020e+00, v4;
	_ =	sdelay $0x1  }
0x57: {  	(erf) = vpow2.f32 v4;
	_ =	sdelay $0x2  }
0x58: {  	v45 =	vld [tilespmem:s25+$0x30]  }
0x59: {  	v46 =	vshll.u32 v3, $0x1  }
0x5a: {  	vm10 =	vlt.s32 v3, $0x2710;
	v5 =	vor.u32 v0, v46;
	v3 =	vadd.s32 $0xFFFFD8F0, v3  }
0x5b: {  	v3 =	vsel vm10, v5, v3;
	_ =	sdelay $0x2  }
0x5c: {  	[tilespmem:s25+$0x20] =	vst v3;
	v3 =	vpop (erf)  }
0x5d: {  	v47 =	vld [tilespmem:s25+$0x9E30];
	[tilespmem:s25+$0x9E20] =	vst v3  }
0x5e: {  	v3 =	vld.idx.msk [tilespmem:v45+s19+$0x0], $0xffff;
	_ =	sdelay $0x4  }
0x5f: {  	v3 =	vsub.f32 v47, v3;
	_ =	sdelay $0x1  }
0x60: {  	v3 =	vmul.f32 $1.442695020e+00, v3;
	_ =	sdelay $0x1  }
0x61: {  	(erf) = vpow2.f32 v3;
	_ =	sdelay $0x2  }
0x62: {  	v3 =	vld [tilespmem:s25+$0x40];
	_ =	sdelay $0x2  }
0x63: {  	v48 =	vshll.u32 v45, $0x1  }
0x64: {  	vm11 =	vlt.s32 v45, $0x2710;
	v5 =	vor.u32 v0, v48;
	v4 =	vadd.s32 $0xFFFFD8F0, v45  }
0x65: {  	v4 =	vsel vm11, v5, v4  }
0x66: {  	[tilespmem:s25+$0x30] =	vst v4;
	v49 =	vpop (erf)  }
0x67: {  	v50 =	vld [tilespmem:s25+$0x9E40];
	[tilespmem:s25+$0x9E30] =	vst v49  }
0x68: {  	v4 =	vld.idx.msk [tilespmem:v3+s19+$0x0], $0xffff;
	_ =	sdelay $0x4  }
0x69: {  	v4 =	vsub.f32 v50, v4;
	_ =	sdelay $0x1  }
0x6a: {  	v4 =	vmul.f32 $1.442695020e+00, v4;
	_ =	sdelay $0x1  }
0x6b: {  	(erf) = vpow2.f32 v4;
	_ =	sdelay $0x2  }
0x6c: {  	v51 =	vld [tilespmem:s25+$0x50]  }
0x6d: {  	v52 =	vshll.u32 v3, $0x1  }
0x6e: {  	vm12 =	vlt.s32 v3, $0x2710;
	v5 =	vor.u32 v0, v52;
	v3 =	vadd.s32 $0xFFFFD8F0, v3  }
0x6f: {  	v3 =	vsel vm12, v5, v3;
	_ =	sdelay $0x2  }
0x70: {  	[tilespmem:s25+$0x40] =	vst v3;
	v3 =	vpop (erf)  }
0x71: {  	v53 =	vld [tilespmem:s25+$0x9E50];
	[tilespmem:s25+$0x9E40] =	vst v3  }
0x72: {  	v3 =	vld.idx.msk [tilespmem:v51+s19+$0x0], $0xffff;
	_ =	sdelay $0x4  }
0x73: {  	v3 =	vsub.f32 v53, v3;
	_ =	sdelay $0x1  }
0x74: {  	v3 =	vmul.f32 $1.442695020e+00, v3;
	_ =	sdelay $0x1  }
0x75: {  	(erf) = vpow2.f32 v3;
	_ =	sdelay $0x2  }
0x76: {  	v3 =	vld [tilespmem:s25+$0x60];
	_ =	sdelay $0x2  }
0x77: {  	v54 =	vshll.u32 v51, $0x1  }
0x78: {  	vm13 =	vlt.s32 v51, $0x2710;
	v5 =	vor.u32 v0, v54;
	v4 =	vadd.s32 $0xFFFFD8F0, v51  }
0x79: {  	v4 =	vsel vm13, v5, v4  }
0x7a: {  	[tilespmem:s25+$0x50] =	vst v4;
	v56 =	vpop (erf)  }
0x7b: {  	v59 =	vld [tilespmem:s25+$0x9E60];
	[tilespmem:s25+$0x9E50] =	vst v56  }
0x7c: {  	v55 =	vshll.u32 v3, $0x1;
	vm14 =	vlt.s32 v3, $0x2710;
	v57 =	vadd.s32 $0xFFFFD8F0, v3;
	v3 =	vld.idx.msk [tilespmem:v3+s19+$0x0], $0xffff;
	_ =	sdelay $0x4  }
0x7d: {  	v3 =	vsub.f32 v59, v3;
	_ =	sdelay $0x1  }
0x7e: {  	v3 =	vmul.f32 $1.442695020e+00, v3;
	_ =	sdelay $0x1  }
0x7f: {  	(erf) = vpow2.f32 v3;
	_ =	sdelay $0x2  }
0x80: {  	v3 =	vld [tilespmem:s25+$0x70];
	_ =	sdelay $0x3  }
0x81: {  	v5 =	vor.u32 v0, v55  }
0x82: {  	v58 =	vsel vm14, v5, v57  }
0x83: {  	[tilespmem:s25+$0x60] =	vst v58;
	v61 =	vpop (erf)  }
0x84: {  	v63 =	vld [tilespmem:s25+$0x9E70];
	[tilespmem:s25+$0x9E60] =	vst v61  }
0x85: {  	v60 =	vshll.u32 v3, $0x1;
	vm15 =	vlt.s32 v3, $0x2710;
	v62 =	vadd.s32 $0xFFFFD8F0, v3;
	v3 =	vld.idx.msk [tilespmem:v3+s19+$0x0], $0xffff;
	_ =	sdelay $0x4  }
0x86: {  	v3 =	vsub.f32 v63, v3;
	_ =	sdelay $0x1  }
0x87: {  	v3 =	vmul.f32 $1.442695020e+00, v3;
	_ =	sdelay $0x1  }
0x88: {  	v4 =	vor.u32 v0, v60;
	(erf) = vpow2.f32 v3  }
0x89: {  	v4 =	vsel vm15, v4, v62  }
0x8a: {  	s28 =	simm.s32 $0x80;
	s26 =	simm.s32 $0x400;
	[tilespmem:s25+$0x70] =	vst v4  }
.LBB2_4:
0x8b: {  	p0 =	sne.s32 s26, $0x13A00;
	v3 =	vld [tilespmem:s28+$0x0];
	_ =	sdelay $0x4  }
0x8c: {  	vm0 =	vlt.s32 v3, $0x2710;
	v4 =	vshll.u32 v3, $0x1;
	v5 =	vadd.s32 $0xFFFFD8F0, v3  }
0x8d: {  	v4 =	vor.u32 v0, v4;
	v6 =	vpop (erf)  }
0x8e: {  	v4 =	vsel vm0, v4, v5;
	[tilespmem:s25+$0x9E70] =	vst v6;
	s25 =	smov.u32 s28  }
0x8f: {  	v3 =	vld.idx.msk [tilespmem:v3+s19+$0x0], $0xffff;
	[tilespmem:s25+$0x0] =	vst v4  }
0x90: {  	v4 =	vld [tilespmem:s25+$0x9E00];
	_ =	sdelay $0x4  }
0x91: {  	v3 =	vsub.f32 v4, v3;
	_ =	sdelay $0x1  }
0x92: {  	v3 =	vmul.f32 $1.442695020e+00, v3;
	_ =	sdelay $0x1  }
0x93: {  	(erf) = vpow2.f32 v3;
	_ =	sdelay $0x2  }
0x94: {  	v3 =	vld [tilespmem:s25+$0x10];
	_ =	sdelay $0x4  }
0x95: {  	v4 =	vshll.u32 v3, $0x1  }
0x96: {  	vm0 =	vlt.s32 v3, $0x2710;
	v5 =	vadd.s32 $0xFFFFD8F0, v3;
	v4 =	vor.u32 v0, v4;
	v6 =	vpop (erf)  }
0x97: {  	[tilespmem:s25+$0x9E00] =	vst v6;
	v4 =	vsel vm0, v4, v5  }
0x98: {  	v3 =	vld.idx.msk [tilespmem:v3+s19+$0x0], $0xffff;
	[tilespmem:s25+$0x10] =	vst v4  }
0x99: {  	v4 =	vld [tilespmem:s25+$0x9E10];
	_ =	sdelay $0x4  }
0x9a: {  	v3 =	vsub.f32 v4, v3;
	_ =	sdelay $0x1  }
0x9b: {  	v3 =	vmul.f32 $1.442695020e+00, v3;
	_ =	sdelay $0x1  }
0x9c: {  	(erf) = vpow2.f32 v3;
	_ =	sdelay $0x2  }
0x9d: {  	v3 =	vld [tilespmem:s25+$0x20];
	_ =	sdelay $0x5  }
0x9e: {  	v4 =	vpop (erf)  }
0x9f: {  	[tilespmem:s25+$0x9E10] =	vst v4  }
0xa0: {  	v4 =	vld.idx.msk [tilespmem:v3+s19+$0x0], $0xffff  }
0xa1: {  	v5 =	vld [tilespmem:s25+$0x9E20];
	_ =	sdelay $0x4  }
0xa2: {  	v4 =	vsub.f32 v5, v4;
	_ =	sdelay $0x1  }
0xa3: {  	v4 =	vmul.f32 $1.442695020e+00, v4;
	_ =	sdelay $0x1  }
0xa4: {  	(erf) = vpow2.f32 v4;
	_ =	sdelay $0x2  }
0xa5: {  	v4 =	vld [tilespmem:s25+$0x30];
	_ =	sdelay $0x2  }
0xa6: {  	v5 =	vshll.u32 v3, $0x1  }
0xa7: {  	vm0 =	vlt.s32 v3, $0x2710;
	v6 =	vadd.s32 $0xFFFFD8F0, v3;
	v5 =	vor.u32 v0, v5  }
0xa8: {  	v5 =	vsel vm0, v5, v6  }
0xa9: {  	[tilespmem:s25+$0x20] =	vst v5;
	v3 =	vpop (erf)  }
0xaa: {  	[tilespmem:s25+$0x9E20] =	vst v3  }
0xab: {  	v3 =	vld.idx.msk [tilespmem:v4+s19+$0x0], $0xffff  }
0xac: {  	v5 =	vld [tilespmem:s25+$0x9E30];
	_ =	sdelay $0x4  }
0xad: {  	v3 =	vsub.f32 v5, v3;
	_ =	sdelay $0x1  }
0xae: {  	v3 =	vmul.f32 $1.442695020e+00, v3;
	_ =	sdelay $0x1  }
0xaf: {  	(erf) = vpow2.f32 v3;
	_ =	sdelay $0x2  }
0xb0: {  	v3 =	vld [tilespmem:s25+$0x40];
	_ =	sdelay $0x2  }
0xb1: {  	v5 =	vshll.u32 v4, $0x1  }
0xb2: {  	vm0 =	vlt.s32 v4, $0x2710;
	v6 =	vadd.s32 $0xFFFFD8F0, v4;
	v5 =	vor.u32 v0, v5  }
0xb3: {  	v5 =	vsel vm0, v5, v6  }
0xb4: {  	[tilespmem:s25+$0x30] =	vst v5;
	v4 =	vpop (erf)  }
0xb5: {  	[tilespmem:s25+$0x9E30] =	vst v4  }
0xb6: {  	v4 =	vld.idx.msk [tilespmem:v3+s19+$0x0], $0xffff  }
0xb7: {  	v5 =	vld [tilespmem:s25+$0x9E40];
	_ =	sdelay $0x4  }
0xb8: {  	v4 =	vsub.f32 v5, v4;
	_ =	sdelay $0x1  }
0xb9: {  	v4 =	vmul.f32 $1.442695020e+00, v4;
	_ =	sdelay $0x1  }
0xba: {  	(erf) = vpow2.f32 v4;
	_ =	sdelay $0x2  }
0xbb: {  	v4 =	vld [tilespmem:s25+$0x50];
	_ =	sdelay $0x2  }
0xbc: {  	v5 =	vshll.u32 v3, $0x1  }
0xbd: {  	vm0 =	vlt.s32 v3, $0x2710;
	v6 =	vadd.s32 $0xFFFFD8F0, v3;
	v5 =	vor.u32 v0, v5  }
0xbe: {  	v5 =	vsel vm0, v5, v6  }
0xbf: {  	[tilespmem:s25+$0x40] =	vst v5;
	v3 =	vpop (erf)  }
0xc0: {  	[tilespmem:s25+$0x9E40] =	vst v3  }
0xc1: {  	v3 =	vld.idx.msk [tilespmem:v4+s19+$0x0], $0xffff  }
0xc2: {  	v5 =	vld [tilespmem:s25+$0x9E50];
	_ =	sdelay $0x4  }
0xc3: {  	v3 =	vsub.f32 v5, v3;
	_ =	sdelay $0x1  }
0xc4: {  	v3 =	vmul.f32 $1.442695020e+00, v3;
	_ =	sdelay $0x1  }
0xc5: {  	(erf) = vpow2.f32 v3;
	_ =	sdelay $0x2  }
0xc6: {  	v3 =	vld [tilespmem:s25+$0x60];
	_ =	sdelay $0x2  }
0xc7: {  	v5 =	vshll.u32 v4, $0x1  }
0xc8: {  	vm0 =	vlt.s32 v4, $0x2710;
	v4 =	vadd.s32 $0xFFFFD8F0, v4;
	v5 =	vor.u32 v0, v5  }
0xc9: {  	v4 =	vsel vm0, v5, v4;
	v5 =	vshll.u32 v3, $0x1  }
0xca: {  	vm0 =	vlt.s32 v3, $0x2710;
	[tilespmem:s25+$0x50] =	vst v4;
	v4 =	vor.u32 v0, v5;
	v5 =	vadd.s32 $0xFFFFD8F0, v3;
	v6 =	vpop (erf)  }
0xcb: {  	[tilespmem:s25+$0x9E50] =	vst v6;
	v4 =	vsel vm0, v4, v5  }
0xcc: {  	v3 =	vld.idx.msk [tilespmem:v3+s19+$0x0], $0xffff;
	[tilespmem:s25+$0x60] =	vst v4  }
0xcd: {  	v4 =	vld [tilespmem:s25+$0x9E60];
	_ =	sdelay $0x4  }
0xce: {  	v3 =	vsub.f32 v4, v3;
	_ =	sdelay $0x1  }
0xcf: {  	v3 =	vmul.f32 $1.442695020e+00, v3;
	_ =	sdelay $0x1  }
0xd0: {  	(erf) = vpow2.f32 v3;
	_ =	sdelay $0x2  }
0xd1: {  	v3 =	vld [tilespmem:s25+$0x70];
	_ =	sdelay $0x4  }
0xd2: {  	v4 =	vshll.u32 v3, $0x1  }
0xd3: {  	vm0 =	vlt.s32 v3, $0x2710;
	v5 =	vadd.s32 $0xFFFFD8F0, v3;
	v4 =	vor.u32 v0, v4;
	v6 =	vpop (erf)  }
0xd4: {  	[tilespmem:s25+$0x9E60] =	vst v6;
	v4 =	vsel vm0, v4, v5  }
0xd5: {  	v3 =	vld.idx.msk [tilespmem:v3+s19+$0x0], $0xffff;
	[tilespmem:s25+$0x70] =	vst v4  }
0xd6: {  	v4 =	vld [tilespmem:s25+$0x9E70];
	_ =	sdelay $0x4  }
0xd7: {  	v3 =	vsub.f32 v4, v3;
	_ =	sdelay $0x1  }
.Ltmp1:
0xd8: {  	v3 =	vmul.f32 $1.442695020e+00, v3;
	(pc) =	sbr.rel @p0 .LBB2_4-.Ltmp1, $3  }
0xd9: {  	_ = 	snop  }
0xda: {  	(erf) = vpow2.f32 v3;
	_ =	sdelay $0x1  }
0xdb: {  	s28 =	sshra.s32 s26, $0x2;
	s26 =	sadd.s32 $0x200, s26  }
0xdc: {  	v3 =	vld [tilespmem:s28+$0x0];
	_ =	sdelay $0x5  }
0xdd: {  	v5 =	vpop (erf)  }
0xde: {  	[tilespmem:s25+$0x9E70] =	vst v5  }
0xdf: {  	v4 =	vshll.u32 v3, $0x1;
	vm0 =	vlt.s32 v3, $0x2710;
	v6 =	vadd.s32 $0xFFFFD8F0, v3;
	v3 =	vld.idx.msk [tilespmem:v3+s19+$0x0], $0xffff  }
0xe0: {  	v38 =	vld [tilespmem:s28+$0x9E00];
	_ =	sdelay $0x4  }
0xe1: {  	v3 =	vsub.f32 v38, v3;
	_ =	sdelay $0x1  }
0xe2: {  	v3 =	vmul.f32 $1.442695020e+00, v3;
	_ =	sdelay $0x1  }
0xe3: {  	(erf) = vpow2.f32 v3;
	_ =	sdelay $0x2  }
0xe4: {  	v3 =	vld [tilespmem:s28+$0x10];
	_ =	sdelay $0x3  }
0xe5: {  	v4 =	vor.u32 v0, v4  }
0xe6: {  	v4 =	vsel vm0, v4, v6  }
0xe7: {  	[tilespmem:s28+$0x0] =	vst v4;
	v40 =	vpop (erf)  }
0xe8: {  	v42 =	vld [tilespmem:s28+$0x9E10];
	[tilespmem:s28+$0x9E00] =	vst v40  }
0xe9: {  	v39 =	vshll.u32 v3, $0x1;
	vm9 =	vlt.s32 v3, $0x2710;
	v41 =	vadd.s32 $0xFFFFD8F0, v3;
	v3 =	vld.idx.msk [tilespmem:v3+s19+$0x0], $0xffff;
	_ =	sdelay $0x4  }
0xea: {  	v3 =	vsub.f32 v42, v3;
	_ =	sdelay $0x1  }
0xeb: {  	v3 =	vmul.f32 $1.442695020e+00, v3;
	_ =	sdelay $0x1  }
0xec: {  	(erf) = vpow2.f32 v3;
	_ =	sdelay $0x2  }
0xed: {  	v3 =	vld [tilespmem:s28+$0x20];
	_ =	sdelay $0x3  }
0xee: {  	v4 =	vor.u32 v0, v39  }
0xef: {  	v4 =	vsel vm9, v4, v41  }
0xf0: {  	[tilespmem:s28+$0x10] =	vst v4;
	v43 =	vpop (erf)  }
0xf1: {  	v44 =	vld [tilespmem:s28+$0x9E20];
	[tilespmem:s28+$0x9E10] =	vst v43  }
0xf2: {  	v4 =	vld.idx.msk [tilespmem:v3+s19+$0x0], $0xffff;
	_ =	sdelay $0x4  }
0xf3: {  	v4 =	vsub.f32 v44, v4;
	_ =	sdelay $0x1  }
0xf4: {  	v4 =	vmul.f32 $1.442695020e+00, v4;
	_ =	sdelay $0x1  }
0xf5: {  	(erf) = vpow2.f32 v4;
	_ =	sdelay $0x2  }
0xf6: {  	v45 =	vld [tilespmem:s28+$0x30]  }
0xf7: {  	v46 =	vshll.u32 v3, $0x1  }
0xf8: {  	vm10 =	vlt.s32 v3, $0x2710;
	v5 =	vor.u32 v0, v46;
	v3 =	vadd.s32 $0xFFFFD8F0, v3  }
0xf9: {  	v3 =	vsel vm10, v5, v3;
	_ =	sdelay $0x2  }
0xfa: {  	[tilespmem:s28+$0x20] =	vst v3;
	v3 =	vpop (erf)  }
0xfb: {  	v47 =	vld [tilespmem:s28+$0x9E30];
	[tilespmem:s28+$0x9E20] =	vst v3  }
0xfc: {  	v3 =	vld.idx.msk [tilespmem:v45+s19+$0x0], $0xffff;
	_ =	sdelay $0x4  }
0xfd: {  	v3 =	vsub.f32 v47, v3;
	_ =	sdelay $0x1  }
0xfe: {  	v3 =	vmul.f32 $1.442695020e+00, v3;
	_ =	sdelay $0x1  }
0xff: {  	(erf) = vpow2.f32 v3;
	_ =	sdelay $0x2  }
0x100: {  	v3 =	vld [tilespmem:s28+$0x40];
	_ =	sdelay $0x2  }
0x101: {  	v48 =	vshll.u32 v45, $0x1  }
0x102: {  	vm11 =	vlt.s32 v45, $0x2710;
	v5 =	vor.u32 v0, v48;
	v4 =	vadd.s32 $0xFFFFD8F0, v45  }
0x103: {  	v4 =	vsel vm11, v5, v4  }
0x104: {  	[tilespmem:s28+$0x30] =	vst v4;
	v49 =	vpop (erf)  }
0x105: {  	v50 =	vld [tilespmem:s28+$0x9E40];
	[tilespmem:s28+$0x9E30] =	vst v49  }
0x106: {  	v4 =	vld.idx.msk [tilespmem:v3+s19+$0x0], $0xffff;
	_ =	sdelay $0x4  }
0x107: {  	v4 =	vsub.f32 v50, v4;
	_ =	sdelay $0x1  }
0x108: {  	v4 =	vmul.f32 $1.442695020e+00, v4;
	_ =	sdelay $0x1  }
0x109: {  	(erf) = vpow2.f32 v4;
	_ =	sdelay $0x2  }
0x10a: {  	v51 =	vld [tilespmem:s28+$0x50]  }
0x10b: {  	v52 =	vshll.u32 v3, $0x1  }
0x10c: {  	vm12 =	vlt.s32 v3, $0x2710;
	v5 =	vor.u32 v0, v52;
	v3 =	vadd.s32 $0xFFFFD8F0, v3  }
0x10d: {  	v3 =	vsel vm12, v5, v3;
	_ =	sdelay $0x2  }
0x10e: {  	[tilespmem:s28+$0x40] =	vst v3;
	v3 =	vpop (erf)  }
0x10f: {  	v53 =	vld [tilespmem:s28+$0x9E50];
	[tilespmem:s28+$0x9E40] =	vst v3  }
0x110: {  	v3 =	vld.idx.msk [tilespmem:v51+s19+$0x0], $0xffff;
	_ =	sdelay $0x4  }
0x111: {  	v3 =	vsub.f32 v53, v3;
	_ =	sdelay $0x1  }
0x112: {  	v3 =	vmul.f32 $1.442695020e+00, v3;
	_ =	sdelay $0x1  }
0x113: {  	(erf) = vpow2.f32 v3;
	_ =	sdelay $0x2  }
0x114: {  	v3 =	vld [tilespmem:s28+$0x60];
	_ =	sdelay $0x2  }
0x115: {  	v54 =	vshll.u32 v51, $0x1  }
0x116: {  	vm13 =	vlt.s32 v51, $0x2710;
	v5 =	vor.u32 v0, v54;
	v4 =	vadd.s32 $0xFFFFD8F0, v51  }
0x117: {  	v4 =	vsel vm13, v5, v4  }
0x118: {  	[tilespmem:s28+$0x50] =	vst v4;
	v56 =	vpop (erf)  }
0x119: {  	v59 =	vld [tilespmem:s28+$0x9E60];
	[tilespmem:s28+$0x9E50] =	vst v56  }
0x11a: {  	v55 =	vshll.u32 v3, $0x1;
	vm14 =	vlt.s32 v3, $0x2710;
	v57 =	vadd.s32 $0xFFFFD8F0, v3;
	v3 =	vld.idx.msk [tilespmem:v3+s19+$0x0], $0xffff;
	_ =	sdelay $0x4  }
0x11b: {  	v3 =	vsub.f32 v59, v3;
	_ =	sdelay $0x1  }
0x11c: {  	v3 =	vmul.f32 $1.442695020e+00, v3;
	_ =	sdelay $0x1  }
0x11d: {  	(erf) = vpow2.f32 v3;
	_ =	sdelay $0x2  }
0x11e: {  	v3 =	vld [tilespmem:s28+$0x70];
	_ =	sdelay $0x3  }
0x11f: {  	v5 =	vor.u32 v0, v55  }
0x120: {  	v58 =	vsel vm14, v5, v57  }
0x121: {  	[tilespmem:s28+$0x60] =	vst v58;
	v61 =	vpop (erf)  }
0x122: {  	v63 =	vld [tilespmem:s28+$0x9E70];
	[tilespmem:s28+$0x9E60] =	vst v61  }
0x123: {  	v60 =	vshll.u32 v3, $0x1;
	vm15 =	vlt.s32 v3, $0x2710;
	v62 =	vadd.s32 $0xFFFFD8F0, v3;
	v3 =	vld.idx.msk [tilespmem:v3+s19+$0x0], $0xffff;
	_ =	sdelay $0x4  }
0x124: {  	v3 =	vsub.f32 v63, v3;
	_ =	sdelay $0x1  }
0x125: {  	v3 =	vmul.f32 $1.442695020e+00, v3;
	_ =	sdelay $0x1  }
0x126: {  	(erf) = vpow2.f32 v3;
	_ =	sdelay $0x6  }
0x127: {  	v4 =	vor.u32 v0, v60  }
0x128: {  	v4 =	vsel vm15, v4, v62  }
0x129: {  	[tilespmem:s28+$0x70] =	vst v4;
	v3 =	vpop (erf)  }
0x12a: {  	[tilespmem:s28+$0x9E70] =	vst v3  }
0x12b: {  	p0 =	por $0x0, $0x0;
	s28 =	simm.s32 $0x0;
	[bflag:$0x0] =	sbarrier.arrive $0xFFFF  }
0x12c: {  	[tilespmem:s20], [sflag:$0x1] =	stream.indirect.gather [hbm4b:s1+s21], $0x40, s28, s21, $0xb8;
	[tilespmem:$0x1F500] =	vst v63  }
.LBB2_6:
0x12d: {  	p1 =	seq.s32 s28, $0x0  }
.Ltmp2:
0x12e: {  	_ = 	snop;
	(pc) =	sbr.rel @p1 .LBB2_9-.Ltmp2, $4  }
0x12f: {  	_ = 	snop  }
0x130: {  	_ =	swait.ge [sflag:s22], $0x2000  }
0x131: {  	[sflag:s22] =	ssyncset.done $0x0  }
0x132: {  	s26 =	sand.u32 $0x1, s28;
	s25 =	sadd.s32 $0x1, s28;
	[sflag:s22] =	ssyncadd.s32 $0xFFFFE000  }
0x133: {  	p1 =	seq.s32 s28, $0x9D  }
.Ltmp3:
0x134: {  	_ = 	snop;
	(pc) =	sbr.rel @p1 .LBB2_10-.Ltmp3, $1  }
0x135: {  	_ =	sdelay $0x3  }
0x136: {  	_ =	swait.ge [sflag:s23], $0x2000  }
0x137: {  	[sflag:s23] =	ssyncset.done $0x0  }
0x138: {  	[sflag:s23] =	ssyncadd.s32 $0xFFFFE000  }
.LBB2_9:
0x139: {  	s29 =	sshll.u32 s26, $0xD  }
0x13a: {  	s30 =	sshll.u32 s25, $0x7;
	s29 =	sxor.u32 $0x2000, s29  }
0x13b: {  	s30 =	sand.u32 $0x3FFFFF80, s30;
	s29 =	sor.u32 $0x11500, s29  }
0x13c: {  	[tilespmem:s29], [sflag:$0x1] =	stream.indirect.gather [hbm4b:s1+s21], $0x40, s30, s21, $0xb8;
	[tilespmem:$0x1F500] =	vst v63  }
.LBB2_10:
0x13d: {  	s28 =	sshll.u32 s28, $0x7  }
0x13e: {  	s29 =	simm.s32 $0x0;
	s30 =	simm.s32 $0x2;
	s31 =	simm.s32 $0x5;
	v4 =	vmov s28  }
0x13f: {  	v11 =	vmov s29;
	v13 =	vmov s30;
	v16 =	vmov s31  }
0x140: {  	s29 =	simm.s32 $0x1;
	v5 =	vor.u32 $0x1, v4;
	v6 =	vor.u32 $0x2, v4;
	v8 =	vor.u32 $0x4, v4  }
0x141: {  	s30 =	simm.s32 $0x4;
	v9 =	vor.u32 $0x5, v4;
	v11 =	vshrl.u32 v11, $0x3;
	v12 =	vmov s29  }
0x142: {  	s29 =	simm.s32 $0x3;
	v15 =	vmov s30;
	v13 =	vshrl.u32 v13, $0x3;
	v16 =	vshrl.u32 v16, $0x3  }
0x143: {  	v14 =	vmov s29;
	v11 =	vshll.u32 v11, v2;
	v12 =	vshrl.u32 v12, $0x3  }
0x144: {  	s29 =	simm.s32 $0x6;
	v13 =	vshll.u32 v13, v2;
	v16 =	vshll.u32 v16, v2;
	v11 =	vadd.s32 v4, v11  }
0x145: {  	v17 =	vmov s29;
	v13 =	vadd.s32 v13, v6;
	s29 =	simm.s32 $0x7;
	v11 =	vbroadcast v11, $0x0  }
0x146: {  	v16 =	vadd.s32 v16, v9;
	v13 =	vbroadcast v13, $0x0;
	v18 =	vmov s29;
	s29 =	simm.s32 $0x1  }
0x147: {  	v15 =	vshrl.u32 v15, $0x3;
	v12 =	vshll.u32 v12, v2;
	v16 =	vbroadcast v16, $0x0;
	s29 =	simm.s32 @!p0 $0x0  }
0x148: {  	v10 =	vor.u32 $0x6, v4;
	v15 =	vshll.u32 v15, v2;
	v12 =	vadd.s32 v12, v5;
	s29 =	sshll.u32 s29, $0xD  }
0x149: {  	v17 =	vshrl.u32 v17, $0x3;
	v15 =	vadd.s32 v15, v8;
	v12 =	vbroadcast v12, $0x0;
	s29 =	sor.u32 $0x11600, s29  }
0x14a: {  	v17 =	vshll.u32 v17, v2;
	v15 =	vbroadcast v15, $0x0;
	v18 =	vshrl.u32 v18, $0x3;
	v22 =	vld [tilespmem:s29+$0xFFFFFF20]  }
0x14b: {  	v3 =	vor.u32 $0x7, v4;
	v17 =	vadd.s32 v17, v10;
	v18 =	vshll.u32 v18, v2;
	v19 =	vld.idx.msk [tilespmem:v11+s18+$0x0], $0xffff  }
0x14c: {  	v11 =	vbroadcast v17, $0x0;
	v17 =	vadd.s32 v18, v3;
	v20 =	vld.idx.msk [tilespmem:v13+s18+$0x0], $0xffff  }
0x14d: {  	v13 =	vld.idx.msk [tilespmem:v16+s18+$0x0], $0xffff;
	v17 =	vbroadcast v17, $0x0  }
0x14e: {  	v16 =	vld [tilespmem:s29+$0xFFFFFF00]  }
0x14f: {  	v18 =	vld.idx.msk [tilespmem:v12+s18+$0x0], $0xffff  }
0x150: {  	v14 =	vshrl.u32 v14, $0x3;
	v21 =	vld.idx.msk [tilespmem:v15+s18+$0x0], $0xffff  }
0x151: {  	v7 =	vor.u32 $0x3, v4;
	v14 =	vshll.u32 v14, v2;
	v15 =	vld [tilespmem:s29+$0xF0]  }
0x152: {  	v14 =	vadd.s32 v14, v7;
	v12 =	vld.idx.msk [tilespmem:v11+s18+$0x0], $0xffff  }
0x153: {  	v14 =	vbroadcast v14, $0x0;
	v11 =	vld.idx.msk [tilespmem:v17+s18+$0x0], $0xffff  }
0x154: {  	v17 =	vld [tilespmem:s29+$0xFFFFFF10]  }
0x155: {  	v23 =	vld [tilespmem:s29+$0xFFFFFF30]  }
0x156: {  	v24 =	vld [tilespmem:s29+$0xFFFFFF40]  }
0x157: {  	v25 =	vld [tilespmem:s29+$0xFFFFFF50];
	v16 =	vmul.f32 v16, v19  }
0x158: {  	v26 =	vld [tilespmem:s29+$0xFFFFFF60];
	v15 =	vmul.f32 v15, v11  }
0x159: {  	v14 =	vld.idx.msk [tilespmem:v14+s18+$0x0], $0xffff;
	[tilespmem:s29+$0xFFFFFF00] =	vst v16;
	v17 =	vmul.f32 v17, v19  }
0x15a: {  	v16 =	vld [tilespmem:s29+$0xFFFFFF70];
	[tilespmem:s29+$0xF0] =	vst v15;
	v15 =	vmul.f32 v22, v19  }
0x15b: {  	[tilespmem:s29+$0xFFFFFF10] =	vst v17;
	v17 =	vmul.f32 v23, v19;
	v19 =	vld [tilespmem:s29+$0xFFFFFF80]  }
0x15c: {  	v22 =	vld [tilespmem:s29+$0xFFFFFF90];
	[tilespmem:s29+$0xFFFFFF20] =	vst v15;
	v15 =	vmul.f32 v24, v18  }
0x15d: {  	v23 =	vld [tilespmem:s29+$0xFFFFFFA0];
	[tilespmem:s29+$0xFFFFFF30] =	vst v17;
	v17 =	vmul.f32 v25, v18  }
0x15e: {  	s31 =	simm.s32 $0xB;
	v24 =	vld [tilespmem:s29+$0xFFFFFFB0];
	[tilespmem:s29+$0xFFFFFF40] =	vst v15;
	v15 =	vmul.f32 v26, v18  }
0x15f: {  	s30 =	simm.s32 $0x8;
	v27 =	vmov s31;
	s31 =	simm.s32 $0xD;
	v16 =	vmul.f32 v16, v18;
	[tilespmem:s29+$0xFFFFFF50] =	vst v17;
	v17 =	vld [tilespmem:s29+$0xFFFFFFC0]  }
0x160: {  	v29 =	vmov s31;
	v25 =	vmov s30;
	s30 =	simm.s32 $0x9;
	[tilespmem:s29+$0xFFFFFF60] =	vst v15;
	v15 =	vmul.f32 v19, v20;
	v19 =	vld [tilespmem:s29+$0xFFFFFFD0]  }
0x161: {  	[tilespmem:s29+$0xFFFFFF70] =	vst v16;
	v18 =	vshrl.u32 v25, $0x3;
	v25 =	vmov s30;
	s30 =	simm.s32 $0xA;
	v16 =	vmul.f32 v22, v20;
	v22 =	vld [tilespmem:s29+$0xFFFFFFE0]  }
0x162: {  	v26 =	vmov s30;
	s30 =	simm.s32 $0xC;
	v18 =	vshll.u32 v18, v2;
	[tilespmem:s29+$0xFFFFFF80] =	vst v15;
	v15 =	vmul.f32 v23, v20;
	v23 =	vld [tilespmem:s29+$0xFFFFFFF0]  }
0x163: {  	v28 =	vmov s30;
	s30 =	simm.s32 $0xE;
	v18 =	vadd.s32 v4, v18;
	[tilespmem:s29+$0xFFFFFF90] =	vst v16;
	v16 =	vmul.f32 v24, v20;
	v20 =	vld [tilespmem:s29+$0x0]  }
0x164: {  	v30 =	vmov s30;
	v24 =	vshrl.u32 v25, $0x3;
	[tilespmem:s29+$0xFFFFFFA0] =	vst v15;
	v15 =	vmul.f32 v17, v14;
	v17 =	vld [tilespmem:s29+$0x10]  }
0x165: {  	v25 =	vshrl.u32 v26, $0x3;
	v26 =	vshrl.u32 v27, $0x3;
	[tilespmem:s29+$0xFFFFFFB0] =	vst v16;
	v16 =	vmul.f32 v19, v14;
	v19 =	vld [tilespmem:s29+$0x20]  }
0x166: {  	v27 =	vshrl.u32 v28, $0x3;
	v28 =	vshrl.u32 v29, $0x3;
	[tilespmem:s29+$0xFFFFFFC0] =	vst v15;
	v15 =	vmul.f32 v22, v14;
	v22 =	vld [tilespmem:s29+$0x30]  }
0x167: {  	v29 =	vshrl.u32 v30, $0x3;
	v24 =	vshll.u32 v24, v2;
	[tilespmem:s29+$0xFFFFFFD0] =	vst v16;
	v14 =	vmul.f32 v23, v14;
	v23 =	vld [tilespmem:s29+$0x40]  }
0x168: {  	v25 =	vshll.u32 v25, v2;
	v26 =	vshll.u32 v26, v2;
	v16 =	vmul.f32 v20, v21;
	v20 =	vld [tilespmem:s29+$0x50];
	[tilespmem:s29+$0xFFFFFFE0] =	vst v15  }
0x169: {  	v63 =	vld [tilespmem:s29+$0x60];
	v27 =	vshll.u32 v27, v2;
	v28 =	vshll.u32 v28, v2;
	[tilespmem:s29+$0xFFFFFFF0] =	vst v14;
	v14 =	vmul.f32 v17, v21  }
0x16a: {  	v29 =	vshll.u32 v29, v2;
	v31 =	vadd.s32 v25, v6;
	[tilespmem:s29+$0x0] =	vst v16;
	v16 =	vld [tilespmem:s29+$0x70];
	v17 =	vmul.f32 v19, v21  }
0x16b: {  	v26 =	vadd.s32 v26, v7;
	v15 =	vbroadcast v18, $0x0;
	[tilespmem:s29+$0x10] =	vst v14;
	v21 =	vmul.f32 v22, v21;
	v14 =	vld [tilespmem:s29+$0x80]  }
0x16c: {  	v18 =	vadd.s32 v24, v5;
	v22 =	vadd.s32 v27, v8;
	[tilespmem:s29+$0x20] =	vst v17;
	v27 =	vmul.f32 v23, v13;
	v17 =	vld [tilespmem:s29+$0x90]  }
0x16d: {  	v24 =	vadd.s32 v28, v9;
	v19 =	vbroadcast v18, $0x0;
	v18 =	vld [tilespmem:s29+$0xA0];
	v25 =	vmul.f32 v20, v13;
	[tilespmem:s29+$0x30] =	vst v21  }
0x16e: {  	s31 =	simm.s32 $0xF;
	s30 =	simm.s32 $0x10;
	v23 =	vadd.s32 v29, v10;
	v20 =	vld [tilespmem:s29+$0xB0];
	v21 =	vbroadcast v31, $0x0;
	[tilespmem:s29+$0x40] =	vst v27;
	v27 =	vmul.f32 v63, v13  }
.LBB2_11:
0x16f: {  	p1 =	slt.u32 s30, $0x78;
	v26 =	vbroadcast v26, $0x0;
	v28 =	vmov s31;
	[tilespmem:s29+$0x50] =	vst v25;
	v13 =	vmul.f32 v16, v13;
	v16 =	vld [tilespmem:s29+$0xC0]  }
0x170: {  	v22 =	vbroadcast v22, $0x0;
	v25 =	vshrl.u32 v28, $0x3;
	[tilespmem:s29+$0x60] =	vst v27;
	v14 =	vmul.f32 v14, v12;
	v27 =	vld [tilespmem:s29+$0xD0]  }
0x171: {  	v24 =	vbroadcast v24, $0x0;
	v25 =	vshll.u32 v25, v2;
	[tilespmem:s29+$0x70] =	vst v13;
	v13 =	vmul.f32 v17, v12;
	v17 =	vld [tilespmem:s29+$0xE0]  }
0x172: {  	v23 =	vbroadcast v23, $0x0;
	v15 =	vld.idx.msk [tilespmem:v15+s18+$0x0], $0xffff;
	v25 =	vadd.s32 v25, v3;
	[tilespmem:s29+$0x80] =	vst v14;
	v14 =	vmul.f32 v18, v12  }
0x173: {  	v18 =	vld.idx.msk [tilespmem:v19+s18+$0x0], $0xffff;
	v19 =	vbroadcast v25, $0x0;
	[tilespmem:s29+$0x90] =	vst v13;
	v12 =	vmul.f32 v20, v12  }
0x174: {  	v20 =	vld.idx.msk [tilespmem:v21+s18+$0x0], $0xffff;
	[tilespmem:s29+$0xA0] =	vst v14;
	v13 =	vmul.f32 v16, v11  }
0x175: {  	v16 =	vld.idx.msk [tilespmem:v26+s18+$0x0], $0xffff;
	[tilespmem:s29+$0xB0] =	vst v12;
	v12 =	vmul.f32 v27, v11  }
0x176: {  	v14 =	vld.idx.msk [tilespmem:v22+s18+$0x0], $0xffff;
	[tilespmem:s29+$0xC0] =	vst v13;
	v11 =	vmul.f32 v17, v11  }
0x177: {  	v13 =	vld.idx.msk [tilespmem:v24+s18+$0x0], $0xffff;
	[tilespmem:s29+$0xD0] =	vst v12  }
0x178: {  	v12 =	vld.idx.msk [tilespmem:v23+s18+$0x0], $0xffff;
	[tilespmem:s29+$0xE0] =	vst v11  }
0x179: {  	s29 =	sadd.s32 $0x200, s29;
	v11 =	vld.idx.msk [tilespmem:v19+s18+$0x0], $0xffff  }
0x17a: {  	v17 =	vld [tilespmem:s29+$0xF0]  }
0x17b: {  	v19 =	vld [tilespmem:s29+$0xFFFFFF00]  }
0x17c: {  	v21 =	vld [tilespmem:s29+$0xFFFFFF10]  }
0x17d: {  	v22 =	vld [tilespmem:s29+$0xFFFFFF20]  }
0x17e: {  	v23 =	vld [tilespmem:s29+$0xFFFFFF30]  }
0x17f: {  	v24 =	vld [tilespmem:s29+$0xFFFFFF40];
	v17 =	vmul.f32 v17, v11  }
0x180: {  	v19 =	vmul.f32 v19, v15;
	v25 =	vld [tilespmem:s29+$0xFFFFFF50]  }
0x181: {  	v21 =	vmul.f32 v21, v15;
	v26 =	vld [tilespmem:s29+$0xFFFFFF60];
	[tilespmem:s29+$0xF0] =	vst v17  }
0x182: {  	[tilespmem:s29+$0xFFFFFF00] =	vst v19;
	v17 =	vmul.f32 v22, v15;
	v19 =	vld [tilespmem:s29+$0xFFFFFF70]  }
0x183: {  	[tilespmem:s29+$0xFFFFFF10] =	vst v21;
	v15 =	vmul.f32 v23, v15;
	v21 =	vld [tilespmem:s29+$0xFFFFFF80]  }
0x184: {  	[tilespmem:s29+$0xFFFFFF20] =	vst v17;
	v17 =	vmul.f32 v24, v18;
	v22 =	vld [tilespmem:s29+$0xFFFFFF90]  }
0x185: {  	[tilespmem:s29+$0xFFFFFF30] =	vst v15;
	v15 =	vmul.f32 v25, v18;
	v23 =	vld [tilespmem:s29+$0xFFFFFFA0]  }
0x186: {  	[tilespmem:s29+$0xFFFFFF40] =	vst v17;
	v17 =	vmul.f32 v26, v18;
	v24 =	vld [tilespmem:s29+$0xFFFFFFB0]  }
0x187: {  	s31 =	sadd.s32 $0x1, s30;
	v25 =	vmov s30;
	[tilespmem:s29+$0xFFFFFF50] =	vst v15;
	v15 =	vmul.f32 v19, v18;
	v18 =	vld [tilespmem:s29+$0xFFFFFFC0]  }
0x188: {  	s0 =	sadd.s32 $0x3, s30;
	v19 =	vshrl.u32 v25, $0x3;
	v25 =	vmov s31;
	s31 =	sadd.s32 $0x2, s30;
	[tilespmem:s29+$0xFFFFFF60] =	vst v17;
	v17 =	vmul.f32 v21, v20;
	v21 =	vld [tilespmem:s29+$0xFFFFFFD0]  }
0x189: {  	v27 =	vmov s0;
	s0 =	sadd.s32 $0x4, s30;
	v26 =	vmov s31;
	s31 =	sadd.s32 $0x5, s30;
	[tilespmem:s29+$0xFFFFFF70] =	vst v15;
	v15 =	vmul.f32 v22, v20;
	v22 =	vld [tilespmem:s29+$0xFFFFFFE0]  }
0x18a: {  	v28 =	vmov s0;
	s0 =	sadd.s32 $0x6, s30;
	v29 =	vmov s31;
	[tilespmem:s29+$0xFFFFFF80] =	vst v17;
	v17 =	vmul.f32 v23, v20;
	v23 =	vld [tilespmem:s29+$0xFFFFFFF0]  }
0x18b: {  	v30 =	vmov s0;
	v19 =	vshll.u32 v19, v2;
	[tilespmem:s29+$0xFFFFFF90] =	vst v15;
	v15 =	vmul.f32 v24, v20;
	v20 =	vld [tilespmem:s29+$0x0]  }
0x18c: {  	v24 =	vshrl.u32 v25, $0x3;
	v25 =	vshrl.u32 v26, $0x3;
	[tilespmem:s29+$0xFFFFFFA0] =	vst v17;
	v17 =	vmul.f32 v18, v16;
	v18 =	vld [tilespmem:s29+$0x10]  }
0x18d: {  	v26 =	vshrl.u32 v27, $0x3;
	v27 =	vshrl.u32 v28, $0x3;
	[tilespmem:s29+$0xFFFFFFB0] =	vst v15;
	v15 =	vmul.f32 v21, v16;
	v21 =	vld [tilespmem:s29+$0x20]  }
0x18e: {  	v28 =	vshrl.u32 v29, $0x3;
	v29 =	vshrl.u32 v30, $0x3;
	[tilespmem:s29+$0xFFFFFFC0] =	vst v17;
	v17 =	vmul.f32 v22, v16;
	v22 =	vld [tilespmem:s29+$0x30]  }
0x18f: {  	v19 =	vadd.s32 v4, v19;
	v24 =	vshll.u32 v24, v2;
	[tilespmem:s29+$0xFFFFFFD0] =	vst v15;
	v15 =	vmul.f32 v23, v16;
	v23 =	vld [tilespmem:s29+$0x40]  }
0x190: {  	v25 =	vshll.u32 v25, v2;
	v26 =	vshll.u32 v26, v2;
	[tilespmem:s29+$0xFFFFFFE0] =	vst v17;
	v16 =	vmul.f32 v20, v14;
	v20 =	vld [tilespmem:s29+$0x50]  }
0x191: {  	v17 =	vshll.u32 v27, v2;
	v27 =	vshll.u32 v28, v2;
	[tilespmem:s29+$0xFFFFFFF0] =	vst v15;
	v18 =	vmul.f32 v18, v14;
	v28 =	vld [tilespmem:s29+$0x60]  }
.Ltmp4:
0x192: {  	v29 =	vshll.u32 v29, v2;
	v15 =	vbroadcast v19, $0x0;
	[tilespmem:s29+$0x0] =	vst v16;
	v19 =	vmul.f32 v21, v14;
	v16 =	vld [tilespmem:s29+$0x70];
	(pc) =	sbr.rel @p1 .LBB2_11-.Ltmp4, $4  }
0x193: {  	v30 =	vadd.s32 v25, v6;
	v21 =	vadd.s32 v24, v5;
	[tilespmem:s29+$0x10] =	vst v18;
	v18 =	vmul.f32 v22, v14;
	v14 =	vld [tilespmem:s29+$0x80]  }
0x194: {  	v26 =	vadd.s32 v26, v7;
	v22 =	vadd.s32 v17, v8;
	[tilespmem:s29+$0x20] =	vst v19;
	v31 =	vmul.f32 v23, v13;
	v17 =	vld [tilespmem:s29+$0x90]  }
0x195: {  	v24 =	vadd.s32 v27, v9;
	v19 =	vbroadcast v21, $0x0;
	[tilespmem:s29+$0x30] =	vst v18;
	v25 =	vmul.f32 v20, v13;
	v18 =	vld [tilespmem:s29+$0xA0]  }
0x196: {  	s31 =	sadd.s32 $0x7, s30;
	s30 =	sadd.s32 $0x8, s30;
	v21 =	vbroadcast v30, $0x0;
	v23 =	vadd.s32 v29, v10;
	[tilespmem:s29+$0x40] =	vst v31;
	v27 =	vmul.f32 v28, v13;
	v20 =	vld [tilespmem:s29+$0xB0]  }
0x197: {  	_ = 	snop  }
0x198: {  	v6 =	vld [tilespmem:s29+$0xC0]  }
0x199: {  	v8 =	vld [tilespmem:s29+$0xD0]  }
0x19a: {  	v10 =	vld [tilespmem:s29+$0xE0]  }
0x19b: {  	v44 =	vld.idx.msk [tilespmem:v15+s18+$0x0], $0xffff  }
0x19c: {  	v19 =	vld.idx.msk [tilespmem:v19+s18+$0x0], $0xffff  }
0x19d: {  	s30 =	sadd.s32 $0x200, s29;
	v21 =	vld.idx.msk [tilespmem:v21+s18+$0x0], $0xffff  }
0x19e: {  	v48 =	vld [tilespmem:s30+$0xF0]  }
0x19f: {  	v50 =	vld [tilespmem:s30+$0xFFFFFF00]  }
0x1a0: {  	v51 =	vld [tilespmem:s30+$0xFFFFFF10]  }
0x1a1: {  	[tilespmem:s29+$0x50] =	vst v25;
	v13 =	vmul.f32 v16, v13;
	v52 =	vld [tilespmem:s30+$0xFFFFFF20]  }
0x1a2: {  	[tilespmem:s29+$0x60] =	vst v27;
	v14 =	vmul.f32 v14, v12;
	v54 =	vld [tilespmem:s30+$0xFFFFFF30]  }
0x1a3: {  	v55 =	vld [tilespmem:s30+$0xFFFFFF40];
	[tilespmem:s29+$0x70] =	vst v13;
	v46 =	vmul.f32 v17, v12  }
0x1a4: {  	v58 =	vld [tilespmem:s30+$0xFFFFFF50];
	[tilespmem:s29+$0x80] =	vst v14;
	v47 =	vmul.f32 v18, v12  }
0x1a5: {  	v59 =	vld [tilespmem:s30+$0xFFFFFF60];
	[tilespmem:s29+$0x90] =	vst v46;
	v49 =	vmul.f32 v20, v12  }
0x1a6: {  	v61 =	vld [tilespmem:s30+$0xFFFFFF70];
	[tilespmem:s29+$0xA0] =	vst v47;
	v6 =	vmul.f32 v6, v11  }
0x1a7: {  	v62 =	vld [tilespmem:s30+$0xFFFFFF80];
	v8 =	vmul.f32 v8, v11;
	[tilespmem:s29+$0xB0] =	vst v49  }
0x1a8: {  	v45 =	vbroadcast v23, $0x0;
	v23 =	vld [tilespmem:s30+$0xFFFFFFB0];
	v53 =	vmul.f32 v10, v11;
	[tilespmem:s29+$0xC0] =	vst v6  }
0x1a9: {  	v5 =	vmov s31;
	v25 =	vld [tilespmem:s30+$0xFFFFFFC0];
	v57 =	vmul.f32 v50, v44;
	[tilespmem:s29+$0xD0] =	vst v8  }
0x1aa: {  	v4 =	vbroadcast v26, $0x0;
	v5 =	vshrl.u32 v5, $0x3;
	v27 =	vld [tilespmem:s30+$0xFFFFFFD0];
	v14 =	vmul.f32 v51, v44;
	[tilespmem:s29+$0xE0] =	vst v53  }
0x1ab: {  	v29 =	vld [tilespmem:s30+$0xFFFFFFE0];
	v5 =	vshll.u32 v5, v2;
	v60 =	vmul.f32 v52, v44;
	[tilespmem:s30+$0xFFFFFF00] =	vst v57  }
0x1ac: {  	v31 =	vld [tilespmem:s30+$0xFFFFFFF0];
	v3 =	vadd.s32 v5, v3;
	v5 =	vmul.f32 v54, v44;
	[tilespmem:s30+$0xFFFFFF10] =	vst v14  }
0x1ad: {  	v33 =	vld [tilespmem:s30+$0x0];
	v63 =	vmul.f32 v55, v19;
	[tilespmem:s30+$0xFFFFFF20] =	vst v60  }
0x1ae: {  	v7 =	vbroadcast v22, $0x0;
	v17 =	vld [tilespmem:s30+$0xFFFFFF90];
	v18 =	vmul.f32 v58, v19;
	[tilespmem:s30+$0xFFFFFF30] =	vst v5  }
0x1af: {  	v20 =	vld [tilespmem:s30+$0xFFFFFFA0];
	v22 =	vmul.f32 v59, v19;
	[tilespmem:s30+$0xFFFFFF40] =	vst v63  }
0x1b0: {  	v9 =	vbroadcast v24, $0x0;
	v4 =	vld.idx.msk [tilespmem:v4+s18+$0x0], $0xffff;
	v24 =	vmul.f32 v61, v19;
	[tilespmem:s30+$0xFFFFFF50] =	vst v18  }
0x1b1: {  	v35 =	vld [tilespmem:s30+$0x10];
	v26 =	vmul.f32 v62, v21;
	[tilespmem:s30+$0xFFFFFF60] =	vst v22  }
0x1b2: {  	v37 =	vld [tilespmem:s30+$0x20];
	v32 =	vmul.f32 v23, v21;
	[tilespmem:s30+$0xFFFFFF70] =	vst v24  }
0x1b3: {  	v39 =	vld [tilespmem:s30+$0x30];
	v28 =	vmul.f32 v17, v21;
	[tilespmem:s30+$0xFFFFFF80] =	vst v26  }
0x1b4: {  	v7 =	vld.idx.msk [tilespmem:v7+s18+$0x0], $0xffff;
	[tilespmem:s30+$0xFFFFFFB0] =	vst v32;
	v30 =	vmul.f32 v20, v21  }
0x1b5: {  	v40 =	vld [tilespmem:s30+$0x40];
	[tilespmem:s30+$0xFFFFFF90] =	vst v28;
	v34 =	vmul.f32 v25, v4  }
0x1b6: {  	v42 =	vld [tilespmem:s30+$0x50];
	[tilespmem:s30+$0xFFFFFFA0] =	vst v30;
	v36 =	vmul.f32 v27, v4  }
0x1b7: {  	v46 =	vld [tilespmem:s30+$0x70];
	v38 =	vmul.f32 v29, v4;
	[tilespmem:s30+$0xFFFFFFC0] =	vst v34  }
0x1b8: {  	v3 =	vbroadcast v3, $0x0;
	v9 =	vld.idx.msk [tilespmem:v9+s18+$0x0], $0xffff;
	v4 =	vmul.f32 v31, v4;
	[tilespmem:s30+$0xFFFFFFD0] =	vst v36  }
0x1b9: {  	v15 =	vld.idx.msk [tilespmem:v45+s18+$0x0], $0xffff;
	v41 =	vmul.f32 v33, v7;
	[tilespmem:s30+$0xFFFFFFE0] =	vst v38  }
0x1ba: {  	v44 =	vld [tilespmem:s30+$0x60];
	v43 =	vmul.f32 v35, v7;
	[tilespmem:s30+$0xFFFFFFF0] =	vst v4  }
0x1bb: {  	v49 =	vld [tilespmem:s30+$0x90];
	v45 =	vmul.f32 v37, v7;
	[tilespmem:s30+$0x0] =	vst v41  }
0x1bc: {  	v51 =	vld [tilespmem:s30+$0xA0];
	v47 =	vmul.f32 v39, v7;
	[tilespmem:s30+$0x10] =	vst v43  }
0x1bd: {  	v53 =	vld [tilespmem:s30+$0xB0];
	v5 =	vmul.f32 v40, v9;
	[tilespmem:s30+$0x20] =	vst v45  }
0x1be: {  	v3 =	vld.idx.msk [tilespmem:v3+s18+$0x0], $0xffff;
	v50 =	vmul.f32 v42, v9;
	[tilespmem:s30+$0x30] =	vst v47  }
0x1bf: {  	v52 =	vmul.f32 v44, v9;
	[tilespmem:s30+$0x40] =	vst v5  }
0x1c0: {  	v55 =	vld [tilespmem:s30+$0xC0];
	v54 =	vmul.f32 v46, v9;
	[tilespmem:s30+$0x50] =	vst v50  }
0x1c1: {  	v57 =	vld [tilespmem:s30+$0xD0];
	v58 =	vmul.f32 v49, v15;
	[tilespmem:s30+$0x60] =	vst v52  }
0x1c2: {  	v59 =	vld [tilespmem:s30+$0xE0];
	v60 =	vmul.f32 v51, v15;
	[tilespmem:s30+$0x70] =	vst v54  }
0x1c3: {  	v61 =	vmul.f32 v53, v15;
	[tilespmem:s30+$0x90] =	vst v58;
	v56 =	vmul.f32 v48, v3;
	v48 =	vld [tilespmem:s30+$0x80]  }
0x1c4: {  	[tilespmem:s30+$0xA0] =	vst v60  }
0x1c5: {  	[tilespmem:s30+$0xB0] =	vst v61;
	v62 =	vmul.f32 v55, v3  }
0x1c6: {  	p1 =	sne.s32 s25, $0x9E;
	v63 =	vmul.f32 v57, v3;
	[tilespmem:s30+$0xF0] =	vst v56  }
.Ltmp5:
0x1c7: {  	v3 =	vmul.f32 v59, v3;
	[tilespmem:s30+$0xC0] =	vst v62;
	(pc) =	sbr.rel @p1 .LBB2_6-.Ltmp5, $4  }
0x1c8: {  	[tilespmem:s30+$0xD0] =	vst v63;
	v56 =	vmul.f32 v48, v15  }
0x1c9: {  	s0 =	sshll.u32 s26, $0xD;
	s31 =	sand.u32 $0x3FFFFF80, s28;
	p0 =	por !p0, !p0;
	[tilespmem:s30+$0xE0] =	vst v3  }
0x1ca: {  	s28 =	smov.u32 s25;
	s0 =	sor.u32 $0x11500, s0;
	s26 =	sadd.s32 $0x4F00, s31;
	[tilespmem:s30+$0x80] =	vst v56  }
0x1cb: {  	[spmem:s4] =	stream.indirect.scatter.add.f32 [tilespmem:s0], [sflag:$0x2], $0x40, s26, s21, $0xb8;
	[tilespmem:$0x1F500] =	vst v63  }
0x1cc: {  	_ =	swait.ge [sflag:s23], $0x2000  }
0x1cd: {  	[sflag:s23] =	ssyncset.done $0x0  }
0x1ce: {  	[sflag:s23] =	ssyncadd.s32 $0xFFFFE000  }
0x1cf: {  	_ =	swait.ge [sflag:s23], $0x2000  }
0x1d0: {  	s0 =	sshll.u32 s2, $0x6;
	s24 =	sadd.s32 $0x1, s24;
	[sflag:s23] =	ssyncset.done $0x0  }
0x1d1: {  	s25 =	sshrl.u32 s9, $0x3;
	p0 =	sne.s32 s24, s15;
	[sflag:s23] =	ssyncadd.s32 $0xFFFFE000  }
.Ltmp6:
0x1d2: {  	s0 =	sor.u32 $0x1C03, s0;
	[bflag:$0x0] =	sbarrier.arrive $0xFFFF;
	(pc) =	sbr.rel @p0 .LBB2_1-.Ltmp6, $4  }
0x1d3: {  	[hbm:s14], [sflag:s0] =	dma.local [spmem:s25], $0x1400  }
0x1d4: {  	_ =	swait.ge [sflag:s16], $0x1400  }
0x1d5: {  	[sflag:s16] =	ssyncset.done $0x0  }
0x1d6: {  	[sflag:s16] =	ssyncadd.s32 $0xFFFFEC00  }
0x1d7: {  	_ =	sfence.sel $0x180000  }
0x1d8: {  	[bflag:$0x0] =	sbarrier.arrive $0xFFFF  }
0x1d9: {  	_ =	strace $0x9000004A  }
0x1da: {  	[bflag:$0x2] =	sbarrier.arrive $0xFFFF  }
0x1db: {  	p0 =	sne.s32 s2, $0x0;
	s0 =	rddreg [dreg:$0x5]  }
0x1dc: {  	s0 =	sadd.s32 @!p0 $0x100000, s0  }
0x1dd: {  	[sflag:s0] =	ssyncadd.tile.s32 @!p0 $0x1;
	_ =	shalt  }
.Lfunc_end2:
_tile_overlayer_lowered:
.L_overlay_start_2:
0x1de: {  	(tag) =	ssettag $0x2  }
0x1df: {  	s0 =	rddreg [dreg:$0x0];
	s2 =	stileid.u32  }
0x1e0: {  	s1 =	rddreg [dreg:$0x1];
	p0 =	sne.s32 s2, $0x0  }
0x1e1: {  	s3 =	rddreg [dreg:$0x2];
	[bflag:$0x3] =	sbarrier.arrive $0xFFFF;
	s2 =	simm.s32 @!p0 $0x1C03  }
0x1e2: {  	[timem:s3], [sflag:s2] =	dma.local @!p0 [hbm:s0], s1  }
0x1e3: {  	s0 =	simm.s32 @!p0 $0x3  }
0x1e4: {  	_ =	swait.ge @!p0 [sflag:s0], s1  }
0x1e5: {  	s1 =	ssub.s32 @!p0 $0x0, s1;
	[sflag:s0] =	ssyncset.done @!p0 $0x0  }
0x1e6: {  	[sflag:s0] =	ssyncadd.s32 @!p0 s1  }
0x1e7: {  	[bflag:$0x3] =	sbarrier.arrive $0xFFFF  }
0x1e8: {  	_ =	shalt  }

</sc_bundles>
